<compile_context>
chip_gen: v7x
topology: tpu7x:2x2x1
jax: 0.10.2.dev20260603
libtpu: 0.0.44.dev20260713+nightly
codegen_flags: <defaults>
</compile_context>

<pallas_src>
import functools

import jax
import jax.numpy as jnp
from jax import lax
from jax.experimental import pallas as pl
from jax.experimental.pallas import tpu as pltpu
from jax.experimental.pallas import tpu_sc as plsc

N = 32
B = 4096
H = 32
D_IN = N + 1

NC, NS, L = 2, 16, 16
NW = NC * NS
SPW = B // NW
CHUNK = 32
NCHUNKS = SPW // CHUNK
GROUPS = CHUNK // L
A_CH = N * N * CHUNK
V_CH = N * CHUNK


def _step_body(i, ord_v, x_v, a_v, do_v, out_v, w1_v, b1_v, w2_v, b2_v):
    for g in range(GROUPS):
        lanes0 = lax.broadcasted_iota(jnp.int32, (L,), 0)
        lanes = lanes0 + g * L
        ooff = g * L * N
        e = plsc.load_gather(ord_v.at[pl.ds(ooff, V_CH - ooff)],
                             [lanes0 * N + i])
        do = do_v[pl.ds(g * L, L)]
        es = e * CHUNK + lanes
        ae = lanes0 * (N * N) + e
        ins = []
        for k in range(N):
            off = g * L * N * N + k * N
            a_k = plsc.load_gather(a_v.at[pl.ds(off, A_CH - off)], [ae])
            o_k = out_v[pl.ds(k * CHUNK + g * L, L)]
            ins.append(a_k * o_k)
        xoff = g * L * N
        ins.append(plsc.load_gather(x_v.at[pl.ds(xoff, V_CH - xoff)],
                                    [lanes0 * N + e]))

        def obody(o2, acc):
            for t in range(2):
                o = o2 * 2 + t
                h = plsc.load_gather(b1_v.at[pl.ds(o * N, N)], [e])
                w1o = o * (D_IN * N)
                for k in range(D_IN):
                    w = plsc.load_gather(w1_v.at[pl.ds(w1o + k * N, N)], [e])
                    h = h + w * ins[k]
                h = jnp.maximum(h, h * 0.01)
                w2c = plsc.load_gather(w2_v.at[pl.ds(o * N, N)], [e])
                acc = acc + w2c * h
            return acc

        acc = lax.fori_loop(0, H // 2, obody, plsc.load_gather(b2_v, [e]))
        plsc.store_scatter(out_v, [es], acc, mask=e != do)
    return i + 1


def _chunk_body(c, wid, x_hbm, a_hbm, ord_hbm, do_hbm, u_hbm, out_hbm,
                w1_v, b1_v, w2_v, b2_v, a_v, x_v, ord_v, do_v, u_v, out_v,
                osk_v):
    gc = wid * NCHUNKS + c
    pltpu.sync_copy(a_hbm.at[pl.ds(gc * A_CH, A_CH)], a_v)
    pltpu.sync_copy(x_hbm.at[pl.ds(gc * V_CH, V_CH)], x_v)
    pltpu.sync_copy(ord_hbm.at[pl.ds(gc * V_CH, V_CH)], ord_v)
    pltpu.sync_copy(do_hbm.at[pl.ds(gc * CHUNK, CHUNK)], do_v)
    pltpu.sync_copy(u_hbm.at[pl.ds(gc * CHUNK, CHUNK)], u_v)

    zeros = jnp.zeros((L,), jnp.float32)
    for j in range(V_CH // L):
        out_v[pl.ds(j * L, L)] = zeros
    for g in range(GROUPS):
        lanes = lax.broadcasted_iota(jnp.int32, (L,), 0) + g * L
        do = do_v[pl.ds(g * L, L)]
        uu = u_v[pl.ds(g * L, L)]
        plsc.store_scatter(out_v, [do * CHUNK + lanes], uu)

    lax.fori_loop(
        0, N,
        lambda i, _: _step_body(i, ord_v, x_v, a_v, do_v, out_v,
                                w1_v, b1_v, w2_v, b2_v),
        0)

    lanes0 = lax.broadcasted_iota(jnp.int32, (L,), 0)
    for g in range(GROUPS):
        goff = g * L * N
        for k in range(N):
            v = out_v[pl.ds(k * CHUNK + g * L, L)]
            plsc.store_scatter(osk_v.at[pl.ds(goff, V_CH - goff)],
                               [lanes0 * N + k], v)
    pltpu.sync_copy(osk_v, out_hbm.at[pl.ds(gc * V_CH, V_CH)])
    return c + 1


def _sc_body(x_hbm, a_hbm, ord_hbm, do_hbm, u_hbm,
             w1_hbm, b1_hbm, w2_hbm, b2_hbm, out_hbm,
             w1_v, b1_v, w2_v, b2_v, a_v, x_v, ord_v, do_v, u_v, out_v,
             osk_v):
    wid = lax.axis_index("s") * NC + lax.axis_index("c")
    pltpu.sync_copy(w1_hbm, w1_v)
    pltpu.sync_copy(b1_hbm, b1_v)
    pltpu.sync_copy(w2_hbm, w2_v)
    pltpu.sync_copy(b2_hbm, b2_v)
    lax.fori_loop(
        0, NCHUNKS,
        lambda c, _: _chunk_body(c, wid, x_hbm, a_hbm, ord_hbm, do_hbm,
                                 u_hbm, out_hbm, w1_v, b1_v, w2_v, b2_v,
                                 a_v, x_v, ord_v, do_v, u_v, out_v, osk_v),
        0)


def _make_forward(interpret=False):
    return pl.kernel(
        _sc_body,
        out_type=jax.ShapeDtypeStruct((B * N,), jnp.float32),
        mesh=plsc.VectorSubcoreMesh(core_axis_name="c", subcore_axis_name="s",
                                    num_cores=NC, num_subcores=NS),
        scratch_types=[
            pltpu.VMEM((H * D_IN * N,), jnp.float32),
            pltpu.VMEM((H * N,), jnp.float32),
            pltpu.VMEM((H * N,), jnp.float32),
            pltpu.VMEM((N,), jnp.float32),
            pltpu.VMEM((A_CH,), jnp.float32),
            pltpu.VMEM((V_CH,), jnp.float32),
            pltpu.VMEM((V_CH,), jnp.int32),
            pltpu.VMEM((CHUNK,), jnp.int32),
            pltpu.VMEM((CHUNK,), jnp.float32),
            pltpu.VMEM((V_CH,), jnp.float32),
            pltpu.VMEM((V_CH,), jnp.float32),
        ],
        compiler_params=pltpu.CompilerParams(needs_layout_passes=False),
        interpret=interpret,
    )


@functools.cache
def _forward_cached():
    return _make_forward()


@functools.cache
def _u_const():
    return jax.block_until_ready(
        jax.random.normal(jax.random.key(1234), (B,), dtype=jnp.float32))


def kernel(x, A, order, do_idxs, W1, b1, W2, b2):
    u = _u_const()
    a_r = A.reshape(-1)
    x_r = x.reshape(-1)
    ord_r = order.astype(jnp.int32).reshape(-1)
    w1_r = W1.transpose(1, 2, 0).reshape(-1)
    b1_r = b1.T.reshape(-1)
    w2_r = W2.reshape(N, H).T.reshape(-1)
    b2_r = b2.reshape(-1)
    out = _forward_cached()(
        x_r, a_r, ord_r, do_idxs.astype(jnp.int32), u,
        w1_r, b1_r, w2_r, b2_r,
    )
    return out.reshape(B, N)

# --- scband reference (transcript-rebuilt; emitter-appended) ---
"""Pipeline reference for scband-conditionals-82995948028288 (READ-ONLY COPY).

The authoritative reference and input builder live on the scoring server;
editing this copy changes nothing except your own understanding.
"""

import jax, jax.numpy as jnp
import numpy as np

NUM_NODES = 32
BATCH = 4096
HIDDEN = 32


def setup_inputs(seed: int = 0) -> dict:
    key = jax.random.key(seed)
    ks = jax.random.split(key, 8)
    d_in = NUM_NODES + 1
    x = jax.random.normal(ks[0], (BATCH, NUM_NODES), dtype=jnp.float32)
    A = jax.random.uniform(ks[1], (BATCH, NUM_NODES, NUM_NODES), dtype=jnp.float32)
    order = jax.random.randint(ks[2], (BATCH, NUM_NODES), 0, NUM_NODES)
    do_idxs = jax.random.randint(ks[3], (BATCH,), 0, NUM_NODES)
    W1 = jax.random.normal(ks[4], (NUM_NODES, HIDDEN, d_in), dtype=jnp.float32) / np.sqrt(d_in)
    b1 = jnp.zeros((NUM_NODES, HIDDEN), dtype=jnp.float32)
    W2 = jax.random.normal(ks[5], (NUM_NODES, 1, HIDDEN), dtype=jnp.float32) / np.sqrt(HIDDEN)
    b2 = jnp.zeros((NUM_NODES, 1), dtype=jnp.float32)
    return {"x": x, "A": A, "order": order, "do_idxs": do_idxs, "W1": W1, "b1": b1, "W2": W2, "b2": b2}


def _forward(x, A, W1, b1, W2, b2, order, do_idxs, u):
    B, N = x.shape
    barange = jnp.arange(B)
    outputs = jnp.zeros((B, N), dtype=x.dtype)
    # intervention init: outputs[do_idxs != -1, do_idxs[do_idxs != -1]] = u
    intervened = do_idxs != -1
    safe_do = jnp.where(intervened, do_idxs, 0)
    cur0 = outputs[barange, safe_do]
    outputs = outputs.at[barange, safe_do].set(jnp.where(intervened, u, cur0))
    for i in range(N):
        nodes = order[:, i]
        not_interv = do_idxs != nodes
        # masks[b, :] = A[b, :, nodes[b]]  (advanced indices separated by slice -> [B, N])
        masks = A[barange, :, nodes]
        ins = masks * outputs
        ins = jnp.concatenate([ins, x[barange, nodes][:, None]], axis=1)  # [B, N+1]
        # per-sample expert MLP: mlps[nodes[b]](ins[b])  (vectorized equivalent of
        # the per-unique-node grouping loop in the original module)
        h = jnp.einsum('boi,bi->bo', W1[nodes], ins) + b1[nodes]
        h = jax.nn.leaky_relu(h, negative_slope=0.01)
        out = jnp.einsum('bko,bo->bk', W2[nodes], h) + b2[nodes]  # [B, 1]
        newv = out[:, 0]
        cur = outputs[barange, nodes]
        outputs = outputs.at[barange, nodes].set(jnp.where(not_interv, newv, cur))
    return outputs


def reference(x, A, order, do_idxs, W1, b1, W2, b2):
    # u ~ Normal(0, 1), one draw per intervened sample (here drawn for all, used where intervened)
    u = jax.random.normal(jax.random.key(1234), (x.shape[0],), dtype=jnp.float32)
    return _forward(x, A, W1, b1, W2, b2, order, do_idxs, u)

if __name__ == "__main__":
    import jax
    _d = setup_inputs()
    print(jax.jit(kernel)(*tuple(_d.values())))

</pallas_src>

<mosaic_0001>
#map = affine_map<(d0, d1) -> (0)>
module attributes {stable_mosaic.version = 14 : i64} {
  func.func @_sc_body(%arg0: i32, %arg1: i32, %arg2: memref<131072xf32, #tpu.memory_space<hbm>>, %arg3: memref<4194304xf32, #tpu.memory_space<hbm>>, %arg4: memref<131072xi32, #tpu.memory_space<hbm>>, %arg5: memref<4096xi32, #tpu.memory_space<hbm>>, %arg6: memref<4096xf32, #tpu.memory_space<hbm>>, %arg7: memref<33792xf32, #tpu.memory_space<hbm>>, %arg8: memref<1024xf32, #tpu.memory_space<hbm>>, %arg9: memref<1024xf32, #tpu.memory_space<hbm>>, %arg10: memref<32xf32, #tpu.memory_space<hbm>>, %arg11: memref<131072xf32, #tpu.memory_space<hbm>>, %arg12: memref<33792xf32, #tpu.memory_space<vmem>>, %arg13: memref<1024xf32, #tpu.memory_space<vmem>>, %arg14: memref<1024xf32, #tpu.memory_space<vmem>>, %arg15: memref<32xf32, #tpu.memory_space<vmem>>, %arg16: memref<32768xf32, #tpu.memory_space<vmem>>, %arg17: memref<1024xf32, #tpu.memory_space<vmem>>, %arg18: memref<1024xi32, #tpu.memory_space<vmem>>, %arg19: memref<32xi32, #tpu.memory_space<vmem>>, %arg20: memref<32xf32, #tpu.memory_space<vmem>>, %arg21: memref<1024xf32, #tpu.memory_space<vmem>>, %arg22: memref<1024xf32, #tpu.memory_space<vmem>>) attributes {dimension_semantics = [#tpu.dimension_semantics<core_parallel>, #tpu.dimension_semantics<subcore_parallel>], iteration_bounds = array<i64: 2, 16>, scalar_prefetch = 0 : i64, scratch_operands = 11 : i64, tpu.core_type = #tpu.core_type<sc_vector_subcore>, window_params = [{transform_indices = #map}, {transform_indices = #map}, {transform_indices = #map}, {transform_indices = #map}, {transform_indices = #map}, {transform_indices = #map}, {transform_indices = #map}, {transform_indices = #map}, {transform_indices = #map}, {transform_indices = #map}]} {
    %mul3A = arith.constant 2 : i32
    %mul3A_0 = arith.muli %arg1, %mul3A : i32
    %add3A = arith.addi %mul3A_0, %arg0 : i32
    "tpu.region"() ({
      %run_scoped3A = tpu.sem_alloc : memref<!tpu.dma_semaphore, #tpu.memory_space<semaphore_mem>>
      tpu.enqueue_dma source(%arg7 : memref<33792xf32, #tpu.memory_space<hbm>>) target(%arg12 : memref<33792xf32, #tpu.memory_space<vmem>>) target_semaphore(%run_scoped3A : memref<!tpu.dma_semaphore, #tpu.memory_space<semaphore_mem>>)
      tpu.wait_dma2 semaphore(%run_scoped3A : memref<!tpu.dma_semaphore, #tpu.memory_space<semaphore_mem>>) src(%arg7 : memref<33792xf32, #tpu.memory_space<hbm>>) dst(%arg12 : memref<33792xf32, #tpu.memory_space<vmem>>)
      tpu.yield
    }) : () -> ()
    "tpu.region"() ({
      %run_scoped3A = tpu.sem_alloc : memref<!tpu.dma_semaphore, #tpu.memory_space<semaphore_mem>>
      tpu.enqueue_dma source(%arg8 : memref<1024xf32, #tpu.memory_space<hbm>>) target(%arg13 : memref<1024xf32, #tpu.memory_space<vmem>>) target_semaphore(%run_scoped3A : memref<!tpu.dma_semaphore, #tpu.memory_space<semaphore_mem>>)
      tpu.wait_dma2 semaphore(%run_scoped3A : memref<!tpu.dma_semaphore, #tpu.memory_space<semaphore_mem>>) src(%arg8 : memref<1024xf32, #tpu.memory_space<hbm>>) dst(%arg13 : memref<1024xf32, #tpu.memory_space<vmem>>)
      tpu.yield
    }) : () -> ()
    "tpu.region"() ({
      %run_scoped3A = tpu.sem_alloc : memref<!tpu.dma_semaphore, #tpu.memory_space<semaphore_mem>>
      tpu.enqueue_dma source(%arg9 : memref<1024xf32, #tpu.memory_space<hbm>>) target(%arg14 : memref<1024xf32, #tpu.memory_space<vmem>>) target_semaphore(%run_scoped3A : memref<!tpu.dma_semaphore, #tpu.memory_space<semaphore_mem>>)
      tpu.wait_dma2 semaphore(%run_scoped3A : memref<!tpu.dma_semaphore, #tpu.memory_space<semaphore_mem>>) src(%arg9 : memref<1024xf32, #tpu.memory_space<hbm>>) dst(%arg14 : memref<1024xf32, #tpu.memory_space<vmem>>)
      tpu.yield
    }) : () -> ()
    "tpu.region"() ({
      %run_scoped3A = tpu.sem_alloc : memref<!tpu.dma_semaphore, #tpu.memory_space<semaphore_mem>>
      tpu.enqueue_dma source(%arg10 : memref<32xf32, #tpu.memory_space<hbm>>) target(%arg15 : memref<32xf32, #tpu.memory_space<vmem>>) target_semaphore(%run_scoped3A : memref<!tpu.dma_semaphore, #tpu.memory_space<semaphore_mem>>)
      tpu.wait_dma2 semaphore(%run_scoped3A : memref<!tpu.dma_semaphore, #tpu.memory_space<semaphore_mem>>) src(%arg10 : memref<32xf32, #tpu.memory_space<hbm>>) dst(%arg15 : memref<32xf32, #tpu.memory_space<vmem>>)
      tpu.yield
    }) : () -> ()
    %scan3A = arith.constant 0 : i32
    %scan3A_1 = arith.constant 0 : i32
    %scan3A_2 = arith.constant 4 : i32
    %scan3A_3 = arith.addi %scan3A_1, %scan3A_2 : i32
    %scan3A_4 = arith.constant 1 : i32
    %scan3A_5 = scf.for %scan3A_7 = %scan3A_1 to %scan3A_3 step %scan3A_4 iter_args(%scan3A_8 = %scan3A) -> (i32)  : i32 {
      %mul3A_9 = arith.constant 4 : i32
      %mul3A_10 = arith.muli %add3A, %mul3A_9 : i32
      %add3A_11 = arith.addi %mul3A_10, %scan3A_7 : i32
      %mul3A_12 = arith.constant 32768 : i32
      %mul3A_13 = arith.muli %add3A_11, %mul3A_12 : i32
      "tpu.region"() ({
        %run_scoped3A = tpu.sem_alloc : memref<!tpu.dma_semaphore, #tpu.memory_space<semaphore_mem>>
        %dma_start3A = tpu.memref_slice %arg3[%mul3A_13] : memref<4194304xf32, #tpu.memory_space<hbm>> -> memref<32768xf32, #tpu.memory_space<hbm>>
        %dma_start3A_823 = tpu.memref_slice %arg3[%mul3A_13] : memref<4194304xf32, #tpu.memory_space<hbm>> -> memref<32768xf32, #tpu.memory_space<hbm>>
        tpu.enqueue_dma source(%dma_start3A_823 : memref<32768xf32, #tpu.memory_space<hbm>>) target(%arg16 : memref<32768xf32, #tpu.memory_space<vmem>>) target_semaphore(%run_scoped3A : memref<!tpu.dma_semaphore, #tpu.memory_space<semaphore_mem>>)
        %dma_wait3A = tpu.memref_slice %arg3[%mul3A_13] : memref<4194304xf32, #tpu.memory_space<hbm>> -> memref<32768xf32, #tpu.memory_space<hbm>>
        %dma_wait3A_824 = tpu.memref_slice %arg3[%mul3A_13] : memref<4194304xf32, #tpu.memory_space<hbm>> -> memref<32768xf32, #tpu.memory_space<hbm>>
        tpu.wait_dma2 semaphore(%run_scoped3A : memref<!tpu.dma_semaphore, #tpu.memory_space<semaphore_mem>>) src(%dma_wait3A_824 : memref<32768xf32, #tpu.memory_space<hbm>>) dst(%arg16 : memref<32768xf32, #tpu.memory_space<vmem>>)
        tpu.yield
      }) : () -> ()
      %mul3A_14 = arith.constant 1024 : i32
      %mul3A_15 = arith.muli %add3A_11, %mul3A_14 : i32
      "tpu.region"() ({
        %run_scoped3A = tpu.sem_alloc : memref<!tpu.dma_semaphore, #tpu.memory_space<semaphore_mem>>
        %dma_start3A = tpu.memref_slice %arg2[%mul3A_15] : memref<131072xf32, #tpu.memory_space<hbm>> -> memref<1024xf32, #tpu.memory_space<hbm>>
        %dma_start3A_823 = tpu.memref_slice %arg2[%mul3A_15] : memref<131072xf32, #tpu.memory_space<hbm>> -> memref<1024xf32, #tpu.memory_space<hbm>>
        tpu.enqueue_dma source(%dma_start3A_823 : memref<1024xf32, #tpu.memory_space<hbm>>) target(%arg17 : memref<1024xf32, #tpu.memory_space<vmem>>) target_semaphore(%run_scoped3A : memref<!tpu.dma_semaphore, #tpu.memory_space<semaphore_mem>>)
        %dma_wait3A = tpu.memref_slice %arg2[%mul3A_15] : memref<131072xf32, #tpu.memory_space<hbm>> -> memref<1024xf32, #tpu.memory_space<hbm>>
        %dma_wait3A_824 = tpu.memref_slice %arg2[%mul3A_15] : memref<131072xf32, #tpu.memory_space<hbm>> -> memref<1024xf32, #tpu.memory_space<hbm>>
        tpu.wait_dma2 semaphore(%run_scoped3A : memref<!tpu.dma_semaphore, #tpu.memory_space<semaphore_mem>>) src(%dma_wait3A_824 : memref<1024xf32, #tpu.memory_space<hbm>>) dst(%arg17 : memref<1024xf32, #tpu.memory_space<vmem>>)
        tpu.yield
      }) : () -> ()
      %mul3A_16 = arith.constant 1024 : i32
      %mul3A_17 = arith.muli %add3A_11, %mul3A_16 : i32
      "tpu.region"() ({
        %run_scoped3A = tpu.sem_alloc : memref<!tpu.dma_semaphore, #tpu.memory_space<semaphore_mem>>
        %dma_start3A = tpu.memref_slice %arg4[%mul3A_17] : memref<131072xi32, #tpu.memory_space<hbm>> -> memref<1024xi32, #tpu.memory_space<hbm>>
        %dma_start3A_823 = tpu.memref_slice %arg4[%mul3A_17] : memref<131072xi32, #tpu.memory_space<hbm>> -> memref<1024xi32, #tpu.memory_space<hbm>>
        tpu.enqueue_dma source(%dma_start3A_823 : memref<1024xi32, #tpu.memory_space<hbm>>) target(%arg18 : memref<1024xi32, #tpu.memory_space<vmem>>) target_semaphore(%run_scoped3A : memref<!tpu.dma_semaphore, #tpu.memory_space<semaphore_mem>>)
        %dma_wait3A = tpu.memref_slice %arg4[%mul3A_17] : memref<131072xi32, #tpu.memory_space<hbm>> -> memref<1024xi32, #tpu.memory_space<hbm>>
        %dma_wait3A_824 = tpu.memref_slice %arg4[%mul3A_17] : memref<131072xi32, #tpu.memory_space<hbm>> -> memref<1024xi32, #tpu.memory_space<hbm>>
        tpu.wait_dma2 semaphore(%run_scoped3A : memref<!tpu.dma_semaphore, #tpu.memory_space<semaphore_mem>>) src(%dma_wait3A_824 : memref<1024xi32, #tpu.memory_space<hbm>>) dst(%arg18 : memref<1024xi32, #tpu.memory_space<vmem>>)
        tpu.yield
      }) : () -> ()
      %mul3A_18 = arith.constant 32 : i32
      %mul3A_19 = arith.muli %add3A_11, %mul3A_18 : i32
      "tpu.region"() ({
        %run_scoped3A = tpu.sem_alloc : memref<!tpu.dma_semaphore, #tpu.memory_space<semaphore_mem>>
        %dma_start3A = tpu.memref_slice %arg5[%mul3A_19] : memref<4096xi32, #tpu.memory_space<hbm>> -> memref<32xi32, #tpu.memory_space<hbm>>
        %dma_start3A_823 = tpu.memref_slice %arg5[%mul3A_19] : memref<4096xi32, #tpu.memory_space<hbm>> -> memref<32xi32, #tpu.memory_space<hbm>>
        tpu.enqueue_dma source(%dma_start3A_823 : memref<32xi32, #tpu.memory_space<hbm>>) target(%arg19 : memref<32xi32, #tpu.memory_space<vmem>>) target_semaphore(%run_scoped3A : memref<!tpu.dma_semaphore, #tpu.memory_space<semaphore_mem>>)
        %dma_wait3A = tpu.memref_slice %arg5[%mul3A_19] : memref<4096xi32, #tpu.memory_space<hbm>> -> memref<32xi32, #tpu.memory_space<hbm>>
        %dma_wait3A_824 = tpu.memref_slice %arg5[%mul3A_19] : memref<4096xi32, #tpu.memory_space<hbm>> -> memref<32xi32, #tpu.memory_space<hbm>>
        tpu.wait_dma2 semaphore(%run_scoped3A : memref<!tpu.dma_semaphore, #tpu.memory_space<semaphore_mem>>) src(%dma_wait3A_824 : memref<32xi32, #tpu.memory_space<hbm>>) dst(%arg19 : memref<32xi32, #tpu.memory_space<vmem>>)
        tpu.yield
      }) : () -> ()
      %mul3A_20 = arith.constant 32 : i32
      %mul3A_21 = arith.muli %add3A_11, %mul3A_20 : i32
      "tpu.region"() ({
        %run_scoped3A = tpu.sem_alloc : memref<!tpu.dma_semaphore, #tpu.memory_space<semaphore_mem>>
        %dma_start3A = tpu.memref_slice %arg6[%mul3A_21] : memref<4096xf32, #tpu.memory_space<hbm>> -> memref<32xf32, #tpu.memory_space<hbm>>
        %dma_start3A_823 = tpu.memref_slice %arg6[%mul3A_21] : memref<4096xf32, #tpu.memory_space<hbm>> -> memref<32xf32, #tpu.memory_space<hbm>>
        tpu.enqueue_dma source(%dma_start3A_823 : memref<32xf32, #tpu.memory_space<hbm>>) target(%arg20 : memref<32xf32, #tpu.memory_space<vmem>>) target_semaphore(%run_scoped3A : memref<!tpu.dma_semaphore, #tpu.memory_space<semaphore_mem>>)
        %dma_wait3A = tpu.memref_slice %arg6[%mul3A_21] : memref<4096xf32, #tpu.memory_space<hbm>> -> memref<32xf32, #tpu.memory_space<hbm>>
        %dma_wait3A_824 = tpu.memref_slice %arg6[%mul3A_21] : memref<4096xf32, #tpu.memory_space<hbm>> -> memref<32xf32, #tpu.memory_space<hbm>>
        tpu.wait_dma2 semaphore(%run_scoped3A : memref<!tpu.dma_semaphore, #tpu.memory_space<semaphore_mem>>) src(%dma_wait3A_824 : memref<32xf32, #tpu.memory_space<hbm>>) dst(%arg20 : memref<32xf32, #tpu.memory_space<vmem>>)
        tpu.yield
      }) : () -> ()
      %broadcast_in_dim3A = arith.constant 0.000000e+00 : f32
      %broadcast_in_dim3A_22 = vector.broadcast %broadcast_in_dim3A : f32 to vector<16xf32>
      %swap3A = arith.constant 0 : index
      %swap3A_23 = tpu.vector_load %arg21[%swap3A] {strides = array<i32>} : memref<1024xf32, #tpu.memory_space<vmem>>, vector<16xf32>,
      tpu.vector_store %arg21[%swap3A], %broadcast_in_dim3A_22 {strides = array<i32>} : memref<1024xf32, #tpu.memory_space<vmem>>, vector<16xf32>,
      %swap3A_24 = arith.constant 16 : index
      %swap3A_25 = tpu.vector_load %arg21[%swap3A_24] {strides = array<i32>} : memref<1024xf32, #tpu.memory_space<vmem>>, vector<16xf32>,
      tpu.vector_store %arg21[%swap3A_24], %broadcast_in_dim3A_22 {strides = array<i32>} : memref<1024xf32, #tpu.memory_space<vmem>>, vector<16xf32>,
      %swap3A_26 = arith.constant 32 : index
      %swap3A_27 = tpu.vector_load %arg21[%swap3A_26] {strides = array<i32>} : memref<1024xf32, #tpu.memory_space<vmem>>, vector<16xf32>,
      tpu.vector_store %arg21[%swap3A_26], %broadcast_in_dim3A_22 {strides = array<i32>} : memref<1024xf32, #tpu.memory_space<vmem>>, vector<16xf32>,
      %swap3A_28 = arith.constant 48 : index
      %swap3A_29 = tpu.vector_load %arg21[%swap3A_28] {strides = array<i32>} : memref<1024xf32, #tpu.memory_space<vmem>>, vector<16xf32>,
      tpu.vector_store %arg21[%swap3A_28], %broadcast_in_dim3A_22 {strides = array<i32>} : memref<1024xf32, #tpu.memory_space<vmem>>, vector<16xf32>,
      %swap3A_30 = arith.constant 64 : index
      %swap3A_31 = tpu.vector_load %arg21[%swap3A_30] {strides = array<i32>} : memref<1024xf32, #tpu.memory_space<vmem>>, vector<16xf32>,
      tpu.vector_store %arg21[%swap3A_30], %broadcast_in_dim3A_22 {strides = array<i32>} : memref<1024xf32, #tpu.memory_space<vmem>>, vector<16xf32>,
      %swap3A_32 = arith.constant 80 : index
      %swap3A_33 = tpu.vector_load %arg21[%swap3A_32] {strides = array<i32>} : memref<1024xf32, #tpu.memory_space<vmem>>, vector<16xf32>,
      tpu.vector_store %arg21[%swap3A_32], %broadcast_in_dim3A_22 {strides = array<i32>} : memref<1024xf32, #tpu.memory_space<vmem>>, vector<16xf32>,
      %swap3A_34 = arith.constant 96 : index
      %swap3A_35 = tpu.vector_load %arg21[%swap3A_34] {strides = array<i32>} : memref<1024xf32, #tpu.memory_space<vmem>>, vector<16xf32>,
      tpu.vector_store %arg21[%swap3A_34], %broadcast_in_dim3A_22 {strides = array<i32>} : memref<1024xf32, #tpu.memory_space<vmem>>, vector<16xf32>,
      %swap3A_36 = arith.constant 112 : index
      %swap3A_37 = tpu.vector_load %arg21[%swap3A_36] {strides = array<i32>} : memref<1024xf32, #tpu.memory_space<vmem>>, vector<16xf32>,
      tpu.vector_store %arg21[%swap3A_36], %broadcast_in_dim3A_22 {strides = array<i32>} : memref<1024xf32, #tpu.memory_space<vmem>>, vector<16xf32>,
      %swap3A_38 = arith.constant 128 : index
      %swap3A_39 = tpu.vector_load %arg21[%swap3A_38] {strides = array<i32>} : memref<1024xf32, #tpu.memory_space<vmem>>, vector<16xf32>,
      tpu.vector_store %arg21[%swap3A_38], %broadcast_in_dim3A_22 {strides = array<i32>} : memref<1024xf32, #tpu.memory_space<vmem>>, vector<16xf32>,
      %swap3A_40 = arith.constant 144 : index
      %swap3A_41 = tpu.vector_load %arg21[%swap3A_40] {strides = array<i32>} : memref<1024xf32, #tpu.memory_space<vmem>>, vector<16xf32>,
      tpu.vector_store %arg21[%swap3A_40], %broadcast_in_dim3A_22 {strides = array<i32>} : memref<1024xf32, #tpu.memory_space<vmem>>, vector<16xf32>,
      %swap3A_42 = arith.constant 160 : index
      %swap3A_43 = tpu.vector_load %arg21[%swap3A_42] {strides = array<i32>} : memref<1024xf32, #tpu.memory_space<vmem>>, vector<16xf32>,
      tpu.vector_store %arg21[%swap3A_42], %broadcast_in_dim3A_22 {strides = array<i32>} : memref<1024xf32, #tpu.memory_space<vmem>>, vector<16xf32>,
      %swap3A_44 = arith.constant 176 : index
      %swap3A_45 = tpu.vector_load %arg21[%swap3A_44] {strides = array<i32>} : memref<1024xf32, #tpu.memory_space<vmem>>, vector<16xf32>,
      tpu.vector_store %arg21[%swap3A_44], %broadcast_in_dim3A_22 {strides = array<i32>} : memref<1024xf32, #tpu.memory_space<vmem>>, vector<16xf32>,
      %swap3A_46 = arith.constant 192 : index
      %swap3A_47 = tpu.vector_load %arg21[%swap3A_46] {strides = array<i32>} : memref<1024xf32, #tpu.memory_space<vmem>>, vector<16xf32>,
      tpu.vector_store %arg21[%swap3A_46], %broadcast_in_dim3A_22 {strides = array<i32>} : memref<1024xf32, #tpu.memory_space<vmem>>, vector<16xf32>,
      %swap3A_48 = arith.constant 208 : index
      %swap3A_49 = tpu.vector_load %arg21[%swap3A_48] {strides = array<i32>} : memref<1024xf32, #tpu.memory_space<vmem>>, vector<16xf32>,
      tpu.vector_store %arg21[%swap3A_48], %broadcast_in_dim3A_22 {strides = array<i32>} : memref<1024xf32, #tpu.memory_space<vmem>>, vector<16xf32>,
      %swap3A_50 = arith.constant 224 : index
      %swap3A_51 = tpu.vector_load %arg21[%swap3A_50] {strides = array<i32>} : memref<1024xf32, #tpu.memory_space<vmem>>, vector<16xf32>,
      tpu.vector_store %arg21[%swap3A_50], %broadcast_in_dim3A_22 {strides = array<i32>} : memref<1024xf32, #tpu.memory_space<vmem>>, vector<16xf32>,
      %swap3A_52 = arith.constant 240 : index
      %swap3A_53 = tpu.vector_load %arg21[%swap3A_52] {strides = array<i32>} : memref<1024xf32, #tpu.memory_space<vmem>>, vector<16xf32>,
      tpu.vector_store %arg21[%swap3A_52], %broadcast_in_dim3A_22 {strides = array<i32>} : memref<1024xf32, #tpu.memory_space<vmem>>, vector<16xf32>,
      %swap3A_54 = arith.constant 256 : index
      %swap3A_55 = tpu.vector_load %arg21[%swap3A_54] {strides = array<i32>} : memref<1024xf32, #tpu.memory_space<vmem>>, vector<16xf32>,
      tpu.vector_store %arg21[%swap3A_54], %broadcast_in_dim3A_22 {strides = array<i32>} : memref<1024xf32, #tpu.memory_space<vmem>>, vector<16xf32>,
      %swap3A_56 = arith.constant 272 : index
      %swap3A_57 = tpu.vector_load %arg21[%swap3A_56] {strides = array<i32>} : memref<1024xf32, #tpu.memory_space<vmem>>, vector<16xf32>,
      tpu.vector_store %arg21[%swap3A_56], %broadcast_in_dim3A_22 {strides = array<i32>} : memref<1024xf32, #tpu.memory_space<vmem>>, vector<16xf32>,
      %swap3A_58 = arith.constant 288 : index
      %swap3A_59 = tpu.vector_load %arg21[%swap3A_58] {strides = array<i32>} : memref<1024xf32, #tpu.memory_space<vmem>>, vector<16xf32>,
      tpu.vector_store %arg21[%swap3A_58], %broadcast_in_dim3A_22 {strides = array<i32>} : memref<1024xf32, #tpu.memory_space<vmem>>, vector<16xf32>,
      %swap3A_60 = arith.constant 304 : index
      %swap3A_61 = tpu.vector_load %arg21[%swap3A_60] {strides = array<i32>} : memref<1024xf32, #tpu.memory_space<vmem>>, vector<16xf32>,
      tpu.vector_store %arg21[%swap3A_60], %broadcast_in_dim3A_22 {strides = array<i32>} : memref<1024xf32, #tpu.memory_space<vmem>>, vector<16xf32>,
      %swap3A_62 = arith.constant 320 : index
      %swap3A_63 = tpu.vector_load %arg21[%swap3A_62] {strides = array<i32>} : memref<1024xf32, #tpu.memory_space<vmem>>, vector<16xf32>,
      tpu.vector_store %arg21[%swap3A_62], %broadcast_in_dim3A_22 {strides = array<i32>} : memref<1024xf32, #tpu.memory_space<vmem>>, vector<16xf32>,
      %swap3A_64 = arith.constant 336 : index
      %swap3A_65 = tpu.vector_load %arg21[%swap3A_64] {strides = array<i32>} : memref<1024xf32, #tpu.memory_space<vmem>>, vector<16xf32>,
      tpu.vector_store %arg21[%swap3A_64], %broadcast_in_dim3A_22 {strides = array<i32>} : memref<1024xf32, #tpu.memory_space<vmem>>, vector<16xf32>,
      %swap3A_66 = arith.constant 352 : index
      %swap3A_67 = tpu.vector_load %arg21[%swap3A_66] {strides = array<i32>} : memref<1024xf32, #tpu.memory_space<vmem>>, vector<16xf32>,
      tpu.vector_store %arg21[%swap3A_66], %broadcast_in_dim3A_22 {strides = array<i32>} : memref<1024xf32, #tpu.memory_space<vmem>>, vector<16xf32>,
      %swap3A_68 = arith.constant 368 : index
      %swap3A_69 = tpu.vector_load %arg21[%swap3A_68] {strides = array<i32>} : memref<1024xf32, #tpu.memory_space<vmem>>, vector<16xf32>,
      tpu.vector_store %arg21[%swap3A_68], %broadcast_in_dim3A_22 {strides = array<i32>} : memref<1024xf32, #tpu.memory_space<vmem>>, vector<16xf32>,
      %swap3A_70 = arith.constant 384 : index
      %swap3A_71 = tpu.vector_load %arg21[%swap3A_70] {strides = array<i32>} : memref<1024xf32, #tpu.memory_space<vmem>>, vector<16xf32>,
      tpu.vector_store %arg21[%swap3A_70], %broadcast_in_dim3A_22 {strides = array<i32>} : memref<1024xf32, #tpu.memory_space<vmem>>, vector<16xf32>,
      %swap3A_72 = arith.constant 400 : index
      %swap3A_73 = tpu.vector_load %arg21[%swap3A_72] {strides = array<i32>} : memref<1024xf32, #tpu.memory_space<vmem>>, vector<16xf32>,
      tpu.vector_store %arg21[%swap3A_72], %broadcast_in_dim3A_22 {strides = array<i32>} : memref<1024xf32, #tpu.memory_space<vmem>>, vector<16xf32>,
      %swap3A_74 = arith.constant 416 : index
      %swap3A_75 = tpu.vector_load %arg21[%swap3A_74] {strides = array<i32>} : memref<1024xf32, #tpu.memory_space<vmem>>, vector<16xf32>,
      tpu.vector_store %arg21[%swap3A_74], %broadcast_in_dim3A_22 {strides = array<i32>} : memref<1024xf32, #tpu.memory_space<vmem>>, vector<16xf32>,
      %swap3A_76 = arith.constant 432 : index
      %swap3A_77 = tpu.vector_load %arg21[%swap3A_76] {strides = array<i32>} : memref<1024xf32, #tpu.memory_space<vmem>>, vector<16xf32>,
      tpu.vector_store %arg21[%swap3A_76], %broadcast_in_dim3A_22 {strides = array<i32>} : memref<1024xf32, #tpu.memory_space<vmem>>, vector<16xf32>,
      %swap3A_78 = arith.constant 448 : index
      %swap3A_79 = tpu.vector_load %arg21[%swap3A_78] {strides = array<i32>} : memref<1024xf32, #tpu.memory_space<vmem>>, vector<16xf32>,
      tpu.vector_store %arg21[%swap3A_78], %broadcast_in_dim3A_22 {strides = array<i32>} : memref<1024xf32, #tpu.memory_space<vmem>>, vector<16xf32>,
      %swap3A_80 = arith.constant 464 : index
      %swap3A_81 = tpu.vector_load %arg21[%swap3A_80] {strides = array<i32>} : memref<1024xf32, #tpu.memory_space<vmem>>, vector<16xf32>,
      tpu.vector_store %arg21[%swap3A_80], %broadcast_in_dim3A_22 {strides = array<i32>} : memref<1024xf32, #tpu.memory_space<vmem>>, vector<16xf32>,
      %swap3A_82 = arith.constant 480 : index
      %swap3A_83 = tpu.vector_load %arg21[%swap3A_82] {strides = array<i32>} : memref<1024xf32, #tpu.memory_space<vmem>>, vector<16xf32>,
      tpu.vector_store %arg21[%swap3A_82], %broadcast_in_dim3A_22 {strides = array<i32>} : memref<1024xf32, #tpu.memory_space<vmem>>, vector<16xf32>,
      %swap3A_84 = arith.constant 496 : index
      %swap3A_85 = tpu.vector_load %arg21[%swap3A_84] {strides = array<i32>} : memref<1024xf32, #tpu.memory_space<vmem>>, vector<16xf32>,
      tpu.vector_store %arg21[%swap3A_84], %broadcast_in_dim3A_22 {strides = array<i32>} : memref<1024xf32, #tpu.memory_space<vmem>>, vector<16xf32>,
      %swap3A_86 = arith.constant 512 : index
      %swap3A_87 = tpu.vector_load %arg21[%swap3A_86] {strides = array<i32>} : memref<1024xf32, #tpu.memory_space<vmem>>, vector<16xf32>,
      tpu.vector_store %arg21[%swap3A_86], %broadcast_in_dim3A_22 {strides = array<i32>} : memref<1024xf32, #tpu.memory_space<vmem>>, vector<16xf32>,
      %swap3A_88 = arith.constant 528 : index
      %swap3A_89 = tpu.vector_load %arg21[%swap3A_88] {strides = array<i32>} : memref<1024xf32, #tpu.memory_space<vmem>>, vector<16xf32>,
      tpu.vector_store %arg21[%swap3A_88], %broadcast_in_dim3A_22 {strides = array<i32>} : memref<1024xf32, #tpu.memory_space<vmem>>, vector<16xf32>,
      %swap3A_90 = arith.constant 544 : index
      %swap3A_91 = tpu.vector_load %arg21[%swap3A_90] {strides = array<i32>} : memref<1024xf32, #tpu.memory_space<vmem>>, vector<16xf32>,
      tpu.vector_store %arg21[%swap3A_90], %broadcast_in_dim3A_22 {strides = array<i32>} : memref<1024xf32, #tpu.memory_space<vmem>>, vector<16xf32>,
      %swap3A_92 = arith.constant 560 : index
      %swap3A_93 = tpu.vector_load %arg21[%swap3A_92] {strides = array<i32>} : memref<1024xf32, #tpu.memory_space<vmem>>, vector<16xf32>,
      tpu.vector_store %arg21[%swap3A_92], %broadcast_in_dim3A_22 {strides = array<i32>} : memref<1024xf32, #tpu.memory_space<vmem>>, vector<16xf32>,
      %swap3A_94 = arith.constant 576 : index
      %swap3A_95 = tpu.vector_load %arg21[%swap3A_94] {strides = array<i32>} : memref<1024xf32, #tpu.memory_space<vmem>>, vector<16xf32>,
      tpu.vector_store %arg21[%swap3A_94], %broadcast_in_dim3A_22 {strides = array<i32>} : memref<1024xf32, #tpu.memory_space<vmem>>, vector<16xf32>,
      %swap3A_96 = arith.constant 592 : index
      %swap3A_97 = tpu.vector_load %arg21[%swap3A_96] {strides = array<i32>} : memref<1024xf32, #tpu.memory_space<vmem>>, vector<16xf32>,
      tpu.vector_store %arg21[%swap3A_96], %broadcast_in_dim3A_22 {strides = array<i32>} : memref<1024xf32, #tpu.memory_space<vmem>>, vector<16xf32>,
      %swap3A_98 = arith.constant 608 : index
      %swap3A_99 = tpu.vector_load %arg21[%swap3A_98] {strides = array<i32>} : memref<1024xf32, #tpu.memory_space<vmem>>, vector<16xf32>,
      tpu.vector_store %arg21[%swap3A_98], %broadcast_in_dim3A_22 {strides = array<i32>} : memref<1024xf32, #tpu.memory_space<vmem>>, vector<16xf32>,
      %swap3A_100 = arith.constant 624 : index
      %swap3A_101 = tpu.vector_load %arg21[%swap3A_100] {strides = array<i32>} : memref<1024xf32, #tpu.memory_space<vmem>>, vector<16xf32>,
      tpu.vector_store %arg21[%swap3A_100], %broadcast_in_dim3A_22 {strides = array<i32>} : memref<1024xf32, #tpu.memory_space<vmem>>, vector<16xf32>,
      %swap3A_102 = arith.constant 640 : index
      %swap3A_103 = tpu.vector_load %arg21[%swap3A_102] {strides = array<i32>} : memref<1024xf32, #tpu.memory_space<vmem>>, vector<16xf32>,
      tpu.vector_store %arg21[%swap3A_102], %broadcast_in_dim3A_22 {strides = array<i32>} : memref<1024xf32, #tpu.memory_space<vmem>>, vector<16xf32>,
      %swap3A_104 = arith.constant 656 : index
      %swap3A_105 = tpu.vector_load %arg21[%swap3A_104] {strides = array<i32>} : memref<1024xf32, #tpu.memory_space<vmem>>, vector<16xf32>,
      tpu.vector_store %arg21[%swap3A_104], %broadcast_in_dim3A_22 {strides = array<i32>} : memref<1024xf32, #tpu.memory_space<vmem>>, vector<16xf32>,
      %swap3A_106 = arith.constant 672 : index
      %swap3A_107 = tpu.vector_load %arg21[%swap3A_106] {strides = array<i32>} : memref<1024xf32, #tpu.memory_space<vmem>>, vector<16xf32>,
      tpu.vector_store %arg21[%swap3A_106], %broadcast_in_dim3A_22 {strides = array<i32>} : memref<1024xf32, #tpu.memory_space<vmem>>, vector<16xf32>,
      %swap3A_108 = arith.constant 688 : index
      %swap3A_109 = tpu.vector_load %arg21[%swap3A_108] {strides = array<i32>} : memref<1024xf32, #tpu.memory_space<vmem>>, vector<16xf32>,
      tpu.vector_store %arg21[%swap3A_108], %broadcast_in_dim3A_22 {strides = array<i32>} : memref<1024xf32, #tpu.memory_space<vmem>>, vector<16xf32>,
      %swap3A_110 = arith.constant 704 : index
      %swap3A_111 = tpu.vector_load %arg21[%swap3A_110] {strides = array<i32>} : memref<1024xf32, #tpu.memory_space<vmem>>, vector<16xf32>,
      tpu.vector_store %arg21[%swap3A_110], %broadcast_in_dim3A_22 {strides = array<i32>} : memref<1024xf32, #tpu.memory_space<vmem>>, vector<16xf32>,
      %swap3A_112 = arith.constant 720 : index
      %swap3A_113 = tpu.vector_load %arg21[%swap3A_112] {strides = array<i32>} : memref<1024xf32, #tpu.memory_space<vmem>>, vector<16xf32>,
      tpu.vector_store %arg21[%swap3A_112], %broadcast_in_dim3A_22 {strides = array<i32>} : memref<1024xf32, #tpu.memory_space<vmem>>, vector<16xf32>,
      %swap3A_114 = arith.constant 736 : index
      %swap3A_115 = tpu.vector_load %arg21[%swap3A_114] {strides = array<i32>} : memref<1024xf32, #tpu.memory_space<vmem>>, vector<16xf32>,
      tpu.vector_store %arg21[%swap3A_114], %broadcast_in_dim3A_22 {strides = array<i32>} : memref<1024xf32, #tpu.memory_space<vmem>>, vector<16xf32>,
      %swap3A_116 = arith.constant 752 : index
      %swap3A_117 = tpu.vector_load %arg21[%swap3A_116] {strides = array<i32>} : memref<1024xf32, #tpu.memory_space<vmem>>, vector<16xf32>,
      tpu.vector_store %arg21[%swap3A_116], %broadcast_in_dim3A_22 {strides = array<i32>} : memref<1024xf32, #tpu.memory_space<vmem>>, vector<16xf32>,
      %swap3A_118 = arith.constant 768 : index
      %swap3A_119 = tpu.vector_load %arg21[%swap3A_118] {strides = array<i32>} : memref<1024xf32, #tpu.memory_space<vmem>>, vector<16xf32>,
      tpu.vector_store %arg21[%swap3A_118], %broadcast_in_dim3A_22 {strides = array<i32>} : memref<1024xf32, #tpu.memory_space<vmem>>, vector<16xf32>,
      %swap3A_120 = arith.constant 784 : index
      %swap3A_121 = tpu.vector_load %arg21[%swap3A_120] {strides = array<i32>} : memref<1024xf32, #tpu.memory_space<vmem>>, vector<16xf32>,
      tpu.vector_store %arg21[%swap3A_120], %broadcast_in_dim3A_22 {strides = array<i32>} : memref<1024xf32, #tpu.memory_space<vmem>>, vector<16xf32>,
      %swap3A_122 = arith.constant 800 : index
      %swap3A_123 = tpu.vector_load %arg21[%swap3A_122] {strides = array<i32>} : memref<1024xf32, #tpu.memory_space<vmem>>, vector<16xf32>,
      tpu.vector_store %arg21[%swap3A_122], %broadcast_in_dim3A_22 {strides = array<i32>} : memref<1024xf32, #tpu.memory_space<vmem>>, vector<16xf32>,
      %swap3A_124 = arith.constant 816 : index
      %swap3A_125 = tpu.vector_load %arg21[%swap3A_124] {strides = array<i32>} : memref<1024xf32, #tpu.memory_space<vmem>>, vector<16xf32>,
      tpu.vector_store %arg21[%swap3A_124], %broadcast_in_dim3A_22 {strides = array<i32>} : memref<1024xf32, #tpu.memory_space<vmem>>, vector<16xf32>,
      %swap3A_126 = arith.constant 832 : index
      %swap3A_127 = tpu.vector_load %arg21[%swap3A_126] {strides = array<i32>} : memref<1024xf32, #tpu.memory_space<vmem>>, vector<16xf32>,
      tpu.vector_store %arg21[%swap3A_126], %broadcast_in_dim3A_22 {strides = array<i32>} : memref<1024xf32, #tpu.memory_space<vmem>>, vector<16xf32>,
      %swap3A_128 = arith.constant 848 : index
      %swap3A_129 = tpu.vector_load %arg21[%swap3A_128] {strides = array<i32>} : memref<1024xf32, #tpu.memory_space<vmem>>, vector<16xf32>,
      tpu.vector_store %arg21[%swap3A_128], %broadcast_in_dim3A_22 {strides = array<i32>} : memref<1024xf32, #tpu.memory_space<vmem>>, vector<16xf32>,
      %swap3A_130 = arith.constant 864 : index
      %swap3A_131 = tpu.vector_load %arg21[%swap3A_130] {strides = array<i32>} : memref<1024xf32, #tpu.memory_space<vmem>>, vector<16xf32>,
      tpu.vector_store %arg21[%swap3A_130], %broadcast_in_dim3A_22 {strides = array<i32>} : memref<1024xf32, #tpu.memory_space<vmem>>, vector<16xf32>,
      %swap3A_132 = arith.constant 880 : index
      %swap3A_133 = tpu.vector_load %arg21[%swap3A_132] {strides = array<i32>} : memref<1024xf32, #tpu.memory_space<vmem>>, vector<16xf32>,
      tpu.vector_store %arg21[%swap3A_132], %broadcast_in_dim3A_22 {strides = array<i32>} : memref<1024xf32, #tpu.memory_space<vmem>>, vector<16xf32>,
      %swap3A_134 = arith.constant 896 : index
      %swap3A_135 = tpu.vector_load %arg21[%swap3A_134] {strides = array<i32>} : memref<1024xf32, #tpu.memory_space<vmem>>, vector<16xf32>,
      tpu.vector_store %arg21[%swap3A_134], %broadcast_in_dim3A_22 {strides = array<i32>} : memref<1024xf32, #tpu.memory_space<vmem>>, vector<16xf32>,
      %swap3A_136 = arith.constant 912 : index
      %swap3A_137 = tpu.vector_load %arg21[%swap3A_136] {strides = array<i32>} : memref<1024xf32, #tpu.memory_space<vmem>>, vector<16xf32>,
      tpu.vector_store %arg21[%swap3A_136], %broadcast_in_dim3A_22 {strides = array<i32>} : memref<1024xf32, #tpu.memory_space<vmem>>, vector<16xf32>,
      %swap3A_138 = arith.constant 928 : index
      %swap3A_139 = tpu.vector_load %arg21[%swap3A_138] {strides = array<i32>} : memref<1024xf32, #tpu.memory_space<vmem>>, vector<16xf32>,
      tpu.vector_store %arg21[%swap3A_138], %broadcast_in_dim3A_22 {strides = array<i32>} : memref<1024xf32, #tpu.memory_space<vmem>>, vector<16xf32>,
      %swap3A_140 = arith.constant 944 : index
      %swap3A_141 = tpu.vector_load %arg21[%swap3A_140] {strides = array<i32>} : memref<1024xf32, #tpu.memory_space<vmem>>, vector<16xf32>,
      tpu.vector_store %arg21[%swap3A_140], %broadcast_in_dim3A_22 {strides = array<i32>} : memref<1024xf32, #tpu.memory_space<vmem>>, vector<16xf32>,
      %swap3A_142 = arith.constant 960 : index
      %swap3A_143 = tpu.vector_load %arg21[%swap3A_142] {strides = array<i32>} : memref<1024xf32, #tpu.memory_space<vmem>>, vector<16xf32>,
      tpu.vector_store %arg21[%swap3A_142], %broadcast_in_dim3A_22 {strides = array<i32>} : memref<1024xf32, #tpu.memory_space<vmem>>, vector<16xf32>,
      %swap3A_144 = arith.constant 976 : index
      %swap3A_145 = tpu.vector_load %arg21[%swap3A_144] {strides = array<i32>} : memref<1024xf32, #tpu.memory_space<vmem>>, vector<16xf32>,
      tpu.vector_store %arg21[%swap3A_144], %broadcast_in_dim3A_22 {strides = array<i32>} : memref<1024xf32, #tpu.memory_space<vmem>>, vector<16xf32>,
      %swap3A_146 = arith.constant 992 : index
      %swap3A_147 = tpu.vector_load %arg21[%swap3A_146] {strides = array<i32>} : memref<1024xf32, #tpu.memory_space<vmem>>, vector<16xf32>,
      tpu.vector_store %arg21[%swap3A_146], %broadcast_in_dim3A_22 {strides = array<i32>} : memref<1024xf32, #tpu.memory_space<vmem>>, vector<16xf32>,
      %swap3A_148 = arith.constant 1008 : index
      %swap3A_149 = tpu.vector_load %arg21[%swap3A_148] {strides = array<i32>} : memref<1024xf32, #tpu.memory_space<vmem>>, vector<16xf32>,
      tpu.vector_store %arg21[%swap3A_148], %broadcast_in_dim3A_22 {strides = array<i32>} : memref<1024xf32, #tpu.memory_space<vmem>>, vector<16xf32>,
      %iota3A = tpu.iota {dimensions = array<i32: 0>} : vector<16xi32>
      %add3A_150 = arith.constant 0 : i32
      %add3A_151 = vector.broadcast %add3A_150 : i32 to vector<16xi32>
      %add3A_152 = arith.addi %iota3A, %add3A_151 : vector<16xi32>
      %get3A = arith.constant 0 : index
      %get3A_153 = tpu.vector_load %arg19[%get3A] {strides = array<i32>} : memref<32xi32, #tpu.memory_space<vmem>>, vector<16xi32>,
      %get3A_154 = arith.constant 0 : index
      %get3A_155 = tpu.vector_load %arg20[%get3A_154] {strides = array<i32>} : memref<32xf32, #tpu.memory_space<vmem>>, vector<16xf32>,
      %mul3A_156 = arith.constant 32 : i32
      %mul3A_157 = vector.broadcast %mul3A_156 : i32 to vector<16xi32>
      %mul3A_158 = arith.muli %get3A_153, %mul3A_157 : vector<16xi32>
      %add3A_159 = arith.addi %mul3A_158, %add3A_152 : vector<16xi32>
      tpu.vector_store_idx %arg21[%add3A_159], %get3A_155 : memref<1024xf32, #tpu.memory_space<vmem>>[vector<16xi32>], vector<16xf32>,
      %iota3A_160 = tpu.iota {dimensions = array<i32: 0>} : vector<16xi32>
      %add3A_161 = arith.constant 16 : i32
      %add3A_162 = vector.broadcast %add3A_161 : i32 to vector<16xi32>
      %add3A_163 = arith.addi %iota3A_160, %add3A_162 : vector<16xi32>
      %get3A_164 = arith.constant 16 : index
      %get3A_165 = tpu.vector_load %arg19[%get3A_164] {strides = array<i32>} : memref<32xi32, #tpu.memory_space<vmem>>, vector<16xi32>,
      %get3A_166 = arith.constant 16 : index
      %get3A_167 = tpu.vector_load %arg20[%get3A_166] {strides = array<i32>} : memref<32xf32, #tpu.memory_space<vmem>>, vector<16xf32>,
      %mul3A_168 = arith.constant 32 : i32
      %mul3A_169 = vector.broadcast %mul3A_168 : i32 to vector<16xi32>
      %mul3A_170 = arith.muli %get3A_165, %mul3A_169 : vector<16xi32>
      %add3A_171 = arith.addi %mul3A_170, %add3A_163 : vector<16xi32>
      tpu.vector_store_idx %arg21[%add3A_171], %get3A_167 : memref<1024xf32, #tpu.memory_space<vmem>>[vector<16xi32>], vector<16xf32>,
      %scan3A_172 = arith.constant 0 : i32
      %scan3A_173 = arith.constant 0 : i32
      %scan3A_174 = arith.constant 32 : i32
      %scan3A_175 = arith.addi %scan3A_173, %scan3A_174 : i32
      %scan3A_176 = arith.constant 1 : i32
      %scan3A_177 = scf.for %scan3A_823 = %scan3A_173 to %scan3A_175 step %scan3A_176 iter_args(%scan3A_824 = %scan3A_172) -> (i32)  : i32 {
        %iota3A_825 = tpu.iota {dimensions = array<i32: 0>} : vector<16xi32>
        %add3A_826 = arith.constant 0 : i32
        %add3A_827 = vector.broadcast %add3A_826 : i32 to vector<16xi32>
        %add3A_828 = arith.addi %iota3A_825, %add3A_827 : vector<16xi32>
        %mul3A_829 = arith.constant 32 : i32
        %mul3A_830 = vector.broadcast %mul3A_829 : i32 to vector<16xi32>
        %mul3A_831 = arith.muli %iota3A_825, %mul3A_830 : vector<16xi32>
        %add3A_832 = vector.broadcast %scan3A_823 : i32 to vector<16xi32>
        %add3A_833 = arith.addi %mul3A_831, %add3A_832 : vector<16xi32>
        %gather3A = arith.constant 0 : i32
        %gather3A_834 = tpu.memref_slice %arg18[%gather3A] : memref<1024xi32, #tpu.memory_space<vmem>> -> memref<1024xi32, #tpu.memory_space<vmem>>
        %gather3A_835 = tpu.vector_load_idx %gather3A_834[%add3A_833] : memref<1024xi32, #tpu.memory_space<vmem>>[vector<16xi32>], vector<16xi32>,
        %get3A_836 = arith.constant 0 : index
        %get3A_837 = tpu.vector_load %arg19[%get3A_836] {strides = array<i32>} : memref<32xi32, #tpu.memory_space<vmem>>, vector<16xi32>,
        %mul3A_838 = arith.constant 32 : i32
        %mul3A_839 = vector.broadcast %mul3A_838 : i32 to vector<16xi32>
        %mul3A_840 = arith.muli %gather3A_835, %mul3A_839 : vector<16xi32>
        %add3A_841 = arith.addi %mul3A_840, %add3A_828 : vector<16xi32>
        %mul3A_842 = arith.constant 1024 : i32
        %mul3A_843 = vector.broadcast %mul3A_842 : i32 to vector<16xi32>
        %mul3A_844 = arith.muli %iota3A_825, %mul3A_843 : vector<16xi32>
        %add3A_845 = arith.addi %mul3A_844, %gather3A_835 : vector<16xi32>
        %gather3A_846 = arith.constant 0 : i32
        %gather3A_847 = tpu.memref_slice %arg16[%gather3A_846] : memref<32768xf32, #tpu.memory_space<vmem>> -> memref<32768xf32, #tpu.memory_space<vmem>>
        %gather3A_848 = tpu.vector_load_idx %gather3A_847[%add3A_845] : memref<32768xf32, #tpu.memory_space<vmem>>[vector<16xi32>], vector<16xf32>,
        %get3A_849 = arith.constant 0 : index
        %get3A_850 = tpu.vector_load %arg21[%get3A_849] {strides = array<i32>} : memref<1024xf32, #tpu.memory_space<vmem>>, vector<16xf32>,
        %mul3A_851 = arith.mulf %gather3A_848, %get3A_850 : vector<16xf32>
        %gather3A_852 = arith.constant 32 : i32
        %gather3A_853 = tpu.memref_slice %arg16[%gather3A_852] : memref<32768xf32, #tpu.memory_space<vmem>> -> memref<32736xf32, #tpu.memory_space<vmem>>
        %gather3A_854 = tpu.vector_load_idx %gather3A_853[%add3A_845] : memref<32736xf32, #tpu.memory_space<vmem>>[vector<16xi32>], vector<16xf32>,
        %get3A_855 = arith.constant 32 : index
        %get3A_856 = tpu.vector_load %arg21[%get3A_855] {strides = array<i32>} : memref<1024xf32, #tpu.memory_space<vmem>>, vector<16xf32>,
        %mul3A_857 = arith.mulf %gather3A_854, %get3A_856 : vector<16xf32>
        %gather3A_858 = arith.constant 64 : i32
        %gather3A_859 = tpu.memref_slice %arg16[%gather3A_858] : memref<32768xf32, #tpu.memory_space<vmem>> -> memref<32704xf32, #tpu.memory_space<vmem>>
        %gather3A_860 = tpu.vector_load_idx %gather3A_859[%add3A_845] : memref<32704xf32, #tpu.memory_space<vmem>>[vector<16xi32>], vector<16xf32>,
        %get3A_861 = arith.constant 64 : index
        %get3A_862 = tpu.vector_load %arg21[%get3A_861] {strides = array<i32>} : memref<1024xf32, #tpu.memory_space<vmem>>, vector<16xf32>,
        %mul3A_863 = arith.mulf %gather3A_860, %get3A_862 : vector<16xf32>
        %gather3A_864 = arith.constant 96 : i32
        %gather3A_865 = tpu.memref_slice %arg16[%gather3A_864] : memref<32768xf32, #tpu.memory_space<vmem>> -> memref<32672xf32, #tpu.memory_space<vmem>>
        %gather3A_866 = tpu.vector_load_idx %gather3A_865[%add3A_845] : memref<32672xf32, #tpu.memory_space<vmem>>[vector<16xi32>], vector<16xf32>,
        %get3A_867 = arith.constant 96 : index
        %get3A_868 = tpu.vector_load %arg21[%get3A_867] {strides = array<i32>} : memref<1024xf32, #tpu.memory_space<vmem>>, vector<16xf32>,
        %mul3A_869 = arith.mulf %gather3A_866, %get3A_868 : vector<16xf32>
        %gather3A_870 = arith.constant 128 : i32
        %gather3A_871 = tpu.memref_slice %arg16[%gather3A_870] : memref<32768xf32, #tpu.memory_space<vmem>> -> memref<32640xf32, #tpu.memory_space<vmem>>
        %gather3A_872 = tpu.vector_load_idx %gather3A_871[%add3A_845] : memref<32640xf32, #tpu.memory_space<vmem>>[vector<16xi32>], vector<16xf32>,
        %get3A_873 = arith.constant 128 : index
        %get3A_874 = tpu.vector_load %arg21[%get3A_873] {strides = array<i32>} : memref<1024xf32, #tpu.memory_space<vmem>>, vector<16xf32>,
        %mul3A_875 = arith.mulf %gather3A_872, %get3A_874 : vector<16xf32>
        %gather3A_876 = arith.constant 160 : i32
        %gather3A_877 = tpu.memref_slice %arg16[%gather3A_876] : memref<32768xf32, #tpu.memory_space<vmem>> -> memref<32608xf32, #tpu.memory_space<vmem>>
        %gather3A_878 = tpu.vector_load_idx %gather3A_877[%add3A_845] : memref<32608xf32, #tpu.memory_space<vmem>>[vector<16xi32>], vector<16xf32>,
        %get3A_879 = arith.constant 160 : index
        %get3A_880 = tpu.vector_load %arg21[%get3A_879] {strides = array<i32>} : memref<1024xf32, #tpu.memory_space<vmem>>, vector<16xf32>,
        %mul3A_881 = arith.mulf %gather3A_878, %get3A_880 : vector<16xf32>
        %gather3A_882 = arith.constant 192 : i32
        %gather3A_883 = tpu.memref_slice %arg16[%gather3A_882] : memref<32768xf32, #tpu.memory_space<vmem>> -> memref<32576xf32, #tpu.memory_space<vmem>>
        %gather3A_884 = tpu.vector_load_idx %gather3A_883[%add3A_845] : memref<32576xf32, #tpu.memory_space<vmem>>[vector<16xi32>], vector<16xf32>,
        %get3A_885 = arith.constant 192 : index
        %get3A_886 = tpu.vector_load %arg21[%get3A_885] {strides = array<i32>} : memref<1024xf32, #tpu.memory_space<vmem>>, vector<16xf32>,
        %mul3A_887 = arith.mulf %gather3A_884, %get3A_886 : vector<16xf32>
        %gather3A_888 = arith.constant 224 : i32
        %gather3A_889 = tpu.memref_slice %arg16[%gather3A_888] : memref<32768xf32, #tpu.memory_space<vmem>> -> memref<32544xf32, #tpu.memory_space<vmem>>
        %gather3A_890 = tpu.vector_load_idx %gather3A_889[%add3A_845] : memref<32544xf32, #tpu.memory_space<vmem>>[vector<16xi32>], vector<16xf32>,
        %get3A_891 = arith.constant 224 : index
        %get3A_892 = tpu.vector_load %arg21[%get3A_891] {strides = array<i32>} : memref<1024xf32, #tpu.memory_space<vmem>>, vector<16xf32>,
        %mul3A_893 = arith.mulf %gather3A_890, %get3A_892 : vector<16xf32>
        %gather3A_894 = arith.constant 256 : i32
        %gather3A_895 = tpu.memref_slice %arg16[%gather3A_894] : memref<32768xf32, #tpu.memory_space<vmem>> -> memref<32512xf32, #tpu.memory_space<vmem>>
        %gather3A_896 = tpu.vector_load_idx %gather3A_895[%add3A_845] : memref<32512xf32, #tpu.memory_space<vmem>>[vector<16xi32>], vector<16xf32>,
        %get3A_897 = arith.constant 256 : index
        %get3A_898 = tpu.vector_load %arg21[%get3A_897] {strides = array<i32>} : memref<1024xf32, #tpu.memory_space<vmem>>, vector<16xf32>,
        %mul3A_899 = arith.mulf %gather3A_896, %get3A_898 : vector<16xf32>
        %gather3A_900 = arith.constant 288 : i32
        %gather3A_901 = tpu.memref_slice %arg16[%gather3A_900] : memref<32768xf32, #tpu.memory_space<vmem>> -> memref<32480xf32, #tpu.memory_space<vmem>>
        %gather3A_902 = tpu.vector_load_idx %gather3A_901[%add3A_845] : memref<32480xf32, #tpu.memory_space<vmem>>[vector<16xi32>], vector<16xf32>,
        %get3A_903 = arith.constant 288 : index
        %get3A_904 = tpu.vector_load %arg21[%get3A_903] {strides = array<i32>} : memref<1024xf32, #tpu.memory_space<vmem>>, vector<16xf32>,
        %mul3A_905 = arith.mulf %gather3A_902, %get3A_904 : vector<16xf32>
        %gather3A_906 = arith.constant 320 : i32
        %gather3A_907 = tpu.memref_slice %arg16[%gather3A_906] : memref<32768xf32, #tpu.memory_space<vmem>> -> memref<32448xf32, #tpu.memory_space<vmem>>
        %gather3A_908 = tpu.vector_load_idx %gather3A_907[%add3A_845] : memref<32448xf32, #tpu.memory_space<vmem>>[vector<16xi32>], vector<16xf32>,
        %get3A_909 = arith.constant 320 : index
        %get3A_910 = tpu.vector_load %arg21[%get3A_909] {strides = array<i32>} : memref<1024xf32, #tpu.memory_space<vmem>>, vector<16xf32>,
        %mul3A_911 = arith.mulf %gather3A_908, %get3A_910 : vector<16xf32>
        %gather3A_912 = arith.constant 352 : i32
        %gather3A_913 = tpu.memref_slice %arg16[%gather3A_912] : memref<32768xf32, #tpu.memory_space<vmem>> -> memref<32416xf32, #tpu.memory_space<vmem>>
        %gather3A_914 = tpu.vector_load_idx %gather3A_913[%add3A_845] : memref<32416xf32, #tpu.memory_space<vmem>>[vector<16xi32>], vector<16xf32>,
        %get3A_915 = arith.constant 352 : index
        %get3A_916 = tpu.vector_load %arg21[%get3A_915] {strides = array<i32>} : memref<1024xf32, #tpu.memory_space<vmem>>, vector<16xf32>,
        %mul3A_917 = arith.mulf %gather3A_914, %get3A_916 : vector<16xf32>
        %gather3A_918 = arith.constant 384 : i32
        %gather3A_919 = tpu.memref_slice %arg16[%gather3A_918] : memref<32768xf32, #tpu.memory_space<vmem>> -> memref<32384xf32, #tpu.memory_space<vmem>>
        %gather3A_920 = tpu.vector_load_idx %gather3A_919[%add3A_845] : memref<32384xf32, #tpu.memory_space<vmem>>[vector<16xi32>], vector<16xf32>,
        %get3A_921 = arith.constant 384 : index
        %get3A_922 = tpu.vector_load %arg21[%get3A_921] {strides = array<i32>} : memref<1024xf32, #tpu.memory_space<vmem>>, vector<16xf32>,
        %mul3A_923 = arith.mulf %gather3A_920, %get3A_922 : vector<16xf32>
        %gather3A_924 = arith.constant 416 : i32
        %gather3A_925 = tpu.memref_slice %arg16[%gather3A_924] : memref<32768xf32, #tpu.memory_space<vmem>> -> memref<32352xf32, #tpu.memory_space<vmem>>
        %gather3A_926 = tpu.vector_load_idx %gather3A_925[%add3A_845] : memref<32352xf32, #tpu.memory_space<vmem>>[vector<16xi32>], vector<16xf32>,
        %get3A_927 = arith.constant 416 : index
        %get3A_928 = tpu.vector_load %arg21[%get3A_927] {strides = array<i32>} : memref<1024xf32, #tpu.memory_space<vmem>>, vector<16xf32>,
        %mul3A_929 = arith.mulf %gather3A_926, %get3A_928 : vector<16xf32>
        %gather3A_930 = arith.constant 448 : i32
        %gather3A_931 = tpu.memref_slice %arg16[%gather3A_930] : memref<32768xf32, #tpu.memory_space<vmem>> -> memref<32320xf32, #tpu.memory_space<vmem>>
        %gather3A_932 = tpu.vector_load_idx %gather3A_931[%add3A_845] : memref<32320xf32, #tpu.memory_space<vmem>>[vector<16xi32>], vector<16xf32>,
        %get3A_933 = arith.constant 448 : index
        %get3A_934 = tpu.vector_load %arg21[%get3A_933] {strides = array<i32>} : memref<1024xf32, #tpu.memory_space<vmem>>, vector<16xf32>,
        %mul3A_935 = arith.mulf %gather3A_932, %get3A_934 : vector<16xf32>
        %gather3A_936 = arith.constant 480 : i32
        %gather3A_937 = tpu.memref_slice %arg16[%gather3A_936] : memref<32768xf32, #tpu.memory_space<vmem>> -> memref<32288xf32, #tpu.memory_space<vmem>>
        %gather3A_938 = tpu.vector_load_idx %gather3A_937[%add3A_845] : memref<32288xf32, #tpu.memory_space<vmem>>[vector<16xi32>], vector<16xf32>,
        %get3A_939 = arith.constant 480 : index
        %get3A_940 = tpu.vector_load %arg21[%get3A_939] {strides = array<i32>} : memref<1024xf32, #tpu.memory_space<vmem>>, vector<16xf32>,
        %mul3A_941 = arith.mulf %gather3A_938, %get3A_940 : vector<16xf32>
        %gather3A_942 = arith.constant 512 : i32
        %gather3A_943 = tpu.memref_slice %arg16[%gather3A_942] : memref<32768xf32, #tpu.memory_space<vmem>> -> memref<32256xf32, #tpu.memory_space<vmem>>
        %gather3A_944 = tpu.vector_load_idx %gather3A_943[%add3A_845] : memref<32256xf32, #tpu.memory_space<vmem>>[vector<16xi32>], vector<16xf32>,
        %get3A_945 = arith.constant 512 : index
        %get3A_946 = tpu.vector_load %arg21[%get3A_945] {strides = array<i32>} : memref<1024xf32, #tpu.memory_space<vmem>>, vector<16xf32>,
        %mul3A_947 = arith.mulf %gather3A_944, %get3A_946 : vector<16xf32>
        %gather3A_948 = arith.constant 544 : i32
        %gather3A_949 = tpu.memref_slice %arg16[%gather3A_948] : memref<32768xf32, #tpu.memory_space<vmem>> -> memref<32224xf32, #tpu.memory_space<vmem>>
        %gather3A_950 = tpu.vector_load_idx %gather3A_949[%add3A_845] : memref<32224xf32, #tpu.memory_space<vmem>>[vector<16xi32>], vector<16xf32>,
        %get3A_951 = arith.constant 544 : index
        %get3A_952 = tpu.vector_load %arg21[%get3A_951] {strides = array<i32>} : memref<1024xf32, #tpu.memory_space<vmem>>, vector<16xf32>,
        %mul3A_953 = arith.mulf %gather3A_950, %get3A_952 : vector<16xf32>
        %gather3A_954 = arith.constant 576 : i32
        %gather3A_955 = tpu.memref_slice %arg16[%gather3A_954] : memref<32768xf32, #tpu.memory_space<vmem>> -> memref<32192xf32, #tpu.memory_space<vmem>>
        %gather3A_956 = tpu.vector_load_idx %gather3A_955[%add3A_845] : memref<32192xf32, #tpu.memory_space<vmem>>[vector<16xi32>], vector<16xf32>,
        %get3A_957 = arith.constant 576 : index
        %get3A_958 = tpu.vector_load %arg21[%get3A_957] {strides = array<i32>} : memref<1024xf32, #tpu.memory_space<vmem>>, vector<16xf32>,
        %mul3A_959 = arith.mulf %gather3A_956, %get3A_958 : vector<16xf32>
        %gather3A_960 = arith.constant 608 : i32
        %gather3A_961 = tpu.memref_slice %arg16[%gather3A_960] : memref<32768xf32, #tpu.memory_space<vmem>> -> memref<32160xf32, #tpu.memory_space<vmem>>
        %gather3A_962 = tpu.vector_load_idx %gather3A_961[%add3A_845] : memref<32160xf32, #tpu.memory_space<vmem>>[vector<16xi32>], vector<16xf32>,
        %get3A_963 = arith.constant 608 : index
        %get3A_964 = tpu.vector_load %arg21[%get3A_963] {strides = array<i32>} : memref<1024xf32, #tpu.memory_space<vmem>>, vector<16xf32>,
        %mul3A_965 = arith.mulf %gather3A_962, %get3A_964 : vector<16xf32>
        %gather3A_966 = arith.constant 640 : i32
        %gather3A_967 = tpu.memref_slice %arg16[%gather3A_966] : memref<32768xf32, #tpu.memory_space<vmem>> -> memref<32128xf32, #tpu.memory_space<vmem>>
        %gather3A_968 = tpu.vector_load_idx %gather3A_967[%add3A_845] : memref<32128xf32, #tpu.memory_space<vmem>>[vector<16xi32>], vector<16xf32>,
        %get3A_969 = arith.constant 640 : index
        %get3A_970 = tpu.vector_load %arg21[%get3A_969] {strides = array<i32>} : memref<1024xf32, #tpu.memory_space<vmem>>, vector<16xf32>,
        %mul3A_971 = arith.mulf %gather3A_968, %get3A_970 : vector<16xf32>
        %gather3A_972 = arith.constant 672 : i32
        %gather3A_973 = tpu.memref_slice %arg16[%gather3A_972] : memref<32768xf32, #tpu.memory_space<vmem>> -> memref<32096xf32, #tpu.memory_space<vmem>>
        %gather3A_974 = tpu.vector_load_idx %gather3A_973[%add3A_845] : memref<32096xf32, #tpu.memory_space<vmem>>[vector<16xi32>], vector<16xf32>,
        %get3A_975 = arith.constant 672 : index
        %get3A_976 = tpu.vector_load %arg21[%get3A_975] {strides = array<i32>} : memref<1024xf32, #tpu.memory_space<vmem>>, vector<16xf32>,
        %mul3A_977 = arith.mulf %gather3A_974, %get3A_976 : vector<16xf32>
        %gather3A_978 = arith.constant 704 : i32
        %gather3A_979 = tpu.memref_slice %arg16[%gather3A_978] : memref<32768xf32, #tpu.memory_space<vmem>> -> memref<32064xf32, #tpu.memory_space<vmem>>
        %gather3A_980 = tpu.vector_load_idx %gather3A_979[%add3A_845] : memref<32064xf32, #tpu.memory_space<vmem>>[vector<16xi32>], vector<16xf32>,
        %get3A_981 = arith.constant 704 : index
        %get3A_982 = tpu.vector_load %arg21[%get3A_981] {strides = array<i32>} : memref<1024xf32, #tpu.memory_space<vmem>>, vector<16xf32>,
        %mul3A_983 = arith.mulf %gather3A_980, %get3A_982 : vector<16xf32>
        %gather3A_984 = arith.constant 736 : i32
        %gather3A_985 = tpu.memref_slice %arg16[%gather3A_984] : memref<32768xf32, #tpu.memory_space<vmem>> -> memref<32032xf32, #tpu.memory_space<vmem>>
        %gather3A_986 = tpu.vector_load_idx %gather3A_985[%add3A_845] : memref<32032xf32, #tpu.memory_space<vmem>>[vector<16xi32>], vector<16xf32>,
        %get3A_987 = arith.constant 736 : index
        %get3A_988 = tpu.vector_load %arg21[%get3A_987] {strides = array<i32>} : memref<1024xf32, #tpu.memory_space<vmem>>, vector<16xf32>,
        %mul3A_989 = arith.mulf %gather3A_986, %get3A_988 : vector<16xf32>
        %gather3A_990 = arith.constant 768 : i32
        %gather3A_991 = tpu.memref_slice %arg16[%gather3A_990] : memref<32768xf32, #tpu.memory_space<vmem>> -> memref<32000xf32, #tpu.memory_space<vmem>>
        %gather3A_992 = tpu.vector_load_idx %gather3A_991[%add3A_845] : memref<32000xf32, #tpu.memory_space<vmem>>[vector<16xi32>], vector<16xf32>,
        %get3A_993 = arith.constant 768 : index
        %get3A_994 = tpu.vector_load %arg21[%get3A_993] {strides = array<i32>} : memref<1024xf32, #tpu.memory_space<vmem>>, vector<16xf32>,
        %mul3A_995 = arith.mulf %gather3A_992, %get3A_994 : vector<16xf32>
        %gather3A_996 = arith.constant 800 : i32
        %gather3A_997 = tpu.memref_slice %arg16[%gather3A_996] : memref<32768xf32, #tpu.memory_space<vmem>> -> memref<31968xf32, #tpu.memory_space<vmem>>
        %gather3A_998 = tpu.vector_load_idx %gather3A_997[%add3A_845] : memref<31968xf32, #tpu.memory_space<vmem>>[vector<16xi32>], vector<16xf32>,
        %get3A_999 = arith.constant 800 : index
        %get3A_1000 = tpu.vector_load %arg21[%get3A_999] {strides = array<i32>} : memref<1024xf32, #tpu.memory_space<vmem>>, vector<16xf32>,
        %mul3A_1001 = arith.mulf %gather3A_998, %get3A_1000 : vector<16xf32>
        %gather3A_1002 = arith.constant 832 : i32
        %gather3A_1003 = tpu.memref_slice %arg16[%gather3A_1002] : memref<32768xf32, #tpu.memory_space<vmem>> -> memref<31936xf32, #tpu.memory_space<vmem>>
        %gather3A_1004 = tpu.vector_load_idx %gather3A_1003[%add3A_845] : memref<31936xf32, #tpu.memory_space<vmem>>[vector<16xi32>], vector<16xf32>,
        %get3A_1005 = arith.constant 832 : index
        %get3A_1006 = tpu.vector_load %arg21[%get3A_1005] {strides = array<i32>} : memref<1024xf32, #tpu.memory_space<vmem>>, vector<16xf32>,
        %mul3A_1007 = arith.mulf %gather3A_1004, %get3A_1006 : vector<16xf32>
        %gather3A_1008 = arith.constant 864 : i32
        %gather3A_1009 = tpu.memref_slice %arg16[%gather3A_1008] : memref<32768xf32, #tpu.memory_space<vmem>> -> memref<31904xf32, #tpu.memory_space<vmem>>
        %gather3A_1010 = tpu.vector_load_idx %gather3A_1009[%add3A_845] : memref<31904xf32, #tpu.memory_space<vmem>>[vector<16xi32>], vector<16xf32>,
        %get3A_1011 = arith.constant 864 : index
        %get3A_1012 = tpu.vector_load %arg21[%get3A_1011] {strides = array<i32>} : memref<1024xf32, #tpu.memory_space<vmem>>, vector<16xf32>,
        %mul3A_1013 = arith.mulf %gather3A_1010, %get3A_1012 : vector<16xf32>
        %gather3A_1014 = arith.constant 896 : i32
        %gather3A_1015 = tpu.memref_slice %arg16[%gather3A_1014] : memref<32768xf32, #tpu.memory_space<vmem>> -> memref<31872xf32, #tpu.memory_space<vmem>>
        %gather3A_1016 = tpu.vector_load_idx %gather3A_1015[%add3A_845] : memref<31872xf32, #tpu.memory_space<vmem>>[vector<16xi32>], vector<16xf32>,
        %get3A_1017 = arith.constant 896 : index
        %get3A_1018 = tpu.vector_load %arg21[%get3A_1017] {strides = array<i32>} : memref<1024xf32, #tpu.memory_space<vmem>>, vector<16xf32>,
        %mul3A_1019 = arith.mulf %gather3A_1016, %get3A_1018 : vector<16xf32>
        %gather3A_1020 = arith.constant 928 : i32
        %gather3A_1021 = tpu.memref_slice %arg16[%gather3A_1020] : memref<32768xf32, #tpu.memory_space<vmem>> -> memref<31840xf32, #tpu.memory_space<vmem>>
        %gather3A_1022 = tpu.vector_load_idx %gather3A_1021[%add3A_845] : memref<31840xf32, #tpu.memory_space<vmem>>[vector<16xi32>], vector<16xf32>,
        %get3A_1023 = arith.constant 928 : index
        %get3A_1024 = tpu.vector_load %arg21[%get3A_1023] {strides = array<i32>} : memref<1024xf32, #tpu.memory_space<vmem>>, vector<16xf32>,
        %mul3A_1025 = arith.mulf %gather3A_1022, %get3A_1024 : vector<16xf32>
        %gather3A_1026 = arith.constant 960 : i32
        %gather3A_1027 = tpu.memref_slice %arg16[%gather3A_1026] : memref<32768xf32, #tpu.memory_space<vmem>> -> memref<31808xf32, #tpu.memory_space<vmem>>
        %gather3A_1028 = tpu.vector_load_idx %gather3A_1027[%add3A_845] : memref<31808xf32, #tpu.memory_space<vmem>>[vector<16xi32>], vector<16xf32>,
        %get3A_1029 = arith.constant 960 : index
        %get3A_1030 = tpu.vector_load %arg21[%get3A_1029] {strides = array<i32>} : memref<1024xf32, #tpu.memory_space<vmem>>, vector<16xf32>,
        %mul3A_1031 = arith.mulf %gather3A_1028, %get3A_1030 : vector<16xf32>
        %gather3A_1032 = arith.constant 992 : i32
        %gather3A_1033 = tpu.memref_slice %arg16[%gather3A_1032] : memref<32768xf32, #tpu.memory_space<vmem>> -> memref<31776xf32, #tpu.memory_space<vmem>>
        %gather3A_1034 = tpu.vector_load_idx %gather3A_1033[%add3A_845] : memref<31776xf32, #tpu.memory_space<vmem>>[vector<16xi32>], vector<16xf32>,
        %get3A_1035 = arith.constant 992 : index
        %get3A_1036 = tpu.vector_load %arg21[%get3A_1035] {strides = array<i32>} : memref<1024xf32, #tpu.memory_space<vmem>>, vector<16xf32>,
        %mul3A_1037 = arith.mulf %gather3A_1034, %get3A_1036 : vector<16xf32>
        %mul3A_1038 = arith.constant 32 : i32
        %mul3A_1039 = vector.broadcast %mul3A_1038 : i32 to vector<16xi32>
        %mul3A_1040 = arith.muli %iota3A_825, %mul3A_1039 : vector<16xi32>
        %add3A_1041 = arith.addi %mul3A_1040, %gather3A_835 : vector<16xi32>
        %gather3A_1042 = arith.constant 0 : i32
        %gather3A_1043 = tpu.memref_slice %arg17[%gather3A_1042] : memref<1024xf32, #tpu.memory_space<vmem>> -> memref<1024xf32, #tpu.memory_space<vmem>>
        %gather3A_1044 = tpu.vector_load_idx %gather3A_1043[%add3A_1041] : memref<1024xf32, #tpu.memory_space<vmem>>[vector<16xi32>], vector<16xf32>,
        %gather3A_1045 = tpu.vector_load_idx %arg15[%gather3A_835] : memref<32xf32, #tpu.memory_space<vmem>>[vector<16xi32>], vector<16xf32>,
        %scan3A_1046 = arith.constant 0 : i32
        %scan3A_1047 = arith.constant 16 : i32
        %scan3A_1048 = arith.addi %scan3A_1046, %scan3A_1047 : i32
        %scan3A_1049 = arith.constant 1 : i32
        %scan3A_1050 = scf.for %scan3A_1283 = %scan3A_1046 to %scan3A_1048 step %scan3A_1049 iter_args(%scan3A_1284 = %gather3A_1045) -> (vector<16xf32>)  : i32 {
          %mul3A_1285 = arith.constant 2 : i32
          %mul3A_1286 = arith.muli %scan3A_1283, %mul3A_1285 : i32
          %add3A_1287 = arith.constant 0 : i32
          %add3A_1288 = arith.addi %mul3A_1286, %add3A_1287 : i32
          %mul3A_1289 = arith.constant 32 : i32
          %mul3A_1290 = arith.muli %add3A_1288, %mul3A_1289 : i32
          %gather3A_1291 = tpu.memref_slice %arg13[%mul3A_1290] : memref<1024xf32, #tpu.memory_space<vmem>> -> memref<32xf32, #tpu.memory_space<vmem>>
          %gather3A_1292 = tpu.vector_load_idx %gather3A_1291[%gather3A_835] : memref<32xf32, #tpu.memory_space<vmem>>[vector<16xi32>], vector<16xf32>,
          %mul3A_1293 = arith.constant 1056 : i32
          %mul3A_1294 = arith.muli %add3A_1288, %mul3A_1293 : i32
          %add3A_1295 = arith.constant 0 : i32
          %add3A_1296 = arith.addi %mul3A_1294, %add3A_1295 : i32
          %gather3A_1297 = tpu.memref_slice %arg12[%add3A_1296] : memref<33792xf32, #tpu.memory_space<vmem>> -> memref<32xf32, #tpu.memory_space<vmem>>
          %gather3A_1298 = tpu.vector_load_idx %gather3A_1297[%gather3A_835] : memref<32xf32, #tpu.memory_space<vmem>>[vector<16xi32>], vector<16xf32>,
          %mul3A_1299 = arith.mulf %gather3A_1298, %mul3A_851 : vector<16xf32>
          %add3A_1300 = arith.addf %gather3A_1292, %mul3A_1299 : vector<16xf32>
          %add3A_1301 = arith.constant 32 : i32
          %add3A_1302 = arith.addi %mul3A_1294, %add3A_1301 : i32
          %gather3A_1303 = tpu.memref_slice %arg12[%add3A_1302] : memref<33792xf32, #tpu.memory_space<vmem>> -> memref<32xf32, #tpu.memory_space<vmem>>
          %gather3A_1304 = tpu.vector_load_idx %gather3A_1303[%gather3A_835] : memref<32xf32, #tpu.memory_space<vmem>>[vector<16xi32>], vector<16xf32>,
          %mul3A_1305 = arith.mulf %gather3A_1304, %mul3A_857 : vector<16xf32>
          %add3A_1306 = arith.addf %add3A_1300, %mul3A_1305 : vector<16xf32>
          %add3A_1307 = arith.constant 64 : i32
          %add3A_1308 = arith.addi %mul3A_1294, %add3A_1307 : i32
          %gather3A_1309 = tpu.memref_slice %arg12[%add3A_1308] : memref<33792xf32, #tpu.memory_space<vmem>> -> memref<32xf32, #tpu.memory_space<vmem>>
          %gather3A_1310 = tpu.vector_load_idx %gather3A_1309[%gather3A_835] : memref<32xf32, #tpu.memory_space<vmem>>[vector<16xi32>], vector<16xf32>,
          %mul3A_1311 = arith.mulf %gather3A_1310, %mul3A_863 : vector<16xf32>
          %add3A_1312 = arith.addf %add3A_1306, %mul3A_1311 : vector<16xf32>
          %add3A_1313 = arith.constant 96 : i32
          %add3A_1314 = arith.addi %mul3A_1294, %add3A_1313 : i32
          %gather3A_1315 = tpu.memref_slice %arg12[%add3A_1314] : memref<33792xf32, #tpu.memory_space<vmem>> -> memref<32xf32, #tpu.memory_space<vmem>>
          %gather3A_1316 = tpu.vector_load_idx %gather3A_1315[%gather3A_835] : memref<32xf32, #tpu.memory_space<vmem>>[vector<16xi32>], vector<16xf32>,
          %mul3A_1317 = arith.mulf %gather3A_1316, %mul3A_869 : vector<16xf32>
          %add3A_1318 = arith.addf %add3A_1312, %mul3A_1317 : vector<16xf32>
          %add3A_1319 = arith.constant 128 : i32
          %add3A_1320 = arith.addi %mul3A_1294, %add3A_1319 : i32
          %gather3A_1321 = tpu.memref_slice %arg12[%add3A_1320] : memref<33792xf32, #tpu.memory_space<vmem>> -> memref<32xf32, #tpu.memory_space<vmem>>
          %gather3A_1322 = tpu.vector_load_idx %gather3A_1321[%gather3A_835] : memref<32xf32, #tpu.memory_space<vmem>>[vector<16xi32>], vector<16xf32>,
          %mul3A_1323 = arith.mulf %gather3A_1322, %mul3A_875 : vector<16xf32>
          %add3A_1324 = arith.addf %add3A_1318, %mul3A_1323 : vector<16xf32>
          %add3A_1325 = arith.constant 160 : i32
          %add3A_1326 = arith.addi %mul3A_1294, %add3A_1325 : i32
          %gather3A_1327 = tpu.memref_slice %arg12[%add3A_1326] : memref<33792xf32, #tpu.memory_space<vmem>> -> memref<32xf32, #tpu.memory_space<vmem>>
          %gather3A_1328 = tpu.vector_load_idx %gather3A_1327[%gather3A_835] : memref<32xf32, #tpu.memory_space<vmem>>[vector<16xi32>], vector<16xf32>,
          %mul3A_1329 = arith.mulf %gather3A_1328, %mul3A_881 : vector<16xf32>
          %add3A_1330 = arith.addf %add3A_1324, %mul3A_1329 : vector<16xf32>
          %add3A_1331 = arith.constant 192 : i32
          %add3A_1332 = arith.addi %mul3A_1294, %add3A_1331 : i32
          %gather3A_1333 = tpu.memref_slice %arg12[%add3A_1332] : memref<33792xf32, #tpu.memory_space<vmem>> -> memref<32xf32, #tpu.memory_space<vmem>>
          %gather3A_1334 = tpu.vector_load_idx %gather3A_1333[%gather3A_835] : memref<32xf32, #tpu.memory_space<vmem>>[vector<16xi32>], vector<16xf32>,
          %mul3A_1335 = arith.mulf %gather3A_1334, %mul3A_887 : vector<16xf32>
          %add3A_1336 = arith.addf %add3A_1330, %mul3A_1335 : vector<16xf32>
          %add3A_1337 = arith.constant 224 : i32
          %add3A_1338 = arith.addi %mul3A_1294, %add3A_1337 : i32
          %gather3A_1339 = tpu.memref_slice %arg12[%add3A_1338] : memref<33792xf32, #tpu.memory_space<vmem>> -> memref<32xf32, #tpu.memory_space<vmem>>
          %gather3A_1340 = tpu.vector_load_idx %gather3A_1339[%gather3A_835] : memref<32xf32, #tpu.memory_space<vmem>>[vector<16xi32>], vector<16xf32>,
          %mul3A_1341 = arith.mulf %gather3A_1340, %mul3A_893 : vector<16xf32>
          %add3A_1342 = arith.addf %add3A_1336, %mul3A_1341 : vector<16xf32>
          %add3A_1343 = arith.constant 256 : i32
          %add3A_1344 = arith.addi %mul3A_1294, %add3A_1343 : i32
          %gather3A_1345 = tpu.memref_slice %arg12[%add3A_1344] : memref<33792xf32, #tpu.memory_space<vmem>> -> memref<32xf32, #tpu.memory_space<vmem>>
          %gather3A_1346 = tpu.vector_load_idx %gather3A_1345[%gather3A_835] : memref<32xf32, #tpu.memory_space<vmem>>[vector<16xi32>], vector<16xf32>,
          %mul3A_1347 = arith.mulf %gather3A_1346, %mul3A_899 : vector<16xf32>
          %add3A_1348 = arith.addf %add3A_1342, %mul3A_1347 : vector<16xf32>
          %add3A_1349 = arith.constant 288 : i32
          %add3A_1350 = arith.addi %mul3A_1294, %add3A_1349 : i32
          %gather3A_1351 = tpu.memref_slice %arg12[%add3A_1350] : memref<33792xf32, #tpu.memory_space<vmem>> -> memref<32xf32, #tpu.memory_space<vmem>>
          %gather3A_1352 = tpu.vector_load_idx %gather3A_1351[%gather3A_835] : memref<32xf32, #tpu.memory_space<vmem>>[vector<16xi32>], vector<16xf32>,
          %mul3A_1353 = arith.mulf %gather3A_1352, %mul3A_905 : vector<16xf32>
          %add3A_1354 = arith.addf %add3A_1348, %mul3A_1353 : vector<16xf32>
          %add3A_1355 = arith.constant 320 : i32
          %add3A_1356 = arith.addi %mul3A_1294, %add3A_1355 : i32
          %gather3A_1357 = tpu.memref_slice %arg12[%add3A_1356] : memref<33792xf32, #tpu.memory_space<vmem>> -> memref<32xf32, #tpu.memory_space<vmem>>
          %gather3A_1358 = tpu.vector_load_idx %gather3A_1357[%gather3A_835] : memref<32xf32, #tpu.memory_space<vmem>>[vector<16xi32>], vector<16xf32>,
          %mul3A_1359 = arith.mulf %gather3A_1358, %mul3A_911 : vector<16xf32>
          %add3A_1360 = arith.addf %add3A_1354, %mul3A_1359 : vector<16xf32>
          %add3A_1361 = arith.constant 352 : i32
          %add3A_1362 = arith.addi %mul3A_1294, %add3A_1361 : i32
          %gather3A_1363 = tpu.memref_slice %arg12[%add3A_1362] : memref<33792xf32, #tpu.memory_space<vmem>> -> memref<32xf32, #tpu.memory_space<vmem>>
          %gather3A_1364 = tpu.vector_load_idx %gather3A_1363[%gather3A_835] : memref<32xf32, #tpu.memory_space<vmem>>[vector<16xi32>], vector<16xf32>,
          %mul3A_1365 = arith.mulf %gather3A_1364, %mul3A_917 : vector<16xf32>
          %add3A_1366 = arith.addf %add3A_1360, %mul3A_1365 : vector<16xf32>
          %add3A_1367 = arith.constant 384 : i32
          %add3A_1368 = arith.addi %mul3A_1294, %add3A_1367 : i32
          %gather3A_1369 = tpu.memref_slice %arg12[%add3A_1368] : memref<33792xf32, #tpu.memory_space<vmem>> -> memref<32xf32, #tpu.memory_space<vmem>>
          %gather3A_1370 = tpu.vector_load_idx %gather3A_1369[%gather3A_835] : memref<32xf32, #tpu.memory_space<vmem>>[vector<16xi32>], vector<16xf32>,
          %mul3A_1371 = arith.mulf %gather3A_1370, %mul3A_923 : vector<16xf32>
          %add3A_1372 = arith.addf %add3A_1366, %mul3A_1371 : vector<16xf32>
          %add3A_1373 = arith.constant 416 : i32
          %add3A_1374 = arith.addi %mul3A_1294, %add3A_1373 : i32
          %gather3A_1375 = tpu.memref_slice %arg12[%add3A_1374] : memref<33792xf32, #tpu.memory_space<vmem>> -> memref<32xf32, #tpu.memory_space<vmem>>
          %gather3A_1376 = tpu.vector_load_idx %gather3A_1375[%gather3A_835] : memref<32xf32, #tpu.memory_space<vmem>>[vector<16xi32>], vector<16xf32>,
          %mul3A_1377 = arith.mulf %gather3A_1376, %mul3A_929 : vector<16xf32>
          %add3A_1378 = arith.addf %add3A_1372, %mul3A_1377 : vector<16xf32>
          %add3A_1379 = arith.constant 448 : i32
          %add3A_1380 = arith.addi %mul3A_1294, %add3A_1379 : i32
          %gather3A_1381 = tpu.memref_slice %arg12[%add3A_1380] : memref<33792xf32, #tpu.memory_space<vmem>> -> memref<32xf32, #tpu.memory_space<vmem>>
          %gather3A_1382 = tpu.vector_load_idx %gather3A_1381[%gather3A_835] : memref<32xf32, #tpu.memory_space<vmem>>[vector<16xi32>], vector<16xf32>,
          %mul3A_1383 = arith.mulf %gather3A_1382, %mul3A_935 : vector<16xf32>
          %add3A_1384 = arith.addf %add3A_1378, %mul3A_1383 : vector<16xf32>
          %add3A_1385 = arith.constant 480 : i32
          %add3A_1386 = arith.addi %mul3A_1294, %add3A_1385 : i32
          %gather3A_1387 = tpu.memref_slice %arg12[%add3A_1386] : memref<33792xf32, #tpu.memory_space<vmem>> -> memref<32xf32, #tpu.memory_space<vmem>>
          %gather3A_1388 = tpu.vector_load_idx %gather3A_1387[%gather3A_835] : memref<32xf32, #tpu.memory_space<vmem>>[vector<16xi32>], vector<16xf32>,
          %mul3A_1389 = arith.mulf %gather3A_1388, %mul3A_941 : vector<16xf32>
          %add3A_1390 = arith.addf %add3A_1384, %mul3A_1389 : vector<16xf32>
          %add3A_1391 = arith.constant 512 : i32
          %add3A_1392 = arith.addi %mul3A_1294, %add3A_1391 : i32
          %gather3A_1393 = tpu.memref_slice %arg12[%add3A_1392] : memref<33792xf32, #tpu.memory_space<vmem>> -> memref<32xf32, #tpu.memory_space<vmem>>
          %gather3A_1394 = tpu.vector_load_idx %gather3A_1393[%gather3A_835] : memref<32xf32, #tpu.memory_space<vmem>>[vector<16xi32>], vector<16xf32>,
          %mul3A_1395 = arith.mulf %gather3A_1394, %mul3A_947 : vector<16xf32>
          %add3A_1396 = arith.addf %add3A_1390, %mul3A_1395 : vector<16xf32>
          %add3A_1397 = arith.constant 544 : i32
          %add3A_1398 = arith.addi %mul3A_1294, %add3A_1397 : i32
          %gather3A_1399 = tpu.memref_slice %arg12[%add3A_1398] : memref<33792xf32, #tpu.memory_space<vmem>> -> memref<32xf32, #tpu.memory_space<vmem>>
          %gather3A_1400 = tpu.vector_load_idx %gather3A_1399[%gather3A_835] : memref<32xf32, #tpu.memory_space<vmem>>[vector<16xi32>], vector<16xf32>,
          %mul3A_1401 = arith.mulf %gather3A_1400, %mul3A_953 : vector<16xf32>
          %add3A_1402 = arith.addf %add3A_1396, %mul3A_1401 : vector<16xf32>
          %add3A_1403 = arith.constant 576 : i32
          %add3A_1404 = arith.addi %mul3A_1294, %add3A_1403 : i32
          %gather3A_1405 = tpu.memref_slice %arg12[%add3A_1404] : memref<33792xf32, #tpu.memory_space<vmem>> -> memref<32xf32, #tpu.memory_space<vmem>>
          %gather3A_1406 = tpu.vector_load_idx %gather3A_1405[%gather3A_835] : memref<32xf32, #tpu.memory_space<vmem>>[vector<16xi32>], vector<16xf32>,
          %mul3A_1407 = arith.mulf %gather3A_1406, %mul3A_959 : vector<16xf32>
          %add3A_1408 = arith.addf %add3A_1402, %mul3A_1407 : vector<16xf32>
          %add3A_1409 = arith.constant 608 : i32
          %add3A_1410 = arith.addi %mul3A_1294, %add3A_1409 : i32
          %gather3A_1411 = tpu.memref_slice %arg12[%add3A_1410] : memref<33792xf32, #tpu.memory_space<vmem>> -> memref<32xf32, #tpu.memory_space<vmem>>
          %gather3A_1412 = tpu.vector_load_idx %gather3A_1411[%gather3A_835] : memref<32xf32, #tpu.memory_space<vmem>>[vector<16xi32>], vector<16xf32>,
          %mul3A_1413 = arith.mulf %gather3A_1412, %mul3A_965 : vector<16xf32>
          %add3A_1414 = arith.addf %add3A_1408, %mul3A_1413 : vector<16xf32>
          %add3A_1415 = arith.constant 640 : i32
          %add3A_1416 = arith.addi %mul3A_1294, %add3A_1415 : i32
          %gather3A_1417 = tpu.memref_slice %arg12[%add3A_1416] : memref<33792xf32, #tpu.memory_space<vmem>> -> memref<32xf32, #tpu.memory_space<vmem>>
          %gather3A_1418 = tpu.vector_load_idx %gather3A_1417[%gather3A_835] : memref<32xf32, #tpu.memory_space<vmem>>[vector<16xi32>], vector<16xf32>,
          %mul3A_1419 = arith.mulf %gather3A_1418, %mul3A_971 : vector<16xf32>
          %add3A_1420 = arith.addf %add3A_1414, %mul3A_1419 : vector<16xf32>
          %add3A_1421 = arith.constant 672 : i32
          %add3A_1422 = arith.addi %mul3A_1294, %add3A_1421 : i32
          %gather3A_1423 = tpu.memref_slice %arg12[%add3A_1422] : memref<33792xf32, #tpu.memory_space<vmem>> -> memref<32xf32, #tpu.memory_space<vmem>>
          %gather3A_1424 = tpu.vector_load_idx %gather3A_1423[%gather3A_835] : memref<32xf32, #tpu.memory_space<vmem>>[vector<16xi32>], vector<16xf32>,
          %mul3A_1425 = arith.mulf %gather3A_1424, %mul3A_977 : vector<16xf32>
          %add3A_1426 = arith.addf %add3A_1420, %mul3A_1425 : vector<16xf32>
          %add3A_1427 = arith.constant 704 : i32
          %add3A_1428 = arith.addi %mul3A_1294, %add3A_1427 : i32
          %gather3A_1429 = tpu.memref_slice %arg12[%add3A_1428] : memref<33792xf32, #tpu.memory_space<vmem>> -> memref<32xf32, #tpu.memory_space<vmem>>
          %gather3A_1430 = tpu.vector_load_idx %gather3A_1429[%gather3A_835] : memref<32xf32, #tpu.memory_space<vmem>>[vector<16xi32>], vector<16xf32>,
          %mul3A_1431 = arith.mulf %gather3A_1430, %mul3A_983 : vector<16xf32>
          %add3A_1432 = arith.addf %add3A_1426, %mul3A_1431 : vector<16xf32>
          %add3A_1433 = arith.constant 736 : i32
          %add3A_1434 = arith.addi %mul3A_1294, %add3A_1433 : i32
          %gather3A_1435 = tpu.memref_slice %arg12[%add3A_1434] : memref<33792xf32, #tpu.memory_space<vmem>> -> memref<32xf32, #tpu.memory_space<vmem>>
          %gather3A_1436 = tpu.vector_load_idx %gather3A_1435[%gather3A_835] : memref<32xf32, #tpu.memory_space<vmem>>[vector<16xi32>], vector<16xf32>,
          %mul3A_1437 = arith.mulf %gather3A_1436, %mul3A_989 : vector<16xf32>
          %add3A_1438 = arith.addf %add3A_1432, %mul3A_1437 : vector<16xf32>
          %add3A_1439 = arith.constant 768 : i32
          %add3A_1440 = arith.addi %mul3A_1294, %add3A_1439 : i32
          %gather3A_1441 = tpu.memref_slice %arg12[%add3A_1440] : memref<33792xf32, #tpu.memory_space<vmem>> -> memref<32xf32, #tpu.memory_space<vmem>>
          %gather3A_1442 = tpu.vector_load_idx %gather3A_1441[%gather3A_835] : memref<32xf32, #tpu.memory_space<vmem>>[vector<16xi32>], vector<16xf32>,
          %mul3A_1443 = arith.mulf %gather3A_1442, %mul3A_995 : vector<16xf32>
          %add3A_1444 = arith.addf %add3A_1438, %mul3A_1443 : vector<16xf32>
          %add3A_1445 = arith.constant 800 : i32
          %add3A_1446 = arith.addi %mul3A_1294, %add3A_1445 : i32
          %gather3A_1447 = tpu.memref_slice %arg12[%add3A_1446] : memref<33792xf32, #tpu.memory_space<vmem>> -> memref<32xf32, #tpu.memory_space<vmem>>
          %gather3A_1448 = tpu.vector_load_idx %gather3A_1447[%gather3A_835] : memref<32xf32, #tpu.memory_space<vmem>>[vector<16xi32>], vector<16xf32>,
          %mul3A_1449 = arith.mulf %gather3A_1448, %mul3A_1001 : vector<16xf32>
          %add3A_1450 = arith.addf %add3A_1444, %mul3A_1449 : vector<16xf32>
          %add3A_1451 = arith.constant 832 : i32
          %add3A_1452 = arith.addi %mul3A_1294, %add3A_1451 : i32
          %gather3A_1453 = tpu.memref_slice %arg12[%add3A_1452] : memref<33792xf32, #tpu.memory_space<vmem>> -> memref<32xf32, #tpu.memory_space<vmem>>
          %gather3A_1454 = tpu.vector_load_idx %gather3A_1453[%gather3A_835] : memref<32xf32, #tpu.memory_space<vmem>>[vector<16xi32>], vector<16xf32>,
          %mul3A_1455 = arith.mulf %gather3A_1454, %mul3A_1007 : vector<16xf32>
          %add3A_1456 = arith.addf %add3A_1450, %mul3A_1455 : vector<16xf32>
          %add3A_1457 = arith.constant 864 : i32
          %add3A_1458 = arith.addi %mul3A_1294, %add3A_1457 : i32
          %gather3A_1459 = tpu.memref_slice %arg12[%add3A_1458] : memref<33792xf32, #tpu.memory_space<vmem>> -> memref<32xf32, #tpu.memory_space<vmem>>
          %gather3A_1460 = tpu.vector_load_idx %gather3A_1459[%gather3A_835] : memref<32xf32, #tpu.memory_space<vmem>>[vector<16xi32>], vector<16xf32>,
          %mul3A_1461 = arith.mulf %gather3A_1460, %mul3A_1013 : vector<16xf32>
          %add3A_1462 = arith.addf %add3A_1456, %mul3A_1461 : vector<16xf32>
          %add3A_1463 = arith.constant 896 : i32
          %add3A_1464 = arith.addi %mul3A_1294, %add3A_1463 : i32
          %gather3A_1465 = tpu.memref_slice %arg12[%add3A_1464] : memref<33792xf32, #tpu.memory_space<vmem>> -> memref<32xf32, #tpu.memory_space<vmem>>
          %gather3A_1466 = tpu.vector_load_idx %gather3A_1465[%gather3A_835] : memref<32xf32, #tpu.memory_space<vmem>>[vector<16xi32>], vector<16xf32>,
          %mul3A_1467 = arith.mulf %gather3A_1466, %mul3A_1019 : vector<16xf32>
          %add3A_1468 = arith.addf %add3A_1462, %mul3A_1467 : vector<16xf32>
          %add3A_1469 = arith.constant 928 : i32
          %add3A_1470 = arith.addi %mul3A_1294, %add3A_1469 : i32
          %gather3A_1471 = tpu.memref_slice %arg12[%add3A_1470] : memref<33792xf32, #tpu.memory_space<vmem>> -> memref<32xf32, #tpu.memory_space<vmem>>
          %gather3A_1472 = tpu.vector_load_idx %gather3A_1471[%gather3A_835] : memref<32xf32, #tpu.memory_space<vmem>>[vector<16xi32>], vector<16xf32>,
          %mul3A_1473 = arith.mulf %gather3A_1472, %mul3A_1025 : vector<16xf32>
          %add3A_1474 = arith.addf %add3A_1468, %mul3A_1473 : vector<16xf32>
          %add3A_1475 = arith.constant 960 : i32
          %add3A_1476 = arith.addi %mul3A_1294, %add3A_1475 : i32
          %gather3A_1477 = tpu.memref_slice %arg12[%add3A_1476] : memref<33792xf32, #tpu.memory_space<vmem>> -> memref<32xf32, #tpu.memory_space<vmem>>
          %gather3A_1478 = tpu.vector_load_idx %gather3A_1477[%gather3A_835] : memref<32xf32, #tpu.memory_space<vmem>>[vector<16xi32>], vector<16xf32>,
          %mul3A_1479 = arith.mulf %gather3A_1478, %mul3A_1031 : vector<16xf32>
          %add3A_1480 = arith.addf %add3A_1474, %mul3A_1479 : vector<16xf32>
          %add3A_1481 = arith.constant 992 : i32
          %add3A_1482 = arith.addi %mul3A_1294, %add3A_1481 : i32
          %gather3A_1483 = tpu.memref_slice %arg12[%add3A_1482] : memref<33792xf32, #tpu.memory_space<vmem>> -> memref<32xf32, #tpu.memory_space<vmem>>
          %gather3A_1484 = tpu.vector_load_idx %gather3A_1483[%gather3A_835] : memref<32xf32, #tpu.memory_space<vmem>>[vector<16xi32>], vector<16xf32>,
          %mul3A_1485 = arith.mulf %gather3A_1484, %mul3A_1037 : vector<16xf32>
          %add3A_1486 = arith.addf %add3A_1480, %mul3A_1485 : vector<16xf32>
          %add3A_1487 = arith.constant 1024 : i32
          %add3A_1488 = arith.addi %mul3A_1294, %add3A_1487 : i32
          %gather3A_1489 = tpu.memref_slice %arg12[%add3A_1488] : memref<33792xf32, #tpu.memory_space<vmem>> -> memref<32xf32, #tpu.memory_space<vmem>>
          %gather3A_1490 = tpu.vector_load_idx %gather3A_1489[%gather3A_835] : memref<32xf32, #tpu.memory_space<vmem>>[vector<16xi32>], vector<16xf32>,
          %mul3A_1491 = arith.mulf %gather3A_1490, %gather3A_1044 : vector<16xf32>
          %add3A_1492 = arith.addf %add3A_1486, %mul3A_1491 : vector<16xf32>
          %mul3A_1493 = arith.constant 0.00999999977 : f32
          %mul3A_1494 = vector.broadcast %mul3A_1493 : f32 to vector<16xf32>
          %mul3A_1495 = arith.mulf %add3A_1492, %mul3A_1494 : vector<16xf32>
          %max3A = arith.maximumf %add3A_1492, %mul3A_1495 : vector<16xf32>
          %mul3A_1496 = arith.constant 32 : i32
          %mul3A_1497 = arith.muli %add3A_1288, %mul3A_1496 : i32
          %gather3A_1498 = tpu.memref_slice %arg14[%mul3A_1497] : memref<1024xf32, #tpu.memory_space<vmem>> -> memref<32xf32, #tpu.memory_space<vmem>>
          %gather3A_1499 = tpu.vector_load_idx %gather3A_1498[%gather3A_835] : memref<32xf32, #tpu.memory_space<vmem>>[vector<16xi32>], vector<16xf32>,
          %mul3A_1500 = arith.mulf %gather3A_1499, %max3A : vector<16xf32>
          %add3A_1501 = arith.addf %scan3A_1284, %mul3A_1500 : vector<16xf32>
          %mul3A_1502 = arith.constant 2 : i32
          %mul3A_1503 = arith.muli %scan3A_1283, %mul3A_1502 : i32
          %add3A_1504 = arith.constant 1 : i32
          %add3A_1505 = arith.addi %mul3A_1503, %add3A_1504 : i32
          %mul3A_1506 = arith.constant 32 : i32
          %mul3A_1507 = arith.muli %add3A_1505, %mul3A_1506 : i32
          %gather3A_1508 = tpu.memref_slice %arg13[%mul3A_1507] : memref<1024xf32, #tpu.memory_space<vmem>> -> memref<32xf32, #tpu.memory_space<vmem>>
          %gather3A_1509 = tpu.vector_load_idx %gather3A_1508[%gather3A_835] : memref<32xf32, #tpu.memory_space<vmem>>[vector<16xi32>], vector<16xf32>,
          %mul3A_1510 = arith.constant 1056 : i32
          %mul3A_1511 = arith.muli %add3A_1505, %mul3A_1510 : i32
          %add3A_1512 = arith.constant 0 : i32
          %add3A_1513 = arith.addi %mul3A_1511, %add3A_1512 : i32
          %gather3A_1514 = tpu.memref_slice %arg12[%add3A_1513] : memref<33792xf32, #tpu.memory_space<vmem>> -> memref<32xf32, #tpu.memory_space<vmem>>
          %gather3A_1515 = tpu.vector_load_idx %gather3A_1514[%gather3A_835] : memref<32xf32, #tpu.memory_space<vmem>>[vector<16xi32>], vector<16xf32>,
          %mul3A_1516 = arith.mulf %gather3A_1515, %mul3A_851 : vector<16xf32>
          %add3A_1517 = arith.addf %gather3A_1509, %mul3A_1516 : vector<16xf32>
          %add3A_1518 = arith.constant 32 : i32
          %add3A_1519 = arith.addi %mul3A_1511, %add3A_1518 : i32
          %gather3A_1520 = tpu.memref_slice %arg12[%add3A_1519] : memref<33792xf32, #tpu.memory_space<vmem>> -> memref<32xf32, #tpu.memory_space<vmem>>
          %gather3A_1521 = tpu.vector_load_idx %gather3A_1520[%gather3A_835] : memref<32xf32, #tpu.memory_space<vmem>>[vector<16xi32>], vector<16xf32>,
          %mul3A_1522 = arith.mulf %gather3A_1521, %mul3A_857 : vector<16xf32>
          %add3A_1523 = arith.addf %add3A_1517, %mul3A_1522 : vector<16xf32>
          %add3A_1524 = arith.constant 64 : i32
          %add3A_1525 = arith.addi %mul3A_1511, %add3A_1524 : i32
          %gather3A_1526 = tpu.memref_slice %arg12[%add3A_1525] : memref<33792xf32, #tpu.memory_space<vmem>> -> memref<32xf32, #tpu.memory_space<vmem>>
          %gather3A_1527 = tpu.vector_load_idx %gather3A_1526[%gather3A_835] : memref<32xf32, #tpu.memory_space<vmem>>[vector<16xi32>], vector<16xf32>,
          %mul3A_1528 = arith.mulf %gather3A_1527, %mul3A_863 : vector<16xf32>
          %add3A_1529 = arith.addf %add3A_1523, %mul3A_1528 : vector<16xf32>
          %add3A_1530 = arith.constant 96 : i32
          %add3A_1531 = arith.addi %mul3A_1511, %add3A_1530 : i32
          %gather3A_1532 = tpu.memref_slice %arg12[%add3A_1531] : memref<33792xf32, #tpu.memory_space<vmem>> -> memref<32xf32, #tpu.memory_space<vmem>>
          %gather3A_1533 = tpu.vector_load_idx %gather3A_1532[%gather3A_835] : memref<32xf32, #tpu.memory_space<vmem>>[vector<16xi32>], vector<16xf32>,
          %mul3A_1534 = arith.mulf %gather3A_1533, %mul3A_869 : vector<16xf32>
          %add3A_1535 = arith.addf %add3A_1529, %mul3A_1534 : vector<16xf32>
          %add3A_1536 = arith.constant 128 : i32
          %add3A_1537 = arith.addi %mul3A_1511, %add3A_1536 : i32
          %gather3A_1538 = tpu.memref_slice %arg12[%add3A_1537] : memref<33792xf32, #tpu.memory_space<vmem>> -> memref<32xf32, #tpu.memory_space<vmem>>
          %gather3A_1539 = tpu.vector_load_idx %gather3A_1538[%gather3A_835] : memref<32xf32, #tpu.memory_space<vmem>>[vector<16xi32>], vector<16xf32>,
          %mul3A_1540 = arith.mulf %gather3A_1539, %mul3A_875 : vector<16xf32>
          %add3A_1541 = arith.addf %add3A_1535, %mul3A_1540 : vector<16xf32>
          %add3A_1542 = arith.constant 160 : i32
          %add3A_1543 = arith.addi %mul3A_1511, %add3A_1542 : i32
          %gather3A_1544 = tpu.memref_slice %arg12[%add3A_1543] : memref<33792xf32, #tpu.memory_space<vmem>> -> memref<32xf32, #tpu.memory_space<vmem>>
          %gather3A_1545 = tpu.vector_load_idx %gather3A_1544[%gather3A_835] : memref<32xf32, #tpu.memory_space<vmem>>[vector<16xi32>], vector<16xf32>,
          %mul3A_1546 = arith.mulf %gather3A_1545, %mul3A_881 : vector<16xf32>
          %add3A_1547 = arith.addf %add3A_1541, %mul3A_1546 : vector<16xf32>
          %add3A_1548 = arith.constant 192 : i32
          %add3A_1549 = arith.addi %mul3A_1511, %add3A_1548 : i32
          %gather3A_1550 = tpu.memref_slice %arg12[%add3A_1549] : memref<33792xf32, #tpu.memory_space<vmem>> -> memref<32xf32, #tpu.memory_space<vmem>>
          %gather3A_1551 = tpu.vector_load_idx %gather3A_1550[%gather3A_835] : memref<32xf32, #tpu.memory_space<vmem>>[vector<16xi32>], vector<16xf32>,
          %mul3A_1552 = arith.mulf %gather3A_1551, %mul3A_887 : vector<16xf32>
          %add3A_1553 = arith.addf %add3A_1547, %mul3A_1552 : vector<16xf32>
          %add3A_1554 = arith.constant 224 : i32
          %add3A_1555 = arith.addi %mul3A_1511, %add3A_1554 : i32
          %gather3A_1556 = tpu.memref_slice %arg12[%add3A_1555] : memref<33792xf32, #tpu.memory_space<vmem>> -> memref<32xf32, #tpu.memory_space<vmem>>
          %gather3A_1557 = tpu.vector_load_idx %gather3A_1556[%gather3A_835] : memref<32xf32, #tpu.memory_space<vmem>>[vector<16xi32>], vector<16xf32>,
          %mul3A_1558 = arith.mulf %gather3A_1557, %mul3A_893 : vector<16xf32>
          %add3A_1559 = arith.addf %add3A_1553, %mul3A_1558 : vector<16xf32>
          %add3A_1560 = arith.constant 256 : i32
          %add3A_1561 = arith.addi %mul3A_1511, %add3A_1560 : i32
          %gather3A_1562 = tpu.memref_slice %arg12[%add3A_1561] : memref<33792xf32, #tpu.memory_space<vmem>> -> memref<32xf32, #tpu.memory_space<vmem>>
          %gather3A_1563 = tpu.vector_load_idx %gather3A_1562[%gather3A_835] : memref<32xf32, #tpu.memory_space<vmem>>[vector<16xi32>], vector<16xf32>,
          %mul3A_1564 = arith.mulf %gather3A_1563, %mul3A_899 : vector<16xf32>
          %add3A_1565 = arith.addf %add3A_1559, %mul3A_1564 : vector<16xf32>
          %add3A_1566 = arith.constant 288 : i32
          %add3A_1567 = arith.addi %mul3A_1511, %add3A_1566 : i32
          %gather3A_1568 = tpu.memref_slice %arg12[%add3A_1567] : memref<33792xf32, #tpu.memory_space<vmem>> -> memref<32xf32, #tpu.memory_space<vmem>>
          %gather3A_1569 = tpu.vector_load_idx %gather3A_1568[%gather3A_835] : memref<32xf32, #tpu.memory_space<vmem>>[vector<16xi32>], vector<16xf32>,
          %mul3A_1570 = arith.mulf %gather3A_1569, %mul3A_905 : vector<16xf32>
          %add3A_1571 = arith.addf %add3A_1565, %mul3A_1570 : vector<16xf32>
          %add3A_1572 = arith.constant 320 : i32
          %add3A_1573 = arith.addi %mul3A_1511, %add3A_1572 : i32
          %gather3A_1574 = tpu.memref_slice %arg12[%add3A_1573] : memref<33792xf32, #tpu.memory_space<vmem>> -> memref<32xf32, #tpu.memory_space<vmem>>
          %gather3A_1575 = tpu.vector_load_idx %gather3A_1574[%gather3A_835] : memref<32xf32, #tpu.memory_space<vmem>>[vector<16xi32>], vector<16xf32>,
          %mul3A_1576 = arith.mulf %gather3A_1575, %mul3A_911 : vector<16xf32>
          %add3A_1577 = arith.addf %add3A_1571, %mul3A_1576 : vector<16xf32>
          %add3A_1578 = arith.constant 352 : i32
          %add3A_1579 = arith.addi %mul3A_1511, %add3A_1578 : i32
          %gather3A_1580 = tpu.memref_slice %arg12[%add3A_1579] : memref<33792xf32, #tpu.memory_space<vmem>> -> memref<32xf32, #tpu.memory_space<vmem>>
          %gather3A_1581 = tpu.vector_load_idx %gather3A_1580[%gather3A_835] : memref<32xf32, #tpu.memory_space<vmem>>[vector<16xi32>], vector<16xf32>,
          %mul3A_1582 = arith.mulf %gather3A_1581, %mul3A_917 : vector<16xf32>
          %add3A_1583 = arith.addf %add3A_1577, %mul3A_1582 : vector<16xf32>
          %add3A_1584 = arith.constant 384 : i32
          %add3A_1585 = arith.addi %mul3A_1511, %add3A_1584 : i32
          %gather3A_1586 = tpu.memref_slice %arg12[%add3A_1585] : memref<33792xf32, #tpu.memory_space<vmem>> -> memref<32xf32, #tpu.memory_space<vmem>>
          %gather3A_1587 = tpu.vector_load_idx %gather3A_1586[%gather3A_835] : memref<32xf32, #tpu.memory_space<vmem>>[vector<16xi32>], vector<16xf32>,
          %mul3A_1588 = arith.mulf %gather3A_1587, %mul3A_923 : vector<16xf32>
          %add3A_1589 = arith.addf %add3A_1583, %mul3A_1588 : vector<16xf32>
          %add3A_1590 = arith.constant 416 : i32
          %add3A_1591 = arith.addi %mul3A_1511, %add3A_1590 : i32
          %gather3A_1592 = tpu.memref_slice %arg12[%add3A_1591] : memref<33792xf32, #tpu.memory_space<vmem>> -> memref<32xf32, #tpu.memory_space<vmem>>
          %gather3A_1593 = tpu.vector_load_idx %gather3A_1592[%gather3A_835] : memref<32xf32, #tpu.memory_space<vmem>>[vector<16xi32>], vector<16xf32>,
          %mul3A_1594 = arith.mulf %gather3A_1593, %mul3A_929 : vector<16xf32>
          %add3A_1595 = arith.addf %add3A_1589, %mul3A_1594 : vector<16xf32>
          %add3A_1596 = arith.constant 448 : i32
          %add3A_1597 = arith.addi %mul3A_1511, %add3A_1596 : i32
          %gather3A_1598 = tpu.memref_slice %arg12[%add3A_1597] : memref<33792xf32, #tpu.memory_space<vmem>> -> memref<32xf32, #tpu.memory_space<vmem>>
          %gather3A_1599 = tpu.vector_load_idx %gather3A_1598[%gather3A_835] : memref<32xf32, #tpu.memory_space<vmem>>[vector<16xi32>], vector<16xf32>,
          %mul3A_1600 = arith.mulf %gather3A_1599, %mul3A_935 : vector<16xf32>
          %add3A_1601 = arith.addf %add3A_1595, %mul3A_1600 : vector<16xf32>
          %add3A_1602 = arith.constant 480 : i32
          %add3A_1603 = arith.addi %mul3A_1511, %add3A_1602 : i32
          %gather3A_1604 = tpu.memref_slice %arg12[%add3A_1603] : memref<33792xf32, #tpu.memory_space<vmem>> -> memref<32xf32, #tpu.memory_space<vmem>>
          %gather3A_1605 = tpu.vector_load_idx %gather3A_1604[%gather3A_835] : memref<32xf32, #tpu.memory_space<vmem>>[vector<16xi32>], vector<16xf32>,
          %mul3A_1606 = arith.mulf %gather3A_1605, %mul3A_941 : vector<16xf32>
          %add3A_1607 = arith.addf %add3A_1601, %mul3A_1606 : vector<16xf32>
          %add3A_1608 = arith.constant 512 : i32
          %add3A_1609 = arith.addi %mul3A_1511, %add3A_1608 : i32
          %gather3A_1610 = tpu.memref_slice %arg12[%add3A_1609] : memref<33792xf32, #tpu.memory_space<vmem>> -> memref<32xf32, #tpu.memory_space<vmem>>
          %gather3A_1611 = tpu.vector_load_idx %gather3A_1610[%gather3A_835] : memref<32xf32, #tpu.memory_space<vmem>>[vector<16xi32>], vector<16xf32>,
          %mul3A_1612 = arith.mulf %gather3A_1611, %mul3A_947 : vector<16xf32>
          %add3A_1613 = arith.addf %add3A_1607, %mul3A_1612 : vector<16xf32>
          %add3A_1614 = arith.constant 544 : i32
          %add3A_1615 = arith.addi %mul3A_1511, %add3A_1614 : i32
          %gather3A_1616 = tpu.memref_slice %arg12[%add3A_1615] : memref<33792xf32, #tpu.memory_space<vmem>> -> memref<32xf32, #tpu.memory_space<vmem>>
          %gather3A_1617 = tpu.vector_load_idx %gather3A_1616[%gather3A_835] : memref<32xf32, #tpu.memory_space<vmem>>[vector<16xi32>], vector<16xf32>,
          %mul3A_1618 = arith.mulf %gather3A_1617, %mul3A_953 : vector<16xf32>
          %add3A_1619 = arith.addf %add3A_1613, %mul3A_1618 : vector<16xf32>
          %add3A_1620 = arith.constant 576 : i32
          %add3A_1621 = arith.addi %mul3A_1511, %add3A_1620 : i32
          %gather3A_1622 = tpu.memref_slice %arg12[%add3A_1621] : memref<33792xf32, #tpu.memory_space<vmem>> -> memref<32xf32, #tpu.memory_space<vmem>>
          %gather3A_1623 = tpu.vector_load_idx %gather3A_1622[%gather3A_835] : memref<32xf32, #tpu.memory_space<vmem>>[vector<16xi32>], vector<16xf32>,
          %mul3A_1624 = arith.mulf %gather3A_1623, %mul3A_959 : vector<16xf32>
          %add3A_1625 = arith.addf %add3A_1619, %mul3A_1624 : vector<16xf32>
          %add3A_1626 = arith.constant 608 : i32
          %add3A_1627 = arith.addi %mul3A_1511, %add3A_1626 : i32
          %gather3A_1628 = tpu.memref_slice %arg12[%add3A_1627] : memref<33792xf32, #tpu.memory_space<vmem>> -> memref<32xf32, #tpu.memory_space<vmem>>
          %gather3A_1629 = tpu.vector_load_idx %gather3A_1628[%gather3A_835] : memref<32xf32, #tpu.memory_space<vmem>>[vector<16xi32>], vector<16xf32>,
          %mul3A_1630 = arith.mulf %gather3A_1629, %mul3A_965 : vector<16xf32>
          %add3A_1631 = arith.addf %add3A_1625, %mul3A_1630 : vector<16xf32>
          %add3A_1632 = arith.constant 640 : i32
          %add3A_1633 = arith.addi %mul3A_1511, %add3A_1632 : i32
          %gather3A_1634 = tpu.memref_slice %arg12[%add3A_1633] : memref<33792xf32, #tpu.memory_space<vmem>> -> memref<32xf32, #tpu.memory_space<vmem>>
          %gather3A_1635 = tpu.vector_load_idx %gather3A_1634[%gather3A_835] : memref<32xf32, #tpu.memory_space<vmem>>[vector<16xi32>], vector<16xf32>,
          %mul3A_1636 = arith.mulf %gather3A_1635, %mul3A_971 : vector<16xf32>
          %add3A_1637 = arith.addf %add3A_1631, %mul3A_1636 : vector<16xf32>
          %add3A_1638 = arith.constant 672 : i32
          %add3A_1639 = arith.addi %mul3A_1511, %add3A_1638 : i32
          %gather3A_1640 = tpu.memref_slice %arg12[%add3A_1639] : memref<33792xf32, #tpu.memory_space<vmem>> -> memref<32xf32, #tpu.memory_space<vmem>>
          %gather3A_1641 = tpu.vector_load_idx %gather3A_1640[%gather3A_835] : memref<32xf32, #tpu.memory_space<vmem>>[vector<16xi32>], vector<16xf32>,
          %mul3A_1642 = arith.mulf %gather3A_1641, %mul3A_977 : vector<16xf32>
          %add3A_1643 = arith.addf %add3A_1637, %mul3A_1642 : vector<16xf32>
          %add3A_1644 = arith.constant 704 : i32
          %add3A_1645 = arith.addi %mul3A_1511, %add3A_1644 : i32
          %gather3A_1646 = tpu.memref_slice %arg12[%add3A_1645] : memref<33792xf32, #tpu.memory_space<vmem>> -> memref<32xf32, #tpu.memory_space<vmem>>
          %gather3A_1647 = tpu.vector_load_idx %gather3A_1646[%gather3A_835] : memref<32xf32, #tpu.memory_space<vmem>>[vector<16xi32>], vector<16xf32>,
          %mul3A_1648 = arith.mulf %gather3A_1647, %mul3A_983 : vector<16xf32>
          %add3A_1649 = arith.addf %add3A_1643, %mul3A_1648 : vector<16xf32>
          %add3A_1650 = arith.constant 736 : i32
          %add3A_1651 = arith.addi %mul3A_1511, %add3A_1650 : i32
          %gather3A_1652 = tpu.memref_slice %arg12[%add3A_1651] : memref<33792xf32, #tpu.memory_space<vmem>> -> memref<32xf32, #tpu.memory_space<vmem>>
          %gather3A_1653 = tpu.vector_load_idx %gather3A_1652[%gather3A_835] : memref<32xf32, #tpu.memory_space<vmem>>[vector<16xi32>], vector<16xf32>,
          %mul3A_1654 = arith.mulf %gather3A_1653, %mul3A_989 : vector<16xf32>
          %add3A_1655 = arith.addf %add3A_1649, %mul3A_1654 : vector<16xf32>
          %add3A_1656 = arith.constant 768 : i32
          %add3A_1657 = arith.addi %mul3A_1511, %add3A_1656 : i32
          %gather3A_1658 = tpu.memref_slice %arg12[%add3A_1657] : memref<33792xf32, #tpu.memory_space<vmem>> -> memref<32xf32, #tpu.memory_space<vmem>>
          %gather3A_1659 = tpu.vector_load_idx %gather3A_1658[%gather3A_835] : memref<32xf32, #tpu.memory_space<vmem>>[vector<16xi32>], vector<16xf32>,
          %mul3A_1660 = arith.mulf %gather3A_1659, %mul3A_995 : vector<16xf32>
          %add3A_1661 = arith.addf %add3A_1655, %mul3A_1660 : vector<16xf32>
          %add3A_1662 = arith.constant 800 : i32
          %add3A_1663 = arith.addi %mul3A_1511, %add3A_1662 : i32
          %gather3A_1664 = tpu.memref_slice %arg12[%add3A_1663] : memref<33792xf32, #tpu.memory_space<vmem>> -> memref<32xf32, #tpu.memory_space<vmem>>
          %gather3A_1665 = tpu.vector_load_idx %gather3A_1664[%gather3A_835] : memref<32xf32, #tpu.memory_space<vmem>>[vector<16xi32>], vector<16xf32>,
          %mul3A_1666 = arith.mulf %gather3A_1665, %mul3A_1001 : vector<16xf32>
          %add3A_1667 = arith.addf %add3A_1661, %mul3A_1666 : vector<16xf32>
          %add3A_1668 = arith.constant 832 : i32
          %add3A_1669 = arith.addi %mul3A_1511, %add3A_1668 : i32
          %gather3A_1670 = tpu.memref_slice %arg12[%add3A_1669] : memref<33792xf32, #tpu.memory_space<vmem>> -> memref<32xf32, #tpu.memory_space<vmem>>
          %gather3A_1671 = tpu.vector_load_idx %gather3A_1670[%gather3A_835] : memref<32xf32, #tpu.memory_space<vmem>>[vector<16xi32>], vector<16xf32>,
          %mul3A_1672 = arith.mulf %gather3A_1671, %mul3A_1007 : vector<16xf32>
          %add3A_1673 = arith.addf %add3A_1667, %mul3A_1672 : vector<16xf32>
          %add3A_1674 = arith.constant 864 : i32
          %add3A_1675 = arith.addi %mul3A_1511, %add3A_1674 : i32
          %gather3A_1676 = tpu.memref_slice %arg12[%add3A_1675] : memref<33792xf32, #tpu.memory_space<vmem>> -> memref<32xf32, #tpu.memory_space<vmem>>
          %gather3A_1677 = tpu.vector_load_idx %gather3A_1676[%gather3A_835] : memref<32xf32, #tpu.memory_space<vmem>>[vector<16xi32>], vector<16xf32>,
          %mul3A_1678 = arith.mulf %gather3A_1677, %mul3A_1013 : vector<16xf32>
          %add3A_1679 = arith.addf %add3A_1673, %mul3A_1678 : vector<16xf32>
          %add3A_1680 = arith.constant 896 : i32
          %add3A_1681 = arith.addi %mul3A_1511, %add3A_1680 : i32
          %gather3A_1682 = tpu.memref_slice %arg12[%add3A_1681] : memref<33792xf32, #tpu.memory_space<vmem>> -> memref<32xf32, #tpu.memory_space<vmem>>
          %gather3A_1683 = tpu.vector_load_idx %gather3A_1682[%gather3A_835] : memref<32xf32, #tpu.memory_space<vmem>>[vector<16xi32>], vector<16xf32>,
          %mul3A_1684 = arith.mulf %gather3A_1683, %mul3A_1019 : vector<16xf32>
          %add3A_1685 = arith.addf %add3A_1679, %mul3A_1684 : vector<16xf32>
          %add3A_1686 = arith.constant 928 : i32
          %add3A_1687 = arith.addi %mul3A_1511, %add3A_1686 : i32
          %gather3A_1688 = tpu.memref_slice %arg12[%add3A_1687] : memref<33792xf32, #tpu.memory_space<vmem>> -> memref<32xf32, #tpu.memory_space<vmem>>
          %gather3A_1689 = tpu.vector_load_idx %gather3A_1688[%gather3A_835] : memref<32xf32, #tpu.memory_space<vmem>>[vector<16xi32>], vector<16xf32>,
          %mul3A_1690 = arith.mulf %gather3A_1689, %mul3A_1025 : vector<16xf32>
          %add3A_1691 = arith.addf %add3A_1685, %mul3A_1690 : vector<16xf32>
          %add3A_1692 = arith.constant 960 : i32
          %add3A_1693 = arith.addi %mul3A_1511, %add3A_1692 : i32
          %gather3A_1694 = tpu.memref_slice %arg12[%add3A_1693] : memref<33792xf32, #tpu.memory_space<vmem>> -> memref<32xf32, #tpu.memory_space<vmem>>
          %gather3A_1695 = tpu.vector_load_idx %gather3A_1694[%gather3A_835] : memref<32xf32, #tpu.memory_space<vmem>>[vector<16xi32>], vector<16xf32>,
          %mul3A_1696 = arith.mulf %gather3A_1695, %mul3A_1031 : vector<16xf32>
          %add3A_1697 = arith.addf %add3A_1691, %mul3A_1696 : vector<16xf32>
          %add3A_1698 = arith.constant 992 : i32
          %add3A_1699 = arith.addi %mul3A_1511, %add3A_1698 : i32
          %gather3A_1700 = tpu.memref_slice %arg12[%add3A_1699] : memref<33792xf32, #tpu.memory_space<vmem>> -> memref<32xf32, #tpu.memory_space<vmem>>
          %gather3A_1701 = tpu.vector_load_idx %gather3A_1700[%gather3A_835] : memref<32xf32, #tpu.memory_space<vmem>>[vector<16xi32>], vector<16xf32>,
          %mul3A_1702 = arith.mulf %gather3A_1701, %mul3A_1037 : vector<16xf32>
          %add3A_1703 = arith.addf %add3A_1697, %mul3A_1702 : vector<16xf32>
          %add3A_1704 = arith.constant 1024 : i32
          %add3A_1705 = arith.addi %mul3A_1511, %add3A_1704 : i32
          %gather3A_1706 = tpu.memref_slice %arg12[%add3A_1705] : memref<33792xf32, #tpu.memory_space<vmem>> -> memref<32xf32, #tpu.memory_space<vmem>>
          %gather3A_1707 = tpu.vector_load_idx %gather3A_1706[%gather3A_835] : memref<32xf32, #tpu.memory_space<vmem>>[vector<16xi32>], vector<16xf32>,
          %mul3A_1708 = arith.mulf %gather3A_1707, %gather3A_1044 : vector<16xf32>
          %add3A_1709 = arith.addf %add3A_1703, %mul3A_1708 : vector<16xf32>
          %mul3A_1710 = arith.constant 0.00999999977 : f32
          %mul3A_1711 = vector.broadcast %mul3A_1710 : f32 to vector<16xf32>
          %mul3A_1712 = arith.mulf %add3A_1709, %mul3A_1711 : vector<16xf32>
          %max3A_1713 = arith.maximumf %add3A_1709, %mul3A_1712 : vector<16xf32>
          %mul3A_1714 = arith.constant 32 : i32
          %mul3A_1715 = arith.muli %add3A_1505, %mul3A_1714 : i32
          %gather3A_1716 = tpu.memref_slice %arg14[%mul3A_1715] : memref<1024xf32, #tpu.memory_space<vmem>> -> memref<32xf32, #tpu.memory_space<vmem>>
          %gather3A_1717 = tpu.vector_load_idx %gather3A_1716[%gather3A_835] : memref<32xf32, #tpu.memory_space<vmem>>[vector<16xi32>], vector<16xf32>,
          %mul3A_1718 = arith.mulf %gather3A_1717, %max3A_1713 : vector<16xf32>
          %add3A_1719 = arith.addf %add3A_1501, %mul3A_1718 : vector<16xf32>
          scf.yield %add3A_1719 : vector<16xf32>
        }
        %scan3A_1051 = arith.constant 16 : i32
        %ne3A = arith.cmpi ne, %gather3A_835, %get3A_837 : vector<16xi32>
        tpu.vector_store_idx %arg21[%add3A_841], %scan3A_1050 masked %ne3A : memref<1024xf32, #tpu.memory_space<vmem>>[vector<16xi32>], vector<16xf32>, vector<16xi1>
        %iota3A_1052 = tpu.iota {dimensions = array<i32: 0>} : vector<16xi32>
        %add3A_1053 = arith.constant 16 : i32
        %add3A_1054 = vector.broadcast %add3A_1053 : i32 to vector<16xi32>
        %add3A_1055 = arith.addi %iota3A_1052, %add3A_1054 : vector<16xi32>
        %mul3A_1056 = arith.constant 32 : i32
        %mul3A_1057 = vector.broadcast %mul3A_1056 : i32 to vector<16xi32>
        %mul3A_1058 = arith.muli %iota3A_1052, %mul3A_1057 : vector<16xi32>
        %add3A_1059 = vector.broadcast %scan3A_823 : i32 to vector<16xi32>
        %add3A_1060 = arith.addi %mul3A_1058, %add3A_1059 : vector<16xi32>
        %gather3A_1061 = arith.constant 512 : i32
        %gather3A_1062 = tpu.memref_slice %arg18[%gather3A_1061] : memref<1024xi32, #tpu.memory_space<vmem>> -> memref<512xi32, #tpu.memory_space<vmem>>
        %gather3A_1063 = tpu.vector_load_idx %gather3A_1062[%add3A_1060] : memref<512xi32, #tpu.memory_space<vmem>>[vector<16xi32>], vector<16xi32>,
        %get3A_1064 = arith.constant 16 : index
        %get3A_1065 = tpu.vector_load %arg19[%get3A_1064] {strides = array<i32>} : memref<32xi32, #tpu.memory_space<vmem>>, vector<16xi32>,
        %mul3A_1066 = arith.constant 32 : i32
        %mul3A_1067 = vector.broadcast %mul3A_1066 : i32 to vector<16xi32>
        %mul3A_1068 = arith.muli %gather3A_1063, %mul3A_1067 : vector<16xi32>
        %add3A_1069 = arith.addi %mul3A_1068, %add3A_1055 : vector<16xi32>
        %mul3A_1070 = arith.constant 1024 : i32
        %mul3A_1071 = vector.broadcast %mul3A_1070 : i32 to vector<16xi32>
        %mul3A_1072 = arith.muli %iota3A_1052, %mul3A_1071 : vector<16xi32>
        %add3A_1073 = arith.addi %mul3A_1072, %gather3A_1063 : vector<16xi32>
        %gather3A_1074 = arith.constant 16384 : i32
        %gather3A_1075 = tpu.memref_slice %arg16[%gather3A_1074] : memref<32768xf32, #tpu.memory_space<vmem>> -> memref<16384xf32, #tpu.memory_space<vmem>>
        %gather3A_1076 = tpu.vector_load_idx %gather3A_1075[%add3A_1073] : memref<16384xf32, #tpu.memory_space<vmem>>[vector<16xi32>], vector<16xf32>,
        %get3A_1077 = arith.constant 16 : index
        %get3A_1078 = tpu.vector_load %arg21[%get3A_1077] {strides = array<i32>} : memref<1024xf32, #tpu.memory_space<vmem>>, vector<16xf32>,
        %mul3A_1079 = arith.mulf %gather3A_1076, %get3A_1078 : vector<16xf32>
        %gather3A_1080 = arith.constant 16416 : i32
        %gather3A_1081 = tpu.memref_slice %arg16[%gather3A_1080] : memref<32768xf32, #tpu.memory_space<vmem>> -> memref<16352xf32, #tpu.memory_space<vmem>>
        %gather3A_1082 = tpu.vector_load_idx %gather3A_1081[%add3A_1073] : memref<16352xf32, #tpu.memory_space<vmem>>[vector<16xi32>], vector<16xf32>,
        %get3A_1083 = arith.constant 48 : index
        %get3A_1084 = tpu.vector_load %arg21[%get3A_1083] {strides = array<i32>} : memref<1024xf32, #tpu.memory_space<vmem>>, vector<16xf32>,
        %mul3A_1085 = arith.mulf %gather3A_1082, %get3A_1084 : vector<16xf32>
        %gather3A_1086 = arith.constant 16448 : i32
        %gather3A_1087 = tpu.memref_slice %arg16[%gather3A_1086] : memref<32768xf32, #tpu.memory_space<vmem>> -> memref<16320xf32, #tpu.memory_space<vmem>>
        %gather3A_1088 = tpu.vector_load_idx %gather3A_1087[%add3A_1073] : memref<16320xf32, #tpu.memory_space<vmem>>[vector<16xi32>], vector<16xf32>,
        %get3A_1089 = arith.constant 80 : index
        %get3A_1090 = tpu.vector_load %arg21[%get3A_1089] {strides = array<i32>} : memref<1024xf32, #tpu.memory_space<vmem>>, vector<16xf32>,
        %mul3A_1091 = arith.mulf %gather3A_1088, %get3A_1090 : vector<16xf32>
        %gather3A_1092 = arith.constant 16480 : i32
        %gather3A_1093 = tpu.memref_slice %arg16[%gather3A_1092] : memref<32768xf32, #tpu.memory_space<vmem>> -> memref<16288xf32, #tpu.memory_space<vmem>>
        %gather3A_1094 = tpu.vector_load_idx %gather3A_1093[%add3A_1073] : memref<16288xf32, #tpu.memory_space<vmem>>[vector<16xi32>], vector<16xf32>,
        %get3A_1095 = arith.constant 112 : index
        %get3A_1096 = tpu.vector_load %arg21[%get3A_1095] {strides = array<i32>} : memref<1024xf32, #tpu.memory_space<vmem>>, vector<16xf32>,
        %mul3A_1097 = arith.mulf %gather3A_1094, %get3A_1096 : vector<16xf32>
        %gather3A_1098 = arith.constant 16512 : i32
        %gather3A_1099 = tpu.memref_slice %arg16[%gather3A_1098] : memref<32768xf32, #tpu.memory_space<vmem>> -> memref<16256xf32, #tpu.memory_space<vmem>>
        %gather3A_1100 = tpu.vector_load_idx %gather3A_1099[%add3A_1073] : memref<16256xf32, #tpu.memory_space<vmem>>[vector<16xi32>], vector<16xf32>,
        %get3A_1101 = arith.constant 144 : index
        %get3A_1102 = tpu.vector_load %arg21[%get3A_1101] {strides = array<i32>} : memref<1024xf32, #tpu.memory_space<vmem>>, vector<16xf32>,
        %mul3A_1103 = arith.mulf %gather3A_1100, %get3A_1102 : vector<16xf32>
        %gather3A_1104 = arith.constant 16544 : i32
        %gather3A_1105 = tpu.memref_slice %arg16[%gather3A_1104] : memref<32768xf32, #tpu.memory_space<vmem>> -> memref<16224xf32, #tpu.memory_space<vmem>>
        %gather3A_1106 = tpu.vector_load_idx %gather3A_1105[%add3A_1073] : memref<16224xf32, #tpu.memory_space<vmem>>[vector<16xi32>], vector<16xf32>,
        %get3A_1107 = arith.constant 176 : index
        %get3A_1108 = tpu.vector_load %arg21[%get3A_1107] {strides = array<i32>} : memref<1024xf32, #tpu.memory_space<vmem>>, vector<16xf32>,
        %mul3A_1109 = arith.mulf %gather3A_1106, %get3A_1108 : vector<16xf32>
        %gather3A_1110 = arith.constant 16576 : i32
        %gather3A_1111 = tpu.memref_slice %arg16[%gather3A_1110] : memref<32768xf32, #tpu.memory_space<vmem>> -> memref<16192xf32, #tpu.memory_space<vmem>>
        %gather3A_1112 = tpu.vector_load_idx %gather3A_1111[%add3A_1073] : memref<16192xf32, #tpu.memory_space<vmem>>[vector<16xi32>], vector<16xf32>,
        %get3A_1113 = arith.constant 208 : index
        %get3A_1114 = tpu.vector_load %arg21[%get3A_1113] {strides = array<i32>} : memref<1024xf32, #tpu.memory_space<vmem>>, vector<16xf32>,
        %mul3A_1115 = arith.mulf %gather3A_1112, %get3A_1114 : vector<16xf32>
        %gather3A_1116 = arith.constant 16608 : i32
        %gather3A_1117 = tpu.memref_slice %arg16[%gather3A_1116] : memref<32768xf32, #tpu.memory_space<vmem>> -> memref<16160xf32, #tpu.memory_space<vmem>>
        %gather3A_1118 = tpu.vector_load_idx %gather3A_1117[%add3A_1073] : memref<16160xf32, #tpu.memory_space<vmem>>[vector<16xi32>], vector<16xf32>,
        %get3A_1119 = arith.constant 240 : index
        %get3A_1120 = tpu.vector_load %arg21[%get3A_1119] {strides = array<i32>} : memref<1024xf32, #tpu.memory_space<vmem>>, vector<16xf32>,
        %mul3A_1121 = arith.mulf %gather3A_1118, %get3A_1120 : vector<16xf32>
        %gather3A_1122 = arith.constant 16640 : i32
        %gather3A_1123 = tpu.memref_slice %arg16[%gather3A_1122] : memref<32768xf32, #tpu.memory_space<vmem>> -> memref<16128xf32, #tpu.memory_space<vmem>>
        %gather3A_1124 = tpu.vector_load_idx %gather3A_1123[%add3A_1073] : memref<16128xf32, #tpu.memory_space<vmem>>[vector<16xi32>], vector<16xf32>,
        %get3A_1125 = arith.constant 272 : index
        %get3A_1126 = tpu.vector_load %arg21[%get3A_1125] {strides = array<i32>} : memref<1024xf32, #tpu.memory_space<vmem>>, vector<16xf32>,
        %mul3A_1127 = arith.mulf %gather3A_1124, %get3A_1126 : vector<16xf32>
        %gather3A_1128 = arith.constant 16672 : i32
        %gather3A_1129 = tpu.memref_slice %arg16[%gather3A_1128] : memref<32768xf32, #tpu.memory_space<vmem>> -> memref<16096xf32, #tpu.memory_space<vmem>>
        %gather3A_1130 = tpu.vector_load_idx %gather3A_1129[%add3A_1073] : memref<16096xf32, #tpu.memory_space<vmem>>[vector<16xi32>], vector<16xf32>,
        %get3A_1131 = arith.constant 304 : index
        %get3A_1132 = tpu.vector_load %arg21[%get3A_1131] {strides = array<i32>} : memref<1024xf32, #tpu.memory_space<vmem>>, vector<16xf32>,
        %mul3A_1133 = arith.mulf %gather3A_1130, %get3A_1132 : vector<16xf32>
        %gather3A_1134 = arith.constant 16704 : i32
        %gather3A_1135 = tpu.memref_slice %arg16[%gather3A_1134] : memref<32768xf32, #tpu.memory_space<vmem>> -> memref<16064xf32, #tpu.memory_space<vmem>>
        %gather3A_1136 = tpu.vector_load_idx %gather3A_1135[%add3A_1073] : memref<16064xf32, #tpu.memory_space<vmem>>[vector<16xi32>], vector<16xf32>,
        %get3A_1137 = arith.constant 336 : index
        %get3A_1138 = tpu.vector_load %arg21[%get3A_1137] {strides = array<i32>} : memref<1024xf32, #tpu.memory_space<vmem>>, vector<16xf32>,
        %mul3A_1139 = arith.mulf %gather3A_1136, %get3A_1138 : vector<16xf32>
        %gather3A_1140 = arith.constant 16736 : i32
        %gather3A_1141 = tpu.memref_slice %arg16[%gather3A_1140] : memref<32768xf32, #tpu.memory_space<vmem>> -> memref<16032xf32, #tpu.memory_space<vmem>>
        %gather3A_1142 = tpu.vector_load_idx %gather3A_1141[%add3A_1073] : memref<16032xf32, #tpu.memory_space<vmem>>[vector<16xi32>], vector<16xf32>,
        %get3A_1143 = arith.constant 368 : index
        %get3A_1144 = tpu.vector_load %arg21[%get3A_1143] {strides = array<i32>} : memref<1024xf32, #tpu.memory_space<vmem>>, vector<16xf32>,
        %mul3A_1145 = arith.mulf %gather3A_1142, %get3A_1144 : vector<16xf32>
        %gather3A_1146 = arith.constant 16768 : i32
        %gather3A_1147 = tpu.memref_slice %arg16[%gather3A_1146] : memref<32768xf32, #tpu.memory_space<vmem>> -> memref<16000xf32, #tpu.memory_space<vmem>>
        %gather3A_1148 = tpu.vector_load_idx %gather3A_1147[%add3A_1073] : memref<16000xf32, #tpu.memory_space<vmem>>[vector<16xi32>], vector<16xf32>,
        %get3A_1149 = arith.constant 400 : index
        %get3A_1150 = tpu.vector_load %arg21[%get3A_1149] {strides = array<i32>} : memref<1024xf32, #tpu.memory_space<vmem>>, vector<16xf32>,
        %mul3A_1151 = arith.mulf %gather3A_1148, %get3A_1150 : vector<16xf32>
        %gather3A_1152 = arith.constant 16800 : i32
        %gather3A_1153 = tpu.memref_slice %arg16[%gather3A_1152] : memref<32768xf32, #tpu.memory_space<vmem>> -> memref<15968xf32, #tpu.memory_space<vmem>>
        %gather3A_1154 = tpu.vector_load_idx %gather3A_1153[%add3A_1073] : memref<15968xf32, #tpu.memory_space<vmem>>[vector<16xi32>], vector<16xf32>,
        %get3A_1155 = arith.constant 432 : index
        %get3A_1156 = tpu.vector_load %arg21[%get3A_1155] {strides = array<i32>} : memref<1024xf32, #tpu.memory_space<vmem>>, vector<16xf32>,
        %mul3A_1157 = arith.mulf %gather3A_1154, %get3A_1156 : vector<16xf32>
        %gather3A_1158 = arith.constant 16832 : i32
        %gather3A_1159 = tpu.memref_slice %arg16[%gather3A_1158] : memref<32768xf32, #tpu.memory_space<vmem>> -> memref<15936xf32, #tpu.memory_space<vmem>>
        %gather3A_1160 = tpu.vector_load_idx %gather3A_1159[%add3A_1073] : memref<15936xf32, #tpu.memory_space<vmem>>[vector<16xi32>], vector<16xf32>,
        %get3A_1161 = arith.constant 464 : index
        %get3A_1162 = tpu.vector_load %arg21[%get3A_1161] {strides = array<i32>} : memref<1024xf32, #tpu.memory_space<vmem>>, vector<16xf32>,
        %mul3A_1163 = arith.mulf %gather3A_1160, %get3A_1162 : vector<16xf32>
        %gather3A_1164 = arith.constant 16864 : i32
        %gather3A_1165 = tpu.memref_slice %arg16[%gather3A_1164] : memref<32768xf32, #tpu.memory_space<vmem>> -> memref<15904xf32, #tpu.memory_space<vmem>>
        %gather3A_1166 = tpu.vector_load_idx %gather3A_1165[%add3A_1073] : memref<15904xf32, #tpu.memory_space<vmem>>[vector<16xi32>], vector<16xf32>,
        %get3A_1167 = arith.constant 496 : index
        %get3A_1168 = tpu.vector_load %arg21[%get3A_1167] {strides = array<i32>} : memref<1024xf32, #tpu.memory_space<vmem>>, vector<16xf32>,
        %mul3A_1169 = arith.mulf %gather3A_1166, %get3A_1168 : vector<16xf32>
        %gather3A_1170 = arith.constant 16896 : i32
        %gather3A_1171 = tpu.memref_slice %arg16[%gather3A_1170] : memref<32768xf32, #tpu.memory_space<vmem>> -> memref<15872xf32, #tpu.memory_space<vmem>>
        %gather3A_1172 = tpu.vector_load_idx %gather3A_1171[%add3A_1073] : memref<15872xf32, #tpu.memory_space<vmem>>[vector<16xi32>], vector<16xf32>,
        %get3A_1173 = arith.constant 528 : index
        %get3A_1174 = tpu.vector_load %arg21[%get3A_1173] {strides = array<i32>} : memref<1024xf32, #tpu.memory_space<vmem>>, vector<16xf32>,
        %mul3A_1175 = arith.mulf %gather3A_1172, %get3A_1174 : vector<16xf32>
        %gather3A_1176 = arith.constant 16928 : i32
        %gather3A_1177 = tpu.memref_slice %arg16[%gather3A_1176] : memref<32768xf32, #tpu.memory_space<vmem>> -> memref<15840xf32, #tpu.memory_space<vmem>>
        %gather3A_1178 = tpu.vector_load_idx %gather3A_1177[%add3A_1073] : memref<15840xf32, #tpu.memory_space<vmem>>[vector<16xi32>], vector<16xf32>,
        %get3A_1179 = arith.constant 560 : index
        %get3A_1180 = tpu.vector_load %arg21[%get3A_1179] {strides = array<i32>} : memref<1024xf32, #tpu.memory_space<vmem>>, vector<16xf32>,
        %mul3A_1181 = arith.mulf %gather3A_1178, %get3A_1180 : vector<16xf32>
        %gather3A_1182 = arith.constant 16960 : i32
        %gather3A_1183 = tpu.memref_slice %arg16[%gather3A_1182] : memref<32768xf32, #tpu.memory_space<vmem>> -> memref<15808xf32, #tpu.memory_space<vmem>>
        %gather3A_1184 = tpu.vector_load_idx %gather3A_1183[%add3A_1073] : memref<15808xf32, #tpu.memory_space<vmem>>[vector<16xi32>], vector<16xf32>,
        %get3A_1185 = arith.constant 592 : index
        %get3A_1186 = tpu.vector_load %arg21[%get3A_1185] {strides = array<i32>} : memref<1024xf32, #tpu.memory_space<vmem>>, vector<16xf32>,
        %mul3A_1187 = arith.mulf %gather3A_1184, %get3A_1186 : vector<16xf32>
        %gather3A_1188 = arith.constant 16992 : i32
        %gather3A_1189 = tpu.memref_slice %arg16[%gather3A_1188] : memref<32768xf32, #tpu.memory_space<vmem>> -> memref<15776xf32, #tpu.memory_space<vmem>>
        %gather3A_1190 = tpu.vector_load_idx %gather3A_1189[%add3A_1073] : memref<15776xf32, #tpu.memory_space<vmem>>[vector<16xi32>], vector<16xf32>,
        %get3A_1191 = arith.constant 624 : index
        %get3A_1192 = tpu.vector_load %arg21[%get3A_1191] {strides = array<i32>} : memref<1024xf32, #tpu.memory_space<vmem>>, vector<16xf32>,
        %mul3A_1193 = arith.mulf %gather3A_1190, %get3A_1192 : vector<16xf32>
        %gather3A_1194 = arith.constant 17024 : i32
        %gather3A_1195 = tpu.memref_slice %arg16[%gather3A_1194] : memref<32768xf32, #tpu.memory_space<vmem>> -> memref<15744xf32, #tpu.memory_space<vmem>>
        %gather3A_1196 = tpu.vector_load_idx %gather3A_1195[%add3A_1073] : memref<15744xf32, #tpu.memory_space<vmem>>[vector<16xi32>], vector<16xf32>,
        %get3A_1197 = arith.constant 656 : index
        %get3A_1198 = tpu.vector_load %arg21[%get3A_1197] {strides = array<i32>} : memref<1024xf32, #tpu.memory_space<vmem>>, vector<16xf32>,
        %mul3A_1199 = arith.mulf %gather3A_1196, %get3A_1198 : vector<16xf32>
        %gather3A_1200 = arith.constant 17056 : i32
        %gather3A_1201 = tpu.memref_slice %arg16[%gather3A_1200] : memref<32768xf32, #tpu.memory_space<vmem>> -> memref<15712xf32, #tpu.memory_space<vmem>>
        %gather3A_1202 = tpu.vector_load_idx %gather3A_1201[%add3A_1073] : memref<15712xf32, #tpu.memory_space<vmem>>[vector<16xi32>], vector<16xf32>,
        %get3A_1203 = arith.constant 688 : index
        %get3A_1204 = tpu.vector_load %arg21[%get3A_1203] {strides = array<i32>} : memref<1024xf32, #tpu.memory_space<vmem>>, vector<16xf32>,
        %mul3A_1205 = arith.mulf %gather3A_1202, %get3A_1204 : vector<16xf32>
        %gather3A_1206 = arith.constant 17088 : i32
        %gather3A_1207 = tpu.memref_slice %arg16[%gather3A_1206] : memref<32768xf32, #tpu.memory_space<vmem>> -> memref<15680xf32, #tpu.memory_space<vmem>>
        %gather3A_1208 = tpu.vector_load_idx %gather3A_1207[%add3A_1073] : memref<15680xf32, #tpu.memory_space<vmem>>[vector<16xi32>], vector<16xf32>,
        %get3A_1209 = arith.constant 720 : index
        %get3A_1210 = tpu.vector_load %arg21[%get3A_1209] {strides = array<i32>} : memref<1024xf32, #tpu.memory_space<vmem>>, vector<16xf32>,
        %mul3A_1211 = arith.mulf %gather3A_1208, %get3A_1210 : vector<16xf32>
        %gather3A_1212 = arith.constant 17120 : i32
        %gather3A_1213 = tpu.memref_slice %arg16[%gather3A_1212] : memref<32768xf32, #tpu.memory_space<vmem>> -> memref<15648xf32, #tpu.memory_space<vmem>>
        %gather3A_1214 = tpu.vector_load_idx %gather3A_1213[%add3A_1073] : memref<15648xf32, #tpu.memory_space<vmem>>[vector<16xi32>], vector<16xf32>,
        %get3A_1215 = arith.constant 752 : index
        %get3A_1216 = tpu.vector_load %arg21[%get3A_1215] {strides = array<i32>} : memref<1024xf32, #tpu.memory_space<vmem>>, vector<16xf32>,
        %mul3A_1217 = arith.mulf %gather3A_1214, %get3A_1216 : vector<16xf32>
        %gather3A_1218 = arith.constant 17152 : i32
        %gather3A_1219 = tpu.memref_slice %arg16[%gather3A_1218] : memref<32768xf32, #tpu.memory_space<vmem>> -> memref<15616xf32, #tpu.memory_space<vmem>>
        %gather3A_1220 = tpu.vector_load_idx %gather3A_1219[%add3A_1073] : memref<15616xf32, #tpu.memory_space<vmem>>[vector<16xi32>], vector<16xf32>,
        %get3A_1221 = arith.constant 784 : index
        %get3A_1222 = tpu.vector_load %arg21[%get3A_1221] {strides = array<i32>} : memref<1024xf32, #tpu.memory_space<vmem>>, vector<16xf32>,
        %mul3A_1223 = arith.mulf %gather3A_1220, %get3A_1222 : vector<16xf32>
        %gather3A_1224 = arith.constant 17184 : i32
        %gather3A_1225 = tpu.memref_slice %arg16[%gather3A_1224] : memref<32768xf32, #tpu.memory_space<vmem>> -> memref<15584xf32, #tpu.memory_space<vmem>>
        %gather3A_1226 = tpu.vector_load_idx %gather3A_1225[%add3A_1073] : memref<15584xf32, #tpu.memory_space<vmem>>[vector<16xi32>], vector<16xf32>,
        %get3A_1227 = arith.constant 816 : index
        %get3A_1228 = tpu.vector_load %arg21[%get3A_1227] {strides = array<i32>} : memref<1024xf32, #tpu.memory_space<vmem>>, vector<16xf32>,
        %mul3A_1229 = arith.mulf %gather3A_1226, %get3A_1228 : vector<16xf32>
        %gather3A_1230 = arith.constant 17216 : i32
        %gather3A_1231 = tpu.memref_slice %arg16[%gather3A_1230] : memref<32768xf32, #tpu.memory_space<vmem>> -> memref<15552xf32, #tpu.memory_space<vmem>>
        %gather3A_1232 = tpu.vector_load_idx %gather3A_1231[%add3A_1073] : memref<15552xf32, #tpu.memory_space<vmem>>[vector<16xi32>], vector<16xf32>,
        %get3A_1233 = arith.constant 848 : index
        %get3A_1234 = tpu.vector_load %arg21[%get3A_1233] {strides = array<i32>} : memref<1024xf32, #tpu.memory_space<vmem>>, vector<16xf32>,
        %mul3A_1235 = arith.mulf %gather3A_1232, %get3A_1234 : vector<16xf32>
        %gather3A_1236 = arith.constant 17248 : i32
        %gather3A_1237 = tpu.memref_slice %arg16[%gather3A_1236] : memref<32768xf32, #tpu.memory_space<vmem>> -> memref<15520xf32, #tpu.memory_space<vmem>>
        %gather3A_1238 = tpu.vector_load_idx %gather3A_1237[%add3A_1073] : memref<15520xf32, #tpu.memory_space<vmem>>[vector<16xi32>], vector<16xf32>,
        %get3A_1239 = arith.constant 880 : index
        %get3A_1240 = tpu.vector_load %arg21[%get3A_1239] {strides = array<i32>} : memref<1024xf32, #tpu.memory_space<vmem>>, vector<16xf32>,
        %mul3A_1241 = arith.mulf %gather3A_1238, %get3A_1240 : vector<16xf32>
        %gather3A_1242 = arith.constant 17280 : i32
        %gather3A_1243 = tpu.memref_slice %arg16[%gather3A_1242] : memref<32768xf32, #tpu.memory_space<vmem>> -> memref<15488xf32, #tpu.memory_space<vmem>>
        %gather3A_1244 = tpu.vector_load_idx %gather3A_1243[%add3A_1073] : memref<15488xf32, #tpu.memory_space<vmem>>[vector<16xi32>], vector<16xf32>,
        %get3A_1245 = arith.constant 912 : index
        %get3A_1246 = tpu.vector_load %arg21[%get3A_1245] {strides = array<i32>} : memref<1024xf32, #tpu.memory_space<vmem>>, vector<16xf32>,
        %mul3A_1247 = arith.mulf %gather3A_1244, %get3A_1246 : vector<16xf32>
        %gather3A_1248 = arith.constant 17312 : i32
        %gather3A_1249 = tpu.memref_slice %arg16[%gather3A_1248] : memref<32768xf32, #tpu.memory_space<vmem>> -> memref<15456xf32, #tpu.memory_space<vmem>>
        %gather3A_1250 = tpu.vector_load_idx %gather3A_1249[%add3A_1073] : memref<15456xf32, #tpu.memory_space<vmem>>[vector<16xi32>], vector<16xf32>,
        %get3A_1251 = arith.constant 944 : index
        %get3A_1252 = tpu.vector_load %arg21[%get3A_1251] {strides = array<i32>} : memref<1024xf32, #tpu.memory_space<vmem>>, vector<16xf32>,
        %mul3A_1253 = arith.mulf %gather3A_1250, %get3A_1252 : vector<16xf32>
        %gather3A_1254 = arith.constant 17344 : i32
        %gather3A_1255 = tpu.memref_slice %arg16[%gather3A_1254] : memref<32768xf32, #tpu.memory_space<vmem>> -> memref<15424xf32, #tpu.memory_space<vmem>>
        %gather3A_1256 = tpu.vector_load_idx %gather3A_1255[%add3A_1073] : memref<15424xf32, #tpu.memory_space<vmem>>[vector<16xi32>], vector<16xf32>,
        %get3A_1257 = arith.constant 976 : index
        %get3A_1258 = tpu.vector_load %arg21[%get3A_1257] {strides = array<i32>} : memref<1024xf32, #tpu.memory_space<vmem>>, vector<16xf32>,
        %mul3A_1259 = arith.mulf %gather3A_1256, %get3A_1258 : vector<16xf32>
        %gather3A_1260 = arith.constant 17376 : i32
        %gather3A_1261 = tpu.memref_slice %arg16[%gather3A_1260] : memref<32768xf32, #tpu.memory_space<vmem>> -> memref<15392xf32, #tpu.memory_space<vmem>>
        %gather3A_1262 = tpu.vector_load_idx %gather3A_1261[%add3A_1073] : memref<15392xf32, #tpu.memory_space<vmem>>[vector<16xi32>], vector<16xf32>,
        %get3A_1263 = arith.constant 1008 : index
        %get3A_1264 = tpu.vector_load %arg21[%get3A_1263] {strides = array<i32>} : memref<1024xf32, #tpu.memory_space<vmem>>, vector<16xf32>,
        %mul3A_1265 = arith.mulf %gather3A_1262, %get3A_1264 : vector<16xf32>
        %mul3A_1266 = arith.constant 32 : i32
        %mul3A_1267 = vector.broadcast %mul3A_1266 : i32 to vector<16xi32>
        %mul3A_1268 = arith.muli %iota3A_1052, %mul3A_1267 : vector<16xi32>
        %add3A_1269 = arith.addi %mul3A_1268, %gather3A_1063 : vector<16xi32>
        %gather3A_1270 = arith.constant 512 : i32
        %gather3A_1271 = tpu.memref_slice %arg17[%gather3A_1270] : memref<1024xf32, #tpu.memory_space<vmem>> -> memref<512xf32, #tpu.memory_space<vmem>>
        %gather3A_1272 = tpu.vector_load_idx %gather3A_1271[%add3A_1269] : memref<512xf32, #tpu.memory_space<vmem>>[vector<16xi32>], vector<16xf32>,
        %gather3A_1273 = tpu.vector_load_idx %arg15[%gather3A_1063] : memref<32xf32, #tpu.memory_space<vmem>>[vector<16xi32>], vector<16xf32>,
        %scan3A_1274 = arith.constant 0 : i32
        %scan3A_1275 = arith.constant 16 : i32
        %scan3A_1276 = arith.addi %scan3A_1274, %scan3A_1275 : i32
        %scan3A_1277 = arith.constant 1 : i32
        %scan3A_1278 = scf.for %scan3A_1283 = %scan3A_1274 to %scan3A_1276 step %scan3A_1277 iter_args(%scan3A_1284 = %gather3A_1273) -> (vector<16xf32>)  : i32 {
          %mul3A_1285 = arith.constant 2 : i32
          %mul3A_1286 = arith.muli %scan3A_1283, %mul3A_1285 : i32
          %add3A_1287 = arith.constant 0 : i32
          %add3A_1288 = arith.addi %mul3A_1286, %add3A_1287 : i32
          %mul3A_1289 = arith.constant 32 : i32
          %mul3A_1290 = arith.muli %add3A_1288, %mul3A_1289 : i32
          %gather3A_1291 = tpu.memref_slice %arg13[%mul3A_1290] : memref<1024xf32, #tpu.memory_space<vmem>> -> memref<32xf32, #tpu.memory_space<vmem>>
          %gather3A_1292 = tpu.vector_load_idx %gather3A_1291[%gather3A_1063] : memref<32xf32, #tpu.memory_space<vmem>>[vector<16xi32>], vector<16xf32>,
          %mul3A_1293 = arith.constant 1056 : i32
          %mul3A_1294 = arith.muli %add3A_1288, %mul3A_1293 : i32
          %add3A_1295 = arith.constant 0 : i32
          %add3A_1296 = arith.addi %mul3A_1294, %add3A_1295 : i32
          %gather3A_1297 = tpu.memref_slice %arg12[%add3A_1296] : memref<33792xf32, #tpu.memory_space<vmem>> -> memref<32xf32, #tpu.memory_space<vmem>>
          %gather3A_1298 = tpu.vector_load_idx %gather3A_1297[%gather3A_1063] : memref<32xf32, #tpu.memory_space<vmem>>[vector<16xi32>], vector<16xf32>,
          %mul3A_1299 = arith.mulf %gather3A_1298, %mul3A_1079 : vector<16xf32>
          %add3A_1300 = arith.addf %gather3A_1292, %mul3A_1299 : vector<16xf32>
          %add3A_1301 = arith.constant 32 : i32
          %add3A_1302 = arith.addi %mul3A_1294, %add3A_1301 : i32
          %gather3A_1303 = tpu.memref_slice %arg12[%add3A_1302] : memref<33792xf32, #tpu.memory_space<vmem>> -> memref<32xf32, #tpu.memory_space<vmem>>
          %gather3A_1304 = tpu.vector_load_idx %gather3A_1303[%gather3A_1063] : memref<32xf32, #tpu.memory_space<vmem>>[vector<16xi32>], vector<16xf32>,
          %mul3A_1305 = arith.mulf %gather3A_1304, %mul3A_1085 : vector<16xf32>
          %add3A_1306 = arith.addf %add3A_1300, %mul3A_1305 : vector<16xf32>
          %add3A_1307 = arith.constant 64 : i32
          %add3A_1308 = arith.addi %mul3A_1294, %add3A_1307 : i32
          %gather3A_1309 = tpu.memref_slice %arg12[%add3A_1308] : memref<33792xf32, #tpu.memory_space<vmem>> -> memref<32xf32, #tpu.memory_space<vmem>>
          %gather3A_1310 = tpu.vector_load_idx %gather3A_1309[%gather3A_1063] : memref<32xf32, #tpu.memory_space<vmem>>[vector<16xi32>], vector<16xf32>,
          %mul3A_1311 = arith.mulf %gather3A_1310, %mul3A_1091 : vector<16xf32>
          %add3A_1312 = arith.addf %add3A_1306, %mul3A_1311 : vector<16xf32>
          %add3A_1313 = arith.constant 96 : i32
          %add3A_1314 = arith.addi %mul3A_1294, %add3A_1313 : i32
          %gather3A_1315 = tpu.memref_slice %arg12[%add3A_1314] : memref<33792xf32, #tpu.memory_space<vmem>> -> memref<32xf32, #tpu.memory_space<vmem>>
          %gather3A_1316 = tpu.vector_load_idx %gather3A_1315[%gather3A_1063] : memref<32xf32, #tpu.memory_space<vmem>>[vector<16xi32>], vector<16xf32>,
          %mul3A_1317 = arith.mulf %gather3A_1316, %mul3A_1097 : vector<16xf32>
          %add3A_1318 = arith.addf %add3A_1312, %mul3A_1317 : vector<16xf32>
          %add3A_1319 = arith.constant 128 : i32
          %add3A_1320 = arith.addi %mul3A_1294, %add3A_1319 : i32
          %gather3A_1321 = tpu.memref_slice %arg12[%add3A_1320] : memref<33792xf32, #tpu.memory_space<vmem>> -> memref<32xf32, #tpu.memory_space<vmem>>
          %gather3A_1322 = tpu.vector_load_idx %gather3A_1321[%gather3A_1063] : memref<32xf32, #tpu.memory_space<vmem>>[vector<16xi32>], vector<16xf32>,
          %mul3A_1323 = arith.mulf %gather3A_1322, %mul3A_1103 : vector<16xf32>
          %add3A_1324 = arith.addf %add3A_1318, %mul3A_1323 : vector<16xf32>
          %add3A_1325 = arith.constant 160 : i32
          %add3A_1326 = arith.addi %mul3A_1294, %add3A_1325 : i32
          %gather3A_1327 = tpu.memref_slice %arg12[%add3A_1326] : memref<33792xf32, #tpu.memory_space<vmem>> -> memref<32xf32, #tpu.memory_space<vmem>>
          %gather3A_1328 = tpu.vector_load_idx %gather3A_1327[%gather3A_1063] : memref<32xf32, #tpu.memory_space<vmem>>[vector<16xi32>], vector<16xf32>,
          %mul3A_1329 = arith.mulf %gather3A_1328, %mul3A_1109 : vector<16xf32>
          %add3A_1330 = arith.addf %add3A_1324, %mul3A_1329 : vector<16xf32>
          %add3A_1331 = arith.constant 192 : i32
          %add3A_1332 = arith.addi %mul3A_1294, %add3A_1331 : i32
          %gather3A_1333 = tpu.memref_slice %arg12[%add3A_1332] : memref<33792xf32, #tpu.memory_space<vmem>> -> memref<32xf32, #tpu.memory_space<vmem>>
          %gather3A_1334 = tpu.vector_load_idx %gather3A_1333[%gather3A_1063] : memref<32xf32, #tpu.memory_space<vmem>>[vector<16xi32>], vector<16xf32>,
          %mul3A_1335 = arith.mulf %gather3A_1334, %mul3A_1115 : vector<16xf32>
          %add3A_1336 = arith.addf %add3A_1330, %mul3A_1335 : vector<16xf32>
          %add3A_1337 = arith.constant 224 : i32
          %add3A_1338 = arith.addi %mul3A_1294, %add3A_1337 : i32
          %gather3A_1339 = tpu.memref_slice %arg12[%add3A_1338] : memref<33792xf32, #tpu.memory_space<vmem>> -> memref<32xf32, #tpu.memory_space<vmem>>
          %gather3A_1340 = tpu.vector_load_idx %gather3A_1339[%gather3A_1063] : memref<32xf32, #tpu.memory_space<vmem>>[vector<16xi32>], vector<16xf32>,
          %mul3A_1341 = arith.mulf %gather3A_1340, %mul3A_1121 : vector<16xf32>
          %add3A_1342 = arith.addf %add3A_1336, %mul3A_1341 : vector<16xf32>
          %add3A_1343 = arith.constant 256 : i32
          %add3A_1344 = arith.addi %mul3A_1294, %add3A_1343 : i32
          %gather3A_1345 = tpu.memref_slice %arg12[%add3A_1344] : memref<33792xf32, #tpu.memory_space<vmem>> -> memref<32xf32, #tpu.memory_space<vmem>>
          %gather3A_1346 = tpu.vector_load_idx %gather3A_1345[%gather3A_1063] : memref<32xf32, #tpu.memory_space<vmem>>[vector<16xi32>], vector<16xf32>,
          %mul3A_1347 = arith.mulf %gather3A_1346, %mul3A_1127 : vector<16xf32>
          %add3A_1348 = arith.addf %add3A_1342, %mul3A_1347 : vector<16xf32>
          %add3A_1349 = arith.constant 288 : i32
          %add3A_1350 = arith.addi %mul3A_1294, %add3A_1349 : i32
          %gather3A_1351 = tpu.memref_slice %arg12[%add3A_1350] : memref<33792xf32, #tpu.memory_space<vmem>> -> memref<32xf32, #tpu.memory_space<vmem>>
          %gather3A_1352 = tpu.vector_load_idx %gather3A_1351[%gather3A_1063] : memref<32xf32, #tpu.memory_space<vmem>>[vector<16xi32>], vector<16xf32>,
          %mul3A_1353 = arith.mulf %gather3A_1352, %mul3A_1133 : vector<16xf32>
          %add3A_1354 = arith.addf %add3A_1348, %mul3A_1353 : vector<16xf32>
          %add3A_1355 = arith.constant 320 : i32
          %add3A_1356 = arith.addi %mul3A_1294, %add3A_1355 : i32
          %gather3A_1357 = tpu.memref_slice %arg12[%add3A_1356] : memref<33792xf32, #tpu.memory_space<vmem>> -> memref<32xf32, #tpu.memory_space<vmem>>
          %gather3A_1358 = tpu.vector_load_idx %gather3A_1357[%gather3A_1063] : memref<32xf32, #tpu.memory_space<vmem>>[vector<16xi32>], vector<16xf32>,
          %mul3A_1359 = arith.mulf %gather3A_1358, %mul3A_1139 : vector<16xf32>
          %add3A_1360 = arith.addf %add3A_1354, %mul3A_1359 : vector<16xf32>
          %add3A_1361 = arith.constant 352 : i32
          %add3A_1362 = arith.addi %mul3A_1294, %add3A_1361 : i32
          %gather3A_1363 = tpu.memref_slice %arg12[%add3A_1362] : memref<33792xf32, #tpu.memory_space<vmem>> -> memref<32xf32, #tpu.memory_space<vmem>>
          %gather3A_1364 = tpu.vector_load_idx %gather3A_1363[%gather3A_1063] : memref<32xf32, #tpu.memory_space<vmem>>[vector<16xi32>], vector<16xf32>,
          %mul3A_1365 = arith.mulf %gather3A_1364, %mul3A_1145 : vector<16xf32>
          %add3A_1366 = arith.addf %add3A_1360, %mul3A_1365 : vector<16xf32>
          %add3A_1367 = arith.constant 384 : i32
          %add3A_1368 = arith.addi %mul3A_1294, %add3A_1367 : i32
          %gather3A_1369 = tpu.memref_slice %arg12[%add3A_1368] : memref<33792xf32, #tpu.memory_space<vmem>> -> memref<32xf32, #tpu.memory_space<vmem>>
          %gather3A_1370 = tpu.vector_load_idx %gather3A_1369[%gather3A_1063] : memref<32xf32, #tpu.memory_space<vmem>>[vector<16xi32>], vector<16xf32>,
          %mul3A_1371 = arith.mulf %gather3A_1370, %mul3A_1151 : vector<16xf32>
          %add3A_1372 = arith.addf %add3A_1366, %mul3A_1371 : vector<16xf32>
          %add3A_1373 = arith.constant 416 : i32
          %add3A_1374 = arith.addi %mul3A_1294, %add3A_1373 : i32
          %gather3A_1375 = tpu.memref_slice %arg12[%add3A_1374] : memref<33792xf32, #tpu.memory_space<vmem>> -> memref<32xf32, #tpu.memory_space<vmem>>
          %gather3A_1376 = tpu.vector_load_idx %gather3A_1375[%gather3A_1063] : memref<32xf32, #tpu.memory_space<vmem>>[vector<16xi32>], vector<16xf32>,
          %mul3A_1377 = arith.mulf %gather3A_1376, %mul3A_1157 : vector<16xf32>
          %add3A_1378 = arith.addf %add3A_1372, %mul3A_1377 : vector<16xf32>
          %add3A_1379 = arith.constant 448 : i32
          %add3A_1380 = arith.addi %mul3A_1294, %add3A_1379 : i32
          %gather3A_1381 = tpu.memref_slice %arg12[%add3A_1380] : memref<33792xf32, #tpu.memory_space<vmem>> -> memref<32xf32, #tpu.memory_space<vmem>>
          %gather3A_1382 = tpu.vector_load_idx %gather3A_1381[%gather3A_1063] : memref<32xf32, #tpu.memory_space<vmem>>[vector<16xi32>], vector<16xf32>,
          %mul3A_1383 = arith.mulf %gather3A_1382, %mul3A_1163 : vector<16xf32>
          %add3A_1384 = arith.addf %add3A_1378, %mul3A_1383 : vector<16xf32>
          %add3A_1385 = arith.constant 480 : i32
          %add3A_1386 = arith.addi %mul3A_1294, %add3A_1385 : i32
          %gather3A_1387 = tpu.memref_slice %arg12[%add3A_1386] : memref<33792xf32, #tpu.memory_space<vmem>> -> memref<32xf32, #tpu.memory_space<vmem>>
          %gather3A_1388 = tpu.vector_load_idx %gather3A_1387[%gather3A_1063] : memref<32xf32, #tpu.memory_space<vmem>>[vector<16xi32>], vector<16xf32>,
          %mul3A_1389 = arith.mulf %gather3A_1388, %mul3A_1169 : vector<16xf32>
          %add3A_1390 = arith.addf %add3A_1384, %mul3A_1389 : vector<16xf32>
          %add3A_1391 = arith.constant 512 : i32
          %add3A_1392 = arith.addi %mul3A_1294, %add3A_1391 : i32
          %gather3A_1393 = tpu.memref_slice %arg12[%add3A_1392] : memref<33792xf32, #tpu.memory_space<vmem>> -> memref<32xf32, #tpu.memory_space<vmem>>
          %gather3A_1394 = tpu.vector_load_idx %gather3A_1393[%gather3A_1063] : memref<32xf32, #tpu.memory_space<vmem>>[vector<16xi32>], vector<16xf32>,
          %mul3A_1395 = arith.mulf %gather3A_1394, %mul3A_1175 : vector<16xf32>
          %add3A_1396 = arith.addf %add3A_1390, %mul3A_1395 : vector<16xf32>
          %add3A_1397 = arith.constant 544 : i32
          %add3A_1398 = arith.addi %mul3A_1294, %add3A_1397 : i32
          %gather3A_1399 = tpu.memref_slice %arg12[%add3A_1398] : memref<33792xf32, #tpu.memory_space<vmem>> -> memref<32xf32, #tpu.memory_space<vmem>>
          %gather3A_1400 = tpu.vector_load_idx %gather3A_1399[%gather3A_1063] : memref<32xf32, #tpu.memory_space<vmem>>[vector<16xi32>], vector<16xf32>,
          %mul3A_1401 = arith.mulf %gather3A_1400, %mul3A_1181 : vector<16xf32>
          %add3A_1402 = arith.addf %add3A_1396, %mul3A_1401 : vector<16xf32>
          %add3A_1403 = arith.constant 576 : i32
          %add3A_1404 = arith.addi %mul3A_1294, %add3A_1403 : i32
          %gather3A_1405 = tpu.memref_slice %arg12[%add3A_1404] : memref<33792xf32, #tpu.memory_space<vmem>> -> memref<32xf32, #tpu.memory_space<vmem>>
          %gather3A_1406 = tpu.vector_load_idx %gather3A_1405[%gather3A_1063] : memref<32xf32, #tpu.memory_space<vmem>>[vector<16xi32>], vector<16xf32>,
          %mul3A_1407 = arith.mulf %gather3A_1406, %mul3A_1187 : vector<16xf32>
          %add3A_1408 = arith.addf %add3A_1402, %mul3A_1407 : vector<16xf32>
          %add3A_1409 = arith.constant 608 : i32
          %add3A_1410 = arith.addi %mul3A_1294, %add3A_1409 : i32
          %gather3A_1411 = tpu.memref_slice %arg12[%add3A_1410] : memref<33792xf32, #tpu.memory_space<vmem>> -> memref<32xf32, #tpu.memory_space<vmem>>
          %gather3A_1412 = tpu.vector_load_idx %gather3A_1411[%gather3A_1063] : memref<32xf32, #tpu.memory_space<vmem>>[vector<16xi32>], vector<16xf32>,
          %mul3A_1413 = arith.mulf %gather3A_1412, %mul3A_1193 : vector<16xf32>
          %add3A_1414 = arith.addf %add3A_1408, %mul3A_1413 : vector<16xf32>
          %add3A_1415 = arith.constant 640 : i32
          %add3A_1416 = arith.addi %mul3A_1294, %add3A_1415 : i32
          %gather3A_1417 = tpu.memref_slice %arg12[%add3A_1416] : memref<33792xf32, #tpu.memory_space<vmem>> -> memref<32xf32, #tpu.memory_space<vmem>>
          %gather3A_1418 = tpu.vector_load_idx %gather3A_1417[%gather3A_1063] : memref<32xf32, #tpu.memory_space<vmem>>[vector<16xi32>], vector<16xf32>,
          %mul3A_1419 = arith.mulf %gather3A_1418, %mul3A_1199 : vector<16xf32>
          %add3A_1420 = arith.addf %add3A_1414, %mul3A_1419 : vector<16xf32>
          %add3A_1421 = arith.constant 672 : i32
          %add3A_1422 = arith.addi %mul3A_1294, %add3A_1421 : i32
          %gather3A_1423 = tpu.memref_slice %arg12[%add3A_1422] : memref<33792xf32, #tpu.memory_space<vmem>> -> memref<32xf32, #tpu.memory_space<vmem>>
          %gather3A_1424 = tpu.vector_load_idx %gather3A_1423[%gather3A_1063] : memref<32xf32, #tpu.memory_space<vmem>>[vector<16xi32>], vector<16xf32>,
          %mul3A_1425 = arith.mulf %gather3A_1424, %mul3A_1205 : vector<16xf32>
          %add3A_1426 = arith.addf %add3A_1420, %mul3A_1425 : vector<16xf32>
          %add3A_1427 = arith.constant 704 : i32
          %add3A_1428 = arith.addi %mul3A_1294, %add3A_1427 : i32
          %gather3A_1429 = tpu.memref_slice %arg12[%add3A_1428] : memref<33792xf32, #tpu.memory_space<vmem>> -> memref<32xf32, #tpu.memory_space<vmem>>
          %gather3A_1430 = tpu.vector_load_idx %gather3A_1429[%gather3A_1063] : memref<32xf32, #tpu.memory_space<vmem>>[vector<16xi32>], vector<16xf32>,
          %mul3A_1431 = arith.mulf %gather3A_1430, %mul3A_1211 : vector<16xf32>
          %add3A_1432 = arith.addf %add3A_1426, %mul3A_1431 : vector<16xf32>
          %add3A_1433 = arith.constant 736 : i32
          %add3A_1434 = arith.addi %mul3A_1294, %add3A_1433 : i32
          %gather3A_1435 = tpu.memref_slice %arg12[%add3A_1434] : memref<33792xf32, #tpu.memory_space<vmem>> -> memref<32xf32, #tpu.memory_space<vmem>>
          %gather3A_1436 = tpu.vector_load_idx %gather3A_1435[%gather3A_1063] : memref<32xf32, #tpu.memory_space<vmem>>[vector<16xi32>], vector<16xf32>,
          %mul3A_1437 = arith.mulf %gather3A_1436, %mul3A_1217 : vector<16xf32>
          %add3A_1438 = arith.addf %add3A_1432, %mul3A_1437 : vector<16xf32>
          %add3A_1439 = arith.constant 768 : i32
          %add3A_1440 = arith.addi %mul3A_1294, %add3A_1439 : i32
          %gather3A_1441 = tpu.memref_slice %arg12[%add3A_1440] : memref<33792xf32, #tpu.memory_space<vmem>> -> memref<32xf32, #tpu.memory_space<vmem>>
          %gather3A_1442 = tpu.vector_load_idx %gather3A_1441[%gather3A_1063] : memref<32xf32, #tpu.memory_space<vmem>>[vector<16xi32>], vector<16xf32>,
          %mul3A_1443 = arith.mulf %gather3A_1442, %mul3A_1223 : vector<16xf32>
          %add3A_1444 = arith.addf %add3A_1438, %mul3A_1443 : vector<16xf32>
          %add3A_1445 = arith.constant 800 : i32
          %add3A_1446 = arith.addi %mul3A_1294, %add3A_1445 : i32
          %gather3A_1447 = tpu.memref_slice %arg12[%add3A_1446] : memref<33792xf32, #tpu.memory_space<vmem>> -> memref<32xf32, #tpu.memory_space<vmem>>
          %gather3A_1448 = tpu.vector_load_idx %gather3A_1447[%gather3A_1063] : memref<32xf32, #tpu.memory_space<vmem>>[vector<16xi32>], vector<16xf32>,
          %mul3A_1449 = arith.mulf %gather3A_1448, %mul3A_1229 : vector<16xf32>
          %add3A_1450 = arith.addf %add3A_1444, %mul3A_1449 : vector<16xf32>
          %add3A_1451 = arith.constant 832 : i32
          %add3A_1452 = arith.addi %mul3A_1294, %add3A_1451 : i32
          %gather3A_1453 = tpu.memref_slice %arg12[%add3A_1452] : memref<33792xf32, #tpu.memory_space<vmem>> -> memref<32xf32, #tpu.memory_space<vmem>>
          %gather3A_1454 = tpu.vector_load_idx %gather3A_1453[%gather3A_1063] : memref<32xf32, #tpu.memory_space<vmem>>[vector<16xi32>], vector<16xf32>,
          %mul3A_1455 = arith.mulf %gather3A_1454, %mul3A_1235 : vector<16xf32>
          %add3A_1456 = arith.addf %add3A_1450, %mul3A_1455 : vector<16xf32>
          %add3A_1457 = arith.constant 864 : i32
          %add3A_1458 = arith.addi %mul3A_1294, %add3A_1457 : i32
          %gather3A_1459 = tpu.memref_slice %arg12[%add3A_1458] : memref<33792xf32, #tpu.memory_space<vmem>> -> memref<32xf32, #tpu.memory_space<vmem>>
          %gather3A_1460 = tpu.vector_load_idx %gather3A_1459[%gather3A_1063] : memref<32xf32, #tpu.memory_space<vmem>>[vector<16xi32>], vector<16xf32>,
          %mul3A_1461 = arith.mulf %gather3A_1460, %mul3A_1241 : vector<16xf32>
          %add3A_1462 = arith.addf %add3A_1456, %mul3A_1461 : vector<16xf32>
          %add3A_1463 = arith.constant 896 : i32
          %add3A_1464 = arith.addi %mul3A_1294, %add3A_1463 : i32
          %gather3A_1465 = tpu.memref_slice %arg12[%add3A_1464] : memref<33792xf32, #tpu.memory_space<vmem>> -> memref<32xf32, #tpu.memory_space<vmem>>
          %gather3A_1466 = tpu.vector_load_idx %gather3A_1465[%gather3A_1063] : memref<32xf32, #tpu.memory_space<vmem>>[vector<16xi32>], vector<16xf32>,
          %mul3A_1467 = arith.mulf %gather3A_1466, %mul3A_1247 : vector<16xf32>
          %add3A_1468 = arith.addf %add3A_1462, %mul3A_1467 : vector<16xf32>
          %add3A_1469 = arith.constant 928 : i32
          %add3A_1470 = arith.addi %mul3A_1294, %add3A_1469 : i32
          %gather3A_1471 = tpu.memref_slice %arg12[%add3A_1470] : memref<33792xf32, #tpu.memory_space<vmem>> -> memref<32xf32, #tpu.memory_space<vmem>>
          %gather3A_1472 = tpu.vector_load_idx %gather3A_1471[%gather3A_1063] : memref<32xf32, #tpu.memory_space<vmem>>[vector<16xi32>], vector<16xf32>,
          %mul3A_1473 = arith.mulf %gather3A_1472, %mul3A_1253 : vector<16xf32>
          %add3A_1474 = arith.addf %add3A_1468, %mul3A_1473 : vector<16xf32>
          %add3A_1475 = arith.constant 960 : i32
          %add3A_1476 = arith.addi %mul3A_1294, %add3A_1475 : i32
          %gather3A_1477 = tpu.memref_slice %arg12[%add3A_1476] : memref<33792xf32, #tpu.memory_space<vmem>> -> memref<32xf32, #tpu.memory_space<vmem>>
          %gather3A_1478 = tpu.vector_load_idx %gather3A_1477[%gather3A_1063] : memref<32xf32, #tpu.memory_space<vmem>>[vector<16xi32>], vector<16xf32>,
          %mul3A_1479 = arith.mulf %gather3A_1478, %mul3A_1259 : vector<16xf32>
          %add3A_1480 = arith.addf %add3A_1474, %mul3A_1479 : vector<16xf32>
          %add3A_1481 = arith.constant 992 : i32
          %add3A_1482 = arith.addi %mul3A_1294, %add3A_1481 : i32
          %gather3A_1483 = tpu.memref_slice %arg12[%add3A_1482] : memref<33792xf32, #tpu.memory_space<vmem>> -> memref<32xf32, #tpu.memory_space<vmem>>
          %gather3A_1484 = tpu.vector_load_idx %gather3A_1483[%gather3A_1063] : memref<32xf32, #tpu.memory_space<vmem>>[vector<16xi32>], vector<16xf32>,
          %mul3A_1485 = arith.mulf %gather3A_1484, %mul3A_1265 : vector<16xf32>
          %add3A_1486 = arith.addf %add3A_1480, %mul3A_1485 : vector<16xf32>
          %add3A_1487 = arith.constant 1024 : i32
          %add3A_1488 = arith.addi %mul3A_1294, %add3A_1487 : i32
          %gather3A_1489 = tpu.memref_slice %arg12[%add3A_1488] : memref<33792xf32, #tpu.memory_space<vmem>> -> memref<32xf32, #tpu.memory_space<vmem>>
          %gather3A_1490 = tpu.vector_load_idx %gather3A_1489[%gather3A_1063] : memref<32xf32, #tpu.memory_space<vmem>>[vector<16xi32>], vector<16xf32>,
          %mul3A_1491 = arith.mulf %gather3A_1490, %gather3A_1272 : vector<16xf32>
          %add3A_1492 = arith.addf %add3A_1486, %mul3A_1491 : vector<16xf32>
          %mul3A_1493 = arith.constant 0.00999999977 : f32
          %mul3A_1494 = vector.broadcast %mul3A_1493 : f32 to vector<16xf32>
          %mul3A_1495 = arith.mulf %add3A_1492, %mul3A_1494 : vector<16xf32>
          %max3A = arith.maximumf %add3A_1492, %mul3A_1495 : vector<16xf32>
          %mul3A_1496 = arith.constant 32 : i32
          %mul3A_1497 = arith.muli %add3A_1288, %mul3A_1496 : i32
          %gather3A_1498 = tpu.memref_slice %arg14[%mul3A_1497] : memref<1024xf32, #tpu.memory_space<vmem>> -> memref<32xf32, #tpu.memory_space<vmem>>
          %gather3A_1499 = tpu.vector_load_idx %gather3A_1498[%gather3A_1063] : memref<32xf32, #tpu.memory_space<vmem>>[vector<16xi32>], vector<16xf32>,
          %mul3A_1500 = arith.mulf %gather3A_1499, %max3A : vector<16xf32>
          %add3A_1501 = arith.addf %scan3A_1284, %mul3A_1500 : vector<16xf32>
          %mul3A_1502 = arith.constant 2 : i32
          %mul3A_1503 = arith.muli %scan3A_1283, %mul3A_1502 : i32
          %add3A_1504 = arith.constant 1 : i32
          %add3A_1505 = arith.addi %mul3A_1503, %add3A_1504 : i32
          %mul3A_1506 = arith.constant 32 : i32
          %mul3A_1507 = arith.muli %add3A_1505, %mul3A_1506 : i32
          %gather3A_1508 = tpu.memref_slice %arg13[%mul3A_1507] : memref<1024xf32, #tpu.memory_space<vmem>> -> memref<32xf32, #tpu.memory_space<vmem>>
          %gather3A_1509 = tpu.vector_load_idx %gather3A_1508[%gather3A_1063] : memref<32xf32, #tpu.memory_space<vmem>>[vector<16xi32>], vector<16xf32>,
          %mul3A_1510 = arith.constant 1056 : i32
          %mul3A_1511 = arith.muli %add3A_1505, %mul3A_1510 : i32
          %add3A_1512 = arith.constant 0 : i32
          %add3A_1513 = arith.addi %mul3A_1511, %add3A_1512 : i32
          %gather3A_1514 = tpu.memref_slice %arg12[%add3A_1513] : memref<33792xf32, #tpu.memory_space<vmem>> -> memref<32xf32, #tpu.memory_space<vmem>>
          %gather3A_1515 = tpu.vector_load_idx %gather3A_1514[%gather3A_1063] : memref<32xf32, #tpu.memory_space<vmem>>[vector<16xi32>], vector<16xf32>,
          %mul3A_1516 = arith.mulf %gather3A_1515, %mul3A_1079 : vector<16xf32>
          %add3A_1517 = arith.addf %gather3A_1509, %mul3A_1516 : vector<16xf32>
          %add3A_1518 = arith.constant 32 : i32
          %add3A_1519 = arith.addi %mul3A_1511, %add3A_1518 : i32
          %gather3A_1520 = tpu.memref_slice %arg12[%add3A_1519] : memref<33792xf32, #tpu.memory_space<vmem>> -> memref<32xf32, #tpu.memory_space<vmem>>
          %gather3A_1521 = tpu.vector_load_idx %gather3A_1520[%gather3A_1063] : memref<32xf32, #tpu.memory_space<vmem>>[vector<16xi32>], vector<16xf32>,
          %mul3A_1522 = arith.mulf %gather3A_1521, %mul3A_1085 : vector<16xf32>
          %add3A_1523 = arith.addf %add3A_1517, %mul3A_1522 : vector<16xf32>
          %add3A_1524 = arith.constant 64 : i32
          %add3A_1525 = arith.addi %mul3A_1511, %add3A_1524 : i32
          %gather3A_1526 = tpu.memref_slice %arg12[%add3A_1525] : memref<33792xf32, #tpu.memory_space<vmem>> -> memref<32xf32, #tpu.memory_space<vmem>>
          %gather3A_1527 = tpu.vector_load_idx %gather3A_1526[%gather3A_1063] : memref<32xf32, #tpu.memory_space<vmem>>[vector<16xi32>], vector<16xf32>,
          %mul3A_1528 = arith.mulf %gather3A_1527, %mul3A_1091 : vector<16xf32>
          %add3A_1529 = arith.addf %add3A_1523, %mul3A_1528 : vector<16xf32>
          %add3A_1530 = arith.constant 96 : i32
          %add3A_1531 = arith.addi %mul3A_1511, %add3A_1530 : i32
          %gather3A_1532 = tpu.memref_slice %arg12[%add3A_1531] : memref<33792xf32, #tpu.memory_space<vmem>> -> memref<32xf32, #tpu.memory_space<vmem>>
          %gather3A_1533 = tpu.vector_load_idx %gather3A_1532[%gather3A_1063] : memref<32xf32, #tpu.memory_space<vmem>>[vector<16xi32>], vector<16xf32>,
          %mul3A_1534 = arith.mulf %gather3A_1533, %mul3A_1097 : vector<16xf32>
          %add3A_1535 = arith.addf %add3A_1529, %mul3A_1534 : vector<16xf32>
          %add3A_1536 = arith.constant 128 : i32
          %add3A_1537 = arith.addi %mul3A_1511, %add3A_1536 : i32
          %gather3A_1538 = tpu.memref_slice %arg12[%add3A_1537] : memref<33792xf32, #tpu.memory_space<vmem>> -> memref<32xf32, #tpu.memory_space<vmem>>
          %gather3A_1539 = tpu.vector_load_idx %gather3A_1538[%gather3A_1063] : memref<32xf32, #tpu.memory_space<vmem>>[vector<16xi32>], vector<16xf32>,
          %mul3A_1540 = arith.mulf %gather3A_1539, %mul3A_1103 : vector<16xf32>
          %add3A_1541 = arith.addf %add3A_1535, %mul3A_1540 : vector<16xf32>
          %add3A_1542 = arith.constant 160 : i32
          %add3A_1543 = arith.addi %mul3A_1511, %add3A_1542 : i32
          %gather3A_1544 = tpu.memref_slice %arg12[%add3A_1543] : memref<33792xf32, #tpu.memory_space<vmem>> -> memref<32xf32, #tpu.memory_space<vmem>>
          %gather3A_1545 = tpu.vector_load_idx %gather3A_1544[%gather3A_1063] : memref<32xf32, #tpu.memory_space<vmem>>[vector<16xi32>], vector<16xf32>,
          %mul3A_1546 = arith.mulf %gather3A_1545, %mul3A_1109 : vector<16xf32>
          %add3A_1547 = arith.addf %add3A_1541, %mul3A_1546 : vector<16xf32>
          %add3A_1548 = arith.constant 192 : i32
          %add3A_1549 = arith.addi %mul3A_1511, %add3A_1548 : i32
          %gather3A_1550 = tpu.memref_slice %arg12[%add3A_1549] : memref<33792xf32, #tpu.memory_space<vmem>> -> memref<32xf32, #tpu.memory_space<vmem>>
          %gather3A_1551 = tpu.vector_load_idx %gather3A_1550[%gather3A_1063] : memref<32xf32, #tpu.memory_space<vmem>>[vector<16xi32>], vector<16xf32>,
          %mul3A_1552 = arith.mulf %gather3A_1551, %mul3A_1115 : vector<16xf32>
          %add3A_1553 = arith.addf %add3A_1547, %mul3A_1552 : vector<16xf32>
          %add3A_1554 = arith.constant 224 : i32
          %add3A_1555 = arith.addi %mul3A_1511, %add3A_1554 : i32
          %gather3A_1556 = tpu.memref_slice %arg12[%add3A_1555] : memref<33792xf32, #tpu.memory_space<vmem>> -> memref<32xf32, #tpu.memory_space<vmem>>
          %gather3A_1557 = tpu.vector_load_idx %gather3A_1556[%gather3A_1063] : memref<32xf32, #tpu.memory_space<vmem>>[vector<16xi32>], vector<16xf32>,
          %mul3A_1558 = arith.mulf %gather3A_1557, %mul3A_1121 : vector<16xf32>
          %add3A_1559 = arith.addf %add3A_1553, %mul3A_1558 : vector<16xf32>
          %add3A_1560 = arith.constant 256 : i32
          %add3A_1561 = arith.addi %mul3A_1511, %add3A_1560 : i32
          %gather3A_1562 = tpu.memref_slice %arg12[%add3A_1561] : memref<33792xf32, #tpu.memory_space<vmem>> -> memref<32xf32, #tpu.memory_space<vmem>>
          %gather3A_1563 = tpu.vector_load_idx %gather3A_1562[%gather3A_1063] : memref<32xf32, #tpu.memory_space<vmem>>[vector<16xi32>], vector<16xf32>,
          %mul3A_1564 = arith.mulf %gather3A_1563, %mul3A_1127 : vector<16xf32>
          %add3A_1565 = arith.addf %add3A_1559, %mul3A_1564 : vector<16xf32>
          %add3A_1566 = arith.constant 288 : i32
          %add3A_1567 = arith.addi %mul3A_1511, %add3A_1566 : i32
          %gather3A_1568 = tpu.memref_slice %arg12[%add3A_1567] : memref<33792xf32, #tpu.memory_space<vmem>> -> memref<32xf32, #tpu.memory_space<vmem>>
          %gather3A_1569 = tpu.vector_load_idx %gather3A_1568[%gather3A_1063] : memref<32xf32, #tpu.memory_space<vmem>>[vector<16xi32>], vector<16xf32>,
          %mul3A_1570 = arith.mulf %gather3A_1569, %mul3A_1133 : vector<16xf32>
          %add3A_1571 = arith.addf %add3A_1565, %mul3A_1570 : vector<16xf32>
          %add3A_1572 = arith.constant 320 : i32
          %add3A_1573 = arith.addi %mul3A_1511, %add3A_1572 : i32
          %gather3A_1574 = tpu.memref_slice %arg12[%add3A_1573] : memref<33792xf32, #tpu.memory_space<vmem>> -> memref<32xf32, #tpu.memory_space<vmem>>
          %gather3A_1575 = tpu.vector_load_idx %gather3A_1574[%gather3A_1063] : memref<32xf32, #tpu.memory_space<vmem>>[vector<16xi32>], vector<16xf32>,
          %mul3A_1576 = arith.mulf %gather3A_1575, %mul3A_1139 : vector<16xf32>
          %add3A_1577 = arith.addf %add3A_1571, %mul3A_1576 : vector<16xf32>
          %add3A_1578 = arith.constant 352 : i32
          %add3A_1579 = arith.addi %mul3A_1511, %add3A_1578 : i32
          %gather3A_1580 = tpu.memref_slice %arg12[%add3A_1579] : memref<33792xf32, #tpu.memory_space<vmem>> -> memref<32xf32, #tpu.memory_space<vmem>>
          %gather3A_1581 = tpu.vector_load_idx %gather3A_1580[%gather3A_1063] : memref<32xf32, #tpu.memory_space<vmem>>[vector<16xi32>], vector<16xf32>,
          %mul3A_1582 = arith.mulf %gather3A_1581, %mul3A_1145 : vector<16xf32>
          %add3A_1583 = arith.addf %add3A_1577, %mul3A_1582 : vector<16xf32>
          %add3A_1584 = arith.constant 384 : i32
          %add3A_1585 = arith.addi %mul3A_1511, %add3A_1584 : i32
          %gather3A_1586 = tpu.memref_slice %arg12[%add3A_1585] : memref<33792xf32, #tpu.memory_space<vmem>> -> memref<32xf32, #tpu.memory_space<vmem>>
          %gather3A_1587 = tpu.vector_load_idx %gather3A_1586[%gather3A_1063] : memref<32xf32, #tpu.memory_space<vmem>>[vector<16xi32>], vector<16xf32>,
          %mul3A_1588 = arith.mulf %gather3A_1587, %mul3A_1151 : vector<16xf32>
          %add3A_1589 = arith.addf %add3A_1583, %mul3A_1588 : vector<16xf32>
          %add3A_1590 = arith.constant 416 : i32
          %add3A_1591 = arith.addi %mul3A_1511, %add3A_1590 : i32
          %gather3A_1592 = tpu.memref_slice %arg12[%add3A_1591] : memref<33792xf32, #tpu.memory_space<vmem>> -> memref<32xf32, #tpu.memory_space<vmem>>
          %gather3A_1593 = tpu.vector_load_idx %gather3A_1592[%gather3A_1063] : memref<32xf32, #tpu.memory_space<vmem>>[vector<16xi32>], vector<16xf32>,
          %mul3A_1594 = arith.mulf %gather3A_1593, %mul3A_1157 : vector<16xf32>
          %add3A_1595 = arith.addf %add3A_1589, %mul3A_1594 : vector<16xf32>
          %add3A_1596 = arith.constant 448 : i32
          %add3A_1597 = arith.addi %mul3A_1511, %add3A_1596 : i32
          %gather3A_1598 = tpu.memref_slice %arg12[%add3A_1597] : memref<33792xf32, #tpu.memory_space<vmem>> -> memref<32xf32, #tpu.memory_space<vmem>>
          %gather3A_1599 = tpu.vector_load_idx %gather3A_1598[%gather3A_1063] : memref<32xf32, #tpu.memory_space<vmem>>[vector<16xi32>], vector<16xf32>,
          %mul3A_1600 = arith.mulf %gather3A_1599, %mul3A_1163 : vector<16xf32>
          %add3A_1601 = arith.addf %add3A_1595, %mul3A_1600 : vector<16xf32>
          %add3A_1602 = arith.constant 480 : i32
          %add3A_1603 = arith.addi %mul3A_1511, %add3A_1602 : i32
          %gather3A_1604 = tpu.memref_slice %arg12[%add3A_1603] : memref<33792xf32, #tpu.memory_space<vmem>> -> memref<32xf32, #tpu.memory_space<vmem>>
          %gather3A_1605 = tpu.vector_load_idx %gather3A_1604[%gather3A_1063] : memref<32xf32, #tpu.memory_space<vmem>>[vector<16xi32>], vector<16xf32>,
          %mul3A_1606 = arith.mulf %gather3A_1605, %mul3A_1169 : vector<16xf32>
          %add3A_1607 = arith.addf %add3A_1601, %mul3A_1606 : vector<16xf32>
          %add3A_1608 = arith.constant 512 : i32
          %add3A_1609 = arith.addi %mul3A_1511, %add3A_1608 : i32
          %gather3A_1610 = tpu.memref_slice %arg12[%add3A_1609] : memref<33792xf32, #tpu.memory_space<vmem>> -> memref<32xf32, #tpu.memory_space<vmem>>
          %gather3A_1611 = tpu.vector_load_idx %gather3A_1610[%gather3A_1063] : memref<32xf32, #tpu.memory_space<vmem>>[vector<16xi32>], vector<16xf32>,
          %mul3A_1612 = arith.mulf %gather3A_1611, %mul3A_1175 : vector<16xf32>
          %add3A_1613 = arith.addf %add3A_1607, %mul3A_1612 : vector<16xf32>
          %add3A_1614 = arith.constant 544 : i32
          %add3A_1615 = arith.addi %mul3A_1511, %add3A_1614 : i32
          %gather3A_1616 = tpu.memref_slice %arg12[%add3A_1615] : memref<33792xf32, #tpu.memory_space<vmem>> -> memref<32xf32, #tpu.memory_space<vmem>>
          %gather3A_1617 = tpu.vector_load_idx %gather3A_1616[%gather3A_1063] : memref<32xf32, #tpu.memory_space<vmem>>[vector<16xi32>], vector<16xf32>,
          %mul3A_1618 = arith.mulf %gather3A_1617, %mul3A_1181 : vector<16xf32>
          %add3A_1619 = arith.addf %add3A_1613, %mul3A_1618 : vector<16xf32>
          %add3A_1620 = arith.constant 576 : i32
          %add3A_1621 = arith.addi %mul3A_1511, %add3A_1620 : i32
          %gather3A_1622 = tpu.memref_slice %arg12[%add3A_1621] : memref<33792xf32, #tpu.memory_space<vmem>> -> memref<32xf32, #tpu.memory_space<vmem>>
          %gather3A_1623 = tpu.vector_load_idx %gather3A_1622[%gather3A_1063] : memref<32xf32, #tpu.memory_space<vmem>>[vector<16xi32>], vector<16xf32>,
          %mul3A_1624 = arith.mulf %gather3A_1623, %mul3A_1187 : vector<16xf32>
          %add3A_1625 = arith.addf %add3A_1619, %mul3A_1624 : vector<16xf32>
          %add3A_1626 = arith.constant 608 : i32
          %add3A_1627 = arith.addi %mul3A_1511, %add3A_1626 : i32
          %gather3A_1628 = tpu.memref_slice %arg12[%add3A_1627] : memref<33792xf32, #tpu.memory_space<vmem>> -> memref<32xf32, #tpu.memory_space<vmem>>
          %gather3A_1629 = tpu.vector_load_idx %gather3A_1628[%gather3A_1063] : memref<32xf32, #tpu.memory_space<vmem>>[vector<16xi32>], vector<16xf32>,
          %mul3A_1630 = arith.mulf %gather3A_1629, %mul3A_1193 : vector<16xf32>
          %add3A_1631 = arith.addf %add3A_1625, %mul3A_1630 : vector<16xf32>
          %add3A_1632 = arith.constant 640 : i32
          %add3A_1633 = arith.addi %mul3A_1511, %add3A_1632 : i32
          %gather3A_1634 = tpu.memref_slice %arg12[%add3A_1633] : memref<33792xf32, #tpu.memory_space<vmem>> -> memref<32xf32, #tpu.memory_space<vmem>>
          %gather3A_1635 = tpu.vector_load_idx %gather3A_1634[%gather3A_1063] : memref<32xf32, #tpu.memory_space<vmem>>[vector<16xi32>], vector<16xf32>,
          %mul3A_1636 = arith.mulf %gather3A_1635, %mul3A_1199 : vector<16xf32>
          %add3A_1637 = arith.addf %add3A_1631, %mul3A_1636 : vector<16xf32>
          %add3A_1638 = arith.constant 672 : i32
          %add3A_1639 = arith.addi %mul3A_1511, %add3A_1638 : i32
          %gather3A_1640 = tpu.memref_slice %arg12[%add3A_1639] : memref<33792xf32, #tpu.memory_space<vmem>> -> memref<32xf32, #tpu.memory_space<vmem>>
          %gather3A_1641 = tpu.vector_load_idx %gather3A_1640[%gather3A_1063] : memref<32xf32, #tpu.memory_space<vmem>>[vector<16xi32>], vector<16xf32>,
          %mul3A_1642 = arith.mulf %gather3A_1641, %mul3A_1205 : vector<16xf32>
          %add3A_1643 = arith.addf %add3A_1637, %mul3A_1642 : vector<16xf32>
          %add3A_1644 = arith.constant 704 : i32
          %add3A_1645 = arith.addi %mul3A_1511, %add3A_1644 : i32
          %gather3A_1646 = tpu.memref_slice %arg12[%add3A_1645] : memref<33792xf32, #tpu.memory_space<vmem>> -> memref<32xf32, #tpu.memory_space<vmem>>
          %gather3A_1647 = tpu.vector_load_idx %gather3A_1646[%gather3A_1063] : memref<32xf32, #tpu.memory_space<vmem>>[vector<16xi32>], vector<16xf32>,
          %mul3A_1648 = arith.mulf %gather3A_1647, %mul3A_1211 : vector<16xf32>
          %add3A_1649 = arith.addf %add3A_1643, %mul3A_1648 : vector<16xf32>
          %add3A_1650 = arith.constant 736 : i32
          %add3A_1651 = arith.addi %mul3A_1511, %add3A_1650 : i32
          %gather3A_1652 = tpu.memref_slice %arg12[%add3A_1651] : memref<33792xf32, #tpu.memory_space<vmem>> -> memref<32xf32, #tpu.memory_space<vmem>>
          %gather3A_1653 = tpu.vector_load_idx %gather3A_1652[%gather3A_1063] : memref<32xf32, #tpu.memory_space<vmem>>[vector<16xi32>], vector<16xf32>,
          %mul3A_1654 = arith.mulf %gather3A_1653, %mul3A_1217 : vector<16xf32>
          %add3A_1655 = arith.addf %add3A_1649, %mul3A_1654 : vector<16xf32>
          %add3A_1656 = arith.constant 768 : i32
          %add3A_1657 = arith.addi %mul3A_1511, %add3A_1656 : i32
          %gather3A_1658 = tpu.memref_slice %arg12[%add3A_1657] : memref<33792xf32, #tpu.memory_space<vmem>> -> memref<32xf32, #tpu.memory_space<vmem>>
          %gather3A_1659 = tpu.vector_load_idx %gather3A_1658[%gather3A_1063] : memref<32xf32, #tpu.memory_space<vmem>>[vector<16xi32>], vector<16xf32>,
          %mul3A_1660 = arith.mulf %gather3A_1659, %mul3A_1223 : vector<16xf32>
          %add3A_1661 = arith.addf %add3A_1655, %mul3A_1660 : vector<16xf32>
          %add3A_1662 = arith.constant 800 : i32
          %add3A_1663 = arith.addi %mul3A_1511, %add3A_1662 : i32
          %gather3A_1664 = tpu.memref_slice %arg12[%add3A_1663] : memref<33792xf32, #tpu.memory_space<vmem>> -> memref<32xf32, #tpu.memory_space<vmem>>
          %gather3A_1665 = tpu.vector_load_idx %gather3A_1664[%gather3A_1063] : memref<32xf32, #tpu.memory_space<vmem>>[vector<16xi32>], vector<16xf32>,
          %mul3A_1666 = arith.mulf %gather3A_1665, %mul3A_1229 : vector<16xf32>
          %add3A_1667 = arith.addf %add3A_1661, %mul3A_1666 : vector<16xf32>
          %add3A_1668 = arith.constant 832 : i32
          %add3A_1669 = arith.addi %mul3A_1511, %add3A_1668 : i32
          %gather3A_1670 = tpu.memref_slice %arg12[%add3A_1669] : memref<33792xf32, #tpu.memory_space<vmem>> -> memref<32xf32, #tpu.memory_space<vmem>>
          %gather3A_1671 = tpu.vector_load_idx %gather3A_1670[%gather3A_1063] : memref<32xf32, #tpu.memory_space<vmem>>[vector<16xi32>], vector<16xf32>,
          %mul3A_1672 = arith.mulf %gather3A_1671, %mul3A_1235 : vector<16xf32>
          %add3A_1673 = arith.addf %add3A_1667, %mul3A_1672 : vector<16xf32>
          %add3A_1674 = arith.constant 864 : i32
          %add3A_1675 = arith.addi %mul3A_1511, %add3A_1674 : i32
          %gather3A_1676 = tpu.memref_slice %arg12[%add3A_1675] : memref<33792xf32, #tpu.memory_space<vmem>> -> memref<32xf32, #tpu.memory_space<vmem>>
          %gather3A_1677 = tpu.vector_load_idx %gather3A_1676[%gather3A_1063] : memref<32xf32, #tpu.memory_space<vmem>>[vector<16xi32>], vector<16xf32>,
          %mul3A_1678 = arith.mulf %gather3A_1677, %mul3A_1241 : vector<16xf32>
          %add3A_1679 = arith.addf %add3A_1673, %mul3A_1678 : vector<16xf32>
          %add3A_1680 = arith.constant 896 : i32
          %add3A_1681 = arith.addi %mul3A_1511, %add3A_1680 : i32
          %gather3A_1682 = tpu.memref_slice %arg12[%add3A_1681] : memref<33792xf32, #tpu.memory_space<vmem>> -> memref<32xf32, #tpu.memory_space<vmem>>
          %gather3A_1683 = tpu.vector_load_idx %gather3A_1682[%gather3A_1063] : memref<32xf32, #tpu.memory_space<vmem>>[vector<16xi32>], vector<16xf32>,
          %mul3A_1684 = arith.mulf %gather3A_1683, %mul3A_1247 : vector<16xf32>
          %add3A_1685 = arith.addf %add3A_1679, %mul3A_1684 : vector<16xf32>
          %add3A_1686 = arith.constant 928 : i32
          %add3A_1687 = arith.addi %mul3A_1511, %add3A_1686 : i32
          %gather3A_1688 = tpu.memref_slice %arg12[%add3A_1687] : memref<33792xf32, #tpu.memory_space<vmem>> -> memref<32xf32, #tpu.memory_space<vmem>>
          %gather3A_1689 = tpu.vector_load_idx %gather3A_1688[%gather3A_1063] : memref<32xf32, #tpu.memory_space<vmem>>[vector<16xi32>], vector<16xf32>,
          %mul3A_1690 = arith.mulf %gather3A_1689, %mul3A_1253 : vector<16xf32>
          %add3A_1691 = arith.addf %add3A_1685, %mul3A_1690 : vector<16xf32>
          %add3A_1692 = arith.constant 960 : i32
          %add3A_1693 = arith.addi %mul3A_1511, %add3A_1692 : i32
          %gather3A_1694 = tpu.memref_slice %arg12[%add3A_1693] : memref<33792xf32, #tpu.memory_space<vmem>> -> memref<32xf32, #tpu.memory_space<vmem>>
          %gather3A_1695 = tpu.vector_load_idx %gather3A_1694[%gather3A_1063] : memref<32xf32, #tpu.memory_space<vmem>>[vector<16xi32>], vector<16xf32>,
          %mul3A_1696 = arith.mulf %gather3A_1695, %mul3A_1259 : vector<16xf32>
          %add3A_1697 = arith.addf %add3A_1691, %mul3A_1696 : vector<16xf32>
          %add3A_1698 = arith.constant 992 : i32
          %add3A_1699 = arith.addi %mul3A_1511, %add3A_1698 : i32
          %gather3A_1700 = tpu.memref_slice %arg12[%add3A_1699] : memref<33792xf32, #tpu.memory_space<vmem>> -> memref<32xf32, #tpu.memory_space<vmem>>
          %gather3A_1701 = tpu.vector_load_idx %gather3A_1700[%gather3A_1063] : memref<32xf32, #tpu.memory_space<vmem>>[vector<16xi32>], vector<16xf32>,
          %mul3A_1702 = arith.mulf %gather3A_1701, %mul3A_1265 : vector<16xf32>
          %add3A_1703 = arith.addf %add3A_1697, %mul3A_1702 : vector<16xf32>
          %add3A_1704 = arith.constant 1024 : i32
          %add3A_1705 = arith.addi %mul3A_1511, %add3A_1704 : i32
          %gather3A_1706 = tpu.memref_slice %arg12[%add3A_1705] : memref<33792xf32, #tpu.memory_space<vmem>> -> memref<32xf32, #tpu.memory_space<vmem>>
          %gather3A_1707 = tpu.vector_load_idx %gather3A_1706[%gather3A_1063] : memref<32xf32, #tpu.memory_space<vmem>>[vector<16xi32>], vector<16xf32>,
          %mul3A_1708 = arith.mulf %gather3A_1707, %gather3A_1272 : vector<16xf32>
          %add3A_1709 = arith.addf %add3A_1703, %mul3A_1708 : vector<16xf32>
          %mul3A_1710 = arith.constant 0.00999999977 : f32
          %mul3A_1711 = vector.broadcast %mul3A_1710 : f32 to vector<16xf32>
          %mul3A_1712 = arith.mulf %add3A_1709, %mul3A_1711 : vector<16xf32>
          %max3A_1713 = arith.maximumf %add3A_1709, %mul3A_1712 : vector<16xf32>
          %mul3A_1714 = arith.constant 32 : i32
          %mul3A_1715 = arith.muli %add3A_1505, %mul3A_1714 : i32
          %gather3A_1716 = tpu.memref_slice %arg14[%mul3A_1715] : memref<1024xf32, #tpu.memory_space<vmem>> -> memref<32xf32, #tpu.memory_space<vmem>>
          %gather3A_1717 = tpu.vector_load_idx %gather3A_1716[%gather3A_1063] : memref<32xf32, #tpu.memory_space<vmem>>[vector<16xi32>], vector<16xf32>,
          %mul3A_1718 = arith.mulf %gather3A_1717, %max3A_1713 : vector<16xf32>
          %add3A_1719 = arith.addf %add3A_1501, %mul3A_1718 : vector<16xf32>
          scf.yield %add3A_1719 : vector<16xf32>
        }
        %scan3A_1279 = arith.constant 16 : i32
        %ne3A_1280 = arith.cmpi ne, %gather3A_1063, %get3A_1065 : vector<16xi32>
        tpu.vector_store_idx %arg21[%add3A_1069], %scan3A_1278 masked %ne3A_1280 : memref<1024xf32, #tpu.memory_space<vmem>>[vector<16xi32>], vector<16xf32>, vector<16xi1>
        %add3A_1281 = arith.constant 1 : i32
        %add3A_1282 = arith.addi %scan3A_823, %add3A_1281 : i32
        scf.yield %add3A_1282 : i32
      }
      %scan3A_178 = arith.constant 32 : i32
      %iota3A_179 = tpu.iota {dimensions = array<i32: 0>} : vector<16xi32>
      %get3A_180 = arith.constant 0 : index
      %get3A_181 = tpu.vector_load %arg21[%get3A_180] {strides = array<i32>} : memref<1024xf32, #tpu.memory_space<vmem>>, vector<16xf32>,
      %mul3A_182 = arith.constant 32 : i32
      %mul3A_183 = vector.broadcast %mul3A_182 : i32 to vector<16xi32>
      %mul3A_184 = arith.muli %iota3A_179, %mul3A_183 : vector<16xi32>
      %add3A_185 = arith.constant 0 : i32
      %add3A_186 = vector.broadcast %add3A_185 : i32 to vector<16xi32>
      %add3A_187 = arith.addi %mul3A_184, %add3A_186 : vector<16xi32>
      %scatter3A = arith.constant 0 : i32
      %scatter3A_188 = tpu.memref_slice %arg22[%scatter3A] : memref<1024xf32, #tpu.memory_space<vmem>> -> memref<1024xf32, #tpu.memory_space<vmem>>
      tpu.vector_store_idx %scatter3A_188[%add3A_187], %get3A_181 : memref<1024xf32, #tpu.memory_space<vmem>>[vector<16xi32>], vector<16xf32>,
      %get3A_189 = arith.constant 32 : index
      %get3A_190 = tpu.vector_load %arg21[%get3A_189] {strides = array<i32>} : memref<1024xf32, #tpu.memory_space<vmem>>, vector<16xf32>,
      %mul3A_191 = arith.constant 32 : i32
      %mul3A_192 = vector.broadcast %mul3A_191 : i32 to vector<16xi32>
      %mul3A_193 = arith.muli %iota3A_179, %mul3A_192 : vector<16xi32>
      %add3A_194 = arith.constant 1 : i32
      %add3A_195 = vector.broadcast %add3A_194 : i32 to vector<16xi32>
      %add3A_196 = arith.addi %mul3A_193, %add3A_195 : vector<16xi32>
      %scatter3A_197 = arith.constant 0 : i32
      %scatter3A_198 = tpu.memref_slice %arg22[%scatter3A_197] : memref<1024xf32, #tpu.memory_space<vmem>> -> memref<1024xf32, #tpu.memory_space<vmem>>
      tpu.vector_store_idx %scatter3A_198[%add3A_196], %get3A_190 : memref<1024xf32, #tpu.memory_space<vmem>>[vector<16xi32>], vector<16xf32>,
      %get3A_199 = arith.constant 64 : index
      %get3A_200 = tpu.vector_load %arg21[%get3A_199] {strides = array<i32>} : memref<1024xf32, #tpu.memory_space<vmem>>, vector<16xf32>,
      %mul3A_201 = arith.constant 32 : i32
      %mul3A_202 = vector.broadcast %mul3A_201 : i32 to vector<16xi32>
      %mul3A_203 = arith.muli %iota3A_179, %mul3A_202 : vector<16xi32>
      %add3A_204 = arith.constant 2 : i32
      %add3A_205 = vector.broadcast %add3A_204 : i32 to vector<16xi32>
      %add3A_206 = arith.addi %mul3A_203, %add3A_205 : vector<16xi32>
      %scatter3A_207 = arith.constant 0 : i32
      %scatter3A_208 = tpu.memref_slice %arg22[%scatter3A_207] : memref<1024xf32, #tpu.memory_space<vmem>> -> memref<1024xf32, #tpu.memory_space<vmem>>
      tpu.vector_store_idx %scatter3A_208[%add3A_206], %get3A_200 : memref<1024xf32, #tpu.memory_space<vmem>>[vector<16xi32>], vector<16xf32>,
      %get3A_209 = arith.constant 96 : index
      %get3A_210 = tpu.vector_load %arg21[%get3A_209] {strides = array<i32>} : memref<1024xf32, #tpu.memory_space<vmem>>, vector<16xf32>,
      %mul3A_211 = arith.constant 32 : i32
      %mul3A_212 = vector.broadcast %mul3A_211 : i32 to vector<16xi32>
      %mul3A_213 = arith.muli %iota3A_179, %mul3A_212 : vector<16xi32>
      %add3A_214 = arith.constant 3 : i32
      %add3A_215 = vector.broadcast %add3A_214 : i32 to vector<16xi32>
      %add3A_216 = arith.addi %mul3A_213, %add3A_215 : vector<16xi32>
      %scatter3A_217 = arith.constant 0 : i32
      %scatter3A_218 = tpu.memref_slice %arg22[%scatter3A_217] : memref<1024xf32, #tpu.memory_space<vmem>> -> memref<1024xf32, #tpu.memory_space<vmem>>
      tpu.vector_store_idx %scatter3A_218[%add3A_216], %get3A_210 : memref<1024xf32, #tpu.memory_space<vmem>>[vector<16xi32>], vector<16xf32>,
      %get3A_219 = arith.constant 128 : index
      %get3A_220 = tpu.vector_load %arg21[%get3A_219] {strides = array<i32>} : memref<1024xf32, #tpu.memory_space<vmem>>, vector<16xf32>,
      %mul3A_221 = arith.constant 32 : i32
      %mul3A_222 = vector.broadcast %mul3A_221 : i32 to vector<16xi32>
      %mul3A_223 = arith.muli %iota3A_179, %mul3A_222 : vector<16xi32>
      %add3A_224 = arith.constant 4 : i32
      %add3A_225 = vector.broadcast %add3A_224 : i32 to vector<16xi32>
      %add3A_226 = arith.addi %mul3A_223, %add3A_225 : vector<16xi32>
      %scatter3A_227 = arith.constant 0 : i32
      %scatter3A_228 = tpu.memref_slice %arg22[%scatter3A_227] : memref<1024xf32, #tpu.memory_space<vmem>> -> memref<1024xf32, #tpu.memory_space<vmem>>
      tpu.vector_store_idx %scatter3A_228[%add3A_226], %get3A_220 : memref<1024xf32, #tpu.memory_space<vmem>>[vector<16xi32>], vector<16xf32>,
      %get3A_229 = arith.constant 160 : index
      %get3A_230 = tpu.vector_load %arg21[%get3A_229] {strides = array<i32>} : memref<1024xf32, #tpu.memory_space<vmem>>, vector<16xf32>,
      %mul3A_231 = arith.constant 32 : i32
      %mul3A_232 = vector.broadcast %mul3A_231 : i32 to vector<16xi32>
      %mul3A_233 = arith.muli %iota3A_179, %mul3A_232 : vector<16xi32>
      %add3A_234 = arith.constant 5 : i32
      %add3A_235 = vector.broadcast %add3A_234 : i32 to vector<16xi32>
      %add3A_236 = arith.addi %mul3A_233, %add3A_235 : vector<16xi32>
      %scatter3A_237 = arith.constant 0 : i32
      %scatter3A_238 = tpu.memref_slice %arg22[%scatter3A_237] : memref<1024xf32, #tpu.memory_space<vmem>> -> memref<1024xf32, #tpu.memory_space<vmem>>
      tpu.vector_store_idx %scatter3A_238[%add3A_236], %get3A_230 : memref<1024xf32, #tpu.memory_space<vmem>>[vector<16xi32>], vector<16xf32>,
      %get3A_239 = arith.constant 192 : index
      %get3A_240 = tpu.vector_load %arg21[%get3A_239] {strides = array<i32>} : memref<1024xf32, #tpu.memory_space<vmem>>, vector<16xf32>,
      %mul3A_241 = arith.constant 32 : i32
      %mul3A_242 = vector.broadcast %mul3A_241 : i32 to vector<16xi32>
      %mul3A_243 = arith.muli %iota3A_179, %mul3A_242 : vector<16xi32>
      %add3A_244 = arith.constant 6 : i32
      %add3A_245 = vector.broadcast %add3A_244 : i32 to vector<16xi32>
      %add3A_246 = arith.addi %mul3A_243, %add3A_245 : vector<16xi32>
      %scatter3A_247 = arith.constant 0 : i32
      %scatter3A_248 = tpu.memref_slice %arg22[%scatter3A_247] : memref<1024xf32, #tpu.memory_space<vmem>> -> memref<1024xf32, #tpu.memory_space<vmem>>
      tpu.vector_store_idx %scatter3A_248[%add3A_246], %get3A_240 : memref<1024xf32, #tpu.memory_space<vmem>>[vector<16xi32>], vector<16xf32>,
      %get3A_249 = arith.constant 224 : index
      %get3A_250 = tpu.vector_load %arg21[%get3A_249] {strides = array<i32>} : memref<1024xf32, #tpu.memory_space<vmem>>, vector<16xf32>,
      %mul3A_251 = arith.constant 32 : i32
      %mul3A_252 = vector.broadcast %mul3A_251 : i32 to vector<16xi32>
      %mul3A_253 = arith.muli %iota3A_179, %mul3A_252 : vector<16xi32>
      %add3A_254 = arith.constant 7 : i32
      %add3A_255 = vector.broadcast %add3A_254 : i32 to vector<16xi32>
      %add3A_256 = arith.addi %mul3A_253, %add3A_255 : vector<16xi32>
      %scatter3A_257 = arith.constant 0 : i32
      %scatter3A_258 = tpu.memref_slice %arg22[%scatter3A_257] : memref<1024xf32, #tpu.memory_space<vmem>> -> memref<1024xf32, #tpu.memory_space<vmem>>
      tpu.vector_store_idx %scatter3A_258[%add3A_256], %get3A_250 : memref<1024xf32, #tpu.memory_space<vmem>>[vector<16xi32>], vector<16xf32>,
      %get3A_259 = arith.constant 256 : index
      %get3A_260 = tpu.vector_load %arg21[%get3A_259] {strides = array<i32>} : memref<1024xf32, #tpu.memory_space<vmem>>, vector<16xf32>,
      %mul3A_261 = arith.constant 32 : i32
      %mul3A_262 = vector.broadcast %mul3A_261 : i32 to vector<16xi32>
      %mul3A_263 = arith.muli %iota3A_179, %mul3A_262 : vector<16xi32>
      %add3A_264 = arith.constant 8 : i32
      %add3A_265 = vector.broadcast %add3A_264 : i32 to vector<16xi32>
      %add3A_266 = arith.addi %mul3A_263, %add3A_265 : vector<16xi32>
      %scatter3A_267 = arith.constant 0 : i32
      %scatter3A_268 = tpu.memref_slice %arg22[%scatter3A_267] : memref<1024xf32, #tpu.memory_space<vmem>> -> memref<1024xf32, #tpu.memory_space<vmem>>
      tpu.vector_store_idx %scatter3A_268[%add3A_266], %get3A_260 : memref<1024xf32, #tpu.memory_space<vmem>>[vector<16xi32>], vector<16xf32>,
      %get3A_269 = arith.constant 288 : index
      %get3A_270 = tpu.vector_load %arg21[%get3A_269] {strides = array<i32>} : memref<1024xf32, #tpu.memory_space<vmem>>, vector<16xf32>,
      %mul3A_271 = arith.constant 32 : i32
      %mul3A_272 = vector.broadcast %mul3A_271 : i32 to vector<16xi32>
      %mul3A_273 = arith.muli %iota3A_179, %mul3A_272 : vector<16xi32>
      %add3A_274 = arith.constant 9 : i32
      %add3A_275 = vector.broadcast %add3A_274 : i32 to vector<16xi32>
      %add3A_276 = arith.addi %mul3A_273, %add3A_275 : vector<16xi32>
      %scatter3A_277 = arith.constant 0 : i32
      %scatter3A_278 = tpu.memref_slice %arg22[%scatter3A_277] : memref<1024xf32, #tpu.memory_space<vmem>> -> memref<1024xf32, #tpu.memory_space<vmem>>
      tpu.vector_store_idx %scatter3A_278[%add3A_276], %get3A_270 : memref<1024xf32, #tpu.memory_space<vmem>>[vector<16xi32>], vector<16xf32>,
      %get3A_279 = arith.constant 320 : index
      %get3A_280 = tpu.vector_load %arg21[%get3A_279] {strides = array<i32>} : memref<1024xf32, #tpu.memory_space<vmem>>, vector<16xf32>,
      %mul3A_281 = arith.constant 32 : i32
      %mul3A_282 = vector.broadcast %mul3A_281 : i32 to vector<16xi32>
      %mul3A_283 = arith.muli %iota3A_179, %mul3A_282 : vector<16xi32>
      %add3A_284 = arith.constant 10 : i32
      %add3A_285 = vector.broadcast %add3A_284 : i32 to vector<16xi32>
      %add3A_286 = arith.addi %mul3A_283, %add3A_285 : vector<16xi32>
      %scatter3A_287 = arith.constant 0 : i32
      %scatter3A_288 = tpu.memref_slice %arg22[%scatter3A_287] : memref<1024xf32, #tpu.memory_space<vmem>> -> memref<1024xf32, #tpu.memory_space<vmem>>
      tpu.vector_store_idx %scatter3A_288[%add3A_286], %get3A_280 : memref<1024xf32, #tpu.memory_space<vmem>>[vector<16xi32>], vector<16xf32>,
      %get3A_289 = arith.constant 352 : index
      %get3A_290 = tpu.vector_load %arg21[%get3A_289] {strides = array<i32>} : memref<1024xf32, #tpu.memory_space<vmem>>, vector<16xf32>,
      %mul3A_291 = arith.constant 32 : i32
      %mul3A_292 = vector.broadcast %mul3A_291 : i32 to vector<16xi32>
      %mul3A_293 = arith.muli %iota3A_179, %mul3A_292 : vector<16xi32>
      %add3A_294 = arith.constant 11 : i32
      %add3A_295 = vector.broadcast %add3A_294 : i32 to vector<16xi32>
      %add3A_296 = arith.addi %mul3A_293, %add3A_295 : vector<16xi32>
      %scatter3A_297 = arith.constant 0 : i32
      %scatter3A_298 = tpu.memref_slice %arg22[%scatter3A_297] : memref<1024xf32, #tpu.memory_space<vmem>> -> memref<1024xf32, #tpu.memory_space<vmem>>
      tpu.vector_store_idx %scatter3A_298[%add3A_296], %get3A_290 : memref<1024xf32, #tpu.memory_space<vmem>>[vector<16xi32>], vector<16xf32>,
      %get3A_299 = arith.constant 384 : index
      %get3A_300 = tpu.vector_load %arg21[%get3A_299] {strides = array<i32>} : memref<1024xf32, #tpu.memory_space<vmem>>, vector<16xf32>,
      %mul3A_301 = arith.constant 32 : i32
      %mul3A_302 = vector.broadcast %mul3A_301 : i32 to vector<16xi32>
      %mul3A_303 = arith.muli %iota3A_179, %mul3A_302 : vector<16xi32>
      %add3A_304 = arith.constant 12 : i32
      %add3A_305 = vector.broadcast %add3A_304 : i32 to vector<16xi32>
      %add3A_306 = arith.addi %mul3A_303, %add3A_305 : vector<16xi32>
      %scatter3A_307 = arith.constant 0 : i32
      %scatter3A_308 = tpu.memref_slice %arg22[%scatter3A_307] : memref<1024xf32, #tpu.memory_space<vmem>> -> memref<1024xf32, #tpu.memory_space<vmem>>
      tpu.vector_store_idx %scatter3A_308[%add3A_306], %get3A_300 : memref<1024xf32, #tpu.memory_space<vmem>>[vector<16xi32>], vector<16xf32>,
      %get3A_309 = arith.constant 416 : index
      %get3A_310 = tpu.vector_load %arg21[%get3A_309] {strides = array<i32>} : memref<1024xf32, #tpu.memory_space<vmem>>, vector<16xf32>,
      %mul3A_311 = arith.constant 32 : i32
      %mul3A_312 = vector.broadcast %mul3A_311 : i32 to vector<16xi32>
      %mul3A_313 = arith.muli %iota3A_179, %mul3A_312 : vector<16xi32>
      %add3A_314 = arith.constant 13 : i32
      %add3A_315 = vector.broadcast %add3A_314 : i32 to vector<16xi32>
      %add3A_316 = arith.addi %mul3A_313, %add3A_315 : vector<16xi32>
      %scatter3A_317 = arith.constant 0 : i32
      %scatter3A_318 = tpu.memref_slice %arg22[%scatter3A_317] : memref<1024xf32, #tpu.memory_space<vmem>> -> memref<1024xf32, #tpu.memory_space<vmem>>
      tpu.vector_store_idx %scatter3A_318[%add3A_316], %get3A_310 : memref<1024xf32, #tpu.memory_space<vmem>>[vector<16xi32>], vector<16xf32>,
      %get3A_319 = arith.constant 448 : index
      %get3A_320 = tpu.vector_load %arg21[%get3A_319] {strides = array<i32>} : memref<1024xf32, #tpu.memory_space<vmem>>, vector<16xf32>,
      %mul3A_321 = arith.constant 32 : i32
      %mul3A_322 = vector.broadcast %mul3A_321 : i32 to vector<16xi32>
      %mul3A_323 = arith.muli %iota3A_179, %mul3A_322 : vector<16xi32>
      %add3A_324 = arith.constant 14 : i32
      %add3A_325 = vector.broadcast %add3A_324 : i32 to vector<16xi32>
      %add3A_326 = arith.addi %mul3A_323, %add3A_325 : vector<16xi32>
      %scatter3A_327 = arith.constant 0 : i32
      %scatter3A_328 = tpu.memref_slice %arg22[%scatter3A_327] : memref<1024xf32, #tpu.memory_space<vmem>> -> memref<1024xf32, #tpu.memory_space<vmem>>
      tpu.vector_store_idx %scatter3A_328[%add3A_326], %get3A_320 : memref<1024xf32, #tpu.memory_space<vmem>>[vector<16xi32>], vector<16xf32>,
      %get3A_329 = arith.constant 480 : index
      %get3A_330 = tpu.vector_load %arg21[%get3A_329] {strides = array<i32>} : memref<1024xf32, #tpu.memory_space<vmem>>, vector<16xf32>,
      %mul3A_331 = arith.constant 32 : i32
      %mul3A_332 = vector.broadcast %mul3A_331 : i32 to vector<16xi32>
      %mul3A_333 = arith.muli %iota3A_179, %mul3A_332 : vector<16xi32>
      %add3A_334 = arith.constant 15 : i32
      %add3A_335 = vector.broadcast %add3A_334 : i32 to vector<16xi32>
      %add3A_336 = arith.addi %mul3A_333, %add3A_335 : vector<16xi32>
      %scatter3A_337 = arith.constant 0 : i32
      %scatter3A_338 = tpu.memref_slice %arg22[%scatter3A_337] : memref<1024xf32, #tpu.memory_space<vmem>> -> memref<1024xf32, #tpu.memory_space<vmem>>
      tpu.vector_store_idx %scatter3A_338[%add3A_336], %get3A_330 : memref<1024xf32, #tpu.memory_space<vmem>>[vector<16xi32>], vector<16xf32>,
      %get3A_339 = arith.constant 512 : index
      %get3A_340 = tpu.vector_load %arg21[%get3A_339] {strides = array<i32>} : memref<1024xf32, #tpu.memory_space<vmem>>, vector<16xf32>,
      %mul3A_341 = arith.constant 32 : i32
      %mul3A_342 = vector.broadcast %mul3A_341 : i32 to vector<16xi32>
      %mul3A_343 = arith.muli %iota3A_179, %mul3A_342 : vector<16xi32>
      %add3A_344 = arith.constant 16 : i32
      %add3A_345 = vector.broadcast %add3A_344 : i32 to vector<16xi32>
      %add3A_346 = arith.addi %mul3A_343, %add3A_345 : vector<16xi32>
      %scatter3A_347 = arith.constant 0 : i32
      %scatter3A_348 = tpu.memref_slice %arg22[%scatter3A_347] : memref<1024xf32, #tpu.memory_space<vmem>> -> memref<1024xf32, #tpu.memory_space<vmem>>
      tpu.vector_store_idx %scatter3A_348[%add3A_346], %get3A_340 : memref<1024xf32, #tpu.memory_space<vmem>>[vector<16xi32>], vector<16xf32>,
      %get3A_349 = arith.constant 544 : index
      %get3A_350 = tpu.vector_load %arg21[%get3A_349] {strides = array<i32>} : memref<1024xf32, #tpu.memory_space<vmem>>, vector<16xf32>,
      %mul3A_351 = arith.constant 32 : i32
      %mul3A_352 = vector.broadcast %mul3A_351 : i32 to vector<16xi32>
      %mul3A_353 = arith.muli %iota3A_179, %mul3A_352 : vector<16xi32>
      %add3A_354 = arith.constant 17 : i32
      %add3A_355 = vector.broadcast %add3A_354 : i32 to vector<16xi32>
      %add3A_356 = arith.addi %mul3A_353, %add3A_355 : vector<16xi32>
      %scatter3A_357 = arith.constant 0 : i32
      %scatter3A_358 = tpu.memref_slice %arg22[%scatter3A_357] : memref<1024xf32, #tpu.memory_space<vmem>> -> memref<1024xf32, #tpu.memory_space<vmem>>
      tpu.vector_store_idx %scatter3A_358[%add3A_356], %get3A_350 : memref<1024xf32, #tpu.memory_space<vmem>>[vector<16xi32>], vector<16xf32>,
      %get3A_359 = arith.constant 576 : index
      %get3A_360 = tpu.vector_load %arg21[%get3A_359] {strides = array<i32>} : memref<1024xf32, #tpu.memory_space<vmem>>, vector<16xf32>,
      %mul3A_361 = arith.constant 32 : i32
      %mul3A_362 = vector.broadcast %mul3A_361 : i32 to vector<16xi32>
      %mul3A_363 = arith.muli %iota3A_179, %mul3A_362 : vector<16xi32>
      %add3A_364 = arith.constant 18 : i32
      %add3A_365 = vector.broadcast %add3A_364 : i32 to vector<16xi32>
      %add3A_366 = arith.addi %mul3A_363, %add3A_365 : vector<16xi32>
      %scatter3A_367 = arith.constant 0 : i32
      %scatter3A_368 = tpu.memref_slice %arg22[%scatter3A_367] : memref<1024xf32, #tpu.memory_space<vmem>> -> memref<1024xf32, #tpu.memory_space<vmem>>
      tpu.vector_store_idx %scatter3A_368[%add3A_366], %get3A_360 : memref<1024xf32, #tpu.memory_space<vmem>>[vector<16xi32>], vector<16xf32>,
      %get3A_369 = arith.constant 608 : index
      %get3A_370 = tpu.vector_load %arg21[%get3A_369] {strides = array<i32>} : memref<1024xf32, #tpu.memory_space<vmem>>, vector<16xf32>,
      %mul3A_371 = arith.constant 32 : i32
      %mul3A_372 = vector.broadcast %mul3A_371 : i32 to vector<16xi32>
      %mul3A_373 = arith.muli %iota3A_179, %mul3A_372 : vector<16xi32>
      %add3A_374 = arith.constant 19 : i32
      %add3A_375 = vector.broadcast %add3A_374 : i32 to vector<16xi32>
      %add3A_376 = arith.addi %mul3A_373, %add3A_375 : vector<16xi32>
      %scatter3A_377 = arith.constant 0 : i32
      %scatter3A_378 = tpu.memref_slice %arg22[%scatter3A_377] : memref<1024xf32, #tpu.memory_space<vmem>> -> memref<1024xf32, #tpu.memory_space<vmem>>
      tpu.vector_store_idx %scatter3A_378[%add3A_376], %get3A_370 : memref<1024xf32, #tpu.memory_space<vmem>>[vector<16xi32>], vector<16xf32>,
      %get3A_379 = arith.constant 640 : index
      %get3A_380 = tpu.vector_load %arg21[%get3A_379] {strides = array<i32>} : memref<1024xf32, #tpu.memory_space<vmem>>, vector<16xf32>,
      %mul3A_381 = arith.constant 32 : i32
      %mul3A_382 = vector.broadcast %mul3A_381 : i32 to vector<16xi32>
      %mul3A_383 = arith.muli %iota3A_179, %mul3A_382 : vector<16xi32>
      %add3A_384 = arith.constant 20 : i32
      %add3A_385 = vector.broadcast %add3A_384 : i32 to vector<16xi32>
      %add3A_386 = arith.addi %mul3A_383, %add3A_385 : vector<16xi32>
      %scatter3A_387 = arith.constant 0 : i32
      %scatter3A_388 = tpu.memref_slice %arg22[%scatter3A_387] : memref<1024xf32, #tpu.memory_space<vmem>> -> memref<1024xf32, #tpu.memory_space<vmem>>
      tpu.vector_store_idx %scatter3A_388[%add3A_386], %get3A_380 : memref<1024xf32, #tpu.memory_space<vmem>>[vector<16xi32>], vector<16xf32>,
      %get3A_389 = arith.constant 672 : index
      %get3A_390 = tpu.vector_load %arg21[%get3A_389] {strides = array<i32>} : memref<1024xf32, #tpu.memory_space<vmem>>, vector<16xf32>,
      %mul3A_391 = arith.constant 32 : i32
      %mul3A_392 = vector.broadcast %mul3A_391 : i32 to vector<16xi32>
      %mul3A_393 = arith.muli %iota3A_179, %mul3A_392 : vector<16xi32>
      %add3A_394 = arith.constant 21 : i32
      %add3A_395 = vector.broadcast %add3A_394 : i32 to vector<16xi32>
      %add3A_396 = arith.addi %mul3A_393, %add3A_395 : vector<16xi32>
      %scatter3A_397 = arith.constant 0 : i32
      %scatter3A_398 = tpu.memref_slice %arg22[%scatter3A_397] : memref<1024xf32, #tpu.memory_space<vmem>> -> memref<1024xf32, #tpu.memory_space<vmem>>
      tpu.vector_store_idx %scatter3A_398[%add3A_396], %get3A_390 : memref<1024xf32, #tpu.memory_space<vmem>>[vector<16xi32>], vector<16xf32>,
      %get3A_399 = arith.constant 704 : index
      %get3A_400 = tpu.vector_load %arg21[%get3A_399] {strides = array<i32>} : memref<1024xf32, #tpu.memory_space<vmem>>, vector<16xf32>,
      %mul3A_401 = arith.constant 32 : i32
      %mul3A_402 = vector.broadcast %mul3A_401 : i32 to vector<16xi32>
      %mul3A_403 = arith.muli %iota3A_179, %mul3A_402 : vector<16xi32>
      %add3A_404 = arith.constant 22 : i32
      %add3A_405 = vector.broadcast %add3A_404 : i32 to vector<16xi32>
      %add3A_406 = arith.addi %mul3A_403, %add3A_405 : vector<16xi32>
      %scatter3A_407 = arith.constant 0 : i32
      %scatter3A_408 = tpu.memref_slice %arg22[%scatter3A_407] : memref<1024xf32, #tpu.memory_space<vmem>> -> memref<1024xf32, #tpu.memory_space<vmem>>
      tpu.vector_store_idx %scatter3A_408[%add3A_406], %get3A_400 : memref<1024xf32, #tpu.memory_space<vmem>>[vector<16xi32>], vector<16xf32>,
      %get3A_409 = arith.constant 736 : index
      %get3A_410 = tpu.vector_load %arg21[%get3A_409] {strides = array<i32>} : memref<1024xf32, #tpu.memory_space<vmem>>, vector<16xf32>,
      %mul3A_411 = arith.constant 32 : i32
      %mul3A_412 = vector.broadcast %mul3A_411 : i32 to vector<16xi32>
      %mul3A_413 = arith.muli %iota3A_179, %mul3A_412 : vector<16xi32>
      %add3A_414 = arith.constant 23 : i32
      %add3A_415 = vector.broadcast %add3A_414 : i32 to vector<16xi32>
      %add3A_416 = arith.addi %mul3A_413, %add3A_415 : vector<16xi32>
      %scatter3A_417 = arith.constant 0 : i32
      %scatter3A_418 = tpu.memref_slice %arg22[%scatter3A_417] : memref<1024xf32, #tpu.memory_space<vmem>> -> memref<1024xf32, #tpu.memory_space<vmem>>
      tpu.vector_store_idx %scatter3A_418[%add3A_416], %get3A_410 : memref<1024xf32, #tpu.memory_space<vmem>>[vector<16xi32>], vector<16xf32>,
      %get3A_419 = arith.constant 768 : index
      %get3A_420 = tpu.vector_load %arg21[%get3A_419] {strides = array<i32>} : memref<1024xf32, #tpu.memory_space<vmem>>, vector<16xf32>,
      %mul3A_421 = arith.constant 32 : i32
      %mul3A_422 = vector.broadcast %mul3A_421 : i32 to vector<16xi32>
      %mul3A_423 = arith.muli %iota3A_179, %mul3A_422 : vector<16xi32>
      %add3A_424 = arith.constant 24 : i32
      %add3A_425 = vector.broadcast %add3A_424 : i32 to vector<16xi32>
      %add3A_426 = arith.addi %mul3A_423, %add3A_425 : vector<16xi32>
      %scatter3A_427 = arith.constant 0 : i32
      %scatter3A_428 = tpu.memref_slice %arg22[%scatter3A_427] : memref<1024xf32, #tpu.memory_space<vmem>> -> memref<1024xf32, #tpu.memory_space<vmem>>
      tpu.vector_store_idx %scatter3A_428[%add3A_426], %get3A_420 : memref<1024xf32, #tpu.memory_space<vmem>>[vector<16xi32>], vector<16xf32>,
      %get3A_429 = arith.constant 800 : index
      %get3A_430 = tpu.vector_load %arg21[%get3A_429] {strides = array<i32>} : memref<1024xf32, #tpu.memory_space<vmem>>, vector<16xf32>,
      %mul3A_431 = arith.constant 32 : i32
      %mul3A_432 = vector.broadcast %mul3A_431 : i32 to vector<16xi32>
      %mul3A_433 = arith.muli %iota3A_179, %mul3A_432 : vector<16xi32>
      %add3A_434 = arith.constant 25 : i32
      %add3A_435 = vector.broadcast %add3A_434 : i32 to vector<16xi32>
      %add3A_436 = arith.addi %mul3A_433, %add3A_435 : vector<16xi32>
      %scatter3A_437 = arith.constant 0 : i32
      %scatter3A_438 = tpu.memref_slice %arg22[%scatter3A_437] : memref<1024xf32, #tpu.memory_space<vmem>> -> memref<1024xf32, #tpu.memory_space<vmem>>
      tpu.vector_store_idx %scatter3A_438[%add3A_436], %get3A_430 : memref<1024xf32, #tpu.memory_space<vmem>>[vector<16xi32>], vector<16xf32>,
      %get3A_439 = arith.constant 832 : index
      %get3A_440 = tpu.vector_load %arg21[%get3A_439] {strides = array<i32>} : memref<1024xf32, #tpu.memory_space<vmem>>, vector<16xf32>,
      %mul3A_441 = arith.constant 32 : i32
      %mul3A_442 = vector.broadcast %mul3A_441 : i32 to vector<16xi32>
      %mul3A_443 = arith.muli %iota3A_179, %mul3A_442 : vector<16xi32>
      %add3A_444 = arith.constant 26 : i32
      %add3A_445 = vector.broadcast %add3A_444 : i32 to vector<16xi32>
      %add3A_446 = arith.addi %mul3A_443, %add3A_445 : vector<16xi32>
      %scatter3A_447 = arith.constant 0 : i32
      %scatter3A_448 = tpu.memref_slice %arg22[%scatter3A_447] : memref<1024xf32, #tpu.memory_space<vmem>> -> memref<1024xf32, #tpu.memory_space<vmem>>
      tpu.vector_store_idx %scatter3A_448[%add3A_446], %get3A_440 : memref<1024xf32, #tpu.memory_space<vmem>>[vector<16xi32>], vector<16xf32>,
      %get3A_449 = arith.constant 864 : index
      %get3A_450 = tpu.vector_load %arg21[%get3A_449] {strides = array<i32>} : memref<1024xf32, #tpu.memory_space<vmem>>, vector<16xf32>,
      %mul3A_451 = arith.constant 32 : i32
      %mul3A_452 = vector.broadcast %mul3A_451 : i32 to vector<16xi32>
      %mul3A_453 = arith.muli %iota3A_179, %mul3A_452 : vector<16xi32>
      %add3A_454 = arith.constant 27 : i32
      %add3A_455 = vector.broadcast %add3A_454 : i32 to vector<16xi32>
      %add3A_456 = arith.addi %mul3A_453, %add3A_455 : vector<16xi32>
      %scatter3A_457 = arith.constant 0 : i32
      %scatter3A_458 = tpu.memref_slice %arg22[%scatter3A_457] : memref<1024xf32, #tpu.memory_space<vmem>> -> memref<1024xf32, #tpu.memory_space<vmem>>
      tpu.vector_store_idx %scatter3A_458[%add3A_456], %get3A_450 : memref<1024xf32, #tpu.memory_space<vmem>>[vector<16xi32>], vector<16xf32>,
      %get3A_459 = arith.constant 896 : index
      %get3A_460 = tpu.vector_load %arg21[%get3A_459] {strides = array<i32>} : memref<1024xf32, #tpu.memory_space<vmem>>, vector<16xf32>,
      %mul3A_461 = arith.constant 32 : i32
      %mul3A_462 = vector.broadcast %mul3A_461 : i32 to vector<16xi32>
      %mul3A_463 = arith.muli %iota3A_179, %mul3A_462 : vector<16xi32>
      %add3A_464 = arith.constant 28 : i32
      %add3A_465 = vector.broadcast %add3A_464 : i32 to vector<16xi32>
      %add3A_466 = arith.addi %mul3A_463, %add3A_465 : vector<16xi32>
      %scatter3A_467 = arith.constant 0 : i32
      %scatter3A_468 = tpu.memref_slice %arg22[%scatter3A_467] : memref<1024xf32, #tpu.memory_space<vmem>> -> memref<1024xf32, #tpu.memory_space<vmem>>
      tpu.vector_store_idx %scatter3A_468[%add3A_466], %get3A_460 : memref<1024xf32, #tpu.memory_space<vmem>>[vector<16xi32>], vector<16xf32>,
      %get3A_469 = arith.constant 928 : index
      %get3A_470 = tpu.vector_load %arg21[%get3A_469] {strides = array<i32>} : memref<1024xf32, #tpu.memory_space<vmem>>, vector<16xf32>,
      %mul3A_471 = arith.constant 32 : i32
      %mul3A_472 = vector.broadcast %mul3A_471 : i32 to vector<16xi32>
      %mul3A_473 = arith.muli %iota3A_179, %mul3A_472 : vector<16xi32>
      %add3A_474 = arith.constant 29 : i32
      %add3A_475 = vector.broadcast %add3A_474 : i32 to vector<16xi32>
      %add3A_476 = arith.addi %mul3A_473, %add3A_475 : vector<16xi32>
      %scatter3A_477 = arith.constant 0 : i32
      %scatter3A_478 = tpu.memref_slice %arg22[%scatter3A_477] : memref<1024xf32, #tpu.memory_space<vmem>> -> memref<1024xf32, #tpu.memory_space<vmem>>
      tpu.vector_store_idx %scatter3A_478[%add3A_476], %get3A_470 : memref<1024xf32, #tpu.memory_space<vmem>>[vector<16xi32>], vector<16xf32>,
      %get3A_479 = arith.constant 960 : index
      %get3A_480 = tpu.vector_load %arg21[%get3A_479] {strides = array<i32>} : memref<1024xf32, #tpu.memory_space<vmem>>, vector<16xf32>,
      %mul3A_481 = arith.constant 32 : i32
      %mul3A_482 = vector.broadcast %mul3A_481 : i32 to vector<16xi32>
      %mul3A_483 = arith.muli %iota3A_179, %mul3A_482 : vector<16xi32>
      %add3A_484 = arith.constant 30 : i32
      %add3A_485 = vector.broadcast %add3A_484 : i32 to vector<16xi32>
      %add3A_486 = arith.addi %mul3A_483, %add3A_485 : vector<16xi32>
      %scatter3A_487 = arith.constant 0 : i32
      %scatter3A_488 = tpu.memref_slice %arg22[%scatter3A_487] : memref<1024xf32, #tpu.memory_space<vmem>> -> memref<1024xf32, #tpu.memory_space<vmem>>
      tpu.vector_store_idx %scatter3A_488[%add3A_486], %get3A_480 : memref<1024xf32, #tpu.memory_space<vmem>>[vector<16xi32>], vector<16xf32>,
      %get3A_489 = arith.constant 992 : index
      %get3A_490 = tpu.vector_load %arg21[%get3A_489] {strides = array<i32>} : memref<1024xf32, #tpu.memory_space<vmem>>, vector<16xf32>,
      %mul3A_491 = arith.constant 32 : i32
      %mul3A_492 = vector.broadcast %mul3A_491 : i32 to vector<16xi32>
      %mul3A_493 = arith.muli %iota3A_179, %mul3A_492 : vector<16xi32>
      %add3A_494 = arith.constant 31 : i32
      %add3A_495 = vector.broadcast %add3A_494 : i32 to vector<16xi32>
      %add3A_496 = arith.addi %mul3A_493, %add3A_495 : vector<16xi32>
      %scatter3A_497 = arith.constant 0 : i32
      %scatter3A_498 = tpu.memref_slice %arg22[%scatter3A_497] : memref<1024xf32, #tpu.memory_space<vmem>> -> memref<1024xf32, #tpu.memory_space<vmem>>
      tpu.vector_store_idx %scatter3A_498[%add3A_496], %get3A_490 : memref<1024xf32, #tpu.memory_space<vmem>>[vector<16xi32>], vector<16xf32>,
      %get3A_499 = arith.constant 16 : index
      %get3A_500 = tpu.vector_load %arg21[%get3A_499] {strides = array<i32>} : memref<1024xf32, #tpu.memory_space<vmem>>, vector<16xf32>,
      %mul3A_501 = arith.constant 32 : i32
      %mul3A_502 = vector.broadcast %mul3A_501 : i32 to vector<16xi32>
      %mul3A_503 = arith.muli %iota3A_179, %mul3A_502 : vector<16xi32>
      %add3A_504 = arith.constant 0 : i32
      %add3A_505 = vector.broadcast %add3A_504 : i32 to vector<16xi32>
      %add3A_506 = arith.addi %mul3A_503, %add3A_505 : vector<16xi32>
      %scatter3A_507 = arith.constant 512 : i32
      %scatter3A_508 = tpu.memref_slice %arg22[%scatter3A_507] : memref<1024xf32, #tpu.memory_space<vmem>> -> memref<512xf32, #tpu.memory_space<vmem>>
      tpu.vector_store_idx %scatter3A_508[%add3A_506], %get3A_500 : memref<512xf32, #tpu.memory_space<vmem>>[vector<16xi32>], vector<16xf32>,
      %get3A_509 = arith.constant 48 : index
      %get3A_510 = tpu.vector_load %arg21[%get3A_509] {strides = array<i32>} : memref<1024xf32, #tpu.memory_space<vmem>>, vector<16xf32>,
      %mul3A_511 = arith.constant 32 : i32
      %mul3A_512 = vector.broadcast %mul3A_511 : i32 to vector<16xi32>
      %mul3A_513 = arith.muli %iota3A_179, %mul3A_512 : vector<16xi32>
      %add3A_514 = arith.constant 1 : i32
      %add3A_515 = vector.broadcast %add3A_514 : i32 to vector<16xi32>
      %add3A_516 = arith.addi %mul3A_513, %add3A_515 : vector<16xi32>
      %scatter3A_517 = arith.constant 512 : i32
      %scatter3A_518 = tpu.memref_slice %arg22[%scatter3A_517] : memref<1024xf32, #tpu.memory_space<vmem>> -> memref<512xf32, #tpu.memory_space<vmem>>
      tpu.vector_store_idx %scatter3A_518[%add3A_516], %get3A_510 : memref<512xf32, #tpu.memory_space<vmem>>[vector<16xi32>], vector<16xf32>,
      %get3A_519 = arith.constant 80 : index
      %get3A_520 = tpu.vector_load %arg21[%get3A_519] {strides = array<i32>} : memref<1024xf32, #tpu.memory_space<vmem>>, vector<16xf32>,
      %mul3A_521 = arith.constant 32 : i32
      %mul3A_522 = vector.broadcast %mul3A_521 : i32 to vector<16xi32>
      %mul3A_523 = arith.muli %iota3A_179, %mul3A_522 : vector<16xi32>
      %add3A_524 = arith.constant 2 : i32
      %add3A_525 = vector.broadcast %add3A_524 : i32 to vector<16xi32>
      %add3A_526 = arith.addi %mul3A_523, %add3A_525 : vector<16xi32>
      %scatter3A_527 = arith.constant 512 : i32
      %scatter3A_528 = tpu.memref_slice %arg22[%scatter3A_527] : memref<1024xf32, #tpu.memory_space<vmem>> -> memref<512xf32, #tpu.memory_space<vmem>>
      tpu.vector_store_idx %scatter3A_528[%add3A_526], %get3A_520 : memref<512xf32, #tpu.memory_space<vmem>>[vector<16xi32>], vector<16xf32>,
      %get3A_529 = arith.constant 112 : index
      %get3A_530 = tpu.vector_load %arg21[%get3A_529] {strides = array<i32>} : memref<1024xf32, #tpu.memory_space<vmem>>, vector<16xf32>,
      %mul3A_531 = arith.constant 32 : i32
      %mul3A_532 = vector.broadcast %mul3A_531 : i32 to vector<16xi32>
      %mul3A_533 = arith.muli %iota3A_179, %mul3A_532 : vector<16xi32>
      %add3A_534 = arith.constant 3 : i32
      %add3A_535 = vector.broadcast %add3A_534 : i32 to vector<16xi32>
      %add3A_536 = arith.addi %mul3A_533, %add3A_535 : vector<16xi32>
      %scatter3A_537 = arith.constant 512 : i32
      %scatter3A_538 = tpu.memref_slice %arg22[%scatter3A_537] : memref<1024xf32, #tpu.memory_space<vmem>> -> memref<512xf32, #tpu.memory_space<vmem>>
      tpu.vector_store_idx %scatter3A_538[%add3A_536], %get3A_530 : memref<512xf32, #tpu.memory_space<vmem>>[vector<16xi32>], vector<16xf32>,
      %get3A_539 = arith.constant 144 : index
      %get3A_540 = tpu.vector_load %arg21[%get3A_539] {strides = array<i32>} : memref<1024xf32, #tpu.memory_space<vmem>>, vector<16xf32>,
      %mul3A_541 = arith.constant 32 : i32
      %mul3A_542 = vector.broadcast %mul3A_541 : i32 to vector<16xi32>
      %mul3A_543 = arith.muli %iota3A_179, %mul3A_542 : vector<16xi32>
      %add3A_544 = arith.constant 4 : i32
      %add3A_545 = vector.broadcast %add3A_544 : i32 to vector<16xi32>
      %add3A_546 = arith.addi %mul3A_543, %add3A_545 : vector<16xi32>
      %scatter3A_547 = arith.constant 512 : i32
      %scatter3A_548 = tpu.memref_slice %arg22[%scatter3A_547] : memref<1024xf32, #tpu.memory_space<vmem>> -> memref<512xf32, #tpu.memory_space<vmem>>
      tpu.vector_store_idx %scatter3A_548[%add3A_546], %get3A_540 : memref<512xf32, #tpu.memory_space<vmem>>[vector<16xi32>], vector<16xf32>,
      %get3A_549 = arith.constant 176 : index
      %get3A_550 = tpu.vector_load %arg21[%get3A_549] {strides = array<i32>} : memref<1024xf32, #tpu.memory_space<vmem>>, vector<16xf32>,
      %mul3A_551 = arith.constant 32 : i32
      %mul3A_552 = vector.broadcast %mul3A_551 : i32 to vector<16xi32>
      %mul3A_553 = arith.muli %iota3A_179, %mul3A_552 : vector<16xi32>
      %add3A_554 = arith.constant 5 : i32
      %add3A_555 = vector.broadcast %add3A_554 : i32 to vector<16xi32>
      %add3A_556 = arith.addi %mul3A_553, %add3A_555 : vector<16xi32>
      %scatter3A_557 = arith.constant 512 : i32
      %scatter3A_558 = tpu.memref_slice %arg22[%scatter3A_557] : memref<1024xf32, #tpu.memory_space<vmem>> -> memref<512xf32, #tpu.memory_space<vmem>>
      tpu.vector_store_idx %scatter3A_558[%add3A_556], %get3A_550 : memref<512xf32, #tpu.memory_space<vmem>>[vector<16xi32>], vector<16xf32>,
      %get3A_559 = arith.constant 208 : index
      %get3A_560 = tpu.vector_load %arg21[%get3A_559] {strides = array<i32>} : memref<1024xf32, #tpu.memory_space<vmem>>, vector<16xf32>,
      %mul3A_561 = arith.constant 32 : i32
      %mul3A_562 = vector.broadcast %mul3A_561 : i32 to vector<16xi32>
      %mul3A_563 = arith.muli %iota3A_179, %mul3A_562 : vector<16xi32>
      %add3A_564 = arith.constant 6 : i32
      %add3A_565 = vector.broadcast %add3A_564 : i32 to vector<16xi32>
      %add3A_566 = arith.addi %mul3A_563, %add3A_565 : vector<16xi32>
      %scatter3A_567 = arith.constant 512 : i32
      %scatter3A_568 = tpu.memref_slice %arg22[%scatter3A_567] : memref<1024xf32, #tpu.memory_space<vmem>> -> memref<512xf32, #tpu.memory_space<vmem>>
      tpu.vector_store_idx %scatter3A_568[%add3A_566], %get3A_560 : memref<512xf32, #tpu.memory_space<vmem>>[vector<16xi32>], vector<16xf32>,
      %get3A_569 = arith.constant 240 : index
      %get3A_570 = tpu.vector_load %arg21[%get3A_569] {strides = array<i32>} : memref<1024xf32, #tpu.memory_space<vmem>>, vector<16xf32>,
      %mul3A_571 = arith.constant 32 : i32
      %mul3A_572 = vector.broadcast %mul3A_571 : i32 to vector<16xi32>
      %mul3A_573 = arith.muli %iota3A_179, %mul3A_572 : vector<16xi32>
      %add3A_574 = arith.constant 7 : i32
      %add3A_575 = vector.broadcast %add3A_574 : i32 to vector<16xi32>
      %add3A_576 = arith.addi %mul3A_573, %add3A_575 : vector<16xi32>
      %scatter3A_577 = arith.constant 512 : i32
      %scatter3A_578 = tpu.memref_slice %arg22[%scatter3A_577] : memref<1024xf32, #tpu.memory_space<vmem>> -> memref<512xf32, #tpu.memory_space<vmem>>
      tpu.vector_store_idx %scatter3A_578[%add3A_576], %get3A_570 : memref<512xf32, #tpu.memory_space<vmem>>[vector<16xi32>], vector<16xf32>,
      %get3A_579 = arith.constant 272 : index
      %get3A_580 = tpu.vector_load %arg21[%get3A_579] {strides = array<i32>} : memref<1024xf32, #tpu.memory_space<vmem>>, vector<16xf32>,
      %mul3A_581 = arith.constant 32 : i32
      %mul3A_582 = vector.broadcast %mul3A_581 : i32 to vector<16xi32>
      %mul3A_583 = arith.muli %iota3A_179, %mul3A_582 : vector<16xi32>
      %add3A_584 = arith.constant 8 : i32
      %add3A_585 = vector.broadcast %add3A_584 : i32 to vector<16xi32>
      %add3A_586 = arith.addi %mul3A_583, %add3A_585 : vector<16xi32>
      %scatter3A_587 = arith.constant 512 : i32
      %scatter3A_588 = tpu.memref_slice %arg22[%scatter3A_587] : memref<1024xf32, #tpu.memory_space<vmem>> -> memref<512xf32, #tpu.memory_space<vmem>>
      tpu.vector_store_idx %scatter3A_588[%add3A_586], %get3A_580 : memref<512xf32, #tpu.memory_space<vmem>>[vector<16xi32>], vector<16xf32>,
      %get3A_589 = arith.constant 304 : index
      %get3A_590 = tpu.vector_load %arg21[%get3A_589] {strides = array<i32>} : memref<1024xf32, #tpu.memory_space<vmem>>, vector<16xf32>,
      %mul3A_591 = arith.constant 32 : i32
      %mul3A_592 = vector.broadcast %mul3A_591 : i32 to vector<16xi32>
      %mul3A_593 = arith.muli %iota3A_179, %mul3A_592 : vector<16xi32>
      %add3A_594 = arith.constant 9 : i32
      %add3A_595 = vector.broadcast %add3A_594 : i32 to vector<16xi32>
      %add3A_596 = arith.addi %mul3A_593, %add3A_595 : vector<16xi32>
      %scatter3A_597 = arith.constant 512 : i32
      %scatter3A_598 = tpu.memref_slice %arg22[%scatter3A_597] : memref<1024xf32, #tpu.memory_space<vmem>> -> memref<512xf32, #tpu.memory_space<vmem>>
      tpu.vector_store_idx %scatter3A_598[%add3A_596], %get3A_590 : memref<512xf32, #tpu.memory_space<vmem>>[vector<16xi32>], vector<16xf32>,
      %get3A_599 = arith.constant 336 : index
      %get3A_600 = tpu.vector_load %arg21[%get3A_599] {strides = array<i32>} : memref<1024xf32, #tpu.memory_space<vmem>>, vector<16xf32>,
      %mul3A_601 = arith.constant 32 : i32
      %mul3A_602 = vector.broadcast %mul3A_601 : i32 to vector<16xi32>
      %mul3A_603 = arith.muli %iota3A_179, %mul3A_602 : vector<16xi32>
      %add3A_604 = arith.constant 10 : i32
      %add3A_605 = vector.broadcast %add3A_604 : i32 to vector<16xi32>
      %add3A_606 = arith.addi %mul3A_603, %add3A_605 : vector<16xi32>
      %scatter3A_607 = arith.constant 512 : i32
      %scatter3A_608 = tpu.memref_slice %arg22[%scatter3A_607] : memref<1024xf32, #tpu.memory_space<vmem>> -> memref<512xf32, #tpu.memory_space<vmem>>
      tpu.vector_store_idx %scatter3A_608[%add3A_606], %get3A_600 : memref<512xf32, #tpu.memory_space<vmem>>[vector<16xi32>], vector<16xf32>,
      %get3A_609 = arith.constant 368 : index
      %get3A_610 = tpu.vector_load %arg21[%get3A_609] {strides = array<i32>} : memref<1024xf32, #tpu.memory_space<vmem>>, vector<16xf32>,
      %mul3A_611 = arith.constant 32 : i32
      %mul3A_612 = vector.broadcast %mul3A_611 : i32 to vector<16xi32>
      %mul3A_613 = arith.muli %iota3A_179, %mul3A_612 : vector<16xi32>
      %add3A_614 = arith.constant 11 : i32
      %add3A_615 = vector.broadcast %add3A_614 : i32 to vector<16xi32>
      %add3A_616 = arith.addi %mul3A_613, %add3A_615 : vector<16xi32>
      %scatter3A_617 = arith.constant 512 : i32
      %scatter3A_618 = tpu.memref_slice %arg22[%scatter3A_617] : memref<1024xf32, #tpu.memory_space<vmem>> -> memref<512xf32, #tpu.memory_space<vmem>>
      tpu.vector_store_idx %scatter3A_618[%add3A_616], %get3A_610 : memref<512xf32, #tpu.memory_space<vmem>>[vector<16xi32>], vector<16xf32>,
      %get3A_619 = arith.constant 400 : index
      %get3A_620 = tpu.vector_load %arg21[%get3A_619] {strides = array<i32>} : memref<1024xf32, #tpu.memory_space<vmem>>, vector<16xf32>,
      %mul3A_621 = arith.constant 32 : i32
      %mul3A_622 = vector.broadcast %mul3A_621 : i32 to vector<16xi32>
      %mul3A_623 = arith.muli %iota3A_179, %mul3A_622 : vector<16xi32>
      %add3A_624 = arith.constant 12 : i32
      %add3A_625 = vector.broadcast %add3A_624 : i32 to vector<16xi32>
      %add3A_626 = arith.addi %mul3A_623, %add3A_625 : vector<16xi32>
      %scatter3A_627 = arith.constant 512 : i32
      %scatter3A_628 = tpu.memref_slice %arg22[%scatter3A_627] : memref<1024xf32, #tpu.memory_space<vmem>> -> memref<512xf32, #tpu.memory_space<vmem>>
      tpu.vector_store_idx %scatter3A_628[%add3A_626], %get3A_620 : memref<512xf32, #tpu.memory_space<vmem>>[vector<16xi32>], vector<16xf32>,
      %get3A_629 = arith.constant 432 : index
      %get3A_630 = tpu.vector_load %arg21[%get3A_629] {strides = array<i32>} : memref<1024xf32, #tpu.memory_space<vmem>>, vector<16xf32>,
      %mul3A_631 = arith.constant 32 : i32
      %mul3A_632 = vector.broadcast %mul3A_631 : i32 to vector<16xi32>
      %mul3A_633 = arith.muli %iota3A_179, %mul3A_632 : vector<16xi32>
      %add3A_634 = arith.constant 13 : i32
      %add3A_635 = vector.broadcast %add3A_634 : i32 to vector<16xi32>
      %add3A_636 = arith.addi %mul3A_633, %add3A_635 : vector<16xi32>
      %scatter3A_637 = arith.constant 512 : i32
      %scatter3A_638 = tpu.memref_slice %arg22[%scatter3A_637] : memref<1024xf32, #tpu.memory_space<vmem>> -> memref<512xf32, #tpu.memory_space<vmem>>
      tpu.vector_store_idx %scatter3A_638[%add3A_636], %get3A_630 : memref<512xf32, #tpu.memory_space<vmem>>[vector<16xi32>], vector<16xf32>,
      %get3A_639 = arith.constant 464 : index
      %get3A_640 = tpu.vector_load %arg21[%get3A_639] {strides = array<i32>} : memref<1024xf32, #tpu.memory_space<vmem>>, vector<16xf32>,
      %mul3A_641 = arith.constant 32 : i32
      %mul3A_642 = vector.broadcast %mul3A_641 : i32 to vector<16xi32>
      %mul3A_643 = arith.muli %iota3A_179, %mul3A_642 : vector<16xi32>
      %add3A_644 = arith.constant 14 : i32
      %add3A_645 = vector.broadcast %add3A_644 : i32 to vector<16xi32>
      %add3A_646 = arith.addi %mul3A_643, %add3A_645 : vector<16xi32>
      %scatter3A_647 = arith.constant 512 : i32
      %scatter3A_648 = tpu.memref_slice %arg22[%scatter3A_647] : memref<1024xf32, #tpu.memory_space<vmem>> -> memref<512xf32, #tpu.memory_space<vmem>>
      tpu.vector_store_idx %scatter3A_648[%add3A_646], %get3A_640 : memref<512xf32, #tpu.memory_space<vmem>>[vector<16xi32>], vector<16xf32>,
      %get3A_649 = arith.constant 496 : index
      %get3A_650 = tpu.vector_load %arg21[%get3A_649] {strides = array<i32>} : memref<1024xf32, #tpu.memory_space<vmem>>, vector<16xf32>,
      %mul3A_651 = arith.constant 32 : i32
      %mul3A_652 = vector.broadcast %mul3A_651 : i32 to vector<16xi32>
      %mul3A_653 = arith.muli %iota3A_179, %mul3A_652 : vector<16xi32>
      %add3A_654 = arith.constant 15 : i32
      %add3A_655 = vector.broadcast %add3A_654 : i32 to vector<16xi32>
      %add3A_656 = arith.addi %mul3A_653, %add3A_655 : vector<16xi32>
      %scatter3A_657 = arith.constant 512 : i32
      %scatter3A_658 = tpu.memref_slice %arg22[%scatter3A_657] : memref<1024xf32, #tpu.memory_space<vmem>> -> memref<512xf32, #tpu.memory_space<vmem>>
      tpu.vector_store_idx %scatter3A_658[%add3A_656], %get3A_650 : memref<512xf32, #tpu.memory_space<vmem>>[vector<16xi32>], vector<16xf32>,
      %get3A_659 = arith.constant 528 : index
      %get3A_660 = tpu.vector_load %arg21[%get3A_659] {strides = array<i32>} : memref<1024xf32, #tpu.memory_space<vmem>>, vector<16xf32>,
      %mul3A_661 = arith.constant 32 : i32
      %mul3A_662 = vector.broadcast %mul3A_661 : i32 to vector<16xi32>
      %mul3A_663 = arith.muli %iota3A_179, %mul3A_662 : vector<16xi32>
      %add3A_664 = arith.constant 16 : i32
      %add3A_665 = vector.broadcast %add3A_664 : i32 to vector<16xi32>
      %add3A_666 = arith.addi %mul3A_663, %add3A_665 : vector<16xi32>
      %scatter3A_667 = arith.constant 512 : i32
      %scatter3A_668 = tpu.memref_slice %arg22[%scatter3A_667] : memref<1024xf32, #tpu.memory_space<vmem>> -> memref<512xf32, #tpu.memory_space<vmem>>
      tpu.vector_store_idx %scatter3A_668[%add3A_666], %get3A_660 : memref<512xf32, #tpu.memory_space<vmem>>[vector<16xi32>], vector<16xf32>,
      %get3A_669 = arith.constant 560 : index
      %get3A_670 = tpu.vector_load %arg21[%get3A_669] {strides = array<i32>} : memref<1024xf32, #tpu.memory_space<vmem>>, vector<16xf32>,
      %mul3A_671 = arith.constant 32 : i32
      %mul3A_672 = vector.broadcast %mul3A_671 : i32 to vector<16xi32>
      %mul3A_673 = arith.muli %iota3A_179, %mul3A_672 : vector<16xi32>
      %add3A_674 = arith.constant 17 : i32
      %add3A_675 = vector.broadcast %add3A_674 : i32 to vector<16xi32>
      %add3A_676 = arith.addi %mul3A_673, %add3A_675 : vector<16xi32>
      %scatter3A_677 = arith.constant 512 : i32
      %scatter3A_678 = tpu.memref_slice %arg22[%scatter3A_677] : memref<1024xf32, #tpu.memory_space<vmem>> -> memref<512xf32, #tpu.memory_space<vmem>>
      tpu.vector_store_idx %scatter3A_678[%add3A_676], %get3A_670 : memref<512xf32, #tpu.memory_space<vmem>>[vector<16xi32>], vector<16xf32>,
      %get3A_679 = arith.constant 592 : index
      %get3A_680 = tpu.vector_load %arg21[%get3A_679] {strides = array<i32>} : memref<1024xf32, #tpu.memory_space<vmem>>, vector<16xf32>,
      %mul3A_681 = arith.constant 32 : i32
      %mul3A_682 = vector.broadcast %mul3A_681 : i32 to vector<16xi32>
      %mul3A_683 = arith.muli %iota3A_179, %mul3A_682 : vector<16xi32>
      %add3A_684 = arith.constant 18 : i32
      %add3A_685 = vector.broadcast %add3A_684 : i32 to vector<16xi32>
      %add3A_686 = arith.addi %mul3A_683, %add3A_685 : vector<16xi32>
      %scatter3A_687 = arith.constant 512 : i32
      %scatter3A_688 = tpu.memref_slice %arg22[%scatter3A_687] : memref<1024xf32, #tpu.memory_space<vmem>> -> memref<512xf32, #tpu.memory_space<vmem>>
      tpu.vector_store_idx %scatter3A_688[%add3A_686], %get3A_680 : memref<512xf32, #tpu.memory_space<vmem>>[vector<16xi32>], vector<16xf32>,
      %get3A_689 = arith.constant 624 : index
      %get3A_690 = tpu.vector_load %arg21[%get3A_689] {strides = array<i32>} : memref<1024xf32, #tpu.memory_space<vmem>>, vector<16xf32>,
      %mul3A_691 = arith.constant 32 : i32
      %mul3A_692 = vector.broadcast %mul3A_691 : i32 to vector<16xi32>
      %mul3A_693 = arith.muli %iota3A_179, %mul3A_692 : vector<16xi32>
      %add3A_694 = arith.constant 19 : i32
      %add3A_695 = vector.broadcast %add3A_694 : i32 to vector<16xi32>
      %add3A_696 = arith.addi %mul3A_693, %add3A_695 : vector<16xi32>
      %scatter3A_697 = arith.constant 512 : i32
      %scatter3A_698 = tpu.memref_slice %arg22[%scatter3A_697] : memref<1024xf32, #tpu.memory_space<vmem>> -> memref<512xf32, #tpu.memory_space<vmem>>
      tpu.vector_store_idx %scatter3A_698[%add3A_696], %get3A_690 : memref<512xf32, #tpu.memory_space<vmem>>[vector<16xi32>], vector<16xf32>,
      %get3A_699 = arith.constant 656 : index
      %get3A_700 = tpu.vector_load %arg21[%get3A_699] {strides = array<i32>} : memref<1024xf32, #tpu.memory_space<vmem>>, vector<16xf32>,
      %mul3A_701 = arith.constant 32 : i32
      %mul3A_702 = vector.broadcast %mul3A_701 : i32 to vector<16xi32>
      %mul3A_703 = arith.muli %iota3A_179, %mul3A_702 : vector<16xi32>
      %add3A_704 = arith.constant 20 : i32
      %add3A_705 = vector.broadcast %add3A_704 : i32 to vector<16xi32>
      %add3A_706 = arith.addi %mul3A_703, %add3A_705 : vector<16xi32>
      %scatter3A_707 = arith.constant 512 : i32
      %scatter3A_708 = tpu.memref_slice %arg22[%scatter3A_707] : memref<1024xf32, #tpu.memory_space<vmem>> -> memref<512xf32, #tpu.memory_space<vmem>>
      tpu.vector_store_idx %scatter3A_708[%add3A_706], %get3A_700 : memref<512xf32, #tpu.memory_space<vmem>>[vector<16xi32>], vector<16xf32>,
      %get3A_709 = arith.constant 688 : index
      %get3A_710 = tpu.vector_load %arg21[%get3A_709] {strides = array<i32>} : memref<1024xf32, #tpu.memory_space<vmem>>, vector<16xf32>,
      %mul3A_711 = arith.constant 32 : i32
      %mul3A_712 = vector.broadcast %mul3A_711 : i32 to vector<16xi32>
      %mul3A_713 = arith.muli %iota3A_179, %mul3A_712 : vector<16xi32>
      %add3A_714 = arith.constant 21 : i32
      %add3A_715 = vector.broadcast %add3A_714 : i32 to vector<16xi32>
      %add3A_716 = arith.addi %mul3A_713, %add3A_715 : vector<16xi32>
      %scatter3A_717 = arith.constant 512 : i32
      %scatter3A_718 = tpu.memref_slice %arg22[%scatter3A_717] : memref<1024xf32, #tpu.memory_space<vmem>> -> memref<512xf32, #tpu.memory_space<vmem>>
      tpu.vector_store_idx %scatter3A_718[%add3A_716], %get3A_710 : memref<512xf32, #tpu.memory_space<vmem>>[vector<16xi32>], vector<16xf32>,
      %get3A_719 = arith.constant 720 : index
      %get3A_720 = tpu.vector_load %arg21[%get3A_719] {strides = array<i32>} : memref<1024xf32, #tpu.memory_space<vmem>>, vector<16xf32>,
      %mul3A_721 = arith.constant 32 : i32
      %mul3A_722 = vector.broadcast %mul3A_721 : i32 to vector<16xi32>
      %mul3A_723 = arith.muli %iota3A_179, %mul3A_722 : vector<16xi32>
      %add3A_724 = arith.constant 22 : i32
      %add3A_725 = vector.broadcast %add3A_724 : i32 to vector<16xi32>
      %add3A_726 = arith.addi %mul3A_723, %add3A_725 : vector<16xi32>
      %scatter3A_727 = arith.constant 512 : i32
      %scatter3A_728 = tpu.memref_slice %arg22[%scatter3A_727] : memref<1024xf32, #tpu.memory_space<vmem>> -> memref<512xf32, #tpu.memory_space<vmem>>
      tpu.vector_store_idx %scatter3A_728[%add3A_726], %get3A_720 : memref<512xf32, #tpu.memory_space<vmem>>[vector<16xi32>], vector<16xf32>,
      %get3A_729 = arith.constant 752 : index
      %get3A_730 = tpu.vector_load %arg21[%get3A_729] {strides = array<i32>} : memref<1024xf32, #tpu.memory_space<vmem>>, vector<16xf32>,
      %mul3A_731 = arith.constant 32 : i32
      %mul3A_732 = vector.broadcast %mul3A_731 : i32 to vector<16xi32>
      %mul3A_733 = arith.muli %iota3A_179, %mul3A_732 : vector<16xi32>
      %add3A_734 = arith.constant 23 : i32
      %add3A_735 = vector.broadcast %add3A_734 : i32 to vector<16xi32>
      %add3A_736 = arith.addi %mul3A_733, %add3A_735 : vector<16xi32>
      %scatter3A_737 = arith.constant 512 : i32
      %scatter3A_738 = tpu.memref_slice %arg22[%scatter3A_737] : memref<1024xf32, #tpu.memory_space<vmem>> -> memref<512xf32, #tpu.memory_space<vmem>>
      tpu.vector_store_idx %scatter3A_738[%add3A_736], %get3A_730 : memref<512xf32, #tpu.memory_space<vmem>>[vector<16xi32>], vector<16xf32>,
      %get3A_739 = arith.constant 784 : index
      %get3A_740 = tpu.vector_load %arg21[%get3A_739] {strides = array<i32>} : memref<1024xf32, #tpu.memory_space<vmem>>, vector<16xf32>,
      %mul3A_741 = arith.constant 32 : i32
      %mul3A_742 = vector.broadcast %mul3A_741 : i32 to vector<16xi32>
      %mul3A_743 = arith.muli %iota3A_179, %mul3A_742 : vector<16xi32>
      %add3A_744 = arith.constant 24 : i32
      %add3A_745 = vector.broadcast %add3A_744 : i32 to vector<16xi32>
      %add3A_746 = arith.addi %mul3A_743, %add3A_745 : vector<16xi32>
      %scatter3A_747 = arith.constant 512 : i32
      %scatter3A_748 = tpu.memref_slice %arg22[%scatter3A_747] : memref<1024xf32, #tpu.memory_space<vmem>> -> memref<512xf32, #tpu.memory_space<vmem>>
      tpu.vector_store_idx %scatter3A_748[%add3A_746], %get3A_740 : memref<512xf32, #tpu.memory_space<vmem>>[vector<16xi32>], vector<16xf32>,
      %get3A_749 = arith.constant 816 : index
      %get3A_750 = tpu.vector_load %arg21[%get3A_749] {strides = array<i32>} : memref<1024xf32, #tpu.memory_space<vmem>>, vector<16xf32>,
      %mul3A_751 = arith.constant 32 : i32
      %mul3A_752 = vector.broadcast %mul3A_751 : i32 to vector<16xi32>
      %mul3A_753 = arith.muli %iota3A_179, %mul3A_752 : vector<16xi32>
      %add3A_754 = arith.constant 25 : i32
      %add3A_755 = vector.broadcast %add3A_754 : i32 to vector<16xi32>
      %add3A_756 = arith.addi %mul3A_753, %add3A_755 : vector<16xi32>
      %scatter3A_757 = arith.constant 512 : i32
      %scatter3A_758 = tpu.memref_slice %arg22[%scatter3A_757] : memref<1024xf32, #tpu.memory_space<vmem>> -> memref<512xf32, #tpu.memory_space<vmem>>
      tpu.vector_store_idx %scatter3A_758[%add3A_756], %get3A_750 : memref<512xf32, #tpu.memory_space<vmem>>[vector<16xi32>], vector<16xf32>,
      %get3A_759 = arith.constant 848 : index
      %get3A_760 = tpu.vector_load %arg21[%get3A_759] {strides = array<i32>} : memref<1024xf32, #tpu.memory_space<vmem>>, vector<16xf32>,
      %mul3A_761 = arith.constant 32 : i32
      %mul3A_762 = vector.broadcast %mul3A_761 : i32 to vector<16xi32>
      %mul3A_763 = arith.muli %iota3A_179, %mul3A_762 : vector<16xi32>
      %add3A_764 = arith.constant 26 : i32
      %add3A_765 = vector.broadcast %add3A_764 : i32 to vector<16xi32>
      %add3A_766 = arith.addi %mul3A_763, %add3A_765 : vector<16xi32>
      %scatter3A_767 = arith.constant 512 : i32
      %scatter3A_768 = tpu.memref_slice %arg22[%scatter3A_767] : memref<1024xf32, #tpu.memory_space<vmem>> -> memref<512xf32, #tpu.memory_space<vmem>>
      tpu.vector_store_idx %scatter3A_768[%add3A_766], %get3A_760 : memref<512xf32, #tpu.memory_space<vmem>>[vector<16xi32>], vector<16xf32>,
      %get3A_769 = arith.constant 880 : index
      %get3A_770 = tpu.vector_load %arg21[%get3A_769] {strides = array<i32>} : memref<1024xf32, #tpu.memory_space<vmem>>, vector<16xf32>,
      %mul3A_771 = arith.constant 32 : i32
      %mul3A_772 = vector.broadcast %mul3A_771 : i32 to vector<16xi32>
      %mul3A_773 = arith.muli %iota3A_179, %mul3A_772 : vector<16xi32>
      %add3A_774 = arith.constant 27 : i32
      %add3A_775 = vector.broadcast %add3A_774 : i32 to vector<16xi32>
      %add3A_776 = arith.addi %mul3A_773, %add3A_775 : vector<16xi32>
      %scatter3A_777 = arith.constant 512 : i32
      %scatter3A_778 = tpu.memref_slice %arg22[%scatter3A_777] : memref<1024xf32, #tpu.memory_space<vmem>> -> memref<512xf32, #tpu.memory_space<vmem>>
      tpu.vector_store_idx %scatter3A_778[%add3A_776], %get3A_770 : memref<512xf32, #tpu.memory_space<vmem>>[vector<16xi32>], vector<16xf32>,
      %get3A_779 = arith.constant 912 : index
      %get3A_780 = tpu.vector_load %arg21[%get3A_779] {strides = array<i32>} : memref<1024xf32, #tpu.memory_space<vmem>>, vector<16xf32>,
      %mul3A_781 = arith.constant 32 : i32
      %mul3A_782 = vector.broadcast %mul3A_781 : i32 to vector<16xi32>
      %mul3A_783 = arith.muli %iota3A_179, %mul3A_782 : vector<16xi32>
      %add3A_784 = arith.constant 28 : i32
      %add3A_785 = vector.broadcast %add3A_784 : i32 to vector<16xi32>
      %add3A_786 = arith.addi %mul3A_783, %add3A_785 : vector<16xi32>
      %scatter3A_787 = arith.constant 512 : i32
      %scatter3A_788 = tpu.memref_slice %arg22[%scatter3A_787] : memref<1024xf32, #tpu.memory_space<vmem>> -> memref<512xf32, #tpu.memory_space<vmem>>
      tpu.vector_store_idx %scatter3A_788[%add3A_786], %get3A_780 : memref<512xf32, #tpu.memory_space<vmem>>[vector<16xi32>], vector<16xf32>,
      %get3A_789 = arith.constant 944 : index
      %get3A_790 = tpu.vector_load %arg21[%get3A_789] {strides = array<i32>} : memref<1024xf32, #tpu.memory_space<vmem>>, vector<16xf32>,
      %mul3A_791 = arith.constant 32 : i32
      %mul3A_792 = vector.broadcast %mul3A_791 : i32 to vector<16xi32>
      %mul3A_793 = arith.muli %iota3A_179, %mul3A_792 : vector<16xi32>
      %add3A_794 = arith.constant 29 : i32
      %add3A_795 = vector.broadcast %add3A_794 : i32 to vector<16xi32>
      %add3A_796 = arith.addi %mul3A_793, %add3A_795 : vector<16xi32>
      %scatter3A_797 = arith.constant 512 : i32
      %scatter3A_798 = tpu.memref_slice %arg22[%scatter3A_797] : memref<1024xf32, #tpu.memory_space<vmem>> -> memref<512xf32, #tpu.memory_space<vmem>>
      tpu.vector_store_idx %scatter3A_798[%add3A_796], %get3A_790 : memref<512xf32, #tpu.memory_space<vmem>>[vector<16xi32>], vector<16xf32>,
      %get3A_799 = arith.constant 976 : index
      %get3A_800 = tpu.vector_load %arg21[%get3A_799] {strides = array<i32>} : memref<1024xf32, #tpu.memory_space<vmem>>, vector<16xf32>,
      %mul3A_801 = arith.constant 32 : i32
      %mul3A_802 = vector.broadcast %mul3A_801 : i32 to vector<16xi32>
      %mul3A_803 = arith.muli %iota3A_179, %mul3A_802 : vector<16xi32>
      %add3A_804 = arith.constant 30 : i32
      %add3A_805 = vector.broadcast %add3A_804 : i32 to vector<16xi32>
      %add3A_806 = arith.addi %mul3A_803, %add3A_805 : vector<16xi32>
      %scatter3A_807 = arith.constant 512 : i32
      %scatter3A_808 = tpu.memref_slice %arg22[%scatter3A_807] : memref<1024xf32, #tpu.memory_space<vmem>> -> memref<512xf32, #tpu.memory_space<vmem>>
      tpu.vector_store_idx %scatter3A_808[%add3A_806], %get3A_800 : memref<512xf32, #tpu.memory_space<vmem>>[vector<16xi32>], vector<16xf32>,
      %get3A_809 = arith.constant 1008 : index
      %get3A_810 = tpu.vector_load %arg21[%get3A_809] {strides = array<i32>} : memref<1024xf32, #tpu.memory_space<vmem>>, vector<16xf32>,
      %mul3A_811 = arith.constant 32 : i32
      %mul3A_812 = vector.broadcast %mul3A_811 : i32 to vector<16xi32>
      %mul3A_813 = arith.muli %iota3A_179, %mul3A_812 : vector<16xi32>
      %add3A_814 = arith.constant 31 : i32
      %add3A_815 = vector.broadcast %add3A_814 : i32 to vector<16xi32>
      %add3A_816 = arith.addi %mul3A_813, %add3A_815 : vector<16xi32>
      %scatter3A_817 = arith.constant 512 : i32
      %scatter3A_818 = tpu.memref_slice %arg22[%scatter3A_817] : memref<1024xf32, #tpu.memory_space<vmem>> -> memref<512xf32, #tpu.memory_space<vmem>>
      tpu.vector_store_idx %scatter3A_818[%add3A_816], %get3A_810 : memref<512xf32, #tpu.memory_space<vmem>>[vector<16xi32>], vector<16xf32>,
      %mul3A_819 = arith.constant 1024 : i32
      %mul3A_820 = arith.muli %add3A_11, %mul3A_819 : i32
      "tpu.region"() ({
        %run_scoped3A = tpu.sem_alloc : memref<!tpu.dma_semaphore, #tpu.memory_space<semaphore_mem>>
        %dma_start3A = tpu.memref_slice %arg11[%mul3A_820] : memref<131072xf32, #tpu.memory_space<hbm>> -> memref<1024xf32, #tpu.memory_space<hbm>>
        %dma_start3A_823 = tpu.memref_slice %arg11[%mul3A_820] : memref<131072xf32, #tpu.memory_space<hbm>> -> memref<1024xf32, #tpu.memory_space<hbm>>
        tpu.enqueue_dma source(%arg22 : memref<1024xf32, #tpu.memory_space<vmem>>) target(%dma_start3A_823 : memref<1024xf32, #tpu.memory_space<hbm>>) target_semaphore(%run_scoped3A : memref<!tpu.dma_semaphore, #tpu.memory_space<semaphore_mem>>)
        %dma_wait3A = tpu.memref_slice %arg11[%mul3A_820] : memref<131072xf32, #tpu.memory_space<hbm>> -> memref<1024xf32, #tpu.memory_space<hbm>>
        %dma_wait3A_824 = tpu.memref_slice %arg11[%mul3A_820] : memref<131072xf32, #tpu.memory_space<hbm>> -> memref<1024xf32, #tpu.memory_space<hbm>>
        tpu.wait_dma2 semaphore(%run_scoped3A : memref<!tpu.dma_semaphore, #tpu.memory_space<semaphore_mem>>) src(%arg22 : memref<1024xf32, #tpu.memory_space<vmem>>) dst(%dma_wait3A_824 : memref<1024xf32, #tpu.memory_space<hbm>>)
        tpu.yield
      }) : () -> ()
      %add3A_821 = arith.constant 1 : i32
      %add3A_822 = arith.addi %scan3A_7, %add3A_821 : i32
      scf.yield %add3A_822 : i32
    }
    %scan3A_6 = arith.constant 4 : i32
    return
  }
}

</mosaic_0001>

<sc_bundles>
// kernel: kernel.3.cloned.1.call-start
scs
__scs_entry_jumppad:
0x0: {  	(pc) =	sbr.rel $0x88, $3  }
0x1: {  	(tag) =	ssettag $0x0;
	lr =	simm.s32 $0x1  }
0x2: {  	[smem:$0x3F99] =	sst lr;
	_ =	strace $0xD0000000  }
0x3: {  	_ = 	snop  }
0x4: {  	_ = 	snop  }
0x5: {  	_ = 	snop  }
0x6: {  	_ = 	snop  }
0x7: {  	_ = 	snop  }
__scs_overlays_trampoline_lowered:
0x8: {  	[smem:$0x3FA8] =	sst s0  }
0x9: {  	[smem:$0x3FA9] =	sst s1  }
0xa: {  	[smem:$0x3FAA] =	sst s2  }
0xb: {  	[smem:$0x3FAB] =	sst s3  }
0xc: {  	[smem:$0x3FAC] =	sst s4  }
0xd: {  	[smem:$0x3FAD] =	sst s5  }
0xe: {  	[smem:$0x3FAE] =	sst s6  }
0xf: {  	[smem:$0x3FAF] =	sst s7  }
0x10: {  	[smem:$0x3FB0] =	sst s8  }
0x11: {  	[smem:$0x3FB1] =	sst s9;
	s0 =	simm.s32 @!p0 $0x0  }
0x12: {  	s1 =	sld [smem:$0x3F97];
	s0 =	simm.s32 @p0 $0x1  }
0x13: {  	[smem:$0x3FB2] =	sst s0;
	s0 =	simm.s32 @!p1 $0x0  }
0x14: {  	s2 =	sld [smem:$0x3F96];
	s0 =	simm.s32 @p1 $0x1  }
0x15: {  	[smem:$0x3FB3] =	sst s0;
	s0 =	simm.s32 @!p2 $0x0  }
0x16: {  	s3 =	sld [smem:$0x3FDB];
	s0 =	simm.s32 @p2 $0x1  }
0x17: {  	s4 =	simm.s32 $0x1BF5;
	[smem:$0x3FB5] =	sst s0  }
0x18: {  	s0 =	sld [smem:$0x3F98];
	_ =	swait.ge [sflag:s4], $0x0  }
0x19: {  	s7 =	sld [smem:$0x3F99]  }
0x1a: {  	s8 =	sadd.s32 $0xFFFFE003, lr  }
0x1b: {  	s9 =	sadd.s32 $0xFFFFFEF7, lr;
	s5 =	simm.s32 $0xFFFFFFFF;
	p2 =	slt.u32 s8, $0xFFFFF086  }
0x1c: {  	p1 =	slt.u32 s9, $0xF7A;
	s5 =	simm.s32 @!p2 $0x0  }
0x1d: {  	s5 =	simm.s32 @p1 $0x1;
	p0 =	seq.s32 s7, s2  }
0x1e: {  	s7 =	smul.u32 @!p0 $0xF7A, s2;
	p2 =	seq.s32 @!p0 s5, $0x0  }
0x1f: {  	s9 =	smul.u32 $0xF7A, s1;
	s8 =	simm.s32 @!p0 $0x1BF5;
	p2 =	por !p2, p0  }
0x20: {  	[sflag:s8] =	ssyncset.s32 @!p0 $0xFFFFF086;
	s6 =	sadd.s32 @!p0 s3, s7;
	s7 =	simm.s32 @!p0 $0x108  }
0x21: {  	s3 =	sadd.s32 s3, s9;
	s6 =	sadd.s32 @!p0 $0x88, s6;
	s7 =	simm.s32 @p2 $0x1082  }
0x22: {  	[simem:s7], [sflag:s8] =	dma.local @!p0 [hbm:s6], $0xF7A  }
0x23: {  	s9 =	sor.u32 $0xD0000000, s2;
	s6 =	simm.s32 $0x108;
	_ =	swait.ge @!p0 [sflag:s8], $0x0  }
0x24: {  	s3 =	sadd.s32 $0x88, s3;
	s6 =	simm.s32 @!p1 $0x1082;
	[sflag:s4] =	ssyncset.s32 $0xFFFFF086  }
0x25: {  	[simem:s6], [sflag:s4] =	dma.local [hbm:s3], $0xF7A  }
0x26: {  	[smem:$0x3F99] =	sst s1;
	(tag) =	ssettag s2;
	_ =	strace s9  }
0x27: {  	s1 =	sld [smem:$0x3FA9]  }
0x28: {  	s2 =	sld [smem:$0x3FAA]  }
0x29: {  	s4 =	sld [smem:$0x3FAC]  }
0x2a: {  	p0 =	seq.s32 s5, $0x0;
	s5 =	sld [smem:$0x3FAD]  }
0x2b: {  	s6 =	sld [smem:$0x3FAE]  }
0x2c: {  	s7 =	sld [smem:$0x3FAF]  }
0x2d: {  	s3 =	simm.s32 $0x108;
	s8 =	sld [smem:$0x3FB0]  }
0x2e: {  	s3 =	simm.s32 @!p0 $0x1082;
	s9 =	sld [smem:$0x3FB1]  }
0x2f: {  	lr =	sadd.s32 s0, s3;
	s0 =	sld [smem:$0x3FA8]  }
0x30: {  	s3 =	sld [smem:$0x3FAB]  }
0x31: {  	[smem:$0x3FB4] =	sst s10  }
0x32: {  	s10 =	sld [smem:$0x3FB2];
	_ =	sdelay $0x3  }
0x33: {  	p0 =	seq.s32 s10, $0x1;
	s10 =	sld [smem:$0x3FB4];
	_ =	sdelay $0x3  }
0x34: {  	[smem:$0x3FB4] =	sst s10  }
0x35: {  	s10 =	sld [smem:$0x3FB3];
	_ =	sdelay $0x3  }
0x36: {  	p1 =	seq.s32 s10, $0x1;
	s10 =	sld [smem:$0x3FB4];
	_ =	sdelay $0x3  }
0x37: {  	[smem:$0x3FB4] =	sst s10  }
0x38: {  	s10 =	sld [smem:$0x3FB5]  }
0x39: {  	_ = 	snop;
	(pc) =	sbr.ind lr, $3  }
0x3a: {  	_ = 	snop  }
0x3b: {  	_ = 	snop  }
0x3c: {  	p2 =	seq.s32 s10, $0x1;
	s10 =	sld [smem:$0x3FB4]  }
0x3d: {  	_ =	shalt  }
0x3e: {  	_ =	shalt  }
0x3f: {  	_ =	shalt  }
0x40: {  	_ =	shalt  }
0x41: {  	_ =	shalt  }
0x42: {  	_ =	shalt  }
0x43: {  	_ =	shalt  }
0x44: {  	_ =	shalt  }
0x45: {  	_ =	shalt  }
0x46: {  	_ =	shalt  }
0x47: {  	_ =	shalt  }
0x48: {  	_ =	shalt  }
0x49: {  	_ =	shalt  }
0x4a: {  	_ =	shalt  }
0x4b: {  	_ =	shalt  }
0x4c: {  	_ =	shalt  }
0x4d: {  	_ =	shalt  }
0x4e: {  	_ =	shalt  }
0x4f: {  	_ =	shalt  }
0x50: {  	_ =	shalt  }
0x51: {  	_ =	shalt  }
0x52: {  	_ =	shalt  }
0x53: {  	_ =	shalt  }
0x54: {  	_ =	shalt  }
0x55: {  	_ =	shalt  }
0x56: {  	_ =	shalt  }
0x57: {  	_ =	shalt  }
0x58: {  	_ =	shalt  }
0x59: {  	_ =	shalt  }
0x5a: {  	_ =	shalt  }
0x5b: {  	_ =	shalt  }
0x5c: {  	_ =	shalt  }
0x5d: {  	_ =	shalt  }
0x5e: {  	_ =	shalt  }
0x5f: {  	_ =	shalt  }
0x60: {  	_ =	shalt  }
0x61: {  	_ =	shalt  }
0x62: {  	_ =	shalt  }
0x63: {  	_ =	shalt  }
0x64: {  	_ =	shalt  }
0x65: {  	_ =	shalt  }
0x66: {  	_ =	shalt  }
0x67: {  	_ =	shalt  }
0x68: {  	_ =	shalt  }
0x69: {  	_ =	shalt  }
0x6a: {  	_ =	shalt  }
0x6b: {  	_ =	shalt  }
0x6c: {  	_ =	shalt  }
0x6d: {  	_ =	shalt  }
0x6e: {  	_ =	shalt  }
0x6f: {  	_ =	shalt  }
0x70: {  	_ =	shalt  }
0x71: {  	_ =	shalt  }
0x72: {  	_ =	shalt  }
0x73: {  	_ =	shalt  }
0x74: {  	_ =	shalt  }
0x75: {  	_ =	shalt  }
0x76: {  	_ =	shalt  }
0x77: {  	_ =	shalt  }
0x78: {  	_ =	shalt  }
0x79: {  	_ =	shalt  }
0x7a: {  	_ =	shalt  }
0x7b: {  	_ =	shalt  }
0x7c: {  	_ =	shalt  }
0x7d: {  	_ =	shalt  }
0x7e: {  	_ =	shalt  }
0x7f: {  	_ =	shalt  }
0x80: {  	_ =	shalt  }
0x81: {  	_ =	shalt  }
0x82: {  	_ =	shalt  }
0x83: {  	_ =	shalt  }
0x84: {  	_ =	shalt  }
0x85: {  	_ =	shalt  }
0x86: {  	_ =	shalt  }
0x87: {  	_ =	shalt  }
.Lfunc_end0:
.L_simem_size_0:
called_computation_lowered:
.L_overlay_start_0:
0x88: {  	s2 =	sld [smem:$0x3FD9]  }
0x89: {  	s3 =	sld [smem:$0x3FFE];
	_ =	sdelay $0x1  }
0x8a: {  	s1 =	srdreg.scid  }
0x8b: {  	s0 =	sand.u32 $0x1, s1  }
0x8c: {  	s17 =	sshll.u32 s0, $0xA;
	s2 =	sadd.s32 s3, s2  }
0x8d: {  	s2 =	sadd.s32 s2, s17  }
0x8e: {  	[smem:$0x3FC0] =	sst s2  }
0x8f: {  	_ = 	snop  }
0x90: {  	s2 =	sld [smem:$0x3FC6]  }
0x91: {  	s18 =	sld [smem:$0x3FC2]  }
0x92: {  	s4 =	sld [smem:$0x3FD0];
	(tm) =	ssettm $0x1  }
0x93: {  	s5 =	sld [smem:$0x3FFB];
	_ =	sdelay $0x3  }
0x94: {  	_ =	strace s5  }
0x95: {  	s5 =	sld [smem:$0x3FFC];
	_ =	sdelay $0x3  }
0x96: {  	_ =	strace s5  }
0x97: {  	s5 =	sld [smem:$0x3FFD];
	_ =	sdelay $0x3  }
0x98: {  	_ =	strace s5  }
0x99: {  	_ =	strace $0x8FFFFFFF  }
0x9a: {  	s19 =	sld [smem:$0x3FDB];
	_ =	sdelay $0x1  }
0x9b: {  	s6 =	simm.s32 $_scs_section_size  }
0x9c: {  	s7 =	simm.s32 $_size__tile_overlayer_lowered;
	s8 =	simm.s32 $_tile_overlayer_lowered  }
0x9d: {  	s22 =	simm.s32 $0x1BFF;
	s21 =	sshll.u32 s8, $0x1;
	s5 =	sadd.s32 s6, s19  }
0x9e: {  	s9 =	simm.s32 $0x0;
	s20 =	sshll.u32 s7, $0x1;
	s7 =	sadd.s32 s21, s5  }
0x9f: {  	[timem:s9], [sflag:s22] =	dma.local [hbm:s7], s20  }
0xa0: {  	_ =	swait.ge [sflag:s22], s20  }
0xa1: {  	s6 =	ssub.s32 $0x0, s20;
	[sflag:s22] =	ssyncset.done $0x0  }
0xa2: {  	[sflag:s22] =	ssyncadd.s32 s6;
	_ =	sdelay $0x1  }
0xa3: {  	s23 =	simm.s32 $0x1B8B  }
0xa4: {  	_ =	swait.ge [sflag:s23], $0x1  }
0xa5: {  	[sflag:s23] =	ssyncset.done $0x0  }
0xa6: {  	s25 =	simm.s32 $0x1B8E;
	s24 =	sld [smem:$0x3FFE];
	[sflag:s23] =	ssyncadd.s32 $0xFFFFFFFF  }
0xa7: {  	s26 =	simm.s32 $execute0_lowered;
	[smem:$0x3FD2] =	sst s25  }
0xa8: {  	s7 =	sshll.u32 s26, $0x1;
	_ =	strace $0x80000046;
	[dreg:$0x1] =	wrdreg $0xFFFFFFFF  }
0xa9: {  	s28 =	simm.s32 $_size_execute0_lowered;
	s5 =	sadd.s32 s5, s7;
	[dreg:$0x0] =	wrdreg $0x0  }
0xaa: {  	s7 =	sshll.u32 s28, $0x1;
	[dreg:$0x2] =	wrdreg s5  }
0xab: {  	[dreg:$0x3] =	wrdreg s7  }
0xac: {  	[dreg:$0x4] =	wrdreg $0xC0  }
0xad: {  	_ =	task [dreg:s9], $0x5FFFF  }
0xae: {  	[dreg:$0x1] =	wrdreg $0xFFFFFFFF  }
0xaf: {  	[dreg:$0x0] =	wrdreg $0x60  }
0xb0: {  	[dreg:$0x2] =	wrdreg s4  }
0xb1: {  	[dreg:$0x3] =	wrdreg s24  }
0xb2: {  	[dreg:$0x4] =	wrdreg s2  }
0xb3: {  	[dreg:$0x5] =	wrdreg s18  }
0xb4: {  	[dreg:$0x6] =	wrdreg $0x9  }
0xb5: {  	_ =	task.clear_ibuf [dreg:s9], $0x7FFFF;
	_ =	strace $0x90000046  }
0xb6: {  	s29 =	simm.s32 $0x9;
	_ =	strace $0x80000048  }
0xb7: {  	_ =	swait.ge [sflag:s29], $0x1  }
0xb8: {  	[sflag:s29] =	ssyncadd.s32 $0xFFFFFFFF  }
0xb9: {  	_ =	strace $0x90000048  }
0xba: {  	_ =	sfence  }
0xbb: {  	s30 =	sld [smem:$0x0];
	_ =	sdelay $0x2  }
0xbc: {  	s31 =	sshll.u32 s1, $0xD;
	s1 =	sshrl.u32 s1, $0x2  }
0xbd: {  	s3 =	sand.u32 $0x4000, s31;
	s1 =	sadd.s32 s1, s30  }
0xbe: {  	s0 =	sor.u32 s3, s0;
	s1 =	sshll.u32 s1, $0x11  }
0xbf: {  	s0 =	sor.u32 s1, s0  }
0xc0: {  	s0 =	sadd.s32 $0x8F2B, s0  }
0xc1: {  	[sflag:s0] =	ssyncadd.remote.s32 $0x1  }
0xc2: {  	_ =	sfence.sel $0xFFFF  }
0xc3: {  	[dreg:$0x0] =	wrdreg $0xFFFFFFFF;
	(pc) =	sbr.abs _section_cstart, $3  }
0xc4: {  	[dreg:$0x1] =	wrdreg $0xFFFFFFFF  }
0xc5: {  	_ =	task.clear_ibuf [dreg:s9], $0x2FFFF;
	_ =	strace $0x9FFFFFFF  }
0xc6: {  	(tm) =	ssettm $0x7FFFFFFF  }
0xc7: {  	_ =	shalt  }
tec
execute0_lowered:
.L_overlay_start_1:
0x0: {  	(tag) =	ssettag $0x1  }
0x1: {  	s0 =	rddreg [dreg:$0x1]  }
0x2: {  	s1 =	simm.s32 $0x0;
	s18 =	srdreg.scid;
	s4 =	stileid.u32  }
0x3: {  	s5 =	simm.s32 $0xCE40;
	s6 =	simm.s32 $0xCE60;
	s7 =	simm.s32 $0xCE80  }
0x4: {  	s12 =	simm.s32 $0xCEA0;
	s13 =	simm.s32 $0xCEC0;
	s15 =	simm.s32 $0xCEE0  }
0x5: {  	s28 =	simm.s32 $0xCF40;
	s29 =	simm.s32 $0xCF60;
	s30 =	simm.s32 $0xCF80  }
0x6: {  	s31 =	simm.s32 $0xCFA0;
	s8 =	simm.s32 $0xCFE0;
	s16 =	simm.s32 $0xD020  }
0x7: {  	s9 =	simm.s32 $0xD060;
	s10 =	simm.s32 $0x10E80;
	s11 =	simm.s32 $0x11980  }
0x8: {  	s14 =	simm.s32 $0x11B80;
	[smem:$0x7FF] =	sst s1;
	s17 =	sadd.s32 $0x201000, s0  }
0x9: {  	s2 =	sadd.s32 $0x1000, s0;
	_ =	strace $0x80000047;
	[dreg:$0x5] =	wrdreg s17  }
0xa: {  	s19 =	sadd.s32 $0xE00, s0;
	s1 =	sand.u32 $0x1, s18;
	[dreg:$0x6] =	wrdreg s2  }
0xb: {  	s20 =	sadd.s32 $0x5000, s0;
	s21 =	sadd.s32 $0x6200, s0;
	[dreg:$0x7] =	wrdreg s19  }
0xc: {  	s3 =	sadd.s32 $0x6400, s0;
	s24 =	sshll.u32 s4, $0x3;
	[dreg:$0x8] =	wrdreg s20  }
0xd: {  	s0 =	sadd.s32 $0x6600, s0;
	s18 =	simm.s32 $0x8C00;
	[dreg:$0x9] =	wrdreg s21  }
0xe: {  	s22 =	ssub.s32 $0x2, s1;
	[dreg:$0xa] =	wrdreg s3;
	s1 =	sshll.u32 s1, $0x2  }
0xf: {  	[dreg:$0xb] =	wrdreg s0;
	s19 =	simm.s32 $0x8C80;
	s20 =	simm.s32 $0x10C80  }
0x10: {  	v0 =	vlaneseq.u32;
	s21 =	simm.s32 $0x11080;
	s0 =	simm.s32 $0xCFC0;
	s3 =	simm.s32 $0xD000  }
0x11: {  	v1 =	vor.u32 $0x10, v0;
	v63 =	vmul.u32 $0x20, v0;
	s17 =	simm.s32 $0xD040;
	s23 =	sshrl.u32 s22, $0x1;
	s25 =	sor.u32 s1, s24  }
0x12: {  	v0 =	vmul.u32 $0x400, v0;
	[tilespmem:$0x1FFD0] =	vst v1;
	s24 =	simm.s32 $0x11580;
	s2 =	ssub.s32 s22, s23;
	[dreg:$0xc] =	wrdreg s25  }
0x13: {  	[tilespmem:$0x1FFE0] =	vst v63;
	s22 =	simm.s32 $0x1;
	s25 =	simm.s32 $0xCF00;
	s26 =	smax.u32 s2, $0x1  }
0x14: {  	[tilespmem:$0x1FFF0] =	vst v0;
	s2 =	simm.s32 $0x0;
	[dreg:$0xd] =	wrdreg s26;
	s26 =	simm.s32 $0xCF20  }
.LBB2_1:
0x15: {  	[dreg:$0xe] =	wrdreg s2  }
0x16: {  	s2 =	simm.s32 $0x0;
	s1 =	rddreg [dreg:$0x8]  }
0x17: {  	[tilespmem:s2], [sflag:$0x1] =	stream.linear.gather [hbm4b:s1+s2], $0x8400, $0x38;
	[tilespmem:$0x11D80] =	vst v63  }
0x18: {  	_ =	swait.ge [sflag:s22], $0x8400  }
0x19: {  	[sflag:s22] =	ssyncset.done $0x0  }
0x1a: {  	s4 =	simm.s32 $0x8400;
	s23 =	rddreg [dreg:$0x9];
	[sflag:s22] =	ssyncadd.s32 $0xFFFF7C00  }
0x1b: {  	[tilespmem:s4], [sflag:$0x1] =	stream.linear.gather [hbm4b:s23+s2], $0x400, $0x38;
	[tilespmem:$0x11D80] =	vst v63  }
0x1c: {  	_ =	swait.ge [sflag:s22], $0x400  }
0x1d: {  	[sflag:s22] =	ssyncset.done $0x0  }
0x1e: {  	s23 =	simm.s32 $0x8800;
	s4 =	rddreg [dreg:$0xa];
	[sflag:s22] =	ssyncadd.s32 $0xFFFFFC00  }
0x1f: {  	[tilespmem:s23], [sflag:$0x1] =	stream.linear.gather [hbm4b:s4+s2], $0x400, $0x38;
	[tilespmem:$0x11D80] =	vst v63  }
0x20: {  	_ =	swait.ge [sflag:s22], $0x400  }
0x21: {  	[sflag:s22] =	ssyncset.done $0x0  }
0x22: {  	[sflag:s22] =	ssyncadd.s32 $0xFFFFFC00  }
0x23: {  	s23 =	rddreg [dreg:$0x3]  }
0x24: {  	[tilespmem:s18], [sflag:$0x1] =	stream.linear.gather [hbm4b:s23+s2], $0x80, $0x38;
	[tilespmem:$0x11D80] =	vst v63  }
0x25: {  	_ =	swait.ge [sflag:s22], $0x80  }
0x26: {  	[sflag:s22] =	ssyncset.done $0x0  }
0x27: {  	s2 =	simm.s32 $0x0;
	[sflag:s22] =	ssyncadd.s32 $0xFFFFFF80  }
.LBB2_2:
0x28: {  	s1 =	rddreg [dreg:$0xc]  }
0x29: {  	[dreg:$0xf] =	wrdreg s2;
	s2 =	sadd.s32 s1, s2  }
0x2a: {  	s4 =	rddreg [dreg:$0x5];
	s1 =	sshll.u32 s2, $0xC  }
0x2b: {  	s4 =	sadd.s32 s4, s1;
	s1 =	simm.s32 $0x0  }
0x2c: {  	[tilespmem:s19], [sflag:$0x1] =	stream.linear.gather [hbm4b:s4+s1], $0x8000, $0x38;
	[tilespmem:$0x11D80] =	vst v63  }
0x2d: {  	_ =	swait.ge [sflag:s22], $0x8000  }
0x2e: {  	[sflag:s22] =	ssyncset.done $0x0  }
0x2f: {  	[sflag:s22] =	ssyncadd.s32 $0xFFFF8000  }
0x30: {  	s23 =	sshll.u32 s2, $0x7;
	s4 =	rddreg [dreg:$0x0]  }
0x31: {  	s4 =	sadd.s32 s4, s23  }
0x32: {  	[tilespmem:s20], [sflag:$0x1] =	stream.linear.gather [hbm4b:s4+s1], $0x400, $0x38;
	[tilespmem:$0x11D80] =	vst v63  }
0x33: {  	_ =	swait.ge [sflag:s22], $0x400  }
0x34: {  	[sflag:s22] =	ssyncset.done $0x0;
	s4 =	rddreg [dreg:$0x6]  }
0x35: {  	[dreg:$0x10] =	wrdreg s23;
	[sflag:s22] =	ssyncadd.s32 $0xFFFFFC00;
	s4 =	sadd.s32 s4, s23  }
0x36: {  	[tilespmem:s21], [sflag:$0x1] =	stream.linear.gather [hbm4b:s4+s1], $0x400, $0x38;
	[tilespmem:$0x11D80] =	vst v63  }
0x37: {  	_ =	swait.ge [sflag:s22], $0x400  }
0x38: {  	[sflag:s22] =	ssyncset.done $0x0  }
0x39: {  	[sflag:s22] =	ssyncadd.s32 $0xFFFFFC00  }
0x3a: {  	s2 =	sshll.u32 s2, $0x2;
	s23 =	rddreg [dreg:$0x2]  }
0x3b: {  	s4 =	sadd.s32 s23, s2;
	s23 =	simm.s32 $0x11480  }
0x3c: {  	[tilespmem:s23], [sflag:$0x1] =	stream.linear.gather [hbm4b:s4+s1], $0x20, $0x38;
	[tilespmem:$0x11D80] =	vst v63  }
0x3d: {  	_ =	swait.ge [sflag:s22], $0x20  }
0x3e: {  	[sflag:s22] =	ssyncset.done $0x0;
	s23 =	rddreg [dreg:$0x7]  }
0x3f: {  	[sflag:s22] =	ssyncadd.s32 $0xFFFFFFE0;
	s2 =	sadd.s32 s23, s2;
	s23 =	simm.s32 $0x11500  }
0x40: {  	[tilespmem:s23], [sflag:$0x1] =	stream.linear.gather [hbm4b:s2+s1], $0x20, $0x38;
	[tilespmem:$0x11D80] =	vst v63  }
0x41: {  	_ =	swait.ge [sflag:s22], $0x20  }
0x42: {  	[sflag:s22] =	ssyncset.done $0x0  }
0x43: {  	v0 =	vimm.f32 $0.0e+00;
	[sflag:s22] =	ssyncadd.s32 $0xFFFFFFE0  }
0x44: {  	[tilespmem:$0x11580] =	vst v0  }
0x45: {  	[tilespmem:$0x11590] =	vst v0  }
0x46: {  	[tilespmem:$0x115A0] =	vst v0  }
0x47: {  	[tilespmem:$0x115B0] =	vst v0  }
0x48: {  	[tilespmem:$0x115C0] =	vst v0  }
0x49: {  	[tilespmem:$0x115D0] =	vst v0  }
0x4a: {  	[tilespmem:$0x115E0] =	vst v0  }
0x4b: {  	[tilespmem:$0x115F0] =	vst v0  }
0x4c: {  	[tilespmem:$0x11600] =	vst v0  }
0x4d: {  	[tilespmem:$0x11610] =	vst v0  }
0x4e: {  	[tilespmem:$0x11620] =	vst v0  }
0x4f: {  	[tilespmem:$0x11630] =	vst v0  }
0x50: {  	[tilespmem:$0x11640] =	vst v0  }
0x51: {  	[tilespmem:$0x11650] =	vst v0  }
0x52: {  	[tilespmem:$0x11660] =	vst v0  }
0x53: {  	[tilespmem:$0x11670] =	vst v0  }
0x54: {  	[tilespmem:$0x11680] =	vst v0  }
0x55: {  	[tilespmem:$0x11690] =	vst v0  }
0x56: {  	[tilespmem:$0x116A0] =	vst v0  }
0x57: {  	[tilespmem:$0x116B0] =	vst v0  }
0x58: {  	[tilespmem:$0x116C0] =	vst v0  }
0x59: {  	[tilespmem:$0x116D0] =	vst v0  }
0x5a: {  	[tilespmem:$0x116E0] =	vst v0  }
0x5b: {  	[tilespmem:$0x116F0] =	vst v0  }
0x5c: {  	[tilespmem:$0x11700] =	vst v0  }
0x5d: {  	[tilespmem:$0x11710] =	vst v0  }
0x5e: {  	[tilespmem:$0x11720] =	vst v0  }
0x5f: {  	[tilespmem:$0x11730] =	vst v0  }
0x60: {  	[tilespmem:$0x11740] =	vst v0  }
0x61: {  	[tilespmem:$0x11750] =	vst v0  }
0x62: {  	[tilespmem:$0x11760] =	vst v0  }
0x63: {  	[tilespmem:$0x11770] =	vst v0  }
0x64: {  	[tilespmem:$0x11780] =	vst v0  }
0x65: {  	[tilespmem:$0x11790] =	vst v0  }
0x66: {  	[tilespmem:$0x117A0] =	vst v0  }
0x67: {  	[tilespmem:$0x117B0] =	vst v0  }
0x68: {  	[tilespmem:$0x117C0] =	vst v0  }
0x69: {  	[tilespmem:$0x117D0] =	vst v0  }
0x6a: {  	[tilespmem:$0x117E0] =	vst v0  }
0x6b: {  	[tilespmem:$0x117F0] =	vst v0  }
0x6c: {  	[tilespmem:$0x11800] =	vst v0  }
0x6d: {  	[tilespmem:$0x11810] =	vst v0  }
0x6e: {  	[tilespmem:$0x11820] =	vst v0  }
0x6f: {  	[tilespmem:$0x11830] =	vst v0  }
0x70: {  	[tilespmem:$0x11840] =	vst v0  }
0x71: {  	[tilespmem:$0x11850] =	vst v0  }
0x72: {  	[tilespmem:$0x11860] =	vst v0  }
0x73: {  	[tilespmem:$0x11870] =	vst v0  }
0x74: {  	[tilespmem:$0x11880] =	vst v0  }
0x75: {  	[tilespmem:$0x11890] =	vst v0  }
0x76: {  	[tilespmem:$0x118A0] =	vst v0  }
0x77: {  	[tilespmem:$0x118B0] =	vst v0  }
0x78: {  	[tilespmem:$0x118C0] =	vst v0  }
0x79: {  	[tilespmem:$0x118D0] =	vst v0;
	v5 =	vld [tilespmem:$0x11480]  }
0x7a: {  	[tilespmem:$0x118E0] =	vst v0  }
0x7b: {  	[tilespmem:$0x118F0] =	vst v0  }
0x7c: {  	[tilespmem:$0x11900] =	vst v0  }
0x7d: {  	[tilespmem:$0x11910] =	vst v0  }
0x7e: {  	v1 =	vlaneseq.u32;
	[tilespmem:$0x11920] =	vst v0;
	v5 =	vshll.u32 v5, $0x5  }
0x7f: {  	[tilespmem:$0x11930] =	vst v0;
	v6 =	vld [tilespmem:$0x11500];
	v5 =	vor.u32 v1, v5  }
0x80: {  	[tilespmem:$0x11940] =	vst v0  }
0x81: {  	[tilespmem:$0x11950] =	vst v0  }
0x82: {  	[tilespmem:$0x11960] =	vst v0  }
0x83: {  	[tilespmem:$0x11970] =	vst v0  }
0x84: {  	[tilespmem:v5+s24+$0x0] =	vst.idx.msk $0xffff, v6  }
0x85: {  	v5 =	vld [tilespmem:$0x11490]  }
0x86: {  	v63 =	vld [tilespmem:$0x1FFD0];
	_ =	sdelay $0x3  }
0x87: {  	v5 =	vshll.u32 v5, $0x5  }
0x88: {  	v6 =	vld [tilespmem:$0x11510];
	v5 =	vor.u32 v63, v5;
	_ =	sdelay $0x4  }
0x89: {  	[tilespmem:v5+s24+$0x0] =	vst.idx.msk $0xffff, v6  }
.LBB2_3:
0x8a: {  	v0 =	vld [tilespmem:$0x1FFE0];
	_ =	sdelay $0x1  }
0x8b: {  	v46 =	vld [tilespmem:$0x1FFF0]  }
0x8c: {  	v47 =	vld [tilespmem:$0x11480]  }
0x8d: {  	v17 =	vld [tilespmem:$0x11580]  }
0x8e: {  	v13 =	vld [tilespmem:$0x115A0];
	v1 =	vor.u32 s1, v0  }
0x8f: {  	v14 =	vld [tilespmem:$0x115C0]  }
0x90: {  	v19 =	vld [tilespmem:$0x115E0]  }
0x91: {  	v21 =	vld [tilespmem:$0x11600]  }
0x92: {  	v23 =	vld [tilespmem:$0x11620]  }
0x93: {  	v6 =	vld.idx.msk [tilespmem:v1+s21+$0x0], $0xffff  }
0x94: {  	v62 =	vld [tilespmem:$0x11640]  }
0x95: {  	v25 =	vld [tilespmem:$0x11660]  }
0x96: {  	v26 =	vld [tilespmem:$0x11680]  }
0x97: {  	v28 =	vld [tilespmem:$0x116A0]  }
0x98: {  	v30 =	vld [tilespmem:$0x116C0];
	v8 =	vadd.s32 v46, v6  }
0x99: {  	v32 =	vld [tilespmem:$0x116E0]  }
0x9a: {  	v34 =	vld [tilespmem:$0x11700]  }
0x9b: {  	v60 =	vld [tilespmem:$0x11720]  }
0x9c: {  	s23 =	simm.s32 $0x8CC0;
	v59 =	vld [tilespmem:$0x11740]  }
0x9d: {  	s4 =	simm.s32 $0x8CE0;
	v16 =	vld.idx.msk [tilespmem:v8+s23+$0x0], $0xffff  }
0x9e: {  	s22 =	simm.s32 $0x8D00;
	v20 =	vld.idx.msk [tilespmem:v8+s4+$0x0], $0xffff  }
0x9f: {  	v22 =	vld.idx.msk [tilespmem:v8+s22+$0x0], $0xffff;
	s23 =	simm.s32 $0x8D20  }
0xa0: {  	s4 =	simm.s32 $0x8D40;
	v24 =	vld.idx.msk [tilespmem:v8+s23+$0x0], $0xffff  }
0xa1: {  	s22 =	simm.s32 $0x8D60;
	v61 =	vld.idx.msk [tilespmem:v8+s4+$0x0], $0xffff  }
0xa2: {  	v63 =	vld.idx.msk [tilespmem:v8+s22+$0x0], $0xffff;
	s23 =	simm.s32 $0x8D80  }
0xa3: {  	s22 =	simm.s32 $0x8DC0;
	v27 =	vld.idx.msk [tilespmem:v8+s23+$0x0], $0xffff  }
0xa4: {  	v31 =	vld.idx.msk [tilespmem:v8+s22+$0x0], $0xffff;
	s23 =	simm.s32 $0x8DE0  }
0xa5: {  	s22 =	simm.s32 $0x8E20;
	v33 =	vld.idx.msk [tilespmem:v8+s23+$0x0], $0xffff  }
0xa6: {  	v36 =	vld.idx.msk [tilespmem:v8+s22+$0x0], $0xffff;
	s23 =	simm.s32 $0x8E40  }
0xa7: {  	s22 =	simm.s32 $0x8E80;
	v37 =	vld.idx.msk [tilespmem:v8+s23+$0x0], $0xffff  }
0xa8: {  	v39 =	vld.idx.msk [tilespmem:v8+s22+$0x0], $0xffff;
	s23 =	simm.s32 $0x8EA0  }
0xa9: {  	s22 =	simm.s32 $0x8EE0;
	v40 =	vld.idx.msk [tilespmem:v8+s23+$0x0], $0xffff  }
0xaa: {  	v42 =	vld.idx.msk [tilespmem:v8+s22+$0x0], $0xffff;
	s23 =	simm.s32 $0x8F00  }
0xab: {  	s22 =	simm.s32 $0x8F40;
	v43 =	vld.idx.msk [tilespmem:v8+s23+$0x0], $0xffff  }
0xac: {  	v45 =	vld.idx.msk [tilespmem:v8+s22+$0x0], $0xffff;
	s23 =	simm.s32 $0x8F60  }
0xad: {  	s22 =	simm.s32 $0x8FA0;
	v46 =	vld.idx.msk [tilespmem:v8+s23+$0x0], $0xffff  }
0xae: {  	v48 =	vld.idx.msk [tilespmem:v8+s22+$0x0], $0xffff;
	s23 =	simm.s32 $0x8FC0  }
0xaf: {  	[tilespmem:$0x1FEE0] =	vst v1;
	s22 =	simm.s32 $0x9000;
	v1 =	vld.idx.msk [tilespmem:v8+s23+$0x0], $0xffff  }
0xb0: {  	v9 =	vadd.s32 v0, v6;
	s4 =	simm.s32 $0x8DA0;
	v0 =	vld.idx.msk [tilespmem:v8+s22+$0x0], $0xffff  }
0xb1: {  	v29 =	vld.idx.msk [tilespmem:v8+s4+$0x0], $0xffff;
	s4 =	simm.s32 $0x8E00  }
0xb2: {  	v35 =	vld.idx.msk [tilespmem:v8+s4+$0x0], $0xffff;
	s4 =	simm.s32 $0x8E60  }
0xb3: {  	v38 =	vld.idx.msk [tilespmem:v8+s4+$0x0], $0xffff  }
0xb4: {  	s23 =	simm.s32 $0x9020;
	[tilespmem:$0x1FF10] =	vst v1;
	v1 =	vld [tilespmem:$0x118C0]  }
0xb5: {  	s4 =	simm.s32 $0x8EC0;
	[tilespmem:$0x1FF50] =	vst v0;
	v0 =	vld.idx.msk [tilespmem:v8+s23+$0x0], $0xffff  }
0xb6: {  	v41 =	vld.idx.msk [tilespmem:v8+s4+$0x0], $0xffff;
	s4 =	simm.s32 $0x8F20  }
0xb7: {  	v44 =	vld.idx.msk [tilespmem:v8+s4+$0x0], $0xffff;
	s4 =	simm.s32 $0x8F80  }
0xb8: {  	[tilespmem:$0x1FEF0] =	vst v47;
	v47 =	vld.idx.msk [tilespmem:v8+s4+$0x0], $0xffff;
	s4 =	simm.s32 $0x8FE0  }
0xb9: {  	[tilespmem:$0x1FF20] =	vst v1;
	v1 =	vld.idx.msk [tilespmem:v8+s4+$0x0], $0xffff;
	s4 =	simm.s32 $0x9040  }
0xba: {  	[tilespmem:$0x1FF70] =	vst v0;
	v0 =	vld.idx.msk [tilespmem:v8+s4+$0x0], $0xffff  }
0xbb: {  	v58 =	vld [tilespmem:$0x11760]  }
0xbc: {  	v57 =	vld [tilespmem:$0x11780]  }
0xbd: {  	v56 =	vld [tilespmem:$0x117A0]  }
0xbe: {  	v55 =	vld [tilespmem:$0x117C0];
	s22 =	simm.s32 $0x9060  }
0xbf: {  	[tilespmem:$0x1FF90] =	vst v0;
	v0 =	vld.idx.msk [tilespmem:v8+s22+$0x0], $0xffff  }
0xc0: {  	v54 =	vld [tilespmem:$0x117E0]  }
0xc1: {  	v53 =	vld [tilespmem:$0x11800]  }
0xc2: {  	v52 =	vld [tilespmem:$0x11820]  }
0xc3: {  	v51 =	vld [tilespmem:$0x11840]  }
0xc4: {  	[tilespmem:$0x1FFB0] =	vst v0;
	v0 =	vld [tilespmem:$0x11900]  }
0xc5: {  	v50 =	vld [tilespmem:$0x11860]  }
0xc6: {  	v49 =	vld [tilespmem:$0x11880]  }
0xc7: {  	s2 =	simm.s32 $0x8CA0;
	v10 =	vld.idx.msk [tilespmem:v8+s19+$0x0], $0xffff  }
0xc8: {  	v7 =	vld.idx.msk [tilespmem:v8+s2+$0x0], $0xffff  }
0xc9: {  	[tilespmem:$0x1FF60] =	vst v0;
	v0 =	vld [tilespmem:$0x11920]  }
0xca: {  	[tilespmem:$0x1FF00] =	vst v48;
	v48 =	vld [tilespmem:$0x118A0];
	s23 =	simm.s32 $0x8420  }
0xcb: {  	v12 =	vld.idx.msk [tilespmem:v6+s23+$0x0], $0xffff  }
0xcc: {  	v11 =	vld.idx.msk [tilespmem:v6+s23+$0xFFFFFFE0], $0xffff;
	s4 =	simm.s32 $0x0  }
0xcd: {  	v2 =	vld.idx.msk [tilespmem:v6+s4+$0x420], $0xffff  }
0xce: {  	[tilespmem:$0x1FF80] =	vst v0;
	v0 =	vld [tilespmem:$0x11940]  }
0xcf: {  	v3 =	vld.idx.msk [tilespmem:v6+s4+$0x40], $0xffff  }
0xd0: {  	v4 =	vld.idx.msk [tilespmem:v6+s4+$0x440], $0xffff  }
0xd1: {  	v5 =	vld.idx.msk [tilespmem:v6+s4+$0x60], $0xffff  }
0xd2: {  	v13 =	vmul.f32 v13, v7;
	v7 =	vld.idx.msk [tilespmem:v6+s4+$0x460], $0xffff  }
0xd3: {  	[tilespmem:$0x1FFA0] =	vst v0;
	v0 =	vld [tilespmem:$0x11960]  }
0xd4: {  	v15 =	vld.idx.msk [tilespmem:v6+s4+$0x80], $0xffff  }
0xd5: {  	[tilespmem:$0x1FF30] =	vst v1;
	v1 =	vld [tilespmem:$0x118E0]  }
0xd6: {  	v17 =	vmul.f32 v17, v10;
	v10 =	vmul.f32 v14, v16;
	v16 =	vld.idx.msk [tilespmem:v6+s4+$0x480], $0xffff  }
0xd7: {  	v18 =	vld.idx.msk [tilespmem:v6+s4+$0xA0], $0xffff  }
0xd8: {  	[tilespmem:$0x1FFC0] =	vst v0;
	v0 =	vld.idx.msk [tilespmem:v6+s4+$0x0], $0xffff  }
0xd9: {  	v14 =	vmul.f32 v23, v24;
	v23 =	vld.idx.msk [tilespmem:v6+s4+$0x520], $0xffff  }
0xda: {  	[tilespmem:$0x1FF40] =	vst v1;
	v1 =	vld.idx.msk [tilespmem:v6+s4+$0x20], $0xffff  }
0xdb: {  	v24 =	vld.idx.msk [tilespmem:v6+s4+$0x160], $0xffff  }
0xdc: {  	v8 =	vld.idx.msk [tilespmem:v9+s20+$0x0], $0xffff;
	v2 =	vmul.f32 v2, v17  }
0xdd: {  	v9 =	vld.idx.msk [tilespmem:v6+s18+$0x0], $0xffff;
	v0 =	vmul.f32 v0, v17  }
0xde: {  	v4 =	vmul.f32 v4, v13;
	v2 =	vadd.f32 v2, v12;
	v12 =	vmul.f32 v21, v22;
	v21 =	vld.idx.msk [tilespmem:v6+s4+$0x100], $0xffff  }
0xdf: {  	v22 =	vld.idx.msk [tilespmem:v6+s4+$0x500], $0xffff;
	v1 =	vmul.f32 v1, v13;
	v0 =	vadd.f32 v0, v11  }
0xe0: {  	v2 =	vadd.f32 v4, v2;
	v4 =	vmul.f32 v7, v10;
	v7 =	vld.idx.msk [tilespmem:v6+s4+$0xE0], $0xffff  }
0xe1: {  	v11 =	vmul.f32 v19, v20;
	v19 =	vld.idx.msk [tilespmem:v6+s4+$0xC0], $0xffff;
	v0 =	vadd.f32 v1, v0;
	v1 =	vmul.f32 v3, v10  }
0xe2: {  	v3 =	vld.idx.msk [tilespmem:v6+s4+$0x4A0], $0xffff  }
0xe3: {  	v20 =	vld.idx.msk [tilespmem:v6+s4+$0x4E0], $0xffff;
	v0 =	vadd.f32 v1, v0;
	v1 =	vmul.f32 v5, v11  }
0xe4: {  	v2 =	vadd.f32 v4, v2;
	v4 =	vmul.f32 v16, v11;
	v5 =	vld.idx.msk [tilespmem:v6+s4+$0x4C0], $0xffff  }
0xe5: {  	v16 =	vmul.f32 v25, v63;
	v25 =	vld.idx.msk [tilespmem:v6+s4+$0x560], $0xffff;
	v0 =	vadd.f32 v1, v0;
	v1 =	vmul.f32 v15, v12  }
0xe6: {  	v2 =	vadd.f32 v4, v2;
	v4 =	vld.idx.msk [tilespmem:v6+s4+$0x120], $0xffff;
	v15 =	vmul.f32 v62, v61;
	v62 =	vmul.f32 v18, v14  }
0xe7: {  	v18 =	vmul.f32 v26, v27;
	v26 =	vld.idx.msk [tilespmem:v6+s4+$0x180], $0xffff;
	v3 =	vmul.f32 v3, v12  }
0xe8: {  	v27 =	vld.idx.msk [tilespmem:v6+s4+$0x1A0], $0xffff;
	v0 =	vadd.f32 v1, v0;
	v63 =	vmul.f32 v19, v15  }
0xe9: {  	v19 =	vmul.f32 v28, v29;
	v28 =	vld.idx.msk [tilespmem:v6+s4+$0x5C0], $0xffff;
	v2 =	vadd.f32 v3, v2;
	v61 =	vmul.f32 v5, v14  }
0xea: {  	v29 =	vld.idx.msk [tilespmem:v6+s4+$0x1E0], $0xffff;
	v0 =	vadd.f32 v62, v0  }
0xeb: {  	v5 =	vld.idx.msk [tilespmem:v6+s4+$0x140], $0xffff;
	v62 =	vmul.f32 v7, v16;
	v2 =	vadd.f32 v61, v2  }
0xec: {  	v7 =	vld.idx.msk [tilespmem:v6+s4+$0x540], $0xffff;
	v61 =	vmul.f32 v21, v18;
	v21 =	vmul.f32 v32, v33;
	v0 =	vadd.f32 v63, v0  }
0xed: {  	v63 =	vmul.f32 v20, v15;
	v20 =	vmul.f32 v30, v31;
	v30 =	vld.idx.msk [tilespmem:v6+s4+$0x5E0], $0xffff  }
0xee: {  	v31 =	vld.idx.msk [tilespmem:v6+s4+$0x600], $0xffff;
	v32 =	vmul.f32 v24, v21;
	v0 =	vadd.f32 v62, v0  }
0xef: {  	v2 =	vadd.f32 v63, v2;
	v62 =	vmul.f32 v22, v16;
	v63 =	vmul.f32 v4, v19;
	v4 =	vld.idx.msk [tilespmem:v6+s4+$0x580], $0xffff  }
0xf0: {  	v33 =	vmul.f32 v25, v20;
	v25 =	vmul.f32 v58, v38;
	v58 =	vld.idx.msk [tilespmem:v6+s4+$0x620], $0xffff  }
0xf1: {  	v22 =	vmul.f32 v34, v35;
	v2 =	vadd.f32 v62, v2;
	v62 =	vmul.f32 v5, v20;
	v5 =	vld.idx.msk [tilespmem:v6+s4+$0x5A0], $0xffff  }
0xf2: {  	v0 =	vadd.f32 v61, v0;
	v61 =	vmul.f32 v23, v18;
	v23 =	vmul.f32 v60, v36;
	v60 =	vld.idx.msk [tilespmem:v6+s4+$0x240], $0xffff  }
0xf3: {  	v34 =	vmul.f32 v26, v22;
	v26 =	vmul.f32 v57, v39;
	v57 =	vld.idx.msk [tilespmem:v6+s4+$0x6E0], $0xffff  }
0xf4: {  	v24 =	vmul.f32 v59, v37;
	v0 =	vadd.f32 v63, v0;
	v63 =	vmul.f32 v7, v19;
	v7 =	vld.idx.msk [tilespmem:v6+s4+$0x1C0], $0xffff  }
0xf5: {  	v36 =	vmul.f32 v27, v23;
	v27 =	vmul.f32 v56, v40;
	v40 =	vld.idx.msk [tilespmem:v6+s4+$0x280], $0xffff  }
0xf6: {  	v2 =	vadd.f32 v61, v2;
	v61 =	vmul.f32 v30, v24;
	v30 =	vmul.f32 v53, v43;
	v53 =	vld.idx.msk [tilespmem:v6+s4+$0x6C0], $0xffff  }
0xf7: {  	v35 =	vmul.f32 v4, v21;
	v4 =	vld.idx.msk [tilespmem:v6+s4+$0x200], $0xffff  }
0xf8: {  	v0 =	vadd.f32 v62, v0;
	v62 =	vld.idx.msk [tilespmem:v6+s4+$0x260], $0xffff  }
0xf9: {  	v2 =	vadd.f32 v63, v2;
	v63 =	vld.idx.msk [tilespmem:v6+s4+$0x660], $0xffff  }
0xfa: {  	v37 =	vmul.f32 v5, v22;
	v5 =	vld.idx.msk [tilespmem:v6+s4+$0x220], $0xffff;
	v0 =	vadd.f32 v32, v0  }
0xfb: {  	v2 =	vadd.f32 v33, v2;
	v33 =	vmul.f32 v50, v46;
	v46 =	vld.idx.msk [tilespmem:v6+s4+$0x360], $0xffff  }
0xfc: {  	v32 =	vmul.f32 v51, v45;
	v51 =	vld.idx.msk [tilespmem:v6+s4+$0x380], $0xffff;
	v0 =	vadd.f32 v34, v0  }
0xfd: {  	v2 =	vadd.f32 v35, v2;
	v34 =	vmul.f32 v49, v47;
	v47 =	vld [tilespmem:$0x1FF00]  }
0xfe: {  	v7 =	vmul.f32 v7, v24;
	v49 =	vld.idx.msk [tilespmem:v6+s4+$0x760], $0xffff;
	v0 =	vadd.f32 v36, v0  }
0xff: {  	v59 =	vmul.f32 v28, v23;
	v45 =	vmul.f32 v57, v32;
	v57 =	vld [tilespmem:$0x1FF30];
	v2 =	vadd.f32 v37, v2  }
0x100: {  	v28 =	vmul.f32 v29, v25;
	v0 =	vadd.f32 v7, v0;
	v7 =	vld.idx.msk [tilespmem:v6+s4+$0x640], $0xffff  }
0x101: {  	v2 =	vadd.f32 v59, v2;
	v59 =	vld.idx.msk [tilespmem:v6+s4+$0x700], $0xffff  }
0x102: {  	v0 =	vadd.f32 v28, v0;
	v28 =	vmul.f32 v55, v41;
	v41 =	vld.idx.msk [tilespmem:v6+s4+$0x2A0], $0xffff  }
0x103: {  	v4 =	vmul.f32 v4, v26;
	v55 =	vld.idx.msk [tilespmem:v6+s4+$0x2E0], $0xffff  }
0x104: {  	v39 =	vmul.f32 v31, v25;
	v2 =	vadd.f32 v61, v2;
	v61 =	vld.idx.msk [tilespmem:v6+s4+$0x720], $0xffff  }
0x105: {  	v29 =	vmul.f32 v54, v42;
	v5 =	vmul.f32 v5, v27;
	v0 =	vadd.f32 v4, v0;
	v4 =	vld.idx.msk [tilespmem:v6+s4+$0x680], $0xffff  }
0x106: {  	v1 =	vmul.f32 v58, v26;
	v2 =	vadd.f32 v39, v2;
	v54 =	vmul.f32 v63, v28;
	v63 =	vld.idx.msk [tilespmem:v6+s4+$0x340], $0xffff  }
0x107: {  	v31 =	vmul.f32 v60, v28;
	v42 =	vmul.f32 v7, v27;
	v7 =	vld.idx.msk [tilespmem:v6+s4+$0x2C0], $0xffff;
	v0 =	vadd.f32 v5, v0  }
0x108: {  	v5 =	vld.idx.msk [tilespmem:v6+s4+$0x6A0], $0xffff;
	v1 =	vadd.f32 v1, v2  }
0x109: {  	v43 =	vmul.f32 v62, v29;
	v37 =	vmul.f32 v55, v33;
	v55 =	vld [tilespmem:$0x1FF20];
	v0 =	vadd.f32 v31, v0  }
0x10a: {  	v1 =	vadd.f32 v42, v1;
	v31 =	vmul.f32 v52, v44;
	v44 =	vld.idx.msk [tilespmem:v6+s4+$0x800], $0xffff  }
0x10b: {  	v56 =	vmul.f32 v40, v30;
	v58 =	vmul.f32 v4, v29;
	v4 =	vld.idx.msk [tilespmem:v6+s4+$0x300], $0xffff;
	v0 =	vadd.f32 v43, v0  }
0x10c: {  	v1 =	vadd.f32 v54, v1;
	v54 =	vld [tilespmem:$0x1FF10]  }
0x10d: {  	v3 =	vmul.f32 v41, v31;
	v60 =	vmul.f32 v5, v30;
	v5 =	vld.idx.msk [tilespmem:v6+s4+$0x320], $0xffff;
	v0 =	vadd.f32 v56, v0  }
0x10e: {  	v1 =	vadd.f32 v58, v1;
	v58 =	vld [tilespmem:$0x1FF40]  }
0x10f: {  	v7 =	vmul.f32 v7, v32;
	v56 =	vmul.f32 v61, v34;
	v61 =	vld [tilespmem:$0x1FF50];
	v0 =	vadd.f32 v3, v0  }
0x110: {  	v62 =	vmul.f32 v53, v31;
	v1 =	vadd.f32 v60, v1;
	v3 =	vld.idx.msk [tilespmem:v6+s4+$0x3A0], $0xffff  }
0x111: {  	v39 =	vmul.f32 v55, v54;
	v54 =	vld [tilespmem:$0x1FF70];
	v0 =	vadd.f32 v7, v0  }
0x112: {  	v55 =	vld [tilespmem:$0x1FF80];
	v1 =	vadd.f32 v62, v1  }
0x113: {  	v35 =	vmul.f32 v48, v47;
	v4 =	vmul.f32 v4, v34;
	v7 =	vld.idx.msk [tilespmem:v6+s4+$0x740], $0xffff;
	v0 =	vadd.f32 v37, v0  }
0x114: {  	v50 =	vmul.f32 v59, v33;
	v62 =	vld [tilespmem:$0x1FF60];
	v1 =	vadd.f32 v45, v1  }
0x115: {  	v5 =	vmul.f32 v5, v35;
	v59 =	vmul.f32 v63, v39;
	v63 =	vld.idx.msk [tilespmem:v6+s4+$0x7C0], $0xffff;
	v0 =	vadd.f32 v4, v0  }
0x116: {  	v4 =	vld.idx.msk [tilespmem:v6+s4+$0x780], $0xffff;
	v1 =	vadd.f32 v50, v1  }
0x117: {  	v0 =	vadd.f32 v5, v0;
	v5 =	vld.idx.msk [tilespmem:v6+s4+$0x7A0], $0xffff  }
0x118: {  	v40 =	vmul.f32 v58, v57;
	v60 =	vmul.f32 v7, v35;
	v7 =	vld.idx.msk [tilespmem:v6+s4+$0x3C0], $0xffff;
	v1 =	vadd.f32 v56, v1  }
0x119: {  	v0 =	vadd.f32 v59, v0;
	v59 =	vld [tilespmem:$0x1FF90]  }
0x11a: {  	v41 =	vmul.f32 v46, v40;
	v36 =	vmul.f32 v62, v61;
	v1 =	vadd.f32 v60, v1;
	v60 =	vld [tilespmem:$0x1FFA0]  }
0x11b: {  	v52 =	vmul.f32 v49, v39;
	v37 =	vmul.f32 v55, v54;
	v62 =	vld [tilespmem:$0x1FFC0]  }
0x11c: {  	v56 =	vmul.f32 v51, v36;
	v0 =	vadd.f32 v41, v0;
	v61 =	vmul.f32 v5, v36;
	v5 =	vld [tilespmem:$0x1FFB0]  }
0x11d: {  	v57 =	vld.idx.msk [tilespmem:v6+s4+$0x7E0], $0xffff;
	v58 =	vmul.f32 v4, v40;
	v1 =	vadd.f32 v52, v1  }
0x11e: {  	v53 =	vld.idx.msk [tilespmem:v6+s4+$0x3E0], $0xffff;
	v3 =	vmul.f32 v3, v37;
	v0 =	vadd.f32 v56, v0  }
0x11f: {  	s2 =	simm.s32 $0x8820;
	v4 =	vld.idx.msk [tilespmem:v6+s4+$0x400], $0xffff;
	v1 =	vadd.f32 v58, v1;
	v38 =	vmul.f32 v60, v59  }
0x120: {  	v42 =	vld.idx.msk [tilespmem:v6+s2+$0x0], $0xffff;
	v63 =	vmul.f32 v63, v37;
	v0 =	vadd.f32 v3, v0  }
0x121: {  	v43 =	vld.idx.msk [tilespmem:v6+s2+$0xFFFFFFE0], $0xffff;
	v1 =	vadd.f32 v61, v1;
	v41 =	vmul.f32 v62, v5;
	v5 =	vmul.f32 v7, v38  }
0x122: {  	s23 =	simm.s32 $0x8460;
	v45 =	vld.idx.msk [tilespmem:v6+s4+$0x820], $0xffff;
	v49 =	vmul.f32 v57, v38  }
0x123: {  	v51 =	vld.idx.msk [tilespmem:v6+s23+$0x0], $0xffff;
	v48 =	vadd.f32 v63, v1;
	v47 =	vmul.f32 v53, v41;
	v50 =	vadd.f32 v5, v0  }
0x124: {  	s22 =	simm.s32 $0x840;
	s4 =	simm.s32 $0x4200;
	v52 =	vld.idx.msk [tilespmem:v6+s23+$0xFFFFFFE0], $0xffff;
	v46 =	vmul.f32 v4, v8  }
.LBB2_4:
0x125: {  	p0 =	sne.s32 s4, $0x1EF00;
	v0 =	vld.idx.msk [tilespmem:v6+s22+$0x0], $0xffff;
	v1 =	vadd.f32 v47, v50;
	v2 =	vadd.f32 v49, v48;
	v3 =	vmul.f32 v44, v41  }
0x126: {  	v4 =	vld.idx.msk [tilespmem:v6+s22+$0x20], $0xffff  }
0x127: {  	v5 =	vld.idx.msk [tilespmem:v6+s22+$0x420], $0xffff;
	v1 =	vadd.f32 v46, v1;
	v2 =	vadd.f32 v3, v2;
	v3 =	vmul.f32 v45, v8  }
0x128: {  	v7 =	vld.idx.msk [tilespmem:v6+s22+$0x40], $0xffff  }
0x129: {  	v44 =	vld.idx.msk [tilespmem:v6+s22+$0x440], $0xffff;
	v45 =	vmul.f32 $9.999999770e-03, v1;
	v2 =	vadd.f32 v3, v2  }
0x12a: {  	v3 =	vld.idx.msk [tilespmem:v6+s22+$0x60], $0xffff  }
0x12b: {  	v0 =	vmul.f32 v0, v17;
	v46 =	vld.idx.msk [tilespmem:v6+s22+$0x460], $0xffff;
	v1 =	vmax.f32 v1, v45;
	v45 =	vmul.f32 $9.999999770e-03, v2  }
0x12c: {  	v4 =	vmul.f32 v4, v13;
	v47 =	vld.idx.msk [tilespmem:v6+s22+$0x80], $0xffff;
	v1 =	vmul.f32 v1, v43  }
0x12d: {  	v0 =	vadd.f32 v0, v52;
	v5 =	vmul.f32 v5, v17;
	v43 =	vld.idx.msk [tilespmem:v6+s22+$0x480], $0xffff;
	v2 =	vmax.f32 v2, v45  }
0x12e: {  	v7 =	vmul.f32 v7, v10;
	v45 =	vld.idx.msk [tilespmem:v6+s22+$0xA0], $0xffff;
	v1 =	vadd.f32 v1, v9;
	v2 =	vmul.f32 v2, v42  }
0x12f: {  	v0 =	vadd.f32 v4, v0;
	v4 =	vadd.f32 v5, v51;
	v5 =	vmul.f32 v44, v13;
	v42 =	vld.idx.msk [tilespmem:v6+s22+$0x4A0], $0xffff  }
0x130: {  	v3 =	vmul.f32 v3, v11;
	v44 =	vld.idx.msk [tilespmem:v6+s22+$0xC0], $0xffff;
	v9 =	vadd.f32 v2, v1  }
0x131: {  	v0 =	vadd.f32 v7, v0;
	v1 =	vadd.f32 v5, v4;
	v2 =	vmul.f32 v46, v10;
	v4 =	vld.idx.msk [tilespmem:v6+s22+$0x4C0], $0xffff  }
0x132: {  	v5 =	vmul.f32 v47, v12;
	v7 =	vld.idx.msk [tilespmem:v6+s22+$0xE0], $0xffff  }
0x133: {  	v0 =	vadd.f32 v3, v0;
	v1 =	vadd.f32 v2, v1;
	v2 =	vmul.f32 v43, v11;
	v3 =	vld.idx.msk [tilespmem:v6+s22+$0x4E0], $0xffff  }
0x134: {  	v43 =	vmul.f32 v45, v14;
	v45 =	vld.idx.msk [tilespmem:v6+s22+$0x100], $0xffff  }
0x135: {  	v0 =	vadd.f32 v5, v0;
	v1 =	vadd.f32 v2, v1;
	v2 =	vmul.f32 v42, v12;
	v5 =	vld.idx.msk [tilespmem:v6+s22+$0x500], $0xffff  }
0x136: {  	v42 =	vmul.f32 v44, v15;
	v44 =	vld.idx.msk [tilespmem:v6+s22+$0x120], $0xffff  }
0x137: {  	v0 =	vadd.f32 v43, v0;
	v1 =	vadd.f32 v2, v1;
	v2 =	vmul.f32 v4, v14;
	v4 =	vld.idx.msk [tilespmem:v6+s22+$0x520], $0xffff  }
0x138: {  	v7 =	vmul.f32 v7, v16;
	v43 =	vld.idx.msk [tilespmem:v6+s22+$0x140], $0xffff  }
0x139: {  	v0 =	vadd.f32 v42, v0;
	v1 =	vadd.f32 v2, v1;
	v2 =	vmul.f32 v3, v15;
	v3 =	vld.idx.msk [tilespmem:v6+s22+$0x540], $0xffff  }
0x13a: {  	v42 =	vmul.f32 v45, v18;
	v45 =	vld.idx.msk [tilespmem:v6+s22+$0x160], $0xffff  }
0x13b: {  	v0 =	vadd.f32 v7, v0;
	v1 =	vadd.f32 v2, v1;
	v2 =	vmul.f32 v5, v16;
	v5 =	vld.idx.msk [tilespmem:v6+s22+$0x560], $0xffff  }
0x13c: {  	v7 =	vmul.f32 v44, v19;
	v44 =	vld.idx.msk [tilespmem:v6+s22+$0x180], $0xffff  }
0x13d: {  	v0 =	vadd.f32 v42, v0;
	v1 =	vadd.f32 v2, v1;
	v2 =	vmul.f32 v4, v18;
	v4 =	vld.idx.msk [tilespmem:v6+s22+$0x580], $0xffff  }
0x13e: {  	v42 =	vmul.f32 v43, v20;
	v43 =	vld.idx.msk [tilespmem:v6+s22+$0x1A0], $0xffff  }
0x13f: {  	v0 =	vadd.f32 v7, v0;
	v1 =	vadd.f32 v2, v1;
	v2 =	vmul.f32 v3, v19;
	v3 =	vld.idx.msk [tilespmem:v6+s22+$0x5A0], $0xffff  }
0x140: {  	v7 =	vmul.f32 v45, v21;
	v45 =	vld.idx.msk [tilespmem:v6+s22+$0x1C0], $0xffff  }
0x141: {  	v0 =	vadd.f32 v42, v0;
	v1 =	vadd.f32 v2, v1;
	v2 =	vmul.f32 v5, v20;
	v5 =	vld.idx.msk [tilespmem:v6+s22+$0x5C0], $0xffff  }
0x142: {  	v42 =	vmul.f32 v44, v22;
	v44 =	vld.idx.msk [tilespmem:v6+s22+$0x1E0], $0xffff  }
0x143: {  	v0 =	vadd.f32 v7, v0;
	v1 =	vadd.f32 v2, v1;
	v2 =	vmul.f32 v4, v21;
	v4 =	vld.idx.msk [tilespmem:v6+s22+$0x5E0], $0xffff  }
0x144: {  	v7 =	vmul.f32 v43, v23;
	v43 =	vld.idx.msk [tilespmem:v6+s22+$0x200], $0xffff  }
0x145: {  	v0 =	vadd.f32 v42, v0;
	v1 =	vadd.f32 v2, v1;
	v2 =	vmul.f32 v3, v22;
	v3 =	vld.idx.msk [tilespmem:v6+s22+$0x600], $0xffff  }
0x146: {  	v42 =	vmul.f32 v45, v24;
	v45 =	vld.idx.msk [tilespmem:v6+s22+$0x220], $0xffff  }
0x147: {  	v0 =	vadd.f32 v7, v0;
	v1 =	vadd.f32 v2, v1;
	v2 =	vmul.f32 v5, v23;
	v5 =	vld.idx.msk [tilespmem:v6+s22+$0x620], $0xffff  }
0x148: {  	v7 =	vmul.f32 v44, v25;
	v44 =	vld.idx.msk [tilespmem:v6+s22+$0x240], $0xffff  }
0x149: {  	v0 =	vadd.f32 v42, v0;
	v1 =	vadd.f32 v2, v1;
	v2 =	vmul.f32 v4, v24;
	v4 =	vld.idx.msk [tilespmem:v6+s22+$0x640], $0xffff  }
0x14a: {  	v42 =	vmul.f32 v43, v26;
	v43 =	vld.idx.msk [tilespmem:v6+s22+$0x260], $0xffff  }
0x14b: {  	v0 =	vadd.f32 v7, v0;
	v1 =	vadd.f32 v2, v1;
	v2 =	vmul.f32 v3, v25;
	v3 =	vld.idx.msk [tilespmem:v6+s22+$0x660], $0xffff  }
0x14c: {  	v7 =	vmul.f32 v45, v27;
	v45 =	vld.idx.msk [tilespmem:v6+s22+$0x280], $0xffff  }
0x14d: {  	v0 =	vadd.f32 v42, v0;
	v1 =	vadd.f32 v2, v1;
	v2 =	vmul.f32 v5, v26;
	v5 =	vld.idx.msk [tilespmem:v6+s22+$0x680], $0xffff  }
0x14e: {  	v42 =	vmul.f32 v44, v28;
	v44 =	vld.idx.msk [tilespmem:v6+s22+$0x2A0], $0xffff  }
0x14f: {  	v0 =	vadd.f32 v7, v0;
	v1 =	vadd.f32 v2, v1;
	v2 =	vmul.f32 v4, v27;
	v4 =	vld.idx.msk [tilespmem:v6+s22+$0x6A0], $0xffff  }
0x150: {  	v7 =	vmul.f32 v43, v29;
	v43 =	vld.idx.msk [tilespmem:v6+s22+$0x2C0], $0xffff  }
0x151: {  	v0 =	vadd.f32 v42, v0;
	v1 =	vadd.f32 v2, v1;
	v2 =	vmul.f32 v3, v28;
	v3 =	vld.idx.msk [tilespmem:v6+s22+$0x6C0], $0xffff  }
0x152: {  	v42 =	vmul.f32 v45, v30;
	v45 =	vld.idx.msk [tilespmem:v6+s22+$0x2E0], $0xffff  }
0x153: {  	v0 =	vadd.f32 v7, v0;
	v1 =	vadd.f32 v2, v1;
	v2 =	vmul.f32 v5, v29;
	v5 =	vld.idx.msk [tilespmem:v6+s22+$0x6E0], $0xffff  }
0x154: {  	v7 =	vmul.f32 v44, v31;
	v44 =	vld.idx.msk [tilespmem:v6+s22+$0x300], $0xffff  }
0x155: {  	v0 =	vadd.f32 v42, v0;
	v1 =	vadd.f32 v2, v1;
	v2 =	vmul.f32 v4, v30;
	v4 =	vld.idx.msk [tilespmem:v6+s22+$0x700], $0xffff  }
0x156: {  	v42 =	vmul.f32 v43, v32;
	v43 =	vld.idx.msk [tilespmem:v6+s22+$0x320], $0xffff  }
0x157: {  	v0 =	vadd.f32 v7, v0;
	v1 =	vadd.f32 v2, v1;
	v2 =	vmul.f32 v3, v31;
	v3 =	vld.idx.msk [tilespmem:v6+s22+$0x720], $0xffff  }
0x158: {  	v7 =	vmul.f32 v45, v33;
	v45 =	vld.idx.msk [tilespmem:v6+s22+$0x340], $0xffff  }
0x159: {  	v0 =	vadd.f32 v42, v0;
	v1 =	vadd.f32 v2, v1;
	v2 =	vmul.f32 v5, v32;
	v5 =	vld.idx.msk [tilespmem:v6+s22+$0x740], $0xffff  }
0x15a: {  	v42 =	vmul.f32 v44, v34;
	v44 =	vld.idx.msk [tilespmem:v6+s22+$0x360], $0xffff  }
0x15b: {  	v0 =	vadd.f32 v7, v0;
	v1 =	vadd.f32 v2, v1;
	v2 =	vmul.f32 v4, v33;
	v4 =	vld.idx.msk [tilespmem:v6+s22+$0x760], $0xffff  }
0x15c: {  	v7 =	vmul.f32 v43, v35;
	v43 =	vld.idx.msk [tilespmem:v6+s22+$0x380], $0xffff  }
0x15d: {  	v0 =	vadd.f32 v42, v0;
	v1 =	vadd.f32 v2, v1;
	v2 =	vmul.f32 v3, v34;
	v3 =	vld.idx.msk [tilespmem:v6+s22+$0x780], $0xffff  }
0x15e: {  	v42 =	vmul.f32 v45, v39;
	v45 =	vld.idx.msk [tilespmem:v6+s22+$0x3A0], $0xffff  }
0x15f: {  	v0 =	vadd.f32 v7, v0;
	v1 =	vadd.f32 v2, v1;
	v2 =	vmul.f32 v5, v35;
	v5 =	vld.idx.msk [tilespmem:v6+s22+$0x7A0], $0xffff  }
0x160: {  	v7 =	vmul.f32 v44, v40;
	v46 =	vld.idx.msk [tilespmem:v6+s22+$0x3C0], $0xffff  }
0x161: {  	v0 =	vadd.f32 v42, v0;
	v1 =	vadd.f32 v2, v1;
	v2 =	vmul.f32 v4, v39;
	v4 =	vld.idx.msk [tilespmem:v6+s22+$0x7C0], $0xffff  }
0x162: {  	v42 =	vmul.f32 v43, v36;
	v43 =	vld.idx.msk [tilespmem:v6+s22+$0x3E0], $0xffff  }
0x163: {  	v0 =	vadd.f32 v7, v0;
	v1 =	vadd.f32 v2, v1;
	v2 =	vmul.f32 v3, v40;
	v3 =	vld.idx.msk [tilespmem:v6+s22+$0x7E0], $0xffff  }
0x164: {  	v7 =	vmul.f32 v45, v37;
	v53 =	vld.idx.msk [tilespmem:v6+s22+$0x400], $0xffff  }
0x165: {  	s2 =	sadd.s32 $0x40, s2;
	v0 =	vadd.f32 v42, v0;
	v1 =	vadd.f32 v2, v1;
	v2 =	vmul.f32 v5, v36;
	v44 =	vld.idx.msk [tilespmem:v6+s22+$0x800], $0xffff  }
.Ltmp0:
0x166: {  	v5 =	vmul.f32 v46, v38;
	v42 =	vld.idx.msk [tilespmem:v6+s2+$0x0], $0xffff;
	(pc) =	sbr.rel @p0 .LBB2_4-.Ltmp0, $4  }
0x167: {  	v0 =	vadd.f32 v7, v0;
	v1 =	vadd.f32 v2, v1;
	v2 =	vmul.f32 v4, v37;
	v45 =	vld.idx.msk [tilespmem:v6+s22+$0x820], $0xffff  }
0x168: {  	s23 =	sadd.s32 $0x40, s23;
	v47 =	vmul.f32 v43, v41;
	v43 =	vld.idx.msk [tilespmem:v6+s2+$0xFFFFFFE0], $0xffff  }
0x169: {  	v50 =	vadd.f32 v5, v0;
	v48 =	vadd.f32 v2, v1;
	v49 =	vmul.f32 v3, v38;
	v51 =	vld.idx.msk [tilespmem:v6+s23+$0x0], $0xffff  }
0x16a: {  	s22 =	sshra.s32 s4, $0x2;
	s4 =	sadd.s32 $0x2100, s4;
	v46 =	vmul.f32 v53, v8;
	v52 =	vld.idx.msk [tilespmem:v6+s23+$0xFFFFFFE0], $0xffff  }
0x16b: {  	_ =	sdelay $0x3  }
0x16c: {  	v0 =	vld.idx.msk [tilespmem:v6+s22+$0x0], $0xffff;
	_ =	sdelay $0x1  }
0x16d: {  	v1 =	vld.idx.msk [tilespmem:v6+s22+$0x20], $0xffff  }
0x16e: {  	v2 =	vld.idx.msk [tilespmem:v6+s22+$0x420], $0xffff  }
0x16f: {  	v3 =	vld.idx.msk [tilespmem:v6+s22+$0x40], $0xffff  }
0x170: {  	v4 =	vld.idx.msk [tilespmem:v6+s22+$0x440], $0xffff;
	v0 =	vmul.f32 v0, v17  }
0x171: {  	v5 =	vld.idx.msk [tilespmem:v6+s22+$0x60], $0xffff  }
0x172: {  	v7 =	vld.idx.msk [tilespmem:v6+s22+$0x460], $0xffff;
	v1 =	vmul.f32 v1, v13;
	v0 =	vadd.f32 v0, v52  }
0x173: {  	v53 =	vld.idx.msk [tilespmem:v6+s22+$0x80], $0xffff  }
0x174: {  	v63 =	vld.idx.msk [tilespmem:v6+s22+$0xA0], $0xffff;
	v3 =	vmul.f32 v3, v10;
	v0 =	vadd.f32 v1, v0  }
0x175: {  	v2 =	vmul.f32 v2, v17;
	v17 =	vld.idx.msk [tilespmem:v6+s22+$0x480], $0xffff  }
0x176: {  	v54 =	vmul.f32 v4, v13;
	v4 =	vld.idx.msk [tilespmem:v6+s22+$0x4A0], $0xffff;
	v5 =	vmul.f32 v5, v11;
	v0 =	vadd.f32 v3, v0  }
0x177: {  	v13 =	vld.idx.msk [tilespmem:v6+s22+$0xC0], $0xffff;
	v51 =	vadd.f32 v2, v51  }
0x178: {  	v55 =	vmul.f32 v7, v10;
	v7 =	vmul.f32 v53, v12;
	v10 =	vld.idx.msk [tilespmem:v6+s22+$0xE0], $0xffff;
	v0 =	vadd.f32 v5, v0  }
0x179: {  	v1 =	vadd.f32 v54, v51;
	v3 =	vld.idx.msk [tilespmem:v6+s22+$0x4C0], $0xffff  }
0x17a: {  	v56 =	vmul.f32 v17, v11;
	v11 =	vmul.f32 v63, v14;
	v17 =	vld.idx.msk [tilespmem:v6+s22+$0x100], $0xffff;
	v0 =	vadd.f32 v7, v0  }
0x17b: {  	v57 =	vmul.f32 v4, v12;
	v4 =	vld.idx.msk [tilespmem:v6+s22+$0x500], $0xffff;
	v1 =	vadd.f32 v55, v1  }
0x17c: {  	v5 =	vld.idx.msk [tilespmem:v6+s22+$0x4E0], $0xffff;
	v7 =	vmul.f32 v13, v15;
	v0 =	vadd.f32 v11, v0  }
0x17d: {  	v12 =	vld.idx.msk [tilespmem:v6+s22+$0x120], $0xffff;
	v1 =	vadd.f32 v56, v1  }
0x17e: {  	v10 =	vmul.f32 v10, v16;
	v58 =	vmul.f32 v3, v14;
	v3 =	vld.idx.msk [tilespmem:v6+s22+$0x520], $0xffff;
	v0 =	vadd.f32 v7, v0  }
0x17f: {  	v1 =	vadd.f32 v57, v1;
	v11 =	vld.idx.msk [tilespmem:v6+s22+$0x140], $0xffff  }
0x180: {  	v13 =	vld.idx.msk [tilespmem:v6+s22+$0x160], $0xffff;
	v7 =	vmul.f32 v17, v18;
	v0 =	vadd.f32 v10, v0  }
0x181: {  	v1 =	vadd.f32 v58, v1;
	v59 =	vmul.f32 v5, v15;
	v5 =	vld.idx.msk [tilespmem:v6+s22+$0x540], $0xffff  }
0x182: {  	v60 =	vmul.f32 v4, v16;
	v4 =	vld.idx.msk [tilespmem:v6+s22+$0x560], $0xffff;
	v10 =	vmul.f32 v12, v19;
	v0 =	vadd.f32 v7, v0  }
0x183: {  	v1 =	vadd.f32 v59, v1;
	v12 =	vld.idx.msk [tilespmem:v6+s22+$0x180], $0xffff  }
0x184: {  	v61 =	vmul.f32 v3, v18;
	v3 =	vld.idx.msk [tilespmem:v6+s22+$0x580], $0xffff;
	v7 =	vmul.f32 v11, v20;
	v0 =	vadd.f32 v10, v0  }
0x185: {  	v1 =	vadd.f32 v60, v1;
	v11 =	vld.idx.msk [tilespmem:v6+s22+$0x1A0], $0xffff  }
0x186: {  	v62 =	vmul.f32 v5, v19;
	v5 =	vld.idx.msk [tilespmem:v6+s22+$0x5A0], $0xffff;
	v10 =	vmul.f32 v13, v21;
	v0 =	vadd.f32 v7, v0  }
0x187: {  	v1 =	vadd.f32 v61, v1;
	v13 =	vld.idx.msk [tilespmem:v6+s22+$0x1C0], $0xffff  }
0x188: {  	v63 =	vmul.f32 v4, v20;
	v4 =	vld.idx.msk [tilespmem:v6+s22+$0x5C0], $0xffff;
	v7 =	vmul.f32 v12, v22;
	v0 =	vadd.f32 v10, v0  }
0x189: {  	v1 =	vadd.f32 v62, v1;
	v12 =	vld.idx.msk [tilespmem:v6+s22+$0x1E0], $0xffff  }
0x18a: {  	v51 =	vmul.f32 v3, v21;
	v3 =	vld.idx.msk [tilespmem:v6+s22+$0x5E0], $0xffff;
	v10 =	vmul.f32 v11, v23;
	v0 =	vadd.f32 v7, v0  }
0x18b: {  	v1 =	vadd.f32 v63, v1;
	v11 =	vld.idx.msk [tilespmem:v6+s22+$0x200], $0xffff  }
0x18c: {  	v52 =	vmul.f32 v5, v22;
	v5 =	vld.idx.msk [tilespmem:v6+s22+$0x600], $0xffff;
	v7 =	vmul.f32 v13, v24;
	v0 =	vadd.f32 v10, v0  }
0x18d: {  	v1 =	vadd.f32 v51, v1;
	v13 =	vld.idx.msk [tilespmem:v6+s22+$0x220], $0xffff  }
0x18e: {  	v53 =	vmul.f32 v4, v23;
	v4 =	vld.idx.msk [tilespmem:v6+s22+$0x620], $0xffff;
	v10 =	vmul.f32 v12, v25;
	v0 =	vadd.f32 v7, v0  }
0x18f: {  	v1 =	vadd.f32 v52, v1;
	v12 =	vld.idx.msk [tilespmem:v6+s22+$0x240], $0xffff  }
0x190: {  	v54 =	vmul.f32 v3, v24;
	v3 =	vld.idx.msk [tilespmem:v6+s22+$0x640], $0xffff;
	v7 =	vmul.f32 v11, v26;
	v0 =	vadd.f32 v10, v0  }
0x191: {  	v1 =	vadd.f32 v53, v1;
	v11 =	vld.idx.msk [tilespmem:v6+s22+$0x260], $0xffff  }
0x192: {  	v55 =	vmul.f32 v5, v25;
	v5 =	vld.idx.msk [tilespmem:v6+s22+$0x660], $0xffff;
	v10 =	vmul.f32 v13, v27;
	v0 =	vadd.f32 v7, v0  }
0x193: {  	v1 =	vadd.f32 v54, v1;
	v13 =	vld.idx.msk [tilespmem:v6+s22+$0x280], $0xffff  }
0x194: {  	v56 =	vmul.f32 v4, v26;
	v4 =	vld.idx.msk [tilespmem:v6+s22+$0x680], $0xffff;
	v7 =	vmul.f32 v12, v28;
	v0 =	vadd.f32 v10, v0  }
0x195: {  	v1 =	vadd.f32 v55, v1;
	v12 =	vld.idx.msk [tilespmem:v6+s22+$0x2A0], $0xffff  }
0x196: {  	v57 =	vmul.f32 v3, v27;
	v3 =	vld.idx.msk [tilespmem:v6+s22+$0x6A0], $0xffff;
	v10 =	vmul.f32 v11, v29;
	v0 =	vadd.f32 v7, v0  }
0x197: {  	v1 =	vadd.f32 v56, v1;
	v11 =	vld.idx.msk [tilespmem:v6+s22+$0x2C0], $0xffff  }
0x198: {  	v58 =	vmul.f32 v5, v28;
	v5 =	vld.idx.msk [tilespmem:v6+s22+$0x6C0], $0xffff;
	v7 =	vmul.f32 v13, v30;
	v0 =	vadd.f32 v10, v0  }
0x199: {  	v1 =	vadd.f32 v57, v1;
	v13 =	vld.idx.msk [tilespmem:v6+s22+$0x2E0], $0xffff  }
0x19a: {  	v59 =	vmul.f32 v4, v29;
	v4 =	vld.idx.msk [tilespmem:v6+s22+$0x6E0], $0xffff;
	v10 =	vmul.f32 v12, v31;
	v0 =	vadd.f32 v7, v0  }
0x19b: {  	v1 =	vadd.f32 v58, v1;
	v12 =	vld.idx.msk [tilespmem:v6+s22+$0x300], $0xffff  }
0x19c: {  	v60 =	vmul.f32 v3, v30;
	v3 =	vld.idx.msk [tilespmem:v6+s22+$0x700], $0xffff;
	v7 =	vmul.f32 v11, v32;
	v0 =	vadd.f32 v10, v0  }
0x19d: {  	v1 =	vadd.f32 v59, v1;
	v11 =	vld.idx.msk [tilespmem:v6+s22+$0x320], $0xffff  }
0x19e: {  	v61 =	vmul.f32 v5, v31;
	v5 =	vld.idx.msk [tilespmem:v6+s22+$0x720], $0xffff;
	v10 =	vmul.f32 v13, v33;
	v0 =	vadd.f32 v7, v0  }
0x19f: {  	v1 =	vadd.f32 v60, v1;
	v13 =	vld.idx.msk [tilespmem:v6+s22+$0x340], $0xffff  }
0x1a0: {  	v62 =	vmul.f32 v4, v32;
	v4 =	vld.idx.msk [tilespmem:v6+s22+$0x740], $0xffff;
	v7 =	vmul.f32 v12, v34;
	v0 =	vadd.f32 v10, v0  }
0x1a1: {  	v1 =	vadd.f32 v61, v1;
	v12 =	vld.idx.msk [tilespmem:v6+s22+$0x360], $0xffff  }
0x1a2: {  	v63 =	vmul.f32 v3, v33;
	v3 =	vld.idx.msk [tilespmem:v6+s22+$0x760], $0xffff;
	v10 =	vmul.f32 v11, v35;
	v0 =	vadd.f32 v7, v0  }
0x1a3: {  	v1 =	vadd.f32 v62, v1;
	v11 =	vld.idx.msk [tilespmem:v6+s22+$0x380], $0xffff  }
0x1a4: {  	v32 =	vmul.f32 v5, v34;
	v5 =	vld.idx.msk [tilespmem:v6+s22+$0x780], $0xffff;
	v7 =	vmul.f32 v13, v39;
	v0 =	vadd.f32 v10, v0  }
0x1a5: {  	v1 =	vadd.f32 v63, v1;
	v13 =	vld.idx.msk [tilespmem:v6+s22+$0x3A0], $0xffff  }
0x1a6: {  	v10 =	vmul.f32 v12, v40;
	v0 =	vadd.f32 v7, v0  }
0x1a7: {  	v33 =	vmul.f32 v4, v35;
	v1 =	vadd.f32 v32, v1;
	v12 =	vld.idx.msk [tilespmem:v6+s22+$0x3C0], $0xffff  }
0x1a8: {  	v4 =	vld.idx.msk [tilespmem:v6+s22+$0x7A0], $0xffff;
	v34 =	vmul.f32 v3, v39;
	v11 =	vmul.f32 v11, v36;
	v0 =	vadd.f32 v10, v0  }
0x1a9: {  	v14 =	vld.idx.msk [tilespmem:v6+s22+$0x3E0], $0xffff;
	v3 =	vadd.f32 v47, v50;
	v35 =	vmul.f32 v5, v40;
	v1 =	vadd.f32 v33, v1  }
0x1aa: {  	v5 =	vadd.f32 v49, v48;
	v7 =	vld.idx.msk [tilespmem:v6+s22+$0x7C0], $0xffff;
	v13 =	vmul.f32 v13, v37;
	v0 =	vadd.f32 v11, v0  }
0x1ab: {  	v16 =	vld.idx.msk [tilespmem:v6+s22+$0x400], $0xffff;
	v3 =	vadd.f32 v46, v3;
	v1 =	vadd.f32 v34, v1  }
0x1ac: {  	v15 =	vld.idx.msk [tilespmem:v6+s22+$0x7E0], $0xffff;
	v10 =	vmul.f32 v44, v41;
	v12 =	vmul.f32 v12, v38;
	v0 =	vadd.f32 v13, v0  }
0x1ad: {  	v36 =	vmul.f32 v4, v36;
	v4 =	vmul.f32 v45, v8;
	v1 =	vadd.f32 v35, v1  }
0x1ae: {  	v11 =	vld.idx.msk [tilespmem:v6+s22+$0x800], $0xffff;
	v5 =	vadd.f32 v10, v5;
	v13 =	vmul.f32 v14, v41;
	v0 =	vadd.f32 v12, v0  }
0x1af: {  	v1 =	vadd.f32 v36, v1;
	v37 =	vmul.f32 v7, v37;
	v7 =	vmul.f32 $9.999999770e-03, v3  }
0x1b0: {  	v10 =	vld.idx.msk [tilespmem:v6+s22+$0x820], $0xffff;
	v4 =	vadd.f32 v4, v5;
	v5 =	vmul.f32 v16, v8;
	v0 =	vadd.f32 v13, v0  }
0x1b1: {  	v39 =	vmul.f32 v15, v38;
	v1 =	vadd.f32 v37, v1  }
0x1b2: {  	v3 =	vmax.f32 v3, v7;
	v7 =	vmul.f32 $9.999999770e-03, v4;
	v0 =	vadd.f32 v5, v0  }
0x1b3: {  	v1 =	vadd.f32 v39, v1;
	v40 =	vmul.f32 v11, v41  }
0x1b4: {  	s2 =	sadd.s32 $0x40, s2;
	v4 =	vmax.f32 v4, v7;
	v7 =	vmul.f32 $9.999999770e-03, v0  }
0x1b5: {  	v3 =	vmul.f32 v3, v43;
	v11 =	vld.idx.msk [tilespmem:v6+s2+$0xFFFFFFE0], $0xffff;
	v41 =	vmul.f32 v10, v8;
	v1 =	vadd.f32 v40, v1  }
0x1b6: {  	v0 =	vmax.f32 v0, v7;
	v7 =	vld [tilespmem:$0x1FEF0]  }
0x1b7: {  	v3 =	vadd.f32 v3, v9;
	v4 =	vmul.f32 v4, v42;
	v1 =	vadd.f32 v41, v1  }
0x1b8: {  	v5 =	vld.idx.msk [tilespmem:v6+s2+$0x0], $0xffff  }
0x1b9: {  	v43 =	vadd.f32 v4, v3;
	v3 =	vmul.f32 $9.999999770e-03, v1  }
0x1ba: {  	v44 =	vld [tilespmem:$0x1FEE0];
	v4 =	vshll.u32 v6, $0x5;
	v0 =	vmul.f32 v0, v11  }
0x1bb: {  	v1 =	vmax.f32 v1, v3;
	v3 =	vlaneseq.u32;
	vm0 =	vne.s32 v6, v7  }
0x1bc: {  	v3 =	vor.u32 v3, v4  }
0x1bd: {  	v1 =	vmul.f32 v1, v5;
	v0 =	vadd.f32 v0, v43;
	_ =	sdelay $0x1  }
0x1be: {  	v0 =	vadd.f32 v1, v0;
	_ =	sdelay $0x1  }
0x1bf: {  	s23 =	simm.s32 $0x11280;
	v45 =	vld [tilespmem:$0x1FFF0];
	[tilespmem:v3+s24+$0x0] =	vst.idx.msk vm0, v0  }
0x1c0: {  	v5 =	vld.idx.msk [tilespmem:v44+s23+$0x0], $0xffff  }
0x1c1: {  	v46 =	vld [tilespmem:$0x11490]  }
0x1c2: {  	v9 =	vld [tilespmem:$0x11590]  }
0x1c3: {  	v10 =	vld [tilespmem:$0x115B0]  }
0x1c4: {  	v16 =	vld [tilespmem:$0x115D0]  }
0x1c5: {  	v19 =	vld [tilespmem:$0x115F0]  }
0x1c6: {  	v21 =	vld [tilespmem:$0x11610]  }
0x1c7: {  	v23 =	vld [tilespmem:$0x11630]  }
0x1c8: {  	v25 =	vld [tilespmem:$0x11650]  }
0x1c9: {  	v60 =	vld [tilespmem:$0x11670]  }
0x1ca: {  	v62 =	vld [tilespmem:$0x11690]  }
0x1cb: {  	v28 =	vld [tilespmem:$0x116B0]  }
0x1cc: {  	v29 =	vld [tilespmem:$0x116D0]  }
0x1cd: {  	v30 =	vld [tilespmem:$0x116F0]  }
0x1ce: {  	v32 =	vld [tilespmem:$0x11710];
	v0 =	vadd.s32 v45, v5  }
0x1cf: {  	v59 =	vld [tilespmem:$0x11730]  }
0x1d0: {  	v58 =	vld [tilespmem:$0x11750]  }
0x1d1: {  	v57 =	vld [tilespmem:$0x11770]  }
0x1d2: {  	v56 =	vld [tilespmem:$0x11790]  }
0x1d3: {  	v1 =	vld.idx.msk [tilespmem:v0+s0+$0x0], $0xffff  }
0x1d4: {  	v55 =	vld [tilespmem:$0x117B0]  }
0x1d5: {  	v54 =	vld [tilespmem:$0x117D0]  }
0x1d6: {  	v53 =	vld [tilespmem:$0x117F0]  }
0x1d7: {  	v52 =	vld [tilespmem:$0x11810]  }
0x1d8: {  	[tilespmem:$0x1FE20] =	vst v1;
	v1 =	vld [tilespmem:$0x118D0]  }
0x1d9: {  	v51 =	vld [tilespmem:$0x11830]  }
0x1da: {  	s4 =	simm.s32 $0xCC80;
	v50 =	vld [tilespmem:$0x11850]  }
0x1db: {  	s22 =	simm.s32 $0xCCA0;
	v17 =	vld.idx.msk [tilespmem:v0+s4+$0x0], $0xffff  }
0x1dc: {  	v13 =	vld.idx.msk [tilespmem:v0+s22+$0x0], $0xffff  }
0x1dd: {  	s23 =	simm.s32 $0xCCC0;
	[tilespmem:$0x1FE30] =	vst v1;
	v1 =	vld.idx.msk [tilespmem:v0+s8+$0x0], $0xffff  }
0x1de: {  	v18 =	vld.idx.msk [tilespmem:v0+s23+$0x0], $0xffff  }
0x1df: {  	v35 =	vld.idx.msk [tilespmem:v0+s5+$0x0], $0xffff  }
0x1e0: {  	v36 =	vld.idx.msk [tilespmem:v0+s6+$0x0], $0xffff  }
0x1e1: {  	v37 =	vld.idx.msk [tilespmem:v0+s7+$0x0], $0xffff  }
0x1e2: {  	[tilespmem:$0x1FE40] =	vst v1;
	v1 =	vld [tilespmem:$0x118F0]  }
0x1e3: {  	v38 =	vld.idx.msk [tilespmem:v0+s12+$0x0], $0xffff  }
0x1e4: {  	v39 =	vld.idx.msk [tilespmem:v0+s13+$0x0], $0xffff  }
0x1e5: {  	v41 =	vld.idx.msk [tilespmem:v0+s15+$0x0], $0xffff  }
0x1e6: {  	v42 =	vld.idx.msk [tilespmem:v0+s25+$0x0], $0xffff  }
0x1e7: {  	[tilespmem:$0x1FE50] =	vst v1;
	v1 =	vld.idx.msk [tilespmem:v0+s3+$0x0], $0xffff  }
0x1e8: {  	v43 =	vld.idx.msk [tilespmem:v0+s26+$0x0], $0xffff  }
0x1e9: {  	v44 =	vld.idx.msk [tilespmem:v0+s28+$0x0], $0xffff  }
0x1ea: {  	v45 =	vld.idx.msk [tilespmem:v0+s29+$0x0], $0xffff  }
0x1eb: {  	[tilespmem:$0x1FE00] =	vst v46;
	v46 =	vld.idx.msk [tilespmem:v0+s30+$0x0], $0xffff  }
0x1ec: {  	[tilespmem:$0x1FE60] =	vst v1;
	v1 =	vld [tilespmem:$0x1FFE0]  }
0x1ed: {  	s4 =	simm.s32 $0xCCE0;
	v47 =	vld.idx.msk [tilespmem:v0+s31+$0x0], $0xffff  }
0x1ee: {  	s22 =	simm.s32 $0xCD00;
	v20 =	vld.idx.msk [tilespmem:v0+s4+$0x0], $0xffff  }
0x1ef: {  	s23 =	simm.s32 $0xCD20;
	v22 =	vld.idx.msk [tilespmem:v0+s22+$0x0], $0xffff  }
0x1f0: {  	v24 =	vld.idx.msk [tilespmem:v0+s23+$0x0], $0xffff  }
0x1f1: {  	s4 =	simm.s32 $0xCD40;
	v7 =	vadd.s32 v1, v5;
	v1 =	vld [tilespmem:$0x11910]  }
0x1f2: {  	s22 =	simm.s32 $0xCD60;
	v26 =	vld.idx.msk [tilespmem:v0+s4+$0x0], $0xffff  }
0x1f3: {  	s23 =	simm.s32 $0xCD80;
	v27 =	vld.idx.msk [tilespmem:v0+s22+$0x0], $0xffff  }
0x1f4: {  	v61 =	vld.idx.msk [tilespmem:v0+s23+$0x0], $0xffff;
	s4 =	simm.s32 $0xCDA0  }
0x1f5: {  	v63 =	vld.idx.msk [tilespmem:v0+s4+$0x0], $0xffff  }
0x1f6: {  	s22 =	simm.s32 $0xCDC0;
	[tilespmem:$0x1FE70] =	vst v1;
	v1 =	vld.idx.msk [tilespmem:v0+s16+$0x0], $0xffff  }
0x1f7: {  	s23 =	simm.s32 $0xCDE0;
	v40 =	vld.idx.msk [tilespmem:v0+s22+$0x0], $0xffff  }
0x1f8: {  	v31 =	vld.idx.msk [tilespmem:v0+s23+$0x0], $0xffff;
	s4 =	simm.s32 $0xCE00  }
0x1f9: {  	s22 =	simm.s32 $0xCE20;
	v33 =	vld.idx.msk [tilespmem:v0+s4+$0x0], $0xffff  }
0x1fa: {  	v34 =	vld.idx.msk [tilespmem:v0+s22+$0x0], $0xffff  }
0x1fb: {  	[tilespmem:$0x1FE80] =	vst v1;
	v1 =	vld.idx.msk [tilespmem:v0+s17+$0x0], $0xffff  }
0x1fc: {  	v0 =	vld.idx.msk [tilespmem:v0+s9+$0x0], $0xffff  }
0x1fd: {  	v49 =	vld [tilespmem:$0x11870]  }
0x1fe: {  	v48 =	vld [tilespmem:$0x11890]  }
0x1ff: {  	v8 =	vld.idx.msk [tilespmem:v5+s18+$0x0], $0xffff;
	s23 =	simm.s32 $0x8420  }
0x200: {  	v11 =	vld.idx.msk [tilespmem:v5+s23+$0x0], $0xffff  }
0x201: {  	[tilespmem:$0x1FEC0] =	vst v0;
	v0 =	vld [tilespmem:$0x11930]  }
0x202: {  	v3 =	vld.idx.msk [tilespmem:v5+s23+$0xFFFFFFE0], $0xffff  }
0x203: {  	s4 =	simm.s32 $0x0;
	[tilespmem:$0x1FE10] =	vst v47;
	v47 =	vld [tilespmem:$0x118B0]  }
0x204: {  	v2 =	vld.idx.msk [tilespmem:v5+s4+$0x420], $0xffff  }
0x205: {  	v4 =	vld.idx.msk [tilespmem:v5+s4+$0x40], $0xffff  }
0x206: {  	[tilespmem:$0x1FE90] =	vst v0;
	v0 =	vld [tilespmem:$0x11950]  }
0x207: {  	v6 =	vld.idx.msk [tilespmem:v5+s4+$0x440], $0xffff  }
0x208: {  	v12 =	vld.idx.msk [tilespmem:v5+s4+$0x60], $0xffff  }
0x209: {  	v14 =	vld.idx.msk [tilespmem:v5+s4+$0x460], $0xffff  }
0x20a: {  	v15 =	vld.idx.msk [tilespmem:v5+s4+$0x80], $0xffff  }
0x20b: {  	[tilespmem:$0x1FEB0] =	vst v0;
	v0 =	vld [tilespmem:$0x11970]  }
0x20c: {  	v13 =	vmul.f32 v10, v13;
	v10 =	vmul.f32 v16, v18;
	v16 =	vld.idx.msk [tilespmem:v5+s4+$0xA0], $0xffff  }
0x20d: {  	v18 =	vld.idx.msk [tilespmem:v5+s4+$0xC0], $0xffff  }
0x20e: {  	v17 =	vmul.f32 v9, v17;
	[tilespmem:$0x1FEA0] =	vst v1;
	v1 =	vld.idx.msk [tilespmem:v5+s4+$0x0], $0xffff  }
0x20f: {  	v9 =	vmul.f32 v19, v20;
	v19 =	vld.idx.msk [tilespmem:v5+s4+$0x4C0], $0xffff  }
0x210: {  	v2 =	vmul.f32 v2, v17;
	[tilespmem:$0x1FED0] =	vst v0;
	v0 =	vld.idx.msk [tilespmem:v5+s4+$0x20], $0xffff  }
0x211: {  	v20 =	vld.idx.msk [tilespmem:v5+s4+$0xE0], $0xffff  }
0x212: {  	v6 =	vmul.f32 v6, v13;
	v2 =	vadd.f32 v2, v11;
	v11 =	vmul.f32 v21, v22;
	v21 =	vld.idx.msk [tilespmem:v5+s4+$0x4E0], $0xffff  }
0x213: {  	v22 =	vld.idx.msk [tilespmem:v5+s4+$0x500], $0xffff;
	v1 =	vmul.f32 v1, v17  }
0x214: {  	v2 =	vadd.f32 v6, v2;
	v6 =	vmul.f32 v14, v10;
	v14 =	vmul.f32 v25, v26;
	v25 =	vld.idx.msk [tilespmem:v5+s4+$0x540], $0xffff  }
0x215: {  	v1 =	vadd.f32 v1, v3;
	v3 =	vld.idx.msk [tilespmem:v5+s4+$0x480], $0xffff;
	v0 =	vmul.f32 v0, v13  }
0x216: {  	v26 =	vld.idx.msk [tilespmem:v5+s4+$0x160], $0xffff  }
0x217: {  	v2 =	vadd.f32 v6, v2;
	v6 =	vld.idx.msk [tilespmem:v5+s4+$0x100], $0xffff;
	v0 =	vadd.f32 v0, v1;
	v1 =	vmul.f32 v4, v10  }
0x218: {  	v4 =	vld.idx.msk [tilespmem:v5+s4+$0x4A0], $0xffff  }
0x219: {  	v7 =	vld.idx.msk [tilespmem:v7+s10+$0x0], $0xffff;
	v0 =	vadd.f32 v1, v0;
	v1 =	vmul.f32 v12, v9  }
0x21a: {  	v3 =	vmul.f32 v3, v9;
	v12 =	vmul.f32 v23, v24;
	v23 =	vld.idx.msk [tilespmem:v5+s4+$0x520], $0xffff  }
0x21b: {  	v24 =	vld.idx.msk [tilespmem:v5+s4+$0x140], $0xffff;
	v0 =	vadd.f32 v1, v0;
	v1 =	vmul.f32 v15, v11;
	v15 =	vmul.f32 v60, v27  }
0x21c: {  	v2 =	vadd.f32 v3, v2;
	v60 =	vmul.f32 v18, v14;
	v18 =	vmul.f32 v28, v63;
	v27 =	vld.idx.msk [tilespmem:v5+s4+$0x180], $0xffff  }
0x21d: {  	v28 =	vld.idx.msk [tilespmem:v5+s4+$0x1A0], $0xffff;
	v3 =	vmul.f32 v4, v11;
	v0 =	vadd.f32 v1, v0;
	v1 =	vmul.f32 v16, v12  }
0x21e: {  	v4 =	vld.idx.msk [tilespmem:v5+s4+$0x120], $0xffff;
	v16 =	vmul.f32 v62, v61;
	v62 =	vmul.f32 v20, v15  }
0x21f: {  	v20 =	vmul.f32 v30, v31;
	v31 =	vld.idx.msk [tilespmem:v5+s4+$0x240], $0xffff;
	v2 =	vadd.f32 v3, v2;
	v3 =	vmul.f32 v19, v12  }
0x220: {  	v19 =	vmul.f32 v29, v40;
	v29 =	vld.idx.msk [tilespmem:v5+s4+$0x220], $0xffff;
	v0 =	vadd.f32 v1, v0  }
0x221: {  	v63 =	vmul.f32 v6, v16;
	v6 =	vld.idx.msk [tilespmem:v5+s4+$0x560], $0xffff;
	v2 =	vadd.f32 v3, v2;
	v3 =	vmul.f32 v21, v14  }
0x222: {  	v61 =	vmul.f32 v26, v20;
	v26 =	vld.idx.msk [tilespmem:v5+s4+$0x5C0], $0xffff;
	v21 =	vmul.f32 v32, v33;
	v0 =	vadd.f32 v60, v0  }
0x223: {  	v40 =	vmul.f32 v4, v18;
	v4 =	vld.idx.msk [tilespmem:v5+s4+$0x580], $0xffff;
	v2 =	vadd.f32 v3, v2;
	v3 =	vmul.f32 v22, v15  }
0x224: {  	v60 =	vmul.f32 v24, v19;
	v24 =	vld.idx.msk [tilespmem:v5+s4+$0x5A0], $0xffff;
	v0 =	vadd.f32 v62, v0  }
0x225: {  	v62 =	vmul.f32 v27, v21;
	v27 =	vld.idx.msk [tilespmem:v5+s4+$0x5E0], $0xffff;
	v2 =	vadd.f32 v3, v2;
	v3 =	vmul.f32 v23, v16  }
0x226: {  	v23 =	vmul.f32 v58, v35;
	v58 =	vld.idx.msk [tilespmem:v5+s4+$0x6E0], $0xffff;
	v0 =	vadd.f32 v63, v0  }
0x227: {  	v2 =	vadd.f32 v3, v2;
	v3 =	vmul.f32 v25, v18;
	v25 =	vld.idx.msk [tilespmem:v5+s4+$0x1C0], $0xffff  }
0x228: {  	v63 =	vld.idx.msk [tilespmem:v5+s4+$0x600], $0xffff;
	v0 =	vadd.f32 v40, v0  }
0x229: {  	v40 =	vld.idx.msk [tilespmem:v5+s4+$0x2A0], $0xffff;
	v2 =	vadd.f32 v3, v2;
	v3 =	vmul.f32 v6, v19  }
0x22a: {  	v6 =	vld.idx.msk [tilespmem:v5+s4+$0x1E0], $0xffff;
	v0 =	vadd.f32 v60, v0  }
0x22b: {  	v22 =	vmul.f32 v59, v34;
	v2 =	vadd.f32 v3, v2;
	v3 =	vmul.f32 v4, v20;
	v4 =	vld.idx.msk [tilespmem:v5+s4+$0x200], $0xffff  }
0x22c: {  	v0 =	vadd.f32 v61, v0;
	v30 =	vmul.f32 v25, v23;
	v25 =	vmul.f32 v56, v37;
	v37 =	vld.idx.msk [tilespmem:v5+s4+$0x260], $0xffff  }
0x22d: {  	v56 =	vld.idx.msk [tilespmem:v5+s4+$0x6C0], $0xffff;
	v2 =	vadd.f32 v3, v2;
	v3 =	vmul.f32 v24, v21  }
0x22e: {  	v28 =	vmul.f32 v28, v22;
	v61 =	vld.idx.msk [tilespmem:v5+s4+$0x320], $0xffff;
	v24 =	vmul.f32 v57, v36;
	v0 =	vadd.f32 v62, v0  }
0x22f: {  	v2 =	vadd.f32 v3, v2;
	v3 =	vmul.f32 v26, v22;
	v26 =	vmul.f32 v55, v38;
	v55 =	vld.idx.msk [tilespmem:v5+s4+$0x2C0], $0xffff  }
0x230: {  	v0 =	vadd.f32 v28, v0;
	v28 =	vld.idx.msk [tilespmem:v5+s4+$0x620], $0xffff  }
0x231: {  	v1 =	vmul.f32 v63, v24;
	v63 =	vld.idx.msk [tilespmem:v5+s4+$0x720], $0xffff;
	v2 =	vadd.f32 v3, v2;
	v3 =	vmul.f32 v27, v23  }
0x232: {  	v6 =	vmul.f32 v6, v24;
	v0 =	vadd.f32 v30, v0;
	v30 =	vld.idx.msk [tilespmem:v5+s4+$0x640], $0xffff  }
0x233: {  	v2 =	vadd.f32 v3, v2;
	v3 =	vld.idx.msk [tilespmem:v5+s4+$0x280], $0xffff  }
0x234: {  	v4 =	vmul.f32 v4, v25;
	v27 =	vmul.f32 v54, v39;
	v0 =	vadd.f32 v6, v0;
	v6 =	vld.idx.msk [tilespmem:v5+s4+$0x660], $0xffff  }
0x235: {  	s2 =	simm.s32 $0x8820;
	v39 =	vmul.f32 v28, v25;
	v28 =	vmul.f32 v53, v41;
	v53 =	vld.idx.msk [tilespmem:v5+s4+$0x6A0], $0xffff  }
0x236: {  	v41 =	vld.idx.msk [tilespmem:v5+s2+$0x0], $0xffff  }
0x237: {  	v29 =	vmul.f32 v29, v26;
	v0 =	vadd.f32 v4, v0;
	v4 =	vld.idx.msk [tilespmem:v5+s4+$0x680], $0xffff  }
0x238: {  	v54 =	vmul.f32 v30, v26;
	v30 =	vmul.f32 v51, v43;
	v51 =	vld [tilespmem:$0x1FE60]  }
0x239: {  	v1 =	vadd.f32 v1, v2;
	v0 =	vadd.f32 v29, v0;
	v29 =	vmul.f32 v52, v42;
	v42 =	vld.idx.msk [tilespmem:v5+s4+$0x3A0], $0xffff  }
0x23a: {  	v31 =	vmul.f32 v31, v27;
	v52 =	vld [tilespmem:$0x1FE70]  }
0x23b: {  	v1 =	vadd.f32 v39, v1;
	v57 =	vmul.f32 v6, v27;
	v6 =	vld.idx.msk [tilespmem:v5+s4+$0x2E0], $0xffff  }
0x23c: {  	v32 =	vmul.f32 v37, v28;
	v0 =	vadd.f32 v31, v0;
	v31 =	vmul.f32 v50, v44;
	v50 =	vld.idx.msk [tilespmem:v5+s4+$0x360], $0xffff  }
0x23d: {  	v1 =	vadd.f32 v54, v1;
	v60 =	vmul.f32 v53, v29;
	v53 =	vld [tilespmem:$0x1FE10]  }
0x23e: {  	v3 =	vmul.f32 v3, v29;
	v44 =	vmul.f32 v56, v30;
	v56 =	vld [tilespmem:$0x1FE30];
	v0 =	vadd.f32 v32, v0  }
0x23f: {  	v33 =	vmul.f32 v40, v30;
	v59 =	vmul.f32 v4, v28;
	v4 =	vld.idx.msk [tilespmem:v5+s4+$0x300], $0xffff  }
0x240: {  	v1 =	vadd.f32 v57, v1;
	v32 =	vmul.f32 v49, v45;
	v45 =	vld.idx.msk [tilespmem:v5+s4+$0x340], $0xffff;
	v0 =	vadd.f32 v3, v0  }
0x241: {  	v62 =	vmul.f32 v55, v31;
	v55 =	vld [tilespmem:$0x1FE20]  }
0x242: {  	v1 =	vadd.f32 v59, v1;
	v59 =	vld [tilespmem:$0x1FE40];
	v0 =	vadd.f32 v33, v0  }
0x243: {  	v3 =	vld.idx.msk [tilespmem:v5+s4+$0x700], $0xffff;
	v6 =	vmul.f32 v6, v32  }
0x244: {  	v1 =	vadd.f32 v60, v1;
	v60 =	vld [tilespmem:$0x1FE50];
	v33 =	vmul.f32 v48, v46;
	v0 =	vadd.f32 v62, v0  }
0x245: {  	v34 =	vmul.f32 v47, v53;
	v53 =	vld.idx.msk [tilespmem:v5+s4+$0x7C0], $0xffff  }
0x246: {  	v48 =	vld.idx.msk [tilespmem:v5+s4+$0x740], $0xffff;
	v4 =	vmul.f32 v4, v33;
	v0 =	vadd.f32 v6, v0  }
0x247: {  	v49 =	vmul.f32 v58, v31;
	v1 =	vadd.f32 v44, v1;
	v57 =	vmul.f32 v61, v34;
	v61 =	vld.idx.msk [tilespmem:v5+s4+$0x7A0], $0xffff  }
0x248: {  	v38 =	vmul.f32 v56, v55;
	v55 =	vld [tilespmem:$0x1FE80];
	v0 =	vadd.f32 v4, v0  }
0x249: {  	v1 =	vadd.f32 v49, v1;
	v54 =	vmul.f32 v3, v32;
	v3 =	vld.idx.msk [tilespmem:v5+s4+$0x380], $0xffff  }
0x24a: {  	v36 =	vmul.f32 v45, v38;
	v6 =	vld.idx.msk [tilespmem:v5+s4+$0x760], $0xffff;
	v39 =	vmul.f32 v60, v59;
	v0 =	vadd.f32 v57, v0  }
0x24b: {  	v56 =	vld [tilespmem:$0x1FE90];
	v58 =	vmul.f32 v63, v33;
	v1 =	vadd.f32 v54, v1  }
0x24c: {  	v35 =	vmul.f32 v52, v51;
	v4 =	vld.idx.msk [tilespmem:v5+s4+$0x780], $0xffff;
	v37 =	vmul.f32 v50, v39;
	v0 =	vadd.f32 v36, v0  }
0x24d: {  	v59 =	vld [tilespmem:$0x1FEA0];
	v62 =	vmul.f32 v48, v34;
	v1 =	vadd.f32 v58, v1  }
0x24e: {  	v60 =	vld [tilespmem:$0x1FEB0];
	v3 =	vmul.f32 v3, v35;
	v0 =	vadd.f32 v37, v0  }
0x24f: {  	v1 =	vadd.f32 v62, v1;
	v54 =	vmul.f32 v6, v38;
	v62 =	vld [tilespmem:$0x1FED0]  }
0x250: {  	v0 =	vadd.f32 v3, v0;
	v3 =	vld [tilespmem:$0x1FEC0]  }
0x251: {  	v63 =	vld.idx.msk [tilespmem:v5+s4+$0x3C0], $0xffff;
	v1 =	vadd.f32 v54, v1;
	v58 =	vmul.f32 v4, v39  }
0x252: {  	v57 =	vld.idx.msk [tilespmem:v5+s4+$0x7E0], $0xffff;
	v36 =	vmul.f32 v56, v55  }
0x253: {  	v61 =	vmul.f32 v61, v35;
	v6 =	vld.idx.msk [tilespmem:v5+s4+$0x3E0], $0xffff;
	v1 =	vadd.f32 v58, v1  }
0x254: {  	v4 =	vld.idx.msk [tilespmem:v5+s4+$0x400], $0xffff;
	v37 =	vmul.f32 v60, v59;
	v42 =	vmul.f32 v42, v36  }
0x255: {  	s23 =	simm.s32 $0x8460;
	v43 =	vld.idx.msk [tilespmem:v5+s4+$0x800], $0xffff;
	v1 =	vadd.f32 v61, v1;
	v40 =	vmul.f32 v62, v3  }
0x256: {  	v51 =	vld.idx.msk [tilespmem:v5+s23+$0xFFFFFFE0], $0xffff;
	v0 =	vadd.f32 v42, v0;
	v3 =	vmul.f32 v63, v37;
	v63 =	vmul.f32 v53, v36  }
0x257: {  	v44 =	vld.idx.msk [tilespmem:v5+s4+$0x820], $0xffff;
	v48 =	vmul.f32 v57, v37  }
0x258: {  	v50 =	vld.idx.msk [tilespmem:v5+s23+$0x0], $0xffff;
	v46 =	vmul.f32 v6, v40;
	v49 =	vadd.f32 v3, v0;
	v47 =	vadd.f32 v63, v1  }
0x259: {  	s22 =	simm.s32 $0x840;
	s4 =	simm.s32 $0x4200;
	v42 =	vld.idx.msk [tilespmem:v5+s2+$0xFFFFFFE0], $0xffff;
	v45 =	vmul.f32 v4, v7  }
.LBB2_6:
0x25a: {  	p0 =	sne.s32 s4, $0x1EF00;
	v0 =	vld.idx.msk [tilespmem:v5+s22+$0x0], $0xffff;
	v1 =	vadd.f32 v46, v49;
	v2 =	vadd.f32 v48, v47;
	v3 =	vmul.f32 v43, v40  }
0x25b: {  	v4 =	vld.idx.msk [tilespmem:v5+s22+$0x20], $0xffff  }
0x25c: {  	v6 =	vld.idx.msk [tilespmem:v5+s22+$0x420], $0xffff;
	v1 =	vadd.f32 v45, v1;
	v2 =	vadd.f32 v3, v2;
	v3 =	vmul.f32 v44, v7  }
0x25d: {  	v43 =	vld.idx.msk [tilespmem:v5+s22+$0x40], $0xffff  }
0x25e: {  	v44 =	vld.idx.msk [tilespmem:v5+s22+$0x440], $0xffff;
	v45 =	vmul.f32 $9.999999770e-03, v1;
	v2 =	vadd.f32 v3, v2  }
0x25f: {  	v3 =	vld.idx.msk [tilespmem:v5+s22+$0x60], $0xffff  }
0x260: {  	v0 =	vmul.f32 v0, v17;
	v46 =	vld.idx.msk [tilespmem:v5+s22+$0x460], $0xffff;
	v1 =	vmax.f32 v1, v45;
	v45 =	vmul.f32 $9.999999770e-03, v2  }
0x261: {  	v4 =	vmul.f32 v4, v13;
	v47 =	vld.idx.msk [tilespmem:v5+s22+$0x80], $0xffff;
	v1 =	vmul.f32 v1, v42  }
0x262: {  	v0 =	vadd.f32 v0, v51;
	v6 =	vmul.f32 v6, v17;
	v42 =	vld.idx.msk [tilespmem:v5+s22+$0x480], $0xffff;
	v2 =	vmax.f32 v2, v45  }
0x263: {  	v43 =	vmul.f32 v43, v10;
	v45 =	vld.idx.msk [tilespmem:v5+s22+$0xA0], $0xffff;
	v1 =	vadd.f32 v1, v8;
	v2 =	vmul.f32 v2, v41  }
0x264: {  	v0 =	vadd.f32 v4, v0;
	v4 =	vadd.f32 v6, v50;
	v6 =	vmul.f32 v44, v13;
	v41 =	vld.idx.msk [tilespmem:v5+s22+$0x4A0], $0xffff  }
0x265: {  	v3 =	vmul.f32 v3, v9;
	v44 =	vld.idx.msk [tilespmem:v5+s22+$0xC0], $0xffff;
	v8 =	vadd.f32 v2, v1  }
0x266: {  	v0 =	vadd.f32 v43, v0;
	v1 =	vadd.f32 v6, v4;
	v2 =	vmul.f32 v46, v10;
	v4 =	vld.idx.msk [tilespmem:v5+s22+$0x4C0], $0xffff  }
0x267: {  	v6 =	vmul.f32 v47, v11;
	v43 =	vld.idx.msk [tilespmem:v5+s22+$0xE0], $0xffff  }
0x268: {  	v0 =	vadd.f32 v3, v0;
	v1 =	vadd.f32 v2, v1;
	v2 =	vmul.f32 v42, v9;
	v3 =	vld.idx.msk [tilespmem:v5+s22+$0x4E0], $0xffff  }
0x269: {  	v42 =	vmul.f32 v45, v12;
	v45 =	vld.idx.msk [tilespmem:v5+s22+$0x100], $0xffff  }
0x26a: {  	v0 =	vadd.f32 v6, v0;
	v1 =	vadd.f32 v2, v1;
	v2 =	vmul.f32 v41, v11;
	v6 =	vld.idx.msk [tilespmem:v5+s22+$0x500], $0xffff  }
0x26b: {  	v41 =	vmul.f32 v44, v14;
	v44 =	vld.idx.msk [tilespmem:v5+s22+$0x120], $0xffff  }
0x26c: {  	v0 =	vadd.f32 v42, v0;
	v1 =	vadd.f32 v2, v1;
	v2 =	vmul.f32 v4, v12;
	v4 =	vld.idx.msk [tilespmem:v5+s22+$0x520], $0xffff  }
0x26d: {  	v42 =	vmul.f32 v43, v15;
	v43 =	vld.idx.msk [tilespmem:v5+s22+$0x140], $0xffff  }
0x26e: {  	v0 =	vadd.f32 v41, v0;
	v1 =	vadd.f32 v2, v1;
	v2 =	vmul.f32 v3, v14;
	v3 =	vld.idx.msk [tilespmem:v5+s22+$0x540], $0xffff  }
0x26f: {  	v41 =	vmul.f32 v45, v16;
	v45 =	vld.idx.msk [tilespmem:v5+s22+$0x160], $0xffff  }
0x270: {  	v0 =	vadd.f32 v42, v0;
	v1 =	vadd.f32 v2, v1;
	v2 =	vmul.f32 v6, v15;
	v6 =	vld.idx.msk [tilespmem:v5+s22+$0x560], $0xffff  }
0x271: {  	v42 =	vmul.f32 v44, v18;
	v44 =	vld.idx.msk [tilespmem:v5+s22+$0x180], $0xffff  }
0x272: {  	v0 =	vadd.f32 v41, v0;
	v1 =	vadd.f32 v2, v1;
	v2 =	vmul.f32 v4, v16;
	v4 =	vld.idx.msk [tilespmem:v5+s22+$0x580], $0xffff  }
0x273: {  	v41 =	vmul.f32 v43, v19;
	v43 =	vld.idx.msk [tilespmem:v5+s22+$0x1A0], $0xffff  }
0x274: {  	v0 =	vadd.f32 v42, v0;
	v1 =	vadd.f32 v2, v1;
	v2 =	vmul.f32 v3, v18;
	v3 =	vld.idx.msk [tilespmem:v5+s22+$0x5A0], $0xffff  }
0x275: {  	v42 =	vmul.f32 v45, v20;
	v45 =	vld.idx.msk [tilespmem:v5+s22+$0x1C0], $0xffff  }
0x276: {  	v0 =	vadd.f32 v41, v0;
	v1 =	vadd.f32 v2, v1;
	v2 =	vmul.f32 v6, v19;
	v6 =	vld.idx.msk [tilespmem:v5+s22+$0x5C0], $0xffff  }
0x277: {  	v41 =	vmul.f32 v44, v21;
	v44 =	vld.idx.msk [tilespmem:v5+s22+$0x1E0], $0xffff  }
0x278: {  	v0 =	vadd.f32 v42, v0;
	v1 =	vadd.f32 v2, v1;
	v2 =	vmul.f32 v4, v20;
	v4 =	vld.idx.msk [tilespmem:v5+s22+$0x5E0], $0xffff  }
0x279: {  	v42 =	vmul.f32 v43, v22;
	v43 =	vld.idx.msk [tilespmem:v5+s22+$0x200], $0xffff  }
0x27a: {  	v0 =	vadd.f32 v41, v0;
	v1 =	vadd.f32 v2, v1;
	v2 =	vmul.f32 v3, v21;
	v3 =	vld.idx.msk [tilespmem:v5+s22+$0x600], $0xffff  }
0x27b: {  	v41 =	vmul.f32 v45, v23;
	v45 =	vld.idx.msk [tilespmem:v5+s22+$0x220], $0xffff  }
0x27c: {  	v0 =	vadd.f32 v42, v0;
	v1 =	vadd.f32 v2, v1;
	v2 =	vmul.f32 v6, v22;
	v6 =	vld.idx.msk [tilespmem:v5+s22+$0x620], $0xffff  }
0x27d: {  	v42 =	vmul.f32 v44, v24;
	v44 =	vld.idx.msk [tilespmem:v5+s22+$0x240], $0xffff  }
0x27e: {  	v0 =	vadd.f32 v41, v0;
	v1 =	vadd.f32 v2, v1;
	v2 =	vmul.f32 v4, v23;
	v4 =	vld.idx.msk [tilespmem:v5+s22+$0x640], $0xffff  }
0x27f: {  	v41 =	vmul.f32 v43, v25;
	v43 =	vld.idx.msk [tilespmem:v5+s22+$0x260], $0xffff  }
0x280: {  	v0 =	vadd.f32 v42, v0;
	v1 =	vadd.f32 v2, v1;
	v2 =	vmul.f32 v3, v24;
	v3 =	vld.idx.msk [tilespmem:v5+s22+$0x660], $0xffff  }
0x281: {  	v42 =	vmul.f32 v45, v26;
	v45 =	vld.idx.msk [tilespmem:v5+s22+$0x280], $0xffff  }
0x282: {  	v0 =	vadd.f32 v41, v0;
	v1 =	vadd.f32 v2, v1;
	v2 =	vmul.f32 v6, v25;
	v6 =	vld.idx.msk [tilespmem:v5+s22+$0x680], $0xffff  }
0x283: {  	v41 =	vmul.f32 v44, v27;
	v44 =	vld.idx.msk [tilespmem:v5+s22+$0x2A0], $0xffff  }
0x284: {  	v0 =	vadd.f32 v42, v0;
	v1 =	vadd.f32 v2, v1;
	v2 =	vmul.f32 v4, v26;
	v4 =	vld.idx.msk [tilespmem:v5+s22+$0x6A0], $0xffff  }
0x285: {  	v42 =	vmul.f32 v43, v28;
	v43 =	vld.idx.msk [tilespmem:v5+s22+$0x2C0], $0xffff  }
0x286: {  	v0 =	vadd.f32 v41, v0;
	v1 =	vadd.f32 v2, v1;
	v2 =	vmul.f32 v3, v27;
	v3 =	vld.idx.msk [tilespmem:v5+s22+$0x6C0], $0xffff  }
0x287: {  	v41 =	vmul.f32 v45, v29;
	v45 =	vld.idx.msk [tilespmem:v5+s22+$0x2E0], $0xffff  }
0x288: {  	v0 =	vadd.f32 v42, v0;
	v1 =	vadd.f32 v2, v1;
	v2 =	vmul.f32 v6, v28;
	v6 =	vld.idx.msk [tilespmem:v5+s22+$0x6E0], $0xffff  }
0x289: {  	v42 =	vmul.f32 v44, v30;
	v44 =	vld.idx.msk [tilespmem:v5+s22+$0x300], $0xffff  }
0x28a: {  	v0 =	vadd.f32 v41, v0;
	v1 =	vadd.f32 v2, v1;
	v2 =	vmul.f32 v4, v29;
	v4 =	vld.idx.msk [tilespmem:v5+s22+$0x700], $0xffff  }
0x28b: {  	v41 =	vmul.f32 v43, v31;
	v43 =	vld.idx.msk [tilespmem:v5+s22+$0x320], $0xffff  }
0x28c: {  	v0 =	vadd.f32 v42, v0;
	v1 =	vadd.f32 v2, v1;
	v2 =	vmul.f32 v3, v30;
	v3 =	vld.idx.msk [tilespmem:v5+s22+$0x720], $0xffff  }
0x28d: {  	v42 =	vmul.f32 v45, v32;
	v45 =	vld.idx.msk [tilespmem:v5+s22+$0x340], $0xffff  }
0x28e: {  	v0 =	vadd.f32 v41, v0;
	v1 =	vadd.f32 v2, v1;
	v2 =	vmul.f32 v6, v31;
	v6 =	vld.idx.msk [tilespmem:v5+s22+$0x740], $0xffff  }
0x28f: {  	v41 =	vmul.f32 v44, v33;
	v44 =	vld.idx.msk [tilespmem:v5+s22+$0x360], $0xffff  }
0x290: {  	v0 =	vadd.f32 v42, v0;
	v1 =	vadd.f32 v2, v1;
	v2 =	vmul.f32 v4, v32;
	v4 =	vld.idx.msk [tilespmem:v5+s22+$0x760], $0xffff  }
0x291: {  	v42 =	vmul.f32 v43, v34;
	v43 =	vld.idx.msk [tilespmem:v5+s22+$0x380], $0xffff  }
0x292: {  	v0 =	vadd.f32 v41, v0;
	v1 =	vadd.f32 v2, v1;
	v2 =	vmul.f32 v3, v33;
	v3 =	vld.idx.msk [tilespmem:v5+s22+$0x780], $0xffff  }
0x293: {  	v41 =	vmul.f32 v45, v38;
	v45 =	vld.idx.msk [tilespmem:v5+s22+$0x3A0], $0xffff  }
0x294: {  	v0 =	vadd.f32 v42, v0;
	v1 =	vadd.f32 v2, v1;
	v2 =	vmul.f32 v6, v34;
	v6 =	vld.idx.msk [tilespmem:v5+s22+$0x7A0], $0xffff  }
0x295: {  	v42 =	vmul.f32 v44, v39;
	v44 =	vld.idx.msk [tilespmem:v5+s22+$0x3C0], $0xffff  }
0x296: {  	v0 =	vadd.f32 v41, v0;
	v1 =	vadd.f32 v2, v1;
	v2 =	vmul.f32 v4, v38;
	v4 =	vld.idx.msk [tilespmem:v5+s22+$0x7C0], $0xffff  }
0x297: {  	v41 =	vmul.f32 v43, v35;
	v46 =	vld.idx.msk [tilespmem:v5+s22+$0x3E0], $0xffff  }
0x298: {  	v0 =	vadd.f32 v42, v0;
	v1 =	vadd.f32 v2, v1;
	v2 =	vmul.f32 v3, v39;
	v3 =	vld.idx.msk [tilespmem:v5+s22+$0x7E0], $0xffff  }
0x299: {  	v42 =	vmul.f32 v45, v36;
	v45 =	vld.idx.msk [tilespmem:v5+s22+$0x400], $0xffff  }
0x29a: {  	s2 =	sadd.s32 $0x40, s2;
	v0 =	vadd.f32 v41, v0;
	v1 =	vadd.f32 v2, v1;
	v2 =	vmul.f32 v6, v35;
	v43 =	vld.idx.msk [tilespmem:v5+s22+$0x800], $0xffff  }
.Ltmp1:
0x29b: {  	v6 =	vmul.f32 v44, v37;
	v41 =	vld.idx.msk [tilespmem:v5+s2+$0x0], $0xffff;
	(pc) =	sbr.rel @p0 .LBB2_6-.Ltmp1, $4  }
0x29c: {  	v0 =	vadd.f32 v42, v0;
	v1 =	vadd.f32 v2, v1;
	v2 =	vmul.f32 v4, v36;
	v44 =	vld.idx.msk [tilespmem:v5+s22+$0x820], $0xffff  }
0x29d: {  	s23 =	sadd.s32 $0x40, s23;
	v46 =	vmul.f32 v46, v40;
	v42 =	vld.idx.msk [tilespmem:v5+s2+$0xFFFFFFE0], $0xffff  }
0x29e: {  	v49 =	vadd.f32 v6, v0;
	v47 =	vadd.f32 v2, v1;
	v48 =	vmul.f32 v3, v37;
	v50 =	vld.idx.msk [tilespmem:v5+s23+$0x0], $0xffff  }
0x29f: {  	s22 =	sshra.s32 s4, $0x2;
	s4 =	sadd.s32 $0x2100, s4;
	v45 =	vmul.f32 v45, v7;
	v51 =	vld.idx.msk [tilespmem:v5+s23+$0xFFFFFFE0], $0xffff  }
0x2a0: {  	_ =	sdelay $0x3  }
0x2a1: {  	v0 =	vld.idx.msk [tilespmem:v5+s22+$0x0], $0xffff  }
0x2a2: {  	v1 =	vld.idx.msk [tilespmem:v5+s22+$0x20], $0xffff  }
0x2a3: {  	v2 =	vld.idx.msk [tilespmem:v5+s22+$0x420], $0xffff  }
0x2a4: {  	v3 =	vld.idx.msk [tilespmem:v5+s22+$0x40], $0xffff  }
0x2a5: {  	v4 =	vld.idx.msk [tilespmem:v5+s22+$0x440], $0xffff  }
0x2a6: {  	v6 =	vld.idx.msk [tilespmem:v5+s22+$0x60], $0xffff  }
0x2a7: {  	v54 =	vld.idx.msk [tilespmem:v5+s22+$0x460], $0xffff;
	v0 =	vmul.f32 v0, v17  }
0x2a8: {  	v55 =	vld.idx.msk [tilespmem:v5+s22+$0x80], $0xffff  }
0x2a9: {  	v56 =	vld.idx.msk [tilespmem:v5+s22+$0x480], $0xffff;
	v1 =	vmul.f32 v1, v13;
	v2 =	vmul.f32 v2, v17;
	v0 =	vadd.f32 v0, v51  }
0x2aa: {  	v57 =	vld.idx.msk [tilespmem:v5+s22+$0xA0], $0xffff;
	v3 =	vmul.f32 v3, v10  }
0x2ab: {  	v58 =	vld.idx.msk [tilespmem:v5+s22+$0x4A0], $0xffff;
	v4 =	vmul.f32 v4, v13;
	v2 =	vadd.f32 v2, v50;
	v0 =	vadd.f32 v1, v0  }
0x2ac: {  	v60 =	vld.idx.msk [tilespmem:v5+s22+$0xC0], $0xffff;
	v6 =	vmul.f32 v6, v9  }
0x2ad: {  	v61 =	vld.idx.msk [tilespmem:v5+s22+$0x4C0], $0xffff;
	v59 =	vmul.f32 v54, v10;
	v2 =	vadd.f32 v4, v2;
	v0 =	vadd.f32 v3, v0  }
0x2ae: {  	v62 =	vld.idx.msk [tilespmem:v5+s22+$0xE0], $0xffff;
	v17 =	vmul.f32 v55, v11  }
0x2af: {  	v63 =	vld.idx.msk [tilespmem:v5+s22+$0x4E0], $0xffff;
	v1 =	vmul.f32 v56, v9;
	v2 =	vadd.f32 v59, v2;
	v0 =	vadd.f32 v6, v0  }
0x2b0: {  	v52 =	vld.idx.msk [tilespmem:v5+s22+$0x500], $0xffff;
	v13 =	vmul.f32 v57, v12  }
0x2b1: {  	v53 =	vld.idx.msk [tilespmem:v5+s22+$0x120], $0xffff;
	v51 =	vmul.f32 v58, v11;
	v1 =	vadd.f32 v1, v2;
	v0 =	vadd.f32 v17, v0  }
0x2b2: {  	v10 =	vmul.f32 v60, v14;
	v50 =	vld.idx.msk [tilespmem:v5+s22+$0x100], $0xffff  }
0x2b3: {  	v54 =	vmul.f32 v61, v12;
	v55 =	vld.idx.msk [tilespmem:v5+s22+$0x520], $0xffff;
	v1 =	vadd.f32 v51, v1;
	v0 =	vadd.f32 v13, v0  }
0x2b4: {  	v57 =	vmul.f32 v63, v14;
	v60 =	vld.idx.msk [tilespmem:v5+s22+$0x160], $0xffff  }
0x2b5: {  	v4 =	vmul.f32 v62, v15;
	v56 =	vld.idx.msk [tilespmem:v5+s22+$0x140], $0xffff;
	v1 =	vadd.f32 v54, v1;
	v0 =	vadd.f32 v10, v0  }
0x2b6: {  	v61 =	vmul.f32 v52, v15;
	v63 =	vmul.f32 v53, v18;
	v58 =	vld.idx.msk [tilespmem:v5+s22+$0x540], $0xffff  }
0x2b7: {  	v53 =	vld.idx.msk [tilespmem:v5+s22+$0x1A0], $0xffff;
	v59 =	vmul.f32 v50, v16;
	v1 =	vadd.f32 v57, v1;
	v0 =	vadd.f32 v4, v0  }
0x2b8: {  	v62 =	vld.idx.msk [tilespmem:v5+s22+$0x560], $0xffff  }
0x2b9: {  	v50 =	vmul.f32 v55, v16;
	v17 =	vld.idx.msk [tilespmem:v5+s22+$0x180], $0xffff;
	v1 =	vadd.f32 v61, v1;
	v0 =	vadd.f32 v59, v0  }
0x2ba: {  	v52 =	vmul.f32 v56, v19;
	v51 =	vld.idx.msk [tilespmem:v5+s22+$0x580], $0xffff  }
0x2bb: {  	v55 =	vld.idx.msk [tilespmem:v5+s22+$0x5A0], $0xffff;
	v54 =	vmul.f32 v58, v18;
	v1 =	vadd.f32 v50, v1;
	v0 =	vadd.f32 v63, v0  }
0x2bc: {  	v16 =	vmul.f32 v53, v22;
	v53 =	vld.idx.msk [tilespmem:v5+s22+$0x240], $0xffff;
	v56 =	vmul.f32 v60, v20  }
0x2bd: {  	v58 =	vmul.f32 v62, v19;
	v57 =	vld.idx.msk [tilespmem:v5+s22+$0x1C0], $0xffff;
	v1 =	vadd.f32 v54, v1;
	v0 =	vadd.f32 v52, v0  }
0x2be: {  	v60 =	vmul.f32 v17, v21;
	v59 =	vld.idx.msk [tilespmem:v5+s22+$0x5C0], $0xffff  }
0x2bf: {  	v62 =	vmul.f32 v51, v20;
	v61 =	vld.idx.msk [tilespmem:v5+s22+$0x1E0], $0xffff;
	v1 =	vadd.f32 v58, v1;
	v0 =	vadd.f32 v56, v0  }
0x2c0: {  	v63 =	vld.idx.msk [tilespmem:v5+s22+$0x5E0], $0xffff  }
0x2c1: {  	v18 =	vmul.f32 v55, v21;
	v19 =	vld.idx.msk [tilespmem:v5+s22+$0x600], $0xffff;
	v1 =	vadd.f32 v62, v1;
	v0 =	vadd.f32 v60, v0  }
0x2c2: {  	v17 =	vld.idx.msk [tilespmem:v5+s22+$0x200], $0xffff;
	v20 =	vmul.f32 v57, v23  }
0x2c3: {  	v51 =	vld.idx.msk [tilespmem:v5+s22+$0x620], $0xffff;
	v50 =	vmul.f32 v59, v22;
	v1 =	vadd.f32 v18, v1;
	v0 =	vadd.f32 v16, v0  }
0x2c4: {  	v21 =	vld.idx.msk [tilespmem:v5+s22+$0x220], $0xffff;
	v52 =	vmul.f32 v61, v24  }
0x2c5: {  	v55 =	vld.idx.msk [tilespmem:v5+s22+$0x640], $0xffff;
	v54 =	vmul.f32 v63, v23;
	v1 =	vadd.f32 v50, v1;
	v0 =	vadd.f32 v20, v0  }
0x2c6: {  	v57 =	vld.idx.msk [tilespmem:v5+s22+$0x260], $0xffff;
	v58 =	vmul.f32 v19, v24  }
0x2c7: {  	v59 =	vld.idx.msk [tilespmem:v5+s22+$0x660], $0xffff;
	v56 =	vmul.f32 v17, v25;
	v1 =	vadd.f32 v54, v1;
	v0 =	vadd.f32 v52, v0  }
0x2c8: {  	v61 =	vld.idx.msk [tilespmem:v5+s22+$0x280], $0xffff;
	v62 =	vmul.f32 v51, v25  }
0x2c9: {  	v19 =	vld.idx.msk [tilespmem:v5+s22+$0x6A0], $0xffff;
	v60 =	vmul.f32 v21, v26;
	v1 =	vadd.f32 v58, v1;
	v0 =	vadd.f32 v56, v0  }
0x2ca: {  	v63 =	vld.idx.msk [tilespmem:v5+s22+$0x680], $0xffff;
	v18 =	vmul.f32 v55, v26  }
0x2cb: {  	v17 =	vld.idx.msk [tilespmem:v5+s22+$0x2A0], $0xffff;
	v16 =	vmul.f32 v53, v27;
	v1 =	vadd.f32 v62, v1;
	v0 =	vadd.f32 v60, v0  }
0x2cc: {  	v25 =	vld.idx.msk [tilespmem:v5+s22+$0x2E0], $0xffff;
	v22 =	vmul.f32 v59, v27  }
0x2cd: {  	v23 =	vld.idx.msk [tilespmem:v5+s22+$0x6C0], $0xffff;
	v20 =	vmul.f32 v57, v28;
	v1 =	vadd.f32 v18, v1;
	v0 =	vadd.f32 v16, v0  }
0x2ce: {  	v21 =	vld.idx.msk [tilespmem:v5+s22+$0x2C0], $0xffff;
	v24 =	vmul.f32 v61, v29  }
0x2cf: {  	v27 =	vld.idx.msk [tilespmem:v5+s22+$0x6E0], $0xffff;
	v26 =	vmul.f32 v63, v28;
	v1 =	vadd.f32 v22, v1;
	v0 =	vadd.f32 v20, v0  }
0x2d0: {  	v51 =	vmul.f32 v19, v29;
	v50 =	vld.idx.msk [tilespmem:v5+s22+$0x300], $0xffff  }
0x2d1: {  	v28 =	vmul.f32 v17, v30;
	v54 =	vld.idx.msk [tilespmem:v5+s22+$0x320], $0xffff;
	v1 =	vadd.f32 v26, v1;
	v0 =	vadd.f32 v24, v0  }
0x2d2: {  	v55 =	vmul.f32 v23, v30;
	v52 =	vld.idx.msk [tilespmem:v5+s22+$0x700], $0xffff  }
0x2d3: {  	v30 =	vld.idx.msk [tilespmem:v5+s22+$0x3E0], $0xffff;
	v53 =	vmul.f32 v21, v31;
	v1 =	vadd.f32 v51, v1;
	v0 =	vadd.f32 v28, v0  }
0x2d4: {  	v57 =	vmul.f32 v25, v32;
	v56 =	vld.idx.msk [tilespmem:v5+s22+$0x720], $0xffff  }
0x2d5: {  	v58 =	vld.idx.msk [tilespmem:v5+s22+$0x340], $0xffff;
	v59 =	vmul.f32 v27, v31;
	v1 =	vadd.f32 v55, v1;
	v0 =	vadd.f32 v53, v0  }
0x2d6: {  	v61 =	vmul.f32 v50, v33;
	v60 =	vld.idx.msk [tilespmem:v5+s22+$0x740], $0xffff  }
0x2d7: {  	v62 =	vld.idx.msk [tilespmem:v5+s22+$0x360], $0xffff;
	v63 =	vmul.f32 v52, v32;
	v1 =	vadd.f32 v59, v1;
	v0 =	vadd.f32 v57, v0  }
0x2d8: {  	v17 =	vmul.f32 v54, v34;
	v16 =	vld.idx.msk [tilespmem:v5+s22+$0x760], $0xffff  }
0x2d9: {  	v18 =	vld.idx.msk [tilespmem:v5+s22+$0x380], $0xffff;
	v19 =	vmul.f32 v56, v33;
	v1 =	vadd.f32 v63, v1;
	v0 =	vadd.f32 v61, v0  }
0x2da: {  	v21 =	vmul.f32 v58, v38;
	v20 =	vld.idx.msk [tilespmem:v5+s22+$0x780], $0xffff  }
0x2db: {  	v22 =	vld.idx.msk [tilespmem:v5+s22+$0x3A0], $0xffff;
	v23 =	vmul.f32 v60, v34;
	v1 =	vadd.f32 v19, v1;
	v0 =	vadd.f32 v17, v0  }
0x2dc: {  	v25 =	vmul.f32 v62, v39;
	v24 =	vld.idx.msk [tilespmem:v5+s22+$0x7A0], $0xffff  }
0x2dd: {  	v29 =	vld.idx.msk [tilespmem:v5+s22+$0x7C0], $0xffff;
	v27 =	vmul.f32 v16, v38;
	v1 =	vadd.f32 v23, v1;
	v0 =	vadd.f32 v21, v0  }
0x2de: {  	v26 =	vld.idx.msk [tilespmem:v5+s22+$0x3C0], $0xffff;
	v12 =	vmul.f32 v18, v35  }
0x2df: {  	v31 =	vmul.f32 v20, v39;
	v1 =	vadd.f32 v27, v1;
	v0 =	vadd.f32 v25, v0  }
0x2e0: {  	v50 =	vmul.f32 v30, v40;
	v32 =	vadd.f32 v48, v47;
	v34 =	vld.idx.msk [tilespmem:v5+s22+$0x7E0], $0xffff;
	v13 =	vmul.f32 v22, v36  }
0x2e1: {  	v38 =	vld.idx.msk [tilespmem:v5+s22+$0x400], $0xffff;
	v39 =	vmul.f32 v24, v35;
	v1 =	vadd.f32 v31, v1;
	v0 =	vadd.f32 v12, v0  }
0x2e2: {  	v47 =	vmul.f32 v29, v36;
	v33 =	vmul.f32 v43, v40;
	v28 =	vadd.f32 v46, v49;
	v46 =	vld.idx.msk [tilespmem:v5+s22+$0x800], $0xffff  }
0x2e3: {  	v49 =	vld.idx.msk [tilespmem:v5+s22+$0x820], $0xffff;
	v11 =	vmul.f32 v26, v37;
	v1 =	vadd.f32 v39, v1;
	v0 =	vadd.f32 v13, v0  }
0x2e4: {  	v4 =	vadd.f32 v33, v32;
	v43 =	vadd.f32 v45, v28;
	v45 =	vmul.f32 v44, v7  }
0x2e5: {  	v51 =	vmul.f32 v34, v37;
	v1 =	vadd.f32 v47, v1;
	v0 =	vadd.f32 v11, v0  }
0x2e6: {  	v48 =	vmul.f32 $9.999999770e-03, v43;
	v4 =	vadd.f32 v45, v4;
	v52 =	vmul.f32 v38, v7  }
0x2e7: {  	v53 =	vmul.f32 v46, v40;
	v1 =	vadd.f32 v51, v1;
	v0 =	vadd.f32 v50, v0  }
0x2e8: {  	s2 =	sadd.s32 $0x40, s2;
	v62 =	vld [tilespmem:$0x1FE00];
	v56 =	vmul.f32 v49, v7;
	v3 =	vmax.f32 v43, v48  }
0x2e9: {  	v55 =	vld.idx.msk [tilespmem:v5+s2+$0xFFFFFFE0], $0xffff;
	v54 =	vmul.f32 $9.999999770e-03, v4;
	v1 =	vadd.f32 v53, v1;
	v0 =	vadd.f32 v52, v0  }
0x2ea: {  	v63 =	vld [tilespmem:$0x1FFD0];
	v3 =	vmul.f32 v3, v42  }
0x2eb: {  	v57 =	vld.idx.msk [tilespmem:v5+s2+$0x0], $0xffff;
	v4 =	vmax.f32 v4, v54;
	v1 =	vadd.f32 v56, v1;
	v58 =	vmul.f32 $9.999999770e-03, v0  }
0x2ec: {  	v3 =	vadd.f32 v3, v8;
	v4 =	vmul.f32 v4, v41  }
0x2ed: {  	vm0 =	vne.s32 v5, v62;
	v60 =	vmul.f32 $9.999999770e-03, v1;
	v0 =	vmax.f32 v0, v58  }
0x2ee: {  	s1 =	sadd.s32 $0x1, s1;
	v61 =	vshll.u32 v5, $0x5;
	v59 =	vadd.f32 v4, v3;
	v0 =	vmul.f32 v0, v55  }
0x2ef: {  	p0 =	sne.s32 s1, $0x20;
	v3 =	vor.u32 v63, v61;
	v1 =	vmax.f32 v1, v60  }
.Ltmp2:
0x2f0: {  	v1 =	vmul.f32 v1, v57;
	v0 =	vadd.f32 v0, v59;
	(pc) =	sbr.rel @p0 .LBB2_3-.Ltmp2, $3  }
0x2f1: {  	_ = 	snop  }
0x2f2: {  	v0 =	vadd.f32 v1, v0;
	_ =	sdelay $0x1  }
0x2f3: {  	[tilespmem:v3+s24+$0x0] =	vst.idx.msk vm0, v0  }
0x2f4: {  	v32 =	vld [tilespmem:$0x1FFE0];
	_ =	sdelay $0x2  }
0x2f5: {  	v0 =	vld [tilespmem:$0x11580];
	_ =	sdelay $0x4  }
0x2f6: {  	[tilespmem:v32+s11+$0x0] =	vst.idx.msk $0xffff, v0  }
0x2f7: {  	v1 =	vor.u32 $0x1, v32;
	v0 =	vld [tilespmem:$0x115A0];
	_ =	sdelay $0x4  }
0x2f8: {  	[tilespmem:v1+s11+$0x0] =	vst.idx.msk $0xffff, v0  }
0x2f9: {  	v2 =	vor.u32 $0x2, v32;
	v0 =	vld [tilespmem:$0x115C0];
	_ =	sdelay $0x4  }
0x2fa: {  	[tilespmem:v2+s11+$0x0] =	vst.idx.msk $0xffff, v0  }
0x2fb: {  	v3 =	vor.u32 $0x3, v32;
	v0 =	vld [tilespmem:$0x115E0];
	_ =	sdelay $0x4  }
0x2fc: {  	[tilespmem:v3+s11+$0x0] =	vst.idx.msk $0xffff, v0  }
0x2fd: {  	v4 =	vor.u32 $0x4, v32;
	v0 =	vld [tilespmem:$0x11600];
	_ =	sdelay $0x4  }
0x2fe: {  	[tilespmem:v4+s11+$0x0] =	vst.idx.msk $0xffff, v0  }
0x2ff: {  	v5 =	vor.u32 $0x5, v32;
	v0 =	vld [tilespmem:$0x11620];
	_ =	sdelay $0x4  }
0x300: {  	[tilespmem:v5+s11+$0x0] =	vst.idx.msk $0xffff, v0  }
0x301: {  	v6 =	vor.u32 $0x6, v32;
	v0 =	vld [tilespmem:$0x11640];
	_ =	sdelay $0x4  }
0x302: {  	[tilespmem:v6+s11+$0x0] =	vst.idx.msk $0xffff, v0  }
0x303: {  	v7 =	vor.u32 $0x7, v32;
	v0 =	vld [tilespmem:$0x11660];
	_ =	sdelay $0x4  }
0x304: {  	[tilespmem:v7+s11+$0x0] =	vst.idx.msk $0xffff, v0  }
0x305: {  	v8 =	vor.u32 $0x8, v32;
	v0 =	vld [tilespmem:$0x11680];
	_ =	sdelay $0x4  }
0x306: {  	[tilespmem:v8+s11+$0x0] =	vst.idx.msk $0xffff, v0  }
0x307: {  	v9 =	vor.u32 $0x9, v32;
	v0 =	vld [tilespmem:$0x116A0];
	_ =	sdelay $0x4  }
0x308: {  	[tilespmem:v9+s11+$0x0] =	vst.idx.msk $0xffff, v0  }
0x309: {  	v10 =	vor.u32 $0xA, v32;
	v0 =	vld [tilespmem:$0x116C0];
	_ =	sdelay $0x4  }
0x30a: {  	[tilespmem:v10+s11+$0x0] =	vst.idx.msk $0xffff, v0  }
0x30b: {  	v11 =	vor.u32 $0xB, v32;
	v0 =	vld [tilespmem:$0x116E0];
	_ =	sdelay $0x4  }
0x30c: {  	[tilespmem:v11+s11+$0x0] =	vst.idx.msk $0xffff, v0  }
0x30d: {  	v12 =	vor.u32 $0xC, v32;
	v0 =	vld [tilespmem:$0x11700];
	_ =	sdelay $0x4  }
0x30e: {  	[tilespmem:v12+s11+$0x0] =	vst.idx.msk $0xffff, v0  }
0x30f: {  	v13 =	vor.u32 $0xD, v32;
	v0 =	vld [tilespmem:$0x11720];
	_ =	sdelay $0x4  }
0x310: {  	[tilespmem:v13+s11+$0x0] =	vst.idx.msk $0xffff, v0  }
0x311: {  	v14 =	vor.u32 $0xE, v32;
	v0 =	vld [tilespmem:$0x11740];
	_ =	sdelay $0x4  }
0x312: {  	[tilespmem:v14+s11+$0x0] =	vst.idx.msk $0xffff, v0  }
0x313: {  	v15 =	vor.u32 $0xF, v32;
	v0 =	vld [tilespmem:$0x11760];
	_ =	sdelay $0x4  }
0x314: {  	[tilespmem:v15+s11+$0x0] =	vst.idx.msk $0xffff, v0  }
0x315: {  	v16 =	vor.u32 $0x10, v32;
	v0 =	vld [tilespmem:$0x11780];
	_ =	sdelay $0x4  }
0x316: {  	[tilespmem:v16+s11+$0x0] =	vst.idx.msk $0xffff, v0  }
0x317: {  	v17 =	vor.u32 $0x11, v32;
	v0 =	vld [tilespmem:$0x117A0];
	_ =	sdelay $0x4  }
0x318: {  	[tilespmem:v17+s11+$0x0] =	vst.idx.msk $0xffff, v0  }
0x319: {  	v18 =	vor.u32 $0x12, v32;
	v0 =	vld [tilespmem:$0x117C0];
	_ =	sdelay $0x4  }
0x31a: {  	[tilespmem:v18+s11+$0x0] =	vst.idx.msk $0xffff, v0  }
0x31b: {  	v19 =	vor.u32 $0x13, v32;
	v0 =	vld [tilespmem:$0x117E0];
	_ =	sdelay $0x4  }
0x31c: {  	[tilespmem:v19+s11+$0x0] =	vst.idx.msk $0xffff, v0  }
0x31d: {  	v20 =	vor.u32 $0x14, v32;
	v0 =	vld [tilespmem:$0x11800];
	_ =	sdelay $0x4  }
0x31e: {  	[tilespmem:v20+s11+$0x0] =	vst.idx.msk $0xffff, v0  }
0x31f: {  	v21 =	vor.u32 $0x15, v32;
	v0 =	vld [tilespmem:$0x11820];
	_ =	sdelay $0x4  }
0x320: {  	[tilespmem:v21+s11+$0x0] =	vst.idx.msk $0xffff, v0  }
0x321: {  	v22 =	vor.u32 $0x16, v32;
	v0 =	vld [tilespmem:$0x11840];
	_ =	sdelay $0x4  }
0x322: {  	[tilespmem:v22+s11+$0x0] =	vst.idx.msk $0xffff, v0  }
0x323: {  	v23 =	vor.u32 $0x17, v32;
	v0 =	vld [tilespmem:$0x11860];
	_ =	sdelay $0x4  }
0x324: {  	[tilespmem:v23+s11+$0x0] =	vst.idx.msk $0xffff, v0  }
0x325: {  	v24 =	vor.u32 $0x18, v32;
	v0 =	vld [tilespmem:$0x11880];
	_ =	sdelay $0x4  }
0x326: {  	[tilespmem:v24+s11+$0x0] =	vst.idx.msk $0xffff, v0  }
0x327: {  	v25 =	vor.u32 $0x19, v32;
	v0 =	vld [tilespmem:$0x118A0];
	_ =	sdelay $0x4  }
0x328: {  	[tilespmem:v25+s11+$0x0] =	vst.idx.msk $0xffff, v0  }
0x329: {  	v26 =	vor.u32 $0x1A, v32;
	v0 =	vld [tilespmem:$0x118C0];
	_ =	sdelay $0x4  }
0x32a: {  	[tilespmem:v26+s11+$0x0] =	vst.idx.msk $0xffff, v0  }
0x32b: {  	v27 =	vor.u32 $0x1B, v32;
	v0 =	vld [tilespmem:$0x118E0];
	_ =	sdelay $0x4  }
0x32c: {  	[tilespmem:v27+s11+$0x0] =	vst.idx.msk $0xffff, v0  }
0x32d: {  	v28 =	vor.u32 $0x1C, v32;
	v0 =	vld [tilespmem:$0x11900];
	_ =	sdelay $0x4  }
0x32e: {  	[tilespmem:v28+s11+$0x0] =	vst.idx.msk $0xffff, v0  }
0x32f: {  	v29 =	vor.u32 $0x1D, v32;
	v0 =	vld [tilespmem:$0x11920];
	_ =	sdelay $0x4  }
0x330: {  	[tilespmem:v29+s11+$0x0] =	vst.idx.msk $0xffff, v0  }
0x331: {  	v30 =	vor.u32 $0x1E, v32;
	v0 =	vld [tilespmem:$0x11940];
	_ =	sdelay $0x4  }
0x332: {  	[tilespmem:v30+s11+$0x0] =	vst.idx.msk $0xffff, v0  }
0x333: {  	v31 =	vor.u32 $0x1F, v32;
	v0 =	vld [tilespmem:$0x11960];
	_ =	sdelay $0x4  }
0x334: {  	[tilespmem:v31+s11+$0x0] =	vst.idx.msk $0xffff, v0  }
0x335: {  	v0 =	vld [tilespmem:$0x11590];
	_ =	sdelay $0x4  }
0x336: {  	[tilespmem:v32+s14+$0x0] =	vst.idx.msk $0xffff, v0  }
0x337: {  	v0 =	vld [tilespmem:$0x115B0];
	_ =	sdelay $0x4  }
0x338: {  	[tilespmem:v1+s14+$0x0] =	vst.idx.msk $0xffff, v0  }
0x339: {  	v0 =	vld [tilespmem:$0x115D0];
	_ =	sdelay $0x4  }
0x33a: {  	[tilespmem:v2+s14+$0x0] =	vst.idx.msk $0xffff, v0  }
0x33b: {  	v0 =	vld [tilespmem:$0x115F0];
	_ =	sdelay $0x4  }
0x33c: {  	[tilespmem:v3+s14+$0x0] =	vst.idx.msk $0xffff, v0  }
0x33d: {  	v0 =	vld [tilespmem:$0x11610];
	_ =	sdelay $0x4  }
0x33e: {  	[tilespmem:v4+s14+$0x0] =	vst.idx.msk $0xffff, v0  }
0x33f: {  	v0 =	vld [tilespmem:$0x11630];
	_ =	sdelay $0x4  }
0x340: {  	[tilespmem:v5+s14+$0x0] =	vst.idx.msk $0xffff, v0  }
0x341: {  	v0 =	vld [tilespmem:$0x11650];
	_ =	sdelay $0x4  }
0x342: {  	[tilespmem:v6+s14+$0x0] =	vst.idx.msk $0xffff, v0  }
0x343: {  	v0 =	vld [tilespmem:$0x11670];
	_ =	sdelay $0x4  }
0x344: {  	[tilespmem:v7+s14+$0x0] =	vst.idx.msk $0xffff, v0  }
0x345: {  	v0 =	vld [tilespmem:$0x11690];
	_ =	sdelay $0x4  }
0x346: {  	[tilespmem:v8+s14+$0x0] =	vst.idx.msk $0xffff, v0  }
0x347: {  	v0 =	vld [tilespmem:$0x116B0];
	_ =	sdelay $0x4  }
0x348: {  	[tilespmem:v9+s14+$0x0] =	vst.idx.msk $0xffff, v0  }
0x349: {  	v0 =	vld [tilespmem:$0x116D0];
	_ =	sdelay $0x4  }
0x34a: {  	[tilespmem:v10+s14+$0x0] =	vst.idx.msk $0xffff, v0  }
0x34b: {  	v0 =	vld [tilespmem:$0x116F0];
	_ =	sdelay $0x4  }
0x34c: {  	[tilespmem:v11+s14+$0x0] =	vst.idx.msk $0xffff, v0  }
0x34d: {  	v0 =	vld [tilespmem:$0x11710];
	_ =	sdelay $0x4  }
0x34e: {  	[tilespmem:v12+s14+$0x0] =	vst.idx.msk $0xffff, v0  }
0x34f: {  	v0 =	vld [tilespmem:$0x11730];
	_ =	sdelay $0x4  }
0x350: {  	[tilespmem:v13+s14+$0x0] =	vst.idx.msk $0xffff, v0  }
0x351: {  	v0 =	vld [tilespmem:$0x11750];
	_ =	sdelay $0x4  }
0x352: {  	[tilespmem:v14+s14+$0x0] =	vst.idx.msk $0xffff, v0  }
0x353: {  	v0 =	vld [tilespmem:$0x11770];
	_ =	sdelay $0x4  }
0x354: {  	[tilespmem:v15+s14+$0x0] =	vst.idx.msk $0xffff, v0  }
0x355: {  	v0 =	vld [tilespmem:$0x11790];
	_ =	sdelay $0x4  }
0x356: {  	[tilespmem:v16+s14+$0x0] =	vst.idx.msk $0xffff, v0  }
0x357: {  	v0 =	vld [tilespmem:$0x117B0];
	_ =	sdelay $0x4  }
0x358: {  	[tilespmem:v17+s14+$0x0] =	vst.idx.msk $0xffff, v0  }
0x359: {  	v0 =	vld [tilespmem:$0x117D0];
	_ =	sdelay $0x4  }
0x35a: {  	[tilespmem:v18+s14+$0x0] =	vst.idx.msk $0xffff, v0  }
0x35b: {  	v0 =	vld [tilespmem:$0x117F0];
	_ =	sdelay $0x4  }
0x35c: {  	[tilespmem:v19+s14+$0x0] =	vst.idx.msk $0xffff, v0  }
0x35d: {  	v0 =	vld [tilespmem:$0x11810];
	_ =	sdelay $0x4  }
0x35e: {  	[tilespmem:v20+s14+$0x0] =	vst.idx.msk $0xffff, v0  }
0x35f: {  	v0 =	vld [tilespmem:$0x11830];
	_ =	sdelay $0x4  }
0x360: {  	[tilespmem:v21+s14+$0x0] =	vst.idx.msk $0xffff, v0  }
0x361: {  	v0 =	vld [tilespmem:$0x11850];
	_ =	sdelay $0x4  }
0x362: {  	[tilespmem:v22+s14+$0x0] =	vst.idx.msk $0xffff, v0  }
0x363: {  	v0 =	vld [tilespmem:$0x11870];
	_ =	sdelay $0x4  }
0x364: {  	[tilespmem:v23+s14+$0x0] =	vst.idx.msk $0xffff, v0  }
0x365: {  	v0 =	vld [tilespmem:$0x11890];
	_ =	sdelay $0x4  }
0x366: {  	[tilespmem:v24+s14+$0x0] =	vst.idx.msk $0xffff, v0  }
0x367: {  	v0 =	vld [tilespmem:$0x118B0];
	_ =	sdelay $0x4  }
0x368: {  	[tilespmem:v25+s14+$0x0] =	vst.idx.msk $0xffff, v0  }
0x369: {  	v0 =	vld [tilespmem:$0x118D0];
	_ =	sdelay $0x4  }
0x36a: {  	[tilespmem:v26+s14+$0x0] =	vst.idx.msk $0xffff, v0  }
0x36b: {  	v0 =	vld [tilespmem:$0x118F0];
	_ =	sdelay $0x4  }
0x36c: {  	[tilespmem:v27+s14+$0x0] =	vst.idx.msk $0xffff, v0  }
0x36d: {  	v0 =	vld [tilespmem:$0x11910];
	_ =	sdelay $0x4  }
0x36e: {  	[tilespmem:v28+s14+$0x0] =	vst.idx.msk $0xffff, v0  }
0x36f: {  	v0 =	vld [tilespmem:$0x11930];
	_ =	sdelay $0x4  }
0x370: {  	[tilespmem:v29+s14+$0x0] =	vst.idx.msk $0xffff, v0  }
0x371: {  	v0 =	vld [tilespmem:$0x11950];
	_ =	sdelay $0x4  }
0x372: {  	[tilespmem:v30+s14+$0x0] =	vst.idx.msk $0xffff, v0  }
0x373: {  	v0 =	vld [tilespmem:$0x11970];
	_ =	sdelay $0x2  }
0x374: {  	s1 =	rddreg [dreg:$0xb]  }
0x375: {  	s2 =	rddreg [dreg:$0x10]  }
0x376: {  	s22 =	simm.s32 $0x0;
	s1 =	sadd.s32 s1, s2;
	[tilespmem:v31+s14+$0x0] =	vst.idx.msk $0xffff, v0  }
0x377: {  	[hbm4b:s1+s22] =	stream.linear.scatter [tilespmem:s11], [sflag:$0x1], $0x400, $0x38;
	[tilespmem:$0x11D80] =	vst v63  }
0x378: {  	s22 =	simm.s32 $0x1  }
0x379: {  	_ =	swait.ge [sflag:s22], $0x400  }
0x37a: {  	s23 =	rddreg [dreg:$0xf]  }
0x37b: {  	s2 =	sadd.s32 $0x1, s23  }
0x37c: {  	p0 =	sne.s32 s2, $0x4  }
.Ltmp3:
0x37d: {  	_ = 	snop;
	(pc) =	sbr.rel @p0 .LBB2_2-.Ltmp3, $3  }
0x37e: {  	_ =	sdelay $0x1  }
0x37f: {  	[sflag:s22] =	ssyncset.done $0x0  }
0x380: {  	[sflag:s22] =	ssyncadd.s32 $0xFFFFFC00  }
0x381: {  	s2 =	rddreg [dreg:$0xe]  }
0x382: {  	s1 =	rddreg [dreg:$0xd];
	s2 =	sadd.s32 $0x1, s2  }
0x383: {  	p0 =	sne.s32 s2, s1  }
.Ltmp4:
0x384: {  	_ = 	snop;
	(pc) =	sbr.rel @p0 .LBB2_1-.Ltmp4, $1  }
0x385: {  	_ =	sdelay $0x3  }
0x386: {  	_ =	sfence.sel $0x180000  }
0x387: {  	[bflag:$0x0] =	sbarrier.arrive $0xFFFF  }
0x388: {  	_ =	strace $0x90000047  }
0x389: {  	s0 =	stileid.u32;
	[bflag:$0x2] =	sbarrier.arrive $0xFFFF  }
0x38a: {  	p0 =	sne.s32 s0, $0x0;
	s0 =	rddreg [dreg:$0x4]  }
0x38b: {  	s0 =	sadd.s32 @!p0 $0x100000, s0  }
0x38c: {  	[sflag:s0] =	ssyncadd.tile.s32 @!p0 $0x1;
	_ =	shalt  }
.Lfunc_end2:
_tile_overlayer_lowered:
.L_overlay_start_2:
0x38d: {  	(tag) =	ssettag $0x2  }
0x38e: {  	s0 =	rddreg [dreg:$0x0];
	s2 =	stileid.u32  }
0x38f: {  	s1 =	rddreg [dreg:$0x1];
	p0 =	sne.s32 s2, $0x0  }
0x390: {  	s3 =	rddreg [dreg:$0x2];
	[bflag:$0x3] =	sbarrier.arrive $0xFFFF;
	s2 =	simm.s32 @!p0 $0x1C01  }
0x391: {  	[timem:s3], [sflag:s2] =	dma.local @!p0 [hbm:s0], s1  }
0x392: {  	s0 =	simm.s32 @!p0 $0x1  }
0x393: {  	_ =	swait.ge @!p0 [sflag:s0], s1  }
0x394: {  	s1 =	ssub.s32 @!p0 $0x0, s1;
	[sflag:s0] =	ssyncset.done @!p0 $0x0  }
0x395: {  	[sflag:s0] =	ssyncadd.s32 @!p0 s1  }
0x396: {  	[bflag:$0x3] =	sbarrier.arrive $0xFFFF  }
0x397: {  	_ =	shalt  }

</sc_bundles>
